<compile_context>
chip_gen: v7x
topology: tpu7x:2x2x1
jax: 0.10.2.dev20260603
libtpu: 0.0.44.dev20260713+nightly
codegen_flags: <defaults>
</compile_context>

<pallas_src>
import functools

import jax
import jax.numpy as jnp
from jax import lax
from jax.experimental import pallas as pl
from jax.experimental.pallas import tpu as pltpu
from jax.experimental.pallas import tpu_sc as plsc

N_NODES = 10000
N_EDGES = 320000
D_FEAT = 128
L = 16

_INFO = plsc.get_sparse_core_info()
NC = _INFO.num_cores
NS = _INFO.num_subcores
NW = NC * NS
E_PER_W = N_EDGES // NW
CHUNK = 80
N_CHUNKS = E_PER_W // CHUNK
N_BLK = D_FEAT // L

_mesh = plsc.VectorSubcoreMesh(core_axis_name="c", subcore_axis_name="s")


@functools.partial(
    pl.kernel,
    out_type=jax.ShapeDtypeStruct((N_EDGES,), jnp.float32),
    mesh=_mesh,
    scratch_types=[
        pltpu.VMEM((CHUNK,), jnp.int32),
        pltpu.VMEM((CHUNK,), jnp.int32),
        pltpu.VMEM((CHUNK, D_FEAT), jnp.float32),
        pltpu.VMEM((CHUNK, D_FEAT), jnp.float32),
        pltpu.VMEM((CHUNK,), jnp.float32),
        pltpu.VMEM((D_FEAT,), jnp.float32),
        pltpu.VMEM((L,), jnp.float32),
        pltpu.SemaphoreType.DMA,
        pltpu.SemaphoreType.DMA,
    ],
    compiler_params=pltpu.CompilerParams(needs_layout_passes=False),
)
def _decoder_sc(table, ridx_hbm, cidx_hbm, w_hbm, binit_hbm, out_hbm,
                ridx_v, cidx_v, rows_r, rows_c, out_v, w_v, binit_v,
                sem_r, sem_c):
    wid = lax.axis_index("s") * NC + lax.axis_index("c")
    base = wid * E_PER_W
    pltpu.sync_copy(w_hbm, w_v)
    pltpu.sync_copy(binit_hbm, binit_v)
    b_reg = binit_v[...]
    lane = lax.iota(jnp.int32, L)
    w_regs = [w_v[pl.ds(i * L, L)] for i in range(N_BLK)]

    def chunk_body(ci, carry):
        off = base + ci * CHUNK
        pltpu.sync_copy(ridx_hbm.at[pl.ds(off, CHUNK)], ridx_v)
        pltpu.sync_copy(cidx_hbm.at[pl.ds(off, CHUNK)], cidx_v)
        r_cp = pltpu.async_copy(table.at[ridx_v], rows_r, sem_r)
        c_cp = pltpu.async_copy(table.at[cidx_v], rows_c, sem_c)
        r_cp.wait()
        c_cp.wait()

        def group_body(g, ecarry):
            erow = g * L + lane
            acc = b_reg
            for d in range(D_FEAT):
                dcol = jnp.full((L,), d, jnp.int32)
                rv = plsc.load_gather(rows_r, [erow, dcol])
                cv = plsc.load_gather(rows_c, [erow, dcol])
                acc = acc + jnp.abs(rv - cv) * w_regs[d // L][d % L]
            out_v[pl.ds(g * L, L)] = acc
            return ecarry

        lax.fori_loop(0, CHUNK // L, group_body, 0)
        pltpu.sync_copy(out_v, out_hbm.at[pl.ds(off, CHUNK)])
        return carry

    lax.fori_loop(0, N_CHUNKS, chunk_body, 0)


def kernel(inputs, r_indices, c_indices, W, b):
    w_flat = W.reshape(D_FEAT)
    binit = jnp.full((L,), b[0], jnp.float32)
    out = _decoder_sc(inputs, r_indices, c_indices, w_flat, binit)
    return out.reshape(N_EDGES, 1)

# --- scband reference (transcript-rebuilt; emitter-appended) ---
"""Pipeline reference for scband-decoder-61323543052777 (READ-ONLY COPY).

The authoritative reference and input builder live on the scoring server;
editing this copy changes nothing except your own understanding.
"""

import jax, jax.numpy as jnp
import numpy as np

N_NODES = 10000
N_EDGES = 320000
D_FEAT = 128


def setup_inputs(seed: int = 0) -> dict:
    key = jax.random.key(seed)
    k1, k2, k3, k4, k5 = jax.random.split(key, 5)
    inputs = jax.random.normal(k1, (N_NODES, D_FEAT), dtype=jnp.float32)
    r_indices = jax.random.randint(k2, (N_EDGES,), 0, N_NODES, dtype=jnp.int32)
    c_indices = jax.random.randint(k3, (N_EDGES,), 0, N_NODES, dtype=jnp.int32)
    # Dense(1) parameters: kernel [D_FEAT, 1], bias [1] (Keras glorot_uniform init approximated)
    limit = np.sqrt(6.0 / (D_FEAT + 1))
    W = jax.random.uniform(k4, (D_FEAT, 1), minval=-limit, maxval=limit, dtype=jnp.float32)
    b = jnp.zeros((1,), dtype=jnp.float32)
    return {"inputs": inputs, "r_indices": r_indices, "c_indices": c_indices, "W": W, "b": b}


def reference(inputs, r_indices, c_indices, W, b):
    # self.dropout = 1 -> tf.nn.dropout(inputs, rate=1-1=0) is an identity op
    node_inputs = inputs
    # SparseCore-friendly gathers over node embeddings
    row_inputs = jnp.take(node_inputs, r_indices, axis=0)
    col_inputs = jnp.take(node_inputs, c_indices, axis=0)
    diff = jnp.abs(row_inputs - col_inputs)
    outputs = diff @ W + b  # Dense(1), linear activation
    return outputs

if __name__ == "__main__":
    import jax
    _d = setup_inputs()
    print(jax.jit(kernel)(*tuple(_d.values())))

</pallas_src>

<mosaic_0001>
#map = affine_map<(d0, d1) -> (0, 0)>
#map1 = affine_map<(d0, d1) -> (0)>
module attributes {stable_mosaic.version = 14 : i64} {
  func.func @_decoder_sc(%arg0: i32, %arg1: i32, %arg2: memref<10000x128xf32, #tpu.memory_space<hbm>>, %arg3: memref<320000xi32, #tpu.memory_space<hbm>>, %arg4: memref<320000xi32, #tpu.memory_space<hbm>>, %arg5: memref<128xf32, #tpu.memory_space<hbm>>, %arg6: memref<16xf32, #tpu.memory_space<hbm>>, %arg7: memref<320000xf32, #tpu.memory_space<hbm>>, %arg8: memref<80xi32, #tpu.memory_space<vmem>>, %arg9: memref<80xi32, #tpu.memory_space<vmem>>, %arg10: memref<80x128xf32, #tpu.memory_space<vmem>>, %arg11: memref<80x128xf32, #tpu.memory_space<vmem>>, %arg12: memref<80xf32, #tpu.memory_space<vmem>>, %arg13: memref<128xf32, #tpu.memory_space<vmem>>, %arg14: memref<16xf32, #tpu.memory_space<vmem>>, %arg15: memref<!tpu.dma_semaphore, #tpu.memory_space<semaphore_mem>>, %arg16: memref<!tpu.dma_semaphore, #tpu.memory_space<semaphore_mem>>) attributes {dimension_semantics = [#tpu.dimension_semantics<core_parallel>, #tpu.dimension_semantics<subcore_parallel>], iteration_bounds = array<i64: 2, 16>, scalar_prefetch = 0 : i64, scratch_operands = 9 : i64, tpu.core_type = #tpu.core_type<sc_vector_subcore>, window_params = [{transform_indices = #map}, {transform_indices = #map1}, {transform_indices = #map1}, {transform_indices = #map1}, {transform_indices = #map1}, {transform_indices = #map1}]} {
    %mul3A = arith.constant 2 : i32
    %mul3A_0 = arith.muli %arg1, %mul3A : i32
    %add3A = arith.addi %mul3A_0, %arg0 : i32
    %mul3A_1 = arith.constant 10000 : i32
    %mul3A_2 = arith.muli %add3A, %mul3A_1 : i32
    "tpu.region"() ({
      %run_scoped3A = tpu.sem_alloc : memref<!tpu.dma_semaphore, #tpu.memory_space<semaphore_mem>>
      tpu.enqueue_dma source(%arg5 : memref<128xf32, #tpu.memory_space<hbm>>) target(%arg13 : memref<128xf32, #tpu.memory_space<vmem>>) target_semaphore(%run_scoped3A : memref<!tpu.dma_semaphore, #tpu.memory_space<semaphore_mem>>)
      tpu.wait_dma2 semaphore(%run_scoped3A : memref<!tpu.dma_semaphore, #tpu.memory_space<semaphore_mem>>) src(%arg5 : memref<128xf32, #tpu.memory_space<hbm>>) dst(%arg13 : memref<128xf32, #tpu.memory_space<vmem>>)
      tpu.yield
    }) : () -> ()
    "tpu.region"() ({
      %run_scoped3A = tpu.sem_alloc : memref<!tpu.dma_semaphore, #tpu.memory_space<semaphore_mem>>
      tpu.enqueue_dma source(%arg6 : memref<16xf32, #tpu.memory_space<hbm>>) target(%arg14 : memref<16xf32, #tpu.memory_space<vmem>>) target_semaphore(%run_scoped3A : memref<!tpu.dma_semaphore, #tpu.memory_space<semaphore_mem>>)
      tpu.wait_dma2 semaphore(%run_scoped3A : memref<!tpu.dma_semaphore, #tpu.memory_space<semaphore_mem>>) src(%arg6 : memref<16xf32, #tpu.memory_space<hbm>>) dst(%arg14 : memref<16xf32, #tpu.memory_space<vmem>>)
      tpu.yield
    }) : () -> ()
    %get3A = arith.constant 0 : index
    %get3A_3 = tpu.vector_load %arg14[%get3A] {strides = array<i32>} : memref<16xf32, #tpu.memory_space<vmem>>, vector<16xf32>,
    %iota3A = tpu.iota {dimensions = array<i32: 0>} : vector<16xi32>
    %get3A_4 = arith.constant 0 : index
    %get3A_5 = tpu.vector_load %arg13[%get3A_4] {strides = array<i32>} : memref<128xf32, #tpu.memory_space<vmem>>, vector<16xf32>,
    %get3A_6 = arith.constant 16 : index
    %get3A_7 = tpu.vector_load %arg13[%get3A_6] {strides = array<i32>} : memref<128xf32, #tpu.memory_space<vmem>>, vector<16xf32>,
    %get3A_8 = arith.constant 32 : index
    %get3A_9 = tpu.vector_load %arg13[%get3A_8] {strides = array<i32>} : memref<128xf32, #tpu.memory_space<vmem>>, vector<16xf32>,
    %get3A_10 = arith.constant 48 : index
    %get3A_11 = tpu.vector_load %arg13[%get3A_10] {strides = array<i32>} : memref<128xf32, #tpu.memory_space<vmem>>, vector<16xf32>,
    %get3A_12 = arith.constant 64 : index
    %get3A_13 = tpu.vector_load %arg13[%get3A_12] {strides = array<i32>} : memref<128xf32, #tpu.memory_space<vmem>>, vector<16xf32>,
    %get3A_14 = arith.constant 80 : index
    %get3A_15 = tpu.vector_load %arg13[%get3A_14] {strides = array<i32>} : memref<128xf32, #tpu.memory_space<vmem>>, vector<16xf32>,
    %get3A_16 = arith.constant 96 : index
    %get3A_17 = tpu.vector_load %arg13[%get3A_16] {strides = array<i32>} : memref<128xf32, #tpu.memory_space<vmem>>, vector<16xf32>,
    %get3A_18 = arith.constant 112 : index
    %get3A_19 = tpu.vector_load %arg13[%get3A_18] {strides = array<i32>} : memref<128xf32, #tpu.memory_space<vmem>>, vector<16xf32>,
    %scan3A = arith.constant 0 : i32
    %scan3A_20 = arith.constant 0 : i32
    %scan3A_21 = arith.constant 125 : i32
    %scan3A_22 = arith.addi %scan3A_20, %scan3A_21 : i32
    %scan3A_23 = arith.constant 1 : i32
    scf.for %scan3A_25 = %scan3A_20 to %scan3A_22 step %scan3A_23  : i32 {
      %mul3A_26 = arith.constant 80 : i32
      %mul3A_27 = arith.muli %scan3A_25, %mul3A_26 : i32
      %add3A_28 = arith.addi %mul3A_2, %mul3A_27 : i32
      "tpu.region"() ({
        %run_scoped3A = tpu.sem_alloc : memref<!tpu.dma_semaphore, #tpu.memory_space<semaphore_mem>>
        %dma_start3A_45 = tpu.memref_slice %arg3[%add3A_28] : memref<320000xi32, #tpu.memory_space<hbm>> -> memref<80xi32, #tpu.memory_space<hbm>>
        %dma_start3A_46 = tpu.memref_slice %arg3[%add3A_28] : memref<320000xi32, #tpu.memory_space<hbm>> -> memref<80xi32, #tpu.memory_space<hbm>>
        tpu.enqueue_dma source(%dma_start3A_46 : memref<80xi32, #tpu.memory_space<hbm>>) target(%arg8 : memref<80xi32, #tpu.memory_space<vmem>>) target_semaphore(%run_scoped3A : memref<!tpu.dma_semaphore, #tpu.memory_space<semaphore_mem>>)
        %dma_wait3A_47 = tpu.memref_slice %arg3[%add3A_28] : memref<320000xi32, #tpu.memory_space<hbm>> -> memref<80xi32, #tpu.memory_space<hbm>>
        %dma_wait3A_48 = tpu.memref_slice %arg3[%add3A_28] : memref<320000xi32, #tpu.memory_space<hbm>> -> memref<80xi32, #tpu.memory_space<hbm>>
        tpu.wait_dma2 semaphore(%run_scoped3A : memref<!tpu.dma_semaphore, #tpu.memory_space<semaphore_mem>>) src(%dma_wait3A_48 : memref<80xi32, #tpu.memory_space<hbm>>) dst(%arg8 : memref<80xi32, #tpu.memory_space<vmem>>)
        tpu.yield
      }) : () -> ()
      "tpu.region"() ({
        %run_scoped3A = tpu.sem_alloc : memref<!tpu.dma_semaphore, #tpu.memory_space<semaphore_mem>>
        %dma_start3A_45 = tpu.memref_slice %arg4[%add3A_28] : memref<320000xi32, #tpu.memory_space<hbm>> -> memref<80xi32, #tpu.memory_space<hbm>>
        %dma_start3A_46 = tpu.memref_slice %arg4[%add3A_28] : memref<320000xi32, #tpu.memory_space<hbm>> -> memref<80xi32, #tpu.memory_space<hbm>>
        tpu.enqueue_dma source(%dma_start3A_46 : memref<80xi32, #tpu.memory_space<hbm>>) target(%arg9 : memref<80xi32, #tpu.memory_space<vmem>>) target_semaphore(%run_scoped3A : memref<!tpu.dma_semaphore, #tpu.memory_space<semaphore_mem>>)
        %dma_wait3A_47 = tpu.memref_slice %arg4[%add3A_28] : memref<320000xi32, #tpu.memory_space<hbm>> -> memref<80xi32, #tpu.memory_space<hbm>>
        %dma_wait3A_48 = tpu.memref_slice %arg4[%add3A_28] : memref<320000xi32, #tpu.memory_space<hbm>> -> memref<80xi32, #tpu.memory_space<hbm>>
        tpu.wait_dma2 semaphore(%run_scoped3A : memref<!tpu.dma_semaphore, #tpu.memory_space<semaphore_mem>>) src(%dma_wait3A_48 : memref<80xi32, #tpu.memory_space<hbm>>) dst(%arg9 : memref<80xi32, #tpu.memory_space<vmem>>)
        tpu.yield
      }) : () -> ()
      %dma_start3A = arith.constant 0 : i32
      %dma_start3A_29 = arith.constant 0 : i32
      %dma_start3A_30 = tpu.memref_slice %arg2[%dma_start3A, %dma_start3A_29] : memref<10000x128xf32, #tpu.memory_space<hbm>> -> memref<10000x128xf32, #tpu.memory_space<hbm>>
      tpu.enqueue_indirect_dma source(%dma_start3A_30 : memref<10000x128xf32, #tpu.memory_space<hbm>>) target(%arg10 : memref<80x128xf32, #tpu.memory_space<vmem>>) offsets(%arg8 : memref<80xi32, #tpu.memory_space<vmem>>) semaphore(%arg15 : memref<!tpu.dma_semaphore, #tpu.memory_space<semaphore_mem>>)
      %dma_start3A_31 = arith.constant 0 : i32
      %dma_start3A_32 = arith.constant 0 : i32
      %dma_start3A_33 = tpu.memref_slice %arg2[%dma_start3A_31, %dma_start3A_32] : memref<10000x128xf32, #tpu.memory_space<hbm>> -> memref<10000x128xf32, #tpu.memory_space<hbm>>
      tpu.enqueue_indirect_dma source(%dma_start3A_33 : memref<10000x128xf32, #tpu.memory_space<hbm>>) target(%arg11 : memref<80x128xf32, #tpu.memory_space<vmem>>) offsets(%arg9 : memref<80xi32, #tpu.memory_space<vmem>>) semaphore(%arg16 : memref<!tpu.dma_semaphore, #tpu.memory_space<semaphore_mem>>)
      %dma_wait3A = arith.constant 0 : i32
      %dma_wait3A_34 = arith.constant 0 : i32
      %dma_wait3A_35 = tpu.memref_slice %arg2[%dma_wait3A, %dma_wait3A_34] : memref<10000x128xf32, #tpu.memory_space<hbm>> -> memref<10000x128xf32, #tpu.memory_space<hbm>>
      tpu.wait_indirect_dma semaphore(%arg15 : memref<!tpu.dma_semaphore, #tpu.memory_space<semaphore_mem>>) src(%dma_wait3A_35 : memref<10000x128xf32, #tpu.memory_space<hbm>>) dst(%arg10 : memref<80x128xf32, #tpu.memory_space<vmem>>)
      %dma_wait3A_36 = arith.constant 0 : i32
      %dma_wait3A_37 = arith.constant 0 : i32
      %dma_wait3A_38 = tpu.memref_slice %arg2[%dma_wait3A_36, %dma_wait3A_37] : memref<10000x128xf32, #tpu.memory_space<hbm>> -> memref<10000x128xf32, #tpu.memory_space<hbm>>
      tpu.wait_indirect_dma semaphore(%arg16 : memref<!tpu.dma_semaphore, #tpu.memory_space<semaphore_mem>>) src(%dma_wait3A_38 : memref<10000x128xf32, #tpu.memory_space<hbm>>) dst(%arg11 : memref<80x128xf32, #tpu.memory_space<vmem>>)
      %scan3A_39 = arith.constant 0 : i32
      %scan3A_40 = arith.constant 0 : i32
      %scan3A_41 = arith.constant 5 : i32
      %scan3A_42 = arith.addi %scan3A_40, %scan3A_41 : i32
      %scan3A_43 = arith.constant 1 : i32
      scf.for %scan3A_45 = %scan3A_40 to %scan3A_42 step %scan3A_43  : i32 {
        %mul3A_46 = arith.constant 16 : i32
        %mul3A_47 = arith.muli %scan3A_45, %mul3A_46 : i32
        %add3A_48 = vector.broadcast %mul3A_47 : i32 to vector<16xi32>
        %add3A_49 = arith.addi %add3A_48, %iota3A : vector<16xi32>
        %broadcast_in_dim3A = arith.constant 0 : i32
        %broadcast_in_dim3A_50 = vector.broadcast %broadcast_in_dim3A : i32 to vector<16xi32>
        %gather3A = tpu.vector_load_idx %arg10[%add3A_49, %broadcast_in_dim3A_50] : memref<80x128xf32, #tpu.memory_space<vmem>>[vector<16xi32>, vector<16xi32>], vector<16xf32>,
        %gather3A_51 = tpu.vector_load_idx %arg11[%add3A_49, %broadcast_in_dim3A_50] : memref<80x128xf32, #tpu.memory_space<vmem>>[vector<16xi32>, vector<16xi32>], vector<16xf32>,
        %sub3A = arith.subf %gather3A, %gather3A_51 : vector<16xf32>
        %abs3A = math.absf %sub3A : vector<16xf32>
        %slice3A = vector.extract_strided_slice %get3A_5 {offsets = [0], sizes = [1], strides = [1]} : vector<16xf32> to vector<1xf32>
        %squeeze3A = vector.extract %slice3A[0] : f32 from vector<1xf32>
        %mul3A_52 = vector.broadcast %squeeze3A : f32 to vector<16xf32>
        %mul3A_53 = arith.mulf %abs3A, %mul3A_52 : vector<16xf32>
        %add3A_54 = arith.addf %get3A_3, %mul3A_53 : vector<16xf32>
        %broadcast_in_dim3A_55 = arith.constant 1 : i32
        %broadcast_in_dim3A_56 = vector.broadcast %broadcast_in_dim3A_55 : i32 to vector<16xi32>
        %gather3A_57 = tpu.vector_load_idx %arg10[%add3A_49, %broadcast_in_dim3A_56] : memref<80x128xf32, #tpu.memory_space<vmem>>[vector<16xi32>, vector<16xi32>], vector<16xf32>,
        %gather3A_58 = tpu.vector_load_idx %arg11[%add3A_49, %broadcast_in_dim3A_56] : memref<80x128xf32, #tpu.memory_space<vmem>>[vector<16xi32>, vector<16xi32>], vector<16xf32>,
        %sub3A_59 = arith.subf %gather3A_57, %gather3A_58 : vector<16xf32>
        %abs3A_60 = math.absf %sub3A_59 : vector<16xf32>
        %slice3A_61 = vector.extract_strided_slice %get3A_5 {offsets = [1], sizes = [1], strides = [1]} : vector<16xf32> to vector<1xf32>
        %squeeze3A_62 = vector.extract %slice3A_61[0] : f32 from vector<1xf32>
        %mul3A_63 = vector.broadcast %squeeze3A_62 : f32 to vector<16xf32>
        %mul3A_64 = arith.mulf %abs3A_60, %mul3A_63 : vector<16xf32>
        %add3A_65 = arith.addf %add3A_54, %mul3A_64 : vector<16xf32>
        %broadcast_in_dim3A_66 = arith.constant 2 : i32
        %broadcast_in_dim3A_67 = vector.broadcast %broadcast_in_dim3A_66 : i32 to vector<16xi32>
        %gather3A_68 = tpu.vector_load_idx %arg10[%add3A_49, %broadcast_in_dim3A_67] : memref<80x128xf32, #tpu.memory_space<vmem>>[vector<16xi32>, vector<16xi32>], vector<16xf32>,
        %gather3A_69 = tpu.vector_load_idx %arg11[%add3A_49, %broadcast_in_dim3A_67] : memref<80x128xf32, #tpu.memory_space<vmem>>[vector<16xi32>, vector<16xi32>], vector<16xf32>,
        %sub3A_70 = arith.subf %gather3A_68, %gather3A_69 : vector<16xf32>
        %abs3A_71 = math.absf %sub3A_70 : vector<16xf32>
        %slice3A_72 = vector.extract_strided_slice %get3A_5 {offsets = [2], sizes = [1], strides = [1]} : vector<16xf32> to vector<1xf32>
        %squeeze3A_73 = vector.extract %slice3A_72[0] : f32 from vector<1xf32>
        %mul3A_74 = vector.broadcast %squeeze3A_73 : f32 to vector<16xf32>
        %mul3A_75 = arith.mulf %abs3A_71, %mul3A_74 : vector<16xf32>
        %add3A_76 = arith.addf %add3A_65, %mul3A_75 : vector<16xf32>
        %broadcast_in_dim3A_77 = arith.constant 3 : i32
        %broadcast_in_dim3A_78 = vector.broadcast %broadcast_in_dim3A_77 : i32 to vector<16xi32>
        %gather3A_79 = tpu.vector_load_idx %arg10[%add3A_49, %broadcast_in_dim3A_78] : memref<80x128xf32, #tpu.memory_space<vmem>>[vector<16xi32>, vector<16xi32>], vector<16xf32>,
        %gather3A_80 = tpu.vector_load_idx %arg11[%add3A_49, %broadcast_in_dim3A_78] : memref<80x128xf32, #tpu.memory_space<vmem>>[vector<16xi32>, vector<16xi32>], vector<16xf32>,
        %sub3A_81 = arith.subf %gather3A_79, %gather3A_80 : vector<16xf32>
        %abs3A_82 = math.absf %sub3A_81 : vector<16xf32>
        %slice3A_83 = vector.extract_strided_slice %get3A_5 {offsets = [3], sizes = [1], strides = [1]} : vector<16xf32> to vector<1xf32>
        %squeeze3A_84 = vector.extract %slice3A_83[0] : f32 from vector<1xf32>
        %mul3A_85 = vector.broadcast %squeeze3A_84 : f32 to vector<16xf32>
        %mul3A_86 = arith.mulf %abs3A_82, %mul3A_85 : vector<16xf32>
        %add3A_87 = arith.addf %add3A_76, %mul3A_86 : vector<16xf32>
        %broadcast_in_dim3A_88 = arith.constant 4 : i32
        %broadcast_in_dim3A_89 = vector.broadcast %broadcast_in_dim3A_88 : i32 to vector<16xi32>
        %gather3A_90 = tpu.vector_load_idx %arg10[%add3A_49, %broadcast_in_dim3A_89] : memref<80x128xf32, #tpu.memory_space<vmem>>[vector<16xi32>, vector<16xi32>], vector<16xf32>,
        %gather3A_91 = tpu.vector_load_idx %arg11[%add3A_49, %broadcast_in_dim3A_89] : memref<80x128xf32, #tpu.memory_space<vmem>>[vector<16xi32>, vector<16xi32>], vector<16xf32>,
        %sub3A_92 = arith.subf %gather3A_90, %gather3A_91 : vector<16xf32>
        %abs3A_93 = math.absf %sub3A_92 : vector<16xf32>
        %slice3A_94 = vector.extract_strided_slice %get3A_5 {offsets = [4], sizes = [1], strides = [1]} : vector<16xf32> to vector<1xf32>
        %squeeze3A_95 = vector.extract %slice3A_94[0] : f32 from vector<1xf32>
        %mul3A_96 = vector.broadcast %squeeze3A_95 : f32 to vector<16xf32>
        %mul3A_97 = arith.mulf %abs3A_93, %mul3A_96 : vector<16xf32>
        %add3A_98 = arith.addf %add3A_87, %mul3A_97 : vector<16xf32>
        %broadcast_in_dim3A_99 = arith.constant 5 : i32
        %broadcast_in_dim3A_100 = vector.broadcast %broadcast_in_dim3A_99 : i32 to vector<16xi32>
        %gather3A_101 = tpu.vector_load_idx %arg10[%add3A_49, %broadcast_in_dim3A_100] : memref<80x128xf32, #tpu.memory_space<vmem>>[vector<16xi32>, vector<16xi32>], vector<16xf32>,
        %gather3A_102 = tpu.vector_load_idx %arg11[%add3A_49, %broadcast_in_dim3A_100] : memref<80x128xf32, #tpu.memory_space<vmem>>[vector<16xi32>, vector<16xi32>], vector<16xf32>,
        %sub3A_103 = arith.subf %gather3A_101, %gather3A_102 : vector<16xf32>
        %abs3A_104 = math.absf %sub3A_103 : vector<16xf32>
        %slice3A_105 = vector.extract_strided_slice %get3A_5 {offsets = [5], sizes = [1], strides = [1]} : vector<16xf32> to vector<1xf32>
        %squeeze3A_106 = vector.extract %slice3A_105[0] : f32 from vector<1xf32>
        %mul3A_107 = vector.broadcast %squeeze3A_106 : f32 to vector<16xf32>
        %mul3A_108 = arith.mulf %abs3A_104, %mul3A_107 : vector<16xf32>
        %add3A_109 = arith.addf %add3A_98, %mul3A_108 : vector<16xf32>
        %broadcast_in_dim3A_110 = arith.constant 6 : i32
        %broadcast_in_dim3A_111 = vector.broadcast %broadcast_in_dim3A_110 : i32 to vector<16xi32>
        %gather3A_112 = tpu.vector_load_idx %arg10[%add3A_49, %broadcast_in_dim3A_111] : memref<80x128xf32, #tpu.memory_space<vmem>>[vector<16xi32>, vector<16xi32>], vector<16xf32>,
        %gather3A_113 = tpu.vector_load_idx %arg11[%add3A_49, %broadcast_in_dim3A_111] : memref<80x128xf32, #tpu.memory_space<vmem>>[vector<16xi32>, vector<16xi32>], vector<16xf32>,
        %sub3A_114 = arith.subf %gather3A_112, %gather3A_113 : vector<16xf32>
        %abs3A_115 = math.absf %sub3A_114 : vector<16xf32>
        %slice3A_116 = vector.extract_strided_slice %get3A_5 {offsets = [6], sizes = [1], strides = [1]} : vector<16xf32> to vector<1xf32>
        %squeeze3A_117 = vector.extract %slice3A_116[0] : f32 from vector<1xf32>
        %mul3A_118 = vector.broadcast %squeeze3A_117 : f32 to vector<16xf32>
        %mul3A_119 = arith.mulf %abs3A_115, %mul3A_118 : vector<16xf32>
        %add3A_120 = arith.addf %add3A_109, %mul3A_119 : vector<16xf32>
        %broadcast_in_dim3A_121 = arith.constant 7 : i32
        %broadcast_in_dim3A_122 = vector.broadcast %broadcast_in_dim3A_121 : i32 to vector<16xi32>
        %gather3A_123 = tpu.vector_load_idx %arg10[%add3A_49, %broadcast_in_dim3A_122] : memref<80x128xf32, #tpu.memory_space<vmem>>[vector<16xi32>, vector<16xi32>], vector<16xf32>,
        %gather3A_124 = tpu.vector_load_idx %arg11[%add3A_49, %broadcast_in_dim3A_122] : memref<80x128xf32, #tpu.memory_space<vmem>>[vector<16xi32>, vector<16xi32>], vector<16xf32>,
        %sub3A_125 = arith.subf %gather3A_123, %gather3A_124 : vector<16xf32>
        %abs3A_126 = math.absf %sub3A_125 : vector<16xf32>
        %slice3A_127 = vector.extract_strided_slice %get3A_5 {offsets = [7], sizes = [1], strides = [1]} : vector<16xf32> to vector<1xf32>
        %squeeze3A_128 = vector.extract %slice3A_127[0] : f32 from vector<1xf32>
        %mul3A_129 = vector.broadcast %squeeze3A_128 : f32 to vector<16xf32>
        %mul3A_130 = arith.mulf %abs3A_126, %mul3A_129 : vector<16xf32>
        %add3A_131 = arith.addf %add3A_120, %mul3A_130 : vector<16xf32>
        %broadcast_in_dim3A_132 = arith.constant 8 : i32
        %broadcast_in_dim3A_133 = vector.broadcast %broadcast_in_dim3A_132 : i32 to vector<16xi32>
        %gather3A_134 = tpu.vector_load_idx %arg10[%add3A_49, %broadcast_in_dim3A_133] : memref<80x128xf32, #tpu.memory_space<vmem>>[vector<16xi32>, vector<16xi32>], vector<16xf32>,
        %gather3A_135 = tpu.vector_load_idx %arg11[%add3A_49, %broadcast_in_dim3A_133] : memref<80x128xf32, #tpu.memory_space<vmem>>[vector<16xi32>, vector<16xi32>], vector<16xf32>,
        %sub3A_136 = arith.subf %gather3A_134, %gather3A_135 : vector<16xf32>
        %abs3A_137 = math.absf %sub3A_136 : vector<16xf32>
        %slice3A_138 = vector.extract_strided_slice %get3A_5 {offsets = [8], sizes = [1], strides = [1]} : vector<16xf32> to vector<1xf32>
        %squeeze3A_139 = vector.extract %slice3A_138[0] : f32 from vector<1xf32>
        %mul3A_140 = vector.broadcast %squeeze3A_139 : f32 to vector<16xf32>
        %mul3A_141 = arith.mulf %abs3A_137, %mul3A_140 : vector<16xf32>
        %add3A_142 = arith.addf %add3A_131, %mul3A_141 : vector<16xf32>
        %broadcast_in_dim3A_143 = arith.constant 9 : i32
        %broadcast_in_dim3A_144 = vector.broadcast %broadcast_in_dim3A_143 : i32 to vector<16xi32>
        %gather3A_145 = tpu.vector_load_idx %arg10[%add3A_49, %broadcast_in_dim3A_144] : memref<80x128xf32, #tpu.memory_space<vmem>>[vector<16xi32>, vector<16xi32>], vector<16xf32>,
        %gather3A_146 = tpu.vector_load_idx %arg11[%add3A_49, %broadcast_in_dim3A_144] : memref<80x128xf32, #tpu.memory_space<vmem>>[vector<16xi32>, vector<16xi32>], vector<16xf32>,
        %sub3A_147 = arith.subf %gather3A_145, %gather3A_146 : vector<16xf32>
        %abs3A_148 = math.absf %sub3A_147 : vector<16xf32>
        %slice3A_149 = vector.extract_strided_slice %get3A_5 {offsets = [9], sizes = [1], strides = [1]} : vector<16xf32> to vector<1xf32>
        %squeeze3A_150 = vector.extract %slice3A_149[0] : f32 from vector<1xf32>
        %mul3A_151 = vector.broadcast %squeeze3A_150 : f32 to vector<16xf32>
        %mul3A_152 = arith.mulf %abs3A_148, %mul3A_151 : vector<16xf32>
        %add3A_153 = arith.addf %add3A_142, %mul3A_152 : vector<16xf32>
        %broadcast_in_dim3A_154 = arith.constant 10 : i32
        %broadcast_in_dim3A_155 = vector.broadcast %broadcast_in_dim3A_154 : i32 to vector<16xi32>
        %gather3A_156 = tpu.vector_load_idx %arg10[%add3A_49, %broadcast_in_dim3A_155] : memref<80x128xf32, #tpu.memory_space<vmem>>[vector<16xi32>, vector<16xi32>], vector<16xf32>,
        %gather3A_157 = tpu.vector_load_idx %arg11[%add3A_49, %broadcast_in_dim3A_155] : memref<80x128xf32, #tpu.memory_space<vmem>>[vector<16xi32>, vector<16xi32>], vector<16xf32>,
        %sub3A_158 = arith.subf %gather3A_156, %gather3A_157 : vector<16xf32>
        %abs3A_159 = math.absf %sub3A_158 : vector<16xf32>
        %slice3A_160 = vector.extract_strided_slice %get3A_5 {offsets = [10], sizes = [1], strides = [1]} : vector<16xf32> to vector<1xf32>
        %squeeze3A_161 = vector.extract %slice3A_160[0] : f32 from vector<1xf32>
        %mul3A_162 = vector.broadcast %squeeze3A_161 : f32 to vector<16xf32>
        %mul3A_163 = arith.mulf %abs3A_159, %mul3A_162 : vector<16xf32>
        %add3A_164 = arith.addf %add3A_153, %mul3A_163 : vector<16xf32>
        %broadcast_in_dim3A_165 = arith.constant 11 : i32
        %broadcast_in_dim3A_166 = vector.broadcast %broadcast_in_dim3A_165 : i32 to vector<16xi32>
        %gather3A_167 = tpu.vector_load_idx %arg10[%add3A_49, %broadcast_in_dim3A_166] : memref<80x128xf32, #tpu.memory_space<vmem>>[vector<16xi32>, vector<16xi32>], vector<16xf32>,
        %gather3A_168 = tpu.vector_load_idx %arg11[%add3A_49, %broadcast_in_dim3A_166] : memref<80x128xf32, #tpu.memory_space<vmem>>[vector<16xi32>, vector<16xi32>], vector<16xf32>,
        %sub3A_169 = arith.subf %gather3A_167, %gather3A_168 : vector<16xf32>
        %abs3A_170 = math.absf %sub3A_169 : vector<16xf32>
        %slice3A_171 = vector.extract_strided_slice %get3A_5 {offsets = [11], sizes = [1], strides = [1]} : vector<16xf32> to vector<1xf32>
        %squeeze3A_172 = vector.extract %slice3A_171[0] : f32 from vector<1xf32>
        %mul3A_173 = vector.broadcast %squeeze3A_172 : f32 to vector<16xf32>
        %mul3A_174 = arith.mulf %abs3A_170, %mul3A_173 : vector<16xf32>
        %add3A_175 = arith.addf %add3A_164, %mul3A_174 : vector<16xf32>
        %broadcast_in_dim3A_176 = arith.constant 12 : i32
        %broadcast_in_dim3A_177 = vector.broadcast %broadcast_in_dim3A_176 : i32 to vector<16xi32>
        %gather3A_178 = tpu.vector_load_idx %arg10[%add3A_49, %broadcast_in_dim3A_177] : memref<80x128xf32, #tpu.memory_space<vmem>>[vector<16xi32>, vector<16xi32>], vector<16xf32>,
        %gather3A_179 = tpu.vector_load_idx %arg11[%add3A_49, %broadcast_in_dim3A_177] : memref<80x128xf32, #tpu.memory_space<vmem>>[vector<16xi32>, vector<16xi32>], vector<16xf32>,
        %sub3A_180 = arith.subf %gather3A_178, %gather3A_179 : vector<16xf32>
        %abs3A_181 = math.absf %sub3A_180 : vector<16xf32>
        %slice3A_182 = vector.extract_strided_slice %get3A_5 {offsets = [12], sizes = [1], strides = [1]} : vector<16xf32> to vector<1xf32>
        %squeeze3A_183 = vector.extract %slice3A_182[0] : f32 from vector<1xf32>
        %mul3A_184 = vector.broadcast %squeeze3A_183 : f32 to vector<16xf32>
        %mul3A_185 = arith.mulf %abs3A_181, %mul3A_184 : vector<16xf32>
        %add3A_186 = arith.addf %add3A_175, %mul3A_185 : vector<16xf32>
        %broadcast_in_dim3A_187 = arith.constant 13 : i32
        %broadcast_in_dim3A_188 = vector.broadcast %broadcast_in_dim3A_187 : i32 to vector<16xi32>
        %gather3A_189 = tpu.vector_load_idx %arg10[%add3A_49, %broadcast_in_dim3A_188] : memref<80x128xf32, #tpu.memory_space<vmem>>[vector<16xi32>, vector<16xi32>], vector<16xf32>,
        %gather3A_190 = tpu.vector_load_idx %arg11[%add3A_49, %broadcast_in_dim3A_188] : memref<80x128xf32, #tpu.memory_space<vmem>>[vector<16xi32>, vector<16xi32>], vector<16xf32>,
        %sub3A_191 = arith.subf %gather3A_189, %gather3A_190 : vector<16xf32>
        %abs3A_192 = math.absf %sub3A_191 : vector<16xf32>
        %slice3A_193 = vector.extract_strided_slice %get3A_5 {offsets = [13], sizes = [1], strides = [1]} : vector<16xf32> to vector<1xf32>
        %squeeze3A_194 = vector.extract %slice3A_193[0] : f32 from vector<1xf32>
        %mul3A_195 = vector.broadcast %squeeze3A_194 : f32 to vector<16xf32>
        %mul3A_196 = arith.mulf %abs3A_192, %mul3A_195 : vector<16xf32>
        %add3A_197 = arith.addf %add3A_186, %mul3A_196 : vector<16xf32>
        %broadcast_in_dim3A_198 = arith.constant 14 : i32
        %broadcast_in_dim3A_199 = vector.broadcast %broadcast_in_dim3A_198 : i32 to vector<16xi32>
        %gather3A_200 = tpu.vector_load_idx %arg10[%add3A_49, %broadcast_in_dim3A_199] : memref<80x128xf32, #tpu.memory_space<vmem>>[vector<16xi32>, vector<16xi32>], vector<16xf32>,
        %gather3A_201 = tpu.vector_load_idx %arg11[%add3A_49, %broadcast_in_dim3A_199] : memref<80x128xf32, #tpu.memory_space<vmem>>[vector<16xi32>, vector<16xi32>], vector<16xf32>,
        %sub3A_202 = arith.subf %gather3A_200, %gather3A_201 : vector<16xf32>
        %abs3A_203 = math.absf %sub3A_202 : vector<16xf32>
        %slice3A_204 = vector.extract_strided_slice %get3A_5 {offsets = [14], sizes = [1], strides = [1]} : vector<16xf32> to vector<1xf32>
        %squeeze3A_205 = vector.extract %slice3A_204[0] : f32 from vector<1xf32>
        %mul3A_206 = vector.broadcast %squeeze3A_205 : f32 to vector<16xf32>
        %mul3A_207 = arith.mulf %abs3A_203, %mul3A_206 : vector<16xf32>
        %add3A_208 = arith.addf %add3A_197, %mul3A_207 : vector<16xf32>
        %broadcast_in_dim3A_209 = arith.constant 15 : i32
        %broadcast_in_dim3A_210 = vector.broadcast %broadcast_in_dim3A_209 : i32 to vector<16xi32>
        %gather3A_211 = tpu.vector_load_idx %arg10[%add3A_49, %broadcast_in_dim3A_210] : memref<80x128xf32, #tpu.memory_space<vmem>>[vector<16xi32>, vector<16xi32>], vector<16xf32>,
        %gather3A_212 = tpu.vector_load_idx %arg11[%add3A_49, %broadcast_in_dim3A_210] : memref<80x128xf32, #tpu.memory_space<vmem>>[vector<16xi32>, vector<16xi32>], vector<16xf32>,
        %sub3A_213 = arith.subf %gather3A_211, %gather3A_212 : vector<16xf32>
        %abs3A_214 = math.absf %sub3A_213 : vector<16xf32>
        %slice3A_215 = vector.extract_strided_slice %get3A_5 {offsets = [15], sizes = [1], strides = [1]} : vector<16xf32> to vector<1xf32>
        %squeeze3A_216 = vector.extract %slice3A_215[0] : f32 from vector<1xf32>
        %mul3A_217 = vector.broadcast %squeeze3A_216 : f32 to vector<16xf32>
        %mul3A_218 = arith.mulf %abs3A_214, %mul3A_217 : vector<16xf32>
        %add3A_219 = arith.addf %add3A_208, %mul3A_218 : vector<16xf32>
        %broadcast_in_dim3A_220 = arith.constant 16 : i32
        %broadcast_in_dim3A_221 = vector.broadcast %broadcast_in_dim3A_220 : i32 to vector<16xi32>
        %gather3A_222 = tpu.vector_load_idx %arg10[%add3A_49, %broadcast_in_dim3A_221] : memref<80x128xf32, #tpu.memory_space<vmem>>[vector<16xi32>, vector<16xi32>], vector<16xf32>,
        %gather3A_223 = tpu.vector_load_idx %arg11[%add3A_49, %broadcast_in_dim3A_221] : memref<80x128xf32, #tpu.memory_space<vmem>>[vector<16xi32>, vector<16xi32>], vector<16xf32>,
        %sub3A_224 = arith.subf %gather3A_222, %gather3A_223 : vector<16xf32>
        %abs3A_225 = math.absf %sub3A_224 : vector<16xf32>
        %slice3A_226 = vector.extract_strided_slice %get3A_7 {offsets = [0], sizes = [1], strides = [1]} : vector<16xf32> to vector<1xf32>
        %squeeze3A_227 = vector.extract %slice3A_226[0] : f32 from vector<1xf32>
        %mul3A_228 = vector.broadcast %squeeze3A_227 : f32 to vector<16xf32>
        %mul3A_229 = arith.mulf %abs3A_225, %mul3A_228 : vector<16xf32>
        %add3A_230 = arith.addf %add3A_219, %mul3A_229 : vector<16xf32>
        %broadcast_in_dim3A_231 = arith.constant 17 : i32
        %broadcast_in_dim3A_232 = vector.broadcast %broadcast_in_dim3A_231 : i32 to vector<16xi32>
        %gather3A_233 = tpu.vector_load_idx %arg10[%add3A_49, %broadcast_in_dim3A_232] : memref<80x128xf32, #tpu.memory_space<vmem>>[vector<16xi32>, vector<16xi32>], vector<16xf32>,
        %gather3A_234 = tpu.vector_load_idx %arg11[%add3A_49, %broadcast_in_dim3A_232] : memref<80x128xf32, #tpu.memory_space<vmem>>[vector<16xi32>, vector<16xi32>], vector<16xf32>,
        %sub3A_235 = arith.subf %gather3A_233, %gather3A_234 : vector<16xf32>
        %abs3A_236 = math.absf %sub3A_235 : vector<16xf32>
        %slice3A_237 = vector.extract_strided_slice %get3A_7 {offsets = [1], sizes = [1], strides = [1]} : vector<16xf32> to vector<1xf32>
        %squeeze3A_238 = vector.extract %slice3A_237[0] : f32 from vector<1xf32>
        %mul3A_239 = vector.broadcast %squeeze3A_238 : f32 to vector<16xf32>
        %mul3A_240 = arith.mulf %abs3A_236, %mul3A_239 : vector<16xf32>
        %add3A_241 = arith.addf %add3A_230, %mul3A_240 : vector<16xf32>
        %broadcast_in_dim3A_242 = arith.constant 18 : i32
        %broadcast_in_dim3A_243 = vector.broadcast %broadcast_in_dim3A_242 : i32 to vector<16xi32>
        %gather3A_244 = tpu.vector_load_idx %arg10[%add3A_49, %broadcast_in_dim3A_243] : memref<80x128xf32, #tpu.memory_space<vmem>>[vector<16xi32>, vector<16xi32>], vector<16xf32>,
        %gather3A_245 = tpu.vector_load_idx %arg11[%add3A_49, %broadcast_in_dim3A_243] : memref<80x128xf32, #tpu.memory_space<vmem>>[vector<16xi32>, vector<16xi32>], vector<16xf32>,
        %sub3A_246 = arith.subf %gather3A_244, %gather3A_245 : vector<16xf32>
        %abs3A_247 = math.absf %sub3A_246 : vector<16xf32>
        %slice3A_248 = vector.extract_strided_slice %get3A_7 {offsets = [2], sizes = [1], strides = [1]} : vector<16xf32> to vector<1xf32>
        %squeeze3A_249 = vector.extract %slice3A_248[0] : f32 from vector<1xf32>
        %mul3A_250 = vector.broadcast %squeeze3A_249 : f32 to vector<16xf32>
        %mul3A_251 = arith.mulf %abs3A_247, %mul3A_250 : vector<16xf32>
        %add3A_252 = arith.addf %add3A_241, %mul3A_251 : vector<16xf32>
        %broadcast_in_dim3A_253 = arith.constant 19 : i32
        %broadcast_in_dim3A_254 = vector.broadcast %broadcast_in_dim3A_253 : i32 to vector<16xi32>
        %gather3A_255 = tpu.vector_load_idx %arg10[%add3A_49, %broadcast_in_dim3A_254] : memref<80x128xf32, #tpu.memory_space<vmem>>[vector<16xi32>, vector<16xi32>], vector<16xf32>,
        %gather3A_256 = tpu.vector_load_idx %arg11[%add3A_49, %broadcast_in_dim3A_254] : memref<80x128xf32, #tpu.memory_space<vmem>>[vector<16xi32>, vector<16xi32>], vector<16xf32>,
        %sub3A_257 = arith.subf %gather3A_255, %gather3A_256 : vector<16xf32>
        %abs3A_258 = math.absf %sub3A_257 : vector<16xf32>
        %slice3A_259 = vector.extract_strided_slice %get3A_7 {offsets = [3], sizes = [1], strides = [1]} : vector<16xf32> to vector<1xf32>
        %squeeze3A_260 = vector.extract %slice3A_259[0] : f32 from vector<1xf32>
        %mul3A_261 = vector.broadcast %squeeze3A_260 : f32 to vector<16xf32>
        %mul3A_262 = arith.mulf %abs3A_258, %mul3A_261 : vector<16xf32>
        %add3A_263 = arith.addf %add3A_252, %mul3A_262 : vector<16xf32>
        %broadcast_in_dim3A_264 = arith.constant 20 : i32
        %broadcast_in_dim3A_265 = vector.broadcast %broadcast_in_dim3A_264 : i32 to vector<16xi32>
        %gather3A_266 = tpu.vector_load_idx %arg10[%add3A_49, %broadcast_in_dim3A_265] : memref<80x128xf32, #tpu.memory_space<vmem>>[vector<16xi32>, vector<16xi32>], vector<16xf32>,
        %gather3A_267 = tpu.vector_load_idx %arg11[%add3A_49, %broadcast_in_dim3A_265] : memref<80x128xf32, #tpu.memory_space<vmem>>[vector<16xi32>, vector<16xi32>], vector<16xf32>,
        %sub3A_268 = arith.subf %gather3A_266, %gather3A_267 : vector<16xf32>
        %abs3A_269 = math.absf %sub3A_268 : vector<16xf32>
        %slice3A_270 = vector.extract_strided_slice %get3A_7 {offsets = [4], sizes = [1], strides = [1]} : vector<16xf32> to vector<1xf32>
        %squeeze3A_271 = vector.extract %slice3A_270[0] : f32 from vector<1xf32>
        %mul3A_272 = vector.broadcast %squeeze3A_271 : f32 to vector<16xf32>
        %mul3A_273 = arith.mulf %abs3A_269, %mul3A_272 : vector<16xf32>
        %add3A_274 = arith.addf %add3A_263, %mul3A_273 : vector<16xf32>
        %broadcast_in_dim3A_275 = arith.constant 21 : i32
        %broadcast_in_dim3A_276 = vector.broadcast %broadcast_in_dim3A_275 : i32 to vector<16xi32>
        %gather3A_277 = tpu.vector_load_idx %arg10[%add3A_49, %broadcast_in_dim3A_276] : memref<80x128xf32, #tpu.memory_space<vmem>>[vector<16xi32>, vector<16xi32>], vector<16xf32>,
        %gather3A_278 = tpu.vector_load_idx %arg11[%add3A_49, %broadcast_in_dim3A_276] : memref<80x128xf32, #tpu.memory_space<vmem>>[vector<16xi32>, vector<16xi32>], vector<16xf32>,
        %sub3A_279 = arith.subf %gather3A_277, %gather3A_278 : vector<16xf32>
        %abs3A_280 = math.absf %sub3A_279 : vector<16xf32>
        %slice3A_281 = vector.extract_strided_slice %get3A_7 {offsets = [5], sizes = [1], strides = [1]} : vector<16xf32> to vector<1xf32>
        %squeeze3A_282 = vector.extract %slice3A_281[0] : f32 from vector<1xf32>
        %mul3A_283 = vector.broadcast %squeeze3A_282 : f32 to vector<16xf32>
        %mul3A_284 = arith.mulf %abs3A_280, %mul3A_283 : vector<16xf32>
        %add3A_285 = arith.addf %add3A_274, %mul3A_284 : vector<16xf32>
        %broadcast_in_dim3A_286 = arith.constant 22 : i32
        %broadcast_in_dim3A_287 = vector.broadcast %broadcast_in_dim3A_286 : i32 to vector<16xi32>
        %gather3A_288 = tpu.vector_load_idx %arg10[%add3A_49, %broadcast_in_dim3A_287] : memref<80x128xf32, #tpu.memory_space<vmem>>[vector<16xi32>, vector<16xi32>], vector<16xf32>,
        %gather3A_289 = tpu.vector_load_idx %arg11[%add3A_49, %broadcast_in_dim3A_287] : memref<80x128xf32, #tpu.memory_space<vmem>>[vector<16xi32>, vector<16xi32>], vector<16xf32>,
        %sub3A_290 = arith.subf %gather3A_288, %gather3A_289 : vector<16xf32>
        %abs3A_291 = math.absf %sub3A_290 : vector<16xf32>
        %slice3A_292 = vector.extract_strided_slice %get3A_7 {offsets = [6], sizes = [1], strides = [1]} : vector<16xf32> to vector<1xf32>
        %squeeze3A_293 = vector.extract %slice3A_292[0] : f32 from vector<1xf32>
        %mul3A_294 = vector.broadcast %squeeze3A_293 : f32 to vector<16xf32>
        %mul3A_295 = arith.mulf %abs3A_291, %mul3A_294 : vector<16xf32>
        %add3A_296 = arith.addf %add3A_285, %mul3A_295 : vector<16xf32>
        %broadcast_in_dim3A_297 = arith.constant 23 : i32
        %broadcast_in_dim3A_298 = vector.broadcast %broadcast_in_dim3A_297 : i32 to vector<16xi32>
        %gather3A_299 = tpu.vector_load_idx %arg10[%add3A_49, %broadcast_in_dim3A_298] : memref<80x128xf32, #tpu.memory_space<vmem>>[vector<16xi32>, vector<16xi32>], vector<16xf32>,
        %gather3A_300 = tpu.vector_load_idx %arg11[%add3A_49, %broadcast_in_dim3A_298] : memref<80x128xf32, #tpu.memory_space<vmem>>[vector<16xi32>, vector<16xi32>], vector<16xf32>,
        %sub3A_301 = arith.subf %gather3A_299, %gather3A_300 : vector<16xf32>
        %abs3A_302 = math.absf %sub3A_301 : vector<16xf32>
        %slice3A_303 = vector.extract_strided_slice %get3A_7 {offsets = [7], sizes = [1], strides = [1]} : vector<16xf32> to vector<1xf32>
        %squeeze3A_304 = vector.extract %slice3A_303[0] : f32 from vector<1xf32>
        %mul3A_305 = vector.broadcast %squeeze3A_304 : f32 to vector<16xf32>
        %mul3A_306 = arith.mulf %abs3A_302, %mul3A_305 : vector<16xf32>
        %add3A_307 = arith.addf %add3A_296, %mul3A_306 : vector<16xf32>
        %broadcast_in_dim3A_308 = arith.constant 24 : i32
        %broadcast_in_dim3A_309 = vector.broadcast %broadcast_in_dim3A_308 : i32 to vector<16xi32>
        %gather3A_310 = tpu.vector_load_idx %arg10[%add3A_49, %broadcast_in_dim3A_309] : memref<80x128xf32, #tpu.memory_space<vmem>>[vector<16xi32>, vector<16xi32>], vector<16xf32>,
        %gather3A_311 = tpu.vector_load_idx %arg11[%add3A_49, %broadcast_in_dim3A_309] : memref<80x128xf32, #tpu.memory_space<vmem>>[vector<16xi32>, vector<16xi32>], vector<16xf32>,
        %sub3A_312 = arith.subf %gather3A_310, %gather3A_311 : vector<16xf32>
        %abs3A_313 = math.absf %sub3A_312 : vector<16xf32>
        %slice3A_314 = vector.extract_strided_slice %get3A_7 {offsets = [8], sizes = [1], strides = [1]} : vector<16xf32> to vector<1xf32>
        %squeeze3A_315 = vector.extract %slice3A_314[0] : f32 from vector<1xf32>
        %mul3A_316 = vector.broadcast %squeeze3A_315 : f32 to vector<16xf32>
        %mul3A_317 = arith.mulf %abs3A_313, %mul3A_316 : vector<16xf32>
        %add3A_318 = arith.addf %add3A_307, %mul3A_317 : vector<16xf32>
        %broadcast_in_dim3A_319 = arith.constant 25 : i32
        %broadcast_in_dim3A_320 = vector.broadcast %broadcast_in_dim3A_319 : i32 to vector<16xi32>
        %gather3A_321 = tpu.vector_load_idx %arg10[%add3A_49, %broadcast_in_dim3A_320] : memref<80x128xf32, #tpu.memory_space<vmem>>[vector<16xi32>, vector<16xi32>], vector<16xf32>,
        %gather3A_322 = tpu.vector_load_idx %arg11[%add3A_49, %broadcast_in_dim3A_320] : memref<80x128xf32, #tpu.memory_space<vmem>>[vector<16xi32>, vector<16xi32>], vector<16xf32>,
        %sub3A_323 = arith.subf %gather3A_321, %gather3A_322 : vector<16xf32>
        %abs3A_324 = math.absf %sub3A_323 : vector<16xf32>
        %slice3A_325 = vector.extract_strided_slice %get3A_7 {offsets = [9], sizes = [1], strides = [1]} : vector<16xf32> to vector<1xf32>
        %squeeze3A_326 = vector.extract %slice3A_325[0] : f32 from vector<1xf32>
        %mul3A_327 = vector.broadcast %squeeze3A_326 : f32 to vector<16xf32>
        %mul3A_328 = arith.mulf %abs3A_324, %mul3A_327 : vector<16xf32>
        %add3A_329 = arith.addf %add3A_318, %mul3A_328 : vector<16xf32>
        %broadcast_in_dim3A_330 = arith.constant 26 : i32
        %broadcast_in_dim3A_331 = vector.broadcast %broadcast_in_dim3A_330 : i32 to vector<16xi32>
        %gather3A_332 = tpu.vector_load_idx %arg10[%add3A_49, %broadcast_in_dim3A_331] : memref<80x128xf32, #tpu.memory_space<vmem>>[vector<16xi32>, vector<16xi32>], vector<16xf32>,
        %gather3A_333 = tpu.vector_load_idx %arg11[%add3A_49, %broadcast_in_dim3A_331] : memref<80x128xf32, #tpu.memory_space<vmem>>[vector<16xi32>, vector<16xi32>], vector<16xf32>,
        %sub3A_334 = arith.subf %gather3A_332, %gather3A_333 : vector<16xf32>
        %abs3A_335 = math.absf %sub3A_334 : vector<16xf32>
        %slice3A_336 = vector.extract_strided_slice %get3A_7 {offsets = [10], sizes = [1], strides = [1]} : vector<16xf32> to vector<1xf32>
        %squeeze3A_337 = vector.extract %slice3A_336[0] : f32 from vector<1xf32>
        %mul3A_338 = vector.broadcast %squeeze3A_337 : f32 to vector<16xf32>
        %mul3A_339 = arith.mulf %abs3A_335, %mul3A_338 : vector<16xf32>
        %add3A_340 = arith.addf %add3A_329, %mul3A_339 : vector<16xf32>
        %broadcast_in_dim3A_341 = arith.constant 27 : i32
        %broadcast_in_dim3A_342 = vector.broadcast %broadcast_in_dim3A_341 : i32 to vector<16xi32>
        %gather3A_343 = tpu.vector_load_idx %arg10[%add3A_49, %broadcast_in_dim3A_342] : memref<80x128xf32, #tpu.memory_space<vmem>>[vector<16xi32>, vector<16xi32>], vector<16xf32>,
        %gather3A_344 = tpu.vector_load_idx %arg11[%add3A_49, %broadcast_in_dim3A_342] : memref<80x128xf32, #tpu.memory_space<vmem>>[vector<16xi32>, vector<16xi32>], vector<16xf32>,
        %sub3A_345 = arith.subf %gather3A_343, %gather3A_344 : vector<16xf32>
        %abs3A_346 = math.absf %sub3A_345 : vector<16xf32>
        %slice3A_347 = vector.extract_strided_slice %get3A_7 {offsets = [11], sizes = [1], strides = [1]} : vector<16xf32> to vector<1xf32>
        %squeeze3A_348 = vector.extract %slice3A_347[0] : f32 from vector<1xf32>
        %mul3A_349 = vector.broadcast %squeeze3A_348 : f32 to vector<16xf32>
        %mul3A_350 = arith.mulf %abs3A_346, %mul3A_349 : vector<16xf32>
        %add3A_351 = arith.addf %add3A_340, %mul3A_350 : vector<16xf32>
        %broadcast_in_dim3A_352 = arith.constant 28 : i32
        %broadcast_in_dim3A_353 = vector.broadcast %broadcast_in_dim3A_352 : i32 to vector<16xi32>
        %gather3A_354 = tpu.vector_load_idx %arg10[%add3A_49, %broadcast_in_dim3A_353] : memref<80x128xf32, #tpu.memory_space<vmem>>[vector<16xi32>, vector<16xi32>], vector<16xf32>,
        %gather3A_355 = tpu.vector_load_idx %arg11[%add3A_49, %broadcast_in_dim3A_353] : memref<80x128xf32, #tpu.memory_space<vmem>>[vector<16xi32>, vector<16xi32>], vector<16xf32>,
        %sub3A_356 = arith.subf %gather3A_354, %gather3A_355 : vector<16xf32>
        %abs3A_357 = math.absf %sub3A_356 : vector<16xf32>
        %slice3A_358 = vector.extract_strided_slice %get3A_7 {offsets = [12], sizes = [1], strides = [1]} : vector<16xf32> to vector<1xf32>
        %squeeze3A_359 = vector.extract %slice3A_358[0] : f32 from vector<1xf32>
        %mul3A_360 = vector.broadcast %squeeze3A_359 : f32 to vector<16xf32>
        %mul3A_361 = arith.mulf %abs3A_357, %mul3A_360 : vector<16xf32>
        %add3A_362 = arith.addf %add3A_351, %mul3A_361 : vector<16xf32>
        %broadcast_in_dim3A_363 = arith.constant 29 : i32
        %broadcast_in_dim3A_364 = vector.broadcast %broadcast_in_dim3A_363 : i32 to vector<16xi32>
        %gather3A_365 = tpu.vector_load_idx %arg10[%add3A_49, %broadcast_in_dim3A_364] : memref<80x128xf32, #tpu.memory_space<vmem>>[vector<16xi32>, vector<16xi32>], vector<16xf32>,
        %gather3A_366 = tpu.vector_load_idx %arg11[%add3A_49, %broadcast_in_dim3A_364] : memref<80x128xf32, #tpu.memory_space<vmem>>[vector<16xi32>, vector<16xi32>], vector<16xf32>,
        %sub3A_367 = arith.subf %gather3A_365, %gather3A_366 : vector<16xf32>
        %abs3A_368 = math.absf %sub3A_367 : vector<16xf32>
        %slice3A_369 = vector.extract_strided_slice %get3A_7 {offsets = [13], sizes = [1], strides = [1]} : vector<16xf32> to vector<1xf32>
        %squeeze3A_370 = vector.extract %slice3A_369[0] : f32 from vector<1xf32>
        %mul3A_371 = vector.broadcast %squeeze3A_370 : f32 to vector<16xf32>
        %mul3A_372 = arith.mulf %abs3A_368, %mul3A_371 : vector<16xf32>
        %add3A_373 = arith.addf %add3A_362, %mul3A_372 : vector<16xf32>
        %broadcast_in_dim3A_374 = arith.constant 30 : i32
        %broadcast_in_dim3A_375 = vector.broadcast %broadcast_in_dim3A_374 : i32 to vector<16xi32>
        %gather3A_376 = tpu.vector_load_idx %arg10[%add3A_49, %broadcast_in_dim3A_375] : memref<80x128xf32, #tpu.memory_space<vmem>>[vector<16xi32>, vector<16xi32>], vector<16xf32>,
        %gather3A_377 = tpu.vector_load_idx %arg11[%add3A_49, %broadcast_in_dim3A_375] : memref<80x128xf32, #tpu.memory_space<vmem>>[vector<16xi32>, vector<16xi32>], vector<16xf32>,
        %sub3A_378 = arith.subf %gather3A_376, %gather3A_377 : vector<16xf32>
        %abs3A_379 = math.absf %sub3A_378 : vector<16xf32>
        %slice3A_380 = vector.extract_strided_slice %get3A_7 {offsets = [14], sizes = [1], strides = [1]} : vector<16xf32> to vector<1xf32>
        %squeeze3A_381 = vector.extract %slice3A_380[0] : f32 from vector<1xf32>
        %mul3A_382 = vector.broadcast %squeeze3A_381 : f32 to vector<16xf32>
        %mul3A_383 = arith.mulf %abs3A_379, %mul3A_382 : vector<16xf32>
        %add3A_384 = arith.addf %add3A_373, %mul3A_383 : vector<16xf32>
        %broadcast_in_dim3A_385 = arith.constant 31 : i32
        %broadcast_in_dim3A_386 = vector.broadcast %broadcast_in_dim3A_385 : i32 to vector<16xi32>
        %gather3A_387 = tpu.vector_load_idx %arg10[%add3A_49, %broadcast_in_dim3A_386] : memref<80x128xf32, #tpu.memory_space<vmem>>[vector<16xi32>, vector<16xi32>], vector<16xf32>,
        %gather3A_388 = tpu.vector_load_idx %arg11[%add3A_49, %broadcast_in_dim3A_386] : memref<80x128xf32, #tpu.memory_space<vmem>>[vector<16xi32>, vector<16xi32>], vector<16xf32>,
        %sub3A_389 = arith.subf %gather3A_387, %gather3A_388 : vector<16xf32>
        %abs3A_390 = math.absf %sub3A_389 : vector<16xf32>
        %slice3A_391 = vector.extract_strided_slice %get3A_7 {offsets = [15], sizes = [1], strides = [1]} : vector<16xf32> to vector<1xf32>
        %squeeze3A_392 = vector.extract %slice3A_391[0] : f32 from vector<1xf32>
        %mul3A_393 = vector.broadcast %squeeze3A_392 : f32 to vector<16xf32>
        %mul3A_394 = arith.mulf %abs3A_390, %mul3A_393 : vector<16xf32>
        %add3A_395 = arith.addf %add3A_384, %mul3A_394 : vector<16xf32>
        %broadcast_in_dim3A_396 = arith.constant 32 : i32
        %broadcast_in_dim3A_397 = vector.broadcast %broadcast_in_dim3A_396 : i32 to vector<16xi32>
        %gather3A_398 = tpu.vector_load_idx %arg10[%add3A_49, %broadcast_in_dim3A_397] : memref<80x128xf32, #tpu.memory_space<vmem>>[vector<16xi32>, vector<16xi32>], vector<16xf32>,
        %gather3A_399 = tpu.vector_load_idx %arg11[%add3A_49, %broadcast_in_dim3A_397] : memref<80x128xf32, #tpu.memory_space<vmem>>[vector<16xi32>, vector<16xi32>], vector<16xf32>,
        %sub3A_400 = arith.subf %gather3A_398, %gather3A_399 : vector<16xf32>
        %abs3A_401 = math.absf %sub3A_400 : vector<16xf32>
        %slice3A_402 = vector.extract_strided_slice %get3A_9 {offsets = [0], sizes = [1], strides = [1]} : vector<16xf32> to vector<1xf32>
        %squeeze3A_403 = vector.extract %slice3A_402[0] : f32 from vector<1xf32>
        %mul3A_404 = vector.broadcast %squeeze3A_403 : f32 to vector<16xf32>
        %mul3A_405 = arith.mulf %abs3A_401, %mul3A_404 : vector<16xf32>
        %add3A_406 = arith.addf %add3A_395, %mul3A_405 : vector<16xf32>
        %broadcast_in_dim3A_407 = arith.constant 33 : i32
        %broadcast_in_dim3A_408 = vector.broadcast %broadcast_in_dim3A_407 : i32 to vector<16xi32>
        %gather3A_409 = tpu.vector_load_idx %arg10[%add3A_49, %broadcast_in_dim3A_408] : memref<80x128xf32, #tpu.memory_space<vmem>>[vector<16xi32>, vector<16xi32>], vector<16xf32>,
        %gather3A_410 = tpu.vector_load_idx %arg11[%add3A_49, %broadcast_in_dim3A_408] : memref<80x128xf32, #tpu.memory_space<vmem>>[vector<16xi32>, vector<16xi32>], vector<16xf32>,
        %sub3A_411 = arith.subf %gather3A_409, %gather3A_410 : vector<16xf32>
        %abs3A_412 = math.absf %sub3A_411 : vector<16xf32>
        %slice3A_413 = vector.extract_strided_slice %get3A_9 {offsets = [1], sizes = [1], strides = [1]} : vector<16xf32> to vector<1xf32>
        %squeeze3A_414 = vector.extract %slice3A_413[0] : f32 from vector<1xf32>
        %mul3A_415 = vector.broadcast %squeeze3A_414 : f32 to vector<16xf32>
        %mul3A_416 = arith.mulf %abs3A_412, %mul3A_415 : vector<16xf32>
        %add3A_417 = arith.addf %add3A_406, %mul3A_416 : vector<16xf32>
        %broadcast_in_dim3A_418 = arith.constant 34 : i32
        %broadcast_in_dim3A_419 = vector.broadcast %broadcast_in_dim3A_418 : i32 to vector<16xi32>
        %gather3A_420 = tpu.vector_load_idx %arg10[%add3A_49, %broadcast_in_dim3A_419] : memref<80x128xf32, #tpu.memory_space<vmem>>[vector<16xi32>, vector<16xi32>], vector<16xf32>,
        %gather3A_421 = tpu.vector_load_idx %arg11[%add3A_49, %broadcast_in_dim3A_419] : memref<80x128xf32, #tpu.memory_space<vmem>>[vector<16xi32>, vector<16xi32>], vector<16xf32>,
        %sub3A_422 = arith.subf %gather3A_420, %gather3A_421 : vector<16xf32>
        %abs3A_423 = math.absf %sub3A_422 : vector<16xf32>
        %slice3A_424 = vector.extract_strided_slice %get3A_9 {offsets = [2], sizes = [1], strides = [1]} : vector<16xf32> to vector<1xf32>
        %squeeze3A_425 = vector.extract %slice3A_424[0] : f32 from vector<1xf32>
        %mul3A_426 = vector.broadcast %squeeze3A_425 : f32 to vector<16xf32>
        %mul3A_427 = arith.mulf %abs3A_423, %mul3A_426 : vector<16xf32>
        %add3A_428 = arith.addf %add3A_417, %mul3A_427 : vector<16xf32>
        %broadcast_in_dim3A_429 = arith.constant 35 : i32
        %broadcast_in_dim3A_430 = vector.broadcast %broadcast_in_dim3A_429 : i32 to vector<16xi32>
        %gather3A_431 = tpu.vector_load_idx %arg10[%add3A_49, %broadcast_in_dim3A_430] : memref<80x128xf32, #tpu.memory_space<vmem>>[vector<16xi32>, vector<16xi32>], vector<16xf32>,
        %gather3A_432 = tpu.vector_load_idx %arg11[%add3A_49, %broadcast_in_dim3A_430] : memref<80x128xf32, #tpu.memory_space<vmem>>[vector<16xi32>, vector<16xi32>], vector<16xf32>,
        %sub3A_433 = arith.subf %gather3A_431, %gather3A_432 : vector<16xf32>
        %abs3A_434 = math.absf %sub3A_433 : vector<16xf32>
        %slice3A_435 = vector.extract_strided_slice %get3A_9 {offsets = [3], sizes = [1], strides = [1]} : vector<16xf32> to vector<1xf32>
        %squeeze3A_436 = vector.extract %slice3A_435[0] : f32 from vector<1xf32>
        %mul3A_437 = vector.broadcast %squeeze3A_436 : f32 to vector<16xf32>
        %mul3A_438 = arith.mulf %abs3A_434, %mul3A_437 : vector<16xf32>
        %add3A_439 = arith.addf %add3A_428, %mul3A_438 : vector<16xf32>
        %broadcast_in_dim3A_440 = arith.constant 36 : i32
        %broadcast_in_dim3A_441 = vector.broadcast %broadcast_in_dim3A_440 : i32 to vector<16xi32>
        %gather3A_442 = tpu.vector_load_idx %arg10[%add3A_49, %broadcast_in_dim3A_441] : memref<80x128xf32, #tpu.memory_space<vmem>>[vector<16xi32>, vector<16xi32>], vector<16xf32>,
        %gather3A_443 = tpu.vector_load_idx %arg11[%add3A_49, %broadcast_in_dim3A_441] : memref<80x128xf32, #tpu.memory_space<vmem>>[vector<16xi32>, vector<16xi32>], vector<16xf32>,
        %sub3A_444 = arith.subf %gather3A_442, %gather3A_443 : vector<16xf32>
        %abs3A_445 = math.absf %sub3A_444 : vector<16xf32>
        %slice3A_446 = vector.extract_strided_slice %get3A_9 {offsets = [4], sizes = [1], strides = [1]} : vector<16xf32> to vector<1xf32>
        %squeeze3A_447 = vector.extract %slice3A_446[0] : f32 from vector<1xf32>
        %mul3A_448 = vector.broadcast %squeeze3A_447 : f32 to vector<16xf32>
        %mul3A_449 = arith.mulf %abs3A_445, %mul3A_448 : vector<16xf32>
        %add3A_450 = arith.addf %add3A_439, %mul3A_449 : vector<16xf32>
        %broadcast_in_dim3A_451 = arith.constant 37 : i32
        %broadcast_in_dim3A_452 = vector.broadcast %broadcast_in_dim3A_451 : i32 to vector<16xi32>
        %gather3A_453 = tpu.vector_load_idx %arg10[%add3A_49, %broadcast_in_dim3A_452] : memref<80x128xf32, #tpu.memory_space<vmem>>[vector<16xi32>, vector<16xi32>], vector<16xf32>,
        %gather3A_454 = tpu.vector_load_idx %arg11[%add3A_49, %broadcast_in_dim3A_452] : memref<80x128xf32, #tpu.memory_space<vmem>>[vector<16xi32>, vector<16xi32>], vector<16xf32>,
        %sub3A_455 = arith.subf %gather3A_453, %gather3A_454 : vector<16xf32>
        %abs3A_456 = math.absf %sub3A_455 : vector<16xf32>
        %slice3A_457 = vector.extract_strided_slice %get3A_9 {offsets = [5], sizes = [1], strides = [1]} : vector<16xf32> to vector<1xf32>
        %squeeze3A_458 = vector.extract %slice3A_457[0] : f32 from vector<1xf32>
        %mul3A_459 = vector.broadcast %squeeze3A_458 : f32 to vector<16xf32>
        %mul3A_460 = arith.mulf %abs3A_456, %mul3A_459 : vector<16xf32>
        %add3A_461 = arith.addf %add3A_450, %mul3A_460 : vector<16xf32>
        %broadcast_in_dim3A_462 = arith.constant 38 : i32
        %broadcast_in_dim3A_463 = vector.broadcast %broadcast_in_dim3A_462 : i32 to vector<16xi32>
        %gather3A_464 = tpu.vector_load_idx %arg10[%add3A_49, %broadcast_in_dim3A_463] : memref<80x128xf32, #tpu.memory_space<vmem>>[vector<16xi32>, vector<16xi32>], vector<16xf32>,
        %gather3A_465 = tpu.vector_load_idx %arg11[%add3A_49, %broadcast_in_dim3A_463] : memref<80x128xf32, #tpu.memory_space<vmem>>[vector<16xi32>, vector<16xi32>], vector<16xf32>,
        %sub3A_466 = arith.subf %gather3A_464, %gather3A_465 : vector<16xf32>
        %abs3A_467 = math.absf %sub3A_466 : vector<16xf32>
        %slice3A_468 = vector.extract_strided_slice %get3A_9 {offsets = [6], sizes = [1], strides = [1]} : vector<16xf32> to vector<1xf32>
        %squeeze3A_469 = vector.extract %slice3A_468[0] : f32 from vector<1xf32>
        %mul3A_470 = vector.broadcast %squeeze3A_469 : f32 to vector<16xf32>
        %mul3A_471 = arith.mulf %abs3A_467, %mul3A_470 : vector<16xf32>
        %add3A_472 = arith.addf %add3A_461, %mul3A_471 : vector<16xf32>
        %broadcast_in_dim3A_473 = arith.constant 39 : i32
        %broadcast_in_dim3A_474 = vector.broadcast %broadcast_in_dim3A_473 : i32 to vector<16xi32>
        %gather3A_475 = tpu.vector_load_idx %arg10[%add3A_49, %broadcast_in_dim3A_474] : memref<80x128xf32, #tpu.memory_space<vmem>>[vector<16xi32>, vector<16xi32>], vector<16xf32>,
        %gather3A_476 = tpu.vector_load_idx %arg11[%add3A_49, %broadcast_in_dim3A_474] : memref<80x128xf32, #tpu.memory_space<vmem>>[vector<16xi32>, vector<16xi32>], vector<16xf32>,
        %sub3A_477 = arith.subf %gather3A_475, %gather3A_476 : vector<16xf32>
        %abs3A_478 = math.absf %sub3A_477 : vector<16xf32>
        %slice3A_479 = vector.extract_strided_slice %get3A_9 {offsets = [7], sizes = [1], strides = [1]} : vector<16xf32> to vector<1xf32>
        %squeeze3A_480 = vector.extract %slice3A_479[0] : f32 from vector<1xf32>
        %mul3A_481 = vector.broadcast %squeeze3A_480 : f32 to vector<16xf32>
        %mul3A_482 = arith.mulf %abs3A_478, %mul3A_481 : vector<16xf32>
        %add3A_483 = arith.addf %add3A_472, %mul3A_482 : vector<16xf32>
        %broadcast_in_dim3A_484 = arith.constant 40 : i32
        %broadcast_in_dim3A_485 = vector.broadcast %broadcast_in_dim3A_484 : i32 to vector<16xi32>
        %gather3A_486 = tpu.vector_load_idx %arg10[%add3A_49, %broadcast_in_dim3A_485] : memref<80x128xf32, #tpu.memory_space<vmem>>[vector<16xi32>, vector<16xi32>], vector<16xf32>,
        %gather3A_487 = tpu.vector_load_idx %arg11[%add3A_49, %broadcast_in_dim3A_485] : memref<80x128xf32, #tpu.memory_space<vmem>>[vector<16xi32>, vector<16xi32>], vector<16xf32>,
        %sub3A_488 = arith.subf %gather3A_486, %gather3A_487 : vector<16xf32>
        %abs3A_489 = math.absf %sub3A_488 : vector<16xf32>
        %slice3A_490 = vector.extract_strided_slice %get3A_9 {offsets = [8], sizes = [1], strides = [1]} : vector<16xf32> to vector<1xf32>
        %squeeze3A_491 = vector.extract %slice3A_490[0] : f32 from vector<1xf32>
        %mul3A_492 = vector.broadcast %squeeze3A_491 : f32 to vector<16xf32>
        %mul3A_493 = arith.mulf %abs3A_489, %mul3A_492 : vector<16xf32>
        %add3A_494 = arith.addf %add3A_483, %mul3A_493 : vector<16xf32>
        %broadcast_in_dim3A_495 = arith.constant 41 : i32
        %broadcast_in_dim3A_496 = vector.broadcast %broadcast_in_dim3A_495 : i32 to vector<16xi32>
        %gather3A_497 = tpu.vector_load_idx %arg10[%add3A_49, %broadcast_in_dim3A_496] : memref<80x128xf32, #tpu.memory_space<vmem>>[vector<16xi32>, vector<16xi32>], vector<16xf32>,
        %gather3A_498 = tpu.vector_load_idx %arg11[%add3A_49, %broadcast_in_dim3A_496] : memref<80x128xf32, #tpu.memory_space<vmem>>[vector<16xi32>, vector<16xi32>], vector<16xf32>,
        %sub3A_499 = arith.subf %gather3A_497, %gather3A_498 : vector<16xf32>
        %abs3A_500 = math.absf %sub3A_499 : vector<16xf32>
        %slice3A_501 = vector.extract_strided_slice %get3A_9 {offsets = [9], sizes = [1], strides = [1]} : vector<16xf32> to vector<1xf32>
        %squeeze3A_502 = vector.extract %slice3A_501[0] : f32 from vector<1xf32>
        %mul3A_503 = vector.broadcast %squeeze3A_502 : f32 to vector<16xf32>
        %mul3A_504 = arith.mulf %abs3A_500, %mul3A_503 : vector<16xf32>
        %add3A_505 = arith.addf %add3A_494, %mul3A_504 : vector<16xf32>
        %broadcast_in_dim3A_506 = arith.constant 42 : i32
        %broadcast_in_dim3A_507 = vector.broadcast %broadcast_in_dim3A_506 : i32 to vector<16xi32>
        %gather3A_508 = tpu.vector_load_idx %arg10[%add3A_49, %broadcast_in_dim3A_507] : memref<80x128xf32, #tpu.memory_space<vmem>>[vector<16xi32>, vector<16xi32>], vector<16xf32>,
        %gather3A_509 = tpu.vector_load_idx %arg11[%add3A_49, %broadcast_in_dim3A_507] : memref<80x128xf32, #tpu.memory_space<vmem>>[vector<16xi32>, vector<16xi32>], vector<16xf32>,
        %sub3A_510 = arith.subf %gather3A_508, %gather3A_509 : vector<16xf32>
        %abs3A_511 = math.absf %sub3A_510 : vector<16xf32>
        %slice3A_512 = vector.extract_strided_slice %get3A_9 {offsets = [10], sizes = [1], strides = [1]} : vector<16xf32> to vector<1xf32>
        %squeeze3A_513 = vector.extract %slice3A_512[0] : f32 from vector<1xf32>
        %mul3A_514 = vector.broadcast %squeeze3A_513 : f32 to vector<16xf32>
        %mul3A_515 = arith.mulf %abs3A_511, %mul3A_514 : vector<16xf32>
        %add3A_516 = arith.addf %add3A_505, %mul3A_515 : vector<16xf32>
        %broadcast_in_dim3A_517 = arith.constant 43 : i32
        %broadcast_in_dim3A_518 = vector.broadcast %broadcast_in_dim3A_517 : i32 to vector<16xi32>
        %gather3A_519 = tpu.vector_load_idx %arg10[%add3A_49, %broadcast_in_dim3A_518] : memref<80x128xf32, #tpu.memory_space<vmem>>[vector<16xi32>, vector<16xi32>], vector<16xf32>,
        %gather3A_520 = tpu.vector_load_idx %arg11[%add3A_49, %broadcast_in_dim3A_518] : memref<80x128xf32, #tpu.memory_space<vmem>>[vector<16xi32>, vector<16xi32>], vector<16xf32>,
        %sub3A_521 = arith.subf %gather3A_519, %gather3A_520 : vector<16xf32>
        %abs3A_522 = math.absf %sub3A_521 : vector<16xf32>
        %slice3A_523 = vector.extract_strided_slice %get3A_9 {offsets = [11], sizes = [1], strides = [1]} : vector<16xf32> to vector<1xf32>
        %squeeze3A_524 = vector.extract %slice3A_523[0] : f32 from vector<1xf32>
        %mul3A_525 = vector.broadcast %squeeze3A_524 : f32 to vector<16xf32>
        %mul3A_526 = arith.mulf %abs3A_522, %mul3A_525 : vector<16xf32>
        %add3A_527 = arith.addf %add3A_516, %mul3A_526 : vector<16xf32>
        %broadcast_in_dim3A_528 = arith.constant 44 : i32
        %broadcast_in_dim3A_529 = vector.broadcast %broadcast_in_dim3A_528 : i32 to vector<16xi32>
        %gather3A_530 = tpu.vector_load_idx %arg10[%add3A_49, %broadcast_in_dim3A_529] : memref<80x128xf32, #tpu.memory_space<vmem>>[vector<16xi32>, vector<16xi32>], vector<16xf32>,
        %gather3A_531 = tpu.vector_load_idx %arg11[%add3A_49, %broadcast_in_dim3A_529] : memref<80x128xf32, #tpu.memory_space<vmem>>[vector<16xi32>, vector<16xi32>], vector<16xf32>,
        %sub3A_532 = arith.subf %gather3A_530, %gather3A_531 : vector<16xf32>
        %abs3A_533 = math.absf %sub3A_532 : vector<16xf32>
        %slice3A_534 = vector.extract_strided_slice %get3A_9 {offsets = [12], sizes = [1], strides = [1]} : vector<16xf32> to vector<1xf32>
        %squeeze3A_535 = vector.extract %slice3A_534[0] : f32 from vector<1xf32>
        %mul3A_536 = vector.broadcast %squeeze3A_535 : f32 to vector<16xf32>
        %mul3A_537 = arith.mulf %abs3A_533, %mul3A_536 : vector<16xf32>
        %add3A_538 = arith.addf %add3A_527, %mul3A_537 : vector<16xf32>
        %broadcast_in_dim3A_539 = arith.constant 45 : i32
        %broadcast_in_dim3A_540 = vector.broadcast %broadcast_in_dim3A_539 : i32 to vector<16xi32>
        %gather3A_541 = tpu.vector_load_idx %arg10[%add3A_49, %broadcast_in_dim3A_540] : memref<80x128xf32, #tpu.memory_space<vmem>>[vector<16xi32>, vector<16xi32>], vector<16xf32>,
        %gather3A_542 = tpu.vector_load_idx %arg11[%add3A_49, %broadcast_in_dim3A_540] : memref<80x128xf32, #tpu.memory_space<vmem>>[vector<16xi32>, vector<16xi32>], vector<16xf32>,
        %sub3A_543 = arith.subf %gather3A_541, %gather3A_542 : vector<16xf32>
        %abs3A_544 = math.absf %sub3A_543 : vector<16xf32>
        %slice3A_545 = vector.extract_strided_slice %get3A_9 {offsets = [13], sizes = [1], strides = [1]} : vector<16xf32> to vector<1xf32>
        %squeeze3A_546 = vector.extract %slice3A_545[0] : f32 from vector<1xf32>
        %mul3A_547 = vector.broadcast %squeeze3A_546 : f32 to vector<16xf32>
        %mul3A_548 = arith.mulf %abs3A_544, %mul3A_547 : vector<16xf32>
        %add3A_549 = arith.addf %add3A_538, %mul3A_548 : vector<16xf32>
        %broadcast_in_dim3A_550 = arith.constant 46 : i32
        %broadcast_in_dim3A_551 = vector.broadcast %broadcast_in_dim3A_550 : i32 to vector<16xi32>
        %gather3A_552 = tpu.vector_load_idx %arg10[%add3A_49, %broadcast_in_dim3A_551] : memref<80x128xf32, #tpu.memory_space<vmem>>[vector<16xi32>, vector<16xi32>], vector<16xf32>,
        %gather3A_553 = tpu.vector_load_idx %arg11[%add3A_49, %broadcast_in_dim3A_551] : memref<80x128xf32, #tpu.memory_space<vmem>>[vector<16xi32>, vector<16xi32>], vector<16xf32>,
        %sub3A_554 = arith.subf %gather3A_552, %gather3A_553 : vector<16xf32>
        %abs3A_555 = math.absf %sub3A_554 : vector<16xf32>
        %slice3A_556 = vector.extract_strided_slice %get3A_9 {offsets = [14], sizes = [1], strides = [1]} : vector<16xf32> to vector<1xf32>
        %squeeze3A_557 = vector.extract %slice3A_556[0] : f32 from vector<1xf32>
        %mul3A_558 = vector.broadcast %squeeze3A_557 : f32 to vector<16xf32>
        %mul3A_559 = arith.mulf %abs3A_555, %mul3A_558 : vector<16xf32>
        %add3A_560 = arith.addf %add3A_549, %mul3A_559 : vector<16xf32>
        %broadcast_in_dim3A_561 = arith.constant 47 : i32
        %broadcast_in_dim3A_562 = vector.broadcast %broadcast_in_dim3A_561 : i32 to vector<16xi32>
        %gather3A_563 = tpu.vector_load_idx %arg10[%add3A_49, %broadcast_in_dim3A_562] : memref<80x128xf32, #tpu.memory_space<vmem>>[vector<16xi32>, vector<16xi32>], vector<16xf32>,
        %gather3A_564 = tpu.vector_load_idx %arg11[%add3A_49, %broadcast_in_dim3A_562] : memref<80x128xf32, #tpu.memory_space<vmem>>[vector<16xi32>, vector<16xi32>], vector<16xf32>,
        %sub3A_565 = arith.subf %gather3A_563, %gather3A_564 : vector<16xf32>
        %abs3A_566 = math.absf %sub3A_565 : vector<16xf32>
        %slice3A_567 = vector.extract_strided_slice %get3A_9 {offsets = [15], sizes = [1], strides = [1]} : vector<16xf32> to vector<1xf32>
        %squeeze3A_568 = vector.extract %slice3A_567[0] : f32 from vector<1xf32>
        %mul3A_569 = vector.broadcast %squeeze3A_568 : f32 to vector<16xf32>
        %mul3A_570 = arith.mulf %abs3A_566, %mul3A_569 : vector<16xf32>
        %add3A_571 = arith.addf %add3A_560, %mul3A_570 : vector<16xf32>
        %broadcast_in_dim3A_572 = arith.constant 48 : i32
        %broadcast_in_dim3A_573 = vector.broadcast %broadcast_in_dim3A_572 : i32 to vector<16xi32>
        %gather3A_574 = tpu.vector_load_idx %arg10[%add3A_49, %broadcast_in_dim3A_573] : memref<80x128xf32, #tpu.memory_space<vmem>>[vector<16xi32>, vector<16xi32>], vector<16xf32>,
        %gather3A_575 = tpu.vector_load_idx %arg11[%add3A_49, %broadcast_in_dim3A_573] : memref<80x128xf32, #tpu.memory_space<vmem>>[vector<16xi32>, vector<16xi32>], vector<16xf32>,
        %sub3A_576 = arith.subf %gather3A_574, %gather3A_575 : vector<16xf32>
        %abs3A_577 = math.absf %sub3A_576 : vector<16xf32>
        %slice3A_578 = vector.extract_strided_slice %get3A_11 {offsets = [0], sizes = [1], strides = [1]} : vector<16xf32> to vector<1xf32>
        %squeeze3A_579 = vector.extract %slice3A_578[0] : f32 from vector<1xf32>
        %mul3A_580 = vector.broadcast %squeeze3A_579 : f32 to vector<16xf32>
        %mul3A_581 = arith.mulf %abs3A_577, %mul3A_580 : vector<16xf32>
        %add3A_582 = arith.addf %add3A_571, %mul3A_581 : vector<16xf32>
        %broadcast_in_dim3A_583 = arith.constant 49 : i32
        %broadcast_in_dim3A_584 = vector.broadcast %broadcast_in_dim3A_583 : i32 to vector<16xi32>
        %gather3A_585 = tpu.vector_load_idx %arg10[%add3A_49, %broadcast_in_dim3A_584] : memref<80x128xf32, #tpu.memory_space<vmem>>[vector<16xi32>, vector<16xi32>], vector<16xf32>,
        %gather3A_586 = tpu.vector_load_idx %arg11[%add3A_49, %broadcast_in_dim3A_584] : memref<80x128xf32, #tpu.memory_space<vmem>>[vector<16xi32>, vector<16xi32>], vector<16xf32>,
        %sub3A_587 = arith.subf %gather3A_585, %gather3A_586 : vector<16xf32>
        %abs3A_588 = math.absf %sub3A_587 : vector<16xf32>
        %slice3A_589 = vector.extract_strided_slice %get3A_11 {offsets = [1], sizes = [1], strides = [1]} : vector<16xf32> to vector<1xf32>
        %squeeze3A_590 = vector.extract %slice3A_589[0] : f32 from vector<1xf32>
        %mul3A_591 = vector.broadcast %squeeze3A_590 : f32 to vector<16xf32>
        %mul3A_592 = arith.mulf %abs3A_588, %mul3A_591 : vector<16xf32>
        %add3A_593 = arith.addf %add3A_582, %mul3A_592 : vector<16xf32>
        %broadcast_in_dim3A_594 = arith.constant 50 : i32
        %broadcast_in_dim3A_595 = vector.broadcast %broadcast_in_dim3A_594 : i32 to vector<16xi32>
        %gather3A_596 = tpu.vector_load_idx %arg10[%add3A_49, %broadcast_in_dim3A_595] : memref<80x128xf32, #tpu.memory_space<vmem>>[vector<16xi32>, vector<16xi32>], vector<16xf32>,
        %gather3A_597 = tpu.vector_load_idx %arg11[%add3A_49, %broadcast_in_dim3A_595] : memref<80x128xf32, #tpu.memory_space<vmem>>[vector<16xi32>, vector<16xi32>], vector<16xf32>,
        %sub3A_598 = arith.subf %gather3A_596, %gather3A_597 : vector<16xf32>
        %abs3A_599 = math.absf %sub3A_598 : vector<16xf32>
        %slice3A_600 = vector.extract_strided_slice %get3A_11 {offsets = [2], sizes = [1], strides = [1]} : vector<16xf32> to vector<1xf32>
        %squeeze3A_601 = vector.extract %slice3A_600[0] : f32 from vector<1xf32>
        %mul3A_602 = vector.broadcast %squeeze3A_601 : f32 to vector<16xf32>
        %mul3A_603 = arith.mulf %abs3A_599, %mul3A_602 : vector<16xf32>
        %add3A_604 = arith.addf %add3A_593, %mul3A_603 : vector<16xf32>
        %broadcast_in_dim3A_605 = arith.constant 51 : i32
        %broadcast_in_dim3A_606 = vector.broadcast %broadcast_in_dim3A_605 : i32 to vector<16xi32>
        %gather3A_607 = tpu.vector_load_idx %arg10[%add3A_49, %broadcast_in_dim3A_606] : memref<80x128xf32, #tpu.memory_space<vmem>>[vector<16xi32>, vector<16xi32>], vector<16xf32>,
        %gather3A_608 = tpu.vector_load_idx %arg11[%add3A_49, %broadcast_in_dim3A_606] : memref<80x128xf32, #tpu.memory_space<vmem>>[vector<16xi32>, vector<16xi32>], vector<16xf32>,
        %sub3A_609 = arith.subf %gather3A_607, %gather3A_608 : vector<16xf32>
        %abs3A_610 = math.absf %sub3A_609 : vector<16xf32>
        %slice3A_611 = vector.extract_strided_slice %get3A_11 {offsets = [3], sizes = [1], strides = [1]} : vector<16xf32> to vector<1xf32>
        %squeeze3A_612 = vector.extract %slice3A_611[0] : f32 from vector<1xf32>
        %mul3A_613 = vector.broadcast %squeeze3A_612 : f32 to vector<16xf32>
        %mul3A_614 = arith.mulf %abs3A_610, %mul3A_613 : vector<16xf32>
        %add3A_615 = arith.addf %add3A_604, %mul3A_614 : vector<16xf32>
        %broadcast_in_dim3A_616 = arith.constant 52 : i32
        %broadcast_in_dim3A_617 = vector.broadcast %broadcast_in_dim3A_616 : i32 to vector<16xi32>
        %gather3A_618 = tpu.vector_load_idx %arg10[%add3A_49, %broadcast_in_dim3A_617] : memref<80x128xf32, #tpu.memory_space<vmem>>[vector<16xi32>, vector<16xi32>], vector<16xf32>,
        %gather3A_619 = tpu.vector_load_idx %arg11[%add3A_49, %broadcast_in_dim3A_617] : memref<80x128xf32, #tpu.memory_space<vmem>>[vector<16xi32>, vector<16xi32>], vector<16xf32>,
        %sub3A_620 = arith.subf %gather3A_618, %gather3A_619 : vector<16xf32>
        %abs3A_621 = math.absf %sub3A_620 : vector<16xf32>
        %slice3A_622 = vector.extract_strided_slice %get3A_11 {offsets = [4], sizes = [1], strides = [1]} : vector<16xf32> to vector<1xf32>
        %squeeze3A_623 = vector.extract %slice3A_622[0] : f32 from vector<1xf32>
        %mul3A_624 = vector.broadcast %squeeze3A_623 : f32 to vector<16xf32>
        %mul3A_625 = arith.mulf %abs3A_621, %mul3A_624 : vector<16xf32>
        %add3A_626 = arith.addf %add3A_615, %mul3A_625 : vector<16xf32>
        %broadcast_in_dim3A_627 = arith.constant 53 : i32
        %broadcast_in_dim3A_628 = vector.broadcast %broadcast_in_dim3A_627 : i32 to vector<16xi32>
        %gather3A_629 = tpu.vector_load_idx %arg10[%add3A_49, %broadcast_in_dim3A_628] : memref<80x128xf32, #tpu.memory_space<vmem>>[vector<16xi32>, vector<16xi32>], vector<16xf32>,
        %gather3A_630 = tpu.vector_load_idx %arg11[%add3A_49, %broadcast_in_dim3A_628] : memref<80x128xf32, #tpu.memory_space<vmem>>[vector<16xi32>, vector<16xi32>], vector<16xf32>,
        %sub3A_631 = arith.subf %gather3A_629, %gather3A_630 : vector<16xf32>
        %abs3A_632 = math.absf %sub3A_631 : vector<16xf32>
        %slice3A_633 = vector.extract_strided_slice %get3A_11 {offsets = [5], sizes = [1], strides = [1]} : vector<16xf32> to vector<1xf32>
        %squeeze3A_634 = vector.extract %slice3A_633[0] : f32 from vector<1xf32>
        %mul3A_635 = vector.broadcast %squeeze3A_634 : f32 to vector<16xf32>
        %mul3A_636 = arith.mulf %abs3A_632, %mul3A_635 : vector<16xf32>
        %add3A_637 = arith.addf %add3A_626, %mul3A_636 : vector<16xf32>
        %broadcast_in_dim3A_638 = arith.constant 54 : i32
        %broadcast_in_dim3A_639 = vector.broadcast %broadcast_in_dim3A_638 : i32 to vector<16xi32>
        %gather3A_640 = tpu.vector_load_idx %arg10[%add3A_49, %broadcast_in_dim3A_639] : memref<80x128xf32, #tpu.memory_space<vmem>>[vector<16xi32>, vector<16xi32>], vector<16xf32>,
        %gather3A_641 = tpu.vector_load_idx %arg11[%add3A_49, %broadcast_in_dim3A_639] : memref<80x128xf32, #tpu.memory_space<vmem>>[vector<16xi32>, vector<16xi32>], vector<16xf32>,
        %sub3A_642 = arith.subf %gather3A_640, %gather3A_641 : vector<16xf32>
        %abs3A_643 = math.absf %sub3A_642 : vector<16xf32>
        %slice3A_644 = vector.extract_strided_slice %get3A_11 {offsets = [6], sizes = [1], strides = [1]} : vector<16xf32> to vector<1xf32>
        %squeeze3A_645 = vector.extract %slice3A_644[0] : f32 from vector<1xf32>
        %mul3A_646 = vector.broadcast %squeeze3A_645 : f32 to vector<16xf32>
        %mul3A_647 = arith.mulf %abs3A_643, %mul3A_646 : vector<16xf32>
        %add3A_648 = arith.addf %add3A_637, %mul3A_647 : vector<16xf32>
        %broadcast_in_dim3A_649 = arith.constant 55 : i32
        %broadcast_in_dim3A_650 = vector.broadcast %broadcast_in_dim3A_649 : i32 to vector<16xi32>
        %gather3A_651 = tpu.vector_load_idx %arg10[%add3A_49, %broadcast_in_dim3A_650] : memref<80x128xf32, #tpu.memory_space<vmem>>[vector<16xi32>, vector<16xi32>], vector<16xf32>,
        %gather3A_652 = tpu.vector_load_idx %arg11[%add3A_49, %broadcast_in_dim3A_650] : memref<80x128xf32, #tpu.memory_space<vmem>>[vector<16xi32>, vector<16xi32>], vector<16xf32>,
        %sub3A_653 = arith.subf %gather3A_651, %gather3A_652 : vector<16xf32>
        %abs3A_654 = math.absf %sub3A_653 : vector<16xf32>
        %slice3A_655 = vector.extract_strided_slice %get3A_11 {offsets = [7], sizes = [1], strides = [1]} : vector<16xf32> to vector<1xf32>
        %squeeze3A_656 = vector.extract %slice3A_655[0] : f32 from vector<1xf32>
        %mul3A_657 = vector.broadcast %squeeze3A_656 : f32 to vector<16xf32>
        %mul3A_658 = arith.mulf %abs3A_654, %mul3A_657 : vector<16xf32>
        %add3A_659 = arith.addf %add3A_648, %mul3A_658 : vector<16xf32>
        %broadcast_in_dim3A_660 = arith.constant 56 : i32
        %broadcast_in_dim3A_661 = vector.broadcast %broadcast_in_dim3A_660 : i32 to vector<16xi32>
        %gather3A_662 = tpu.vector_load_idx %arg10[%add3A_49, %broadcast_in_dim3A_661] : memref<80x128xf32, #tpu.memory_space<vmem>>[vector<16xi32>, vector<16xi32>], vector<16xf32>,
        %gather3A_663 = tpu.vector_load_idx %arg11[%add3A_49, %broadcast_in_dim3A_661] : memref<80x128xf32, #tpu.memory_space<vmem>>[vector<16xi32>, vector<16xi32>], vector<16xf32>,
        %sub3A_664 = arith.subf %gather3A_662, %gather3A_663 : vector<16xf32>
        %abs3A_665 = math.absf %sub3A_664 : vector<16xf32>
        %slice3A_666 = vector.extract_strided_slice %get3A_11 {offsets = [8], sizes = [1], strides = [1]} : vector<16xf32> to vector<1xf32>
        %squeeze3A_667 = vector.extract %slice3A_666[0] : f32 from vector<1xf32>
        %mul3A_668 = vector.broadcast %squeeze3A_667 : f32 to vector<16xf32>
        %mul3A_669 = arith.mulf %abs3A_665, %mul3A_668 : vector<16xf32>
        %add3A_670 = arith.addf %add3A_659, %mul3A_669 : vector<16xf32>
        %broadcast_in_dim3A_671 = arith.constant 57 : i32
        %broadcast_in_dim3A_672 = vector.broadcast %broadcast_in_dim3A_671 : i32 to vector<16xi32>
        %gather3A_673 = tpu.vector_load_idx %arg10[%add3A_49, %broadcast_in_dim3A_672] : memref<80x128xf32, #tpu.memory_space<vmem>>[vector<16xi32>, vector<16xi32>], vector<16xf32>,
        %gather3A_674 = tpu.vector_load_idx %arg11[%add3A_49, %broadcast_in_dim3A_672] : memref<80x128xf32, #tpu.memory_space<vmem>>[vector<16xi32>, vector<16xi32>], vector<16xf32>,
        %sub3A_675 = arith.subf %gather3A_673, %gather3A_674 : vector<16xf32>
        %abs3A_676 = math.absf %sub3A_675 : vector<16xf32>
        %slice3A_677 = vector.extract_strided_slice %get3A_11 {offsets = [9], sizes = [1], strides = [1]} : vector<16xf32> to vector<1xf32>
        %squeeze3A_678 = vector.extract %slice3A_677[0] : f32 from vector<1xf32>
        %mul3A_679 = vector.broadcast %squeeze3A_678 : f32 to vector<16xf32>
        %mul3A_680 = arith.mulf %abs3A_676, %mul3A_679 : vector<16xf32>
        %add3A_681 = arith.addf %add3A_670, %mul3A_680 : vector<16xf32>
        %broadcast_in_dim3A_682 = arith.constant 58 : i32
        %broadcast_in_dim3A_683 = vector.broadcast %broadcast_in_dim3A_682 : i32 to vector<16xi32>
        %gather3A_684 = tpu.vector_load_idx %arg10[%add3A_49, %broadcast_in_dim3A_683] : memref<80x128xf32, #tpu.memory_space<vmem>>[vector<16xi32>, vector<16xi32>], vector<16xf32>,
        %gather3A_685 = tpu.vector_load_idx %arg11[%add3A_49, %broadcast_in_dim3A_683] : memref<80x128xf32, #tpu.memory_space<vmem>>[vector<16xi32>, vector<16xi32>], vector<16xf32>,
        %sub3A_686 = arith.subf %gather3A_684, %gather3A_685 : vector<16xf32>
        %abs3A_687 = math.absf %sub3A_686 : vector<16xf32>
        %slice3A_688 = vector.extract_strided_slice %get3A_11 {offsets = [10], sizes = [1], strides = [1]} : vector<16xf32> to vector<1xf32>
        %squeeze3A_689 = vector.extract %slice3A_688[0] : f32 from vector<1xf32>
        %mul3A_690 = vector.broadcast %squeeze3A_689 : f32 to vector<16xf32>
        %mul3A_691 = arith.mulf %abs3A_687, %mul3A_690 : vector<16xf32>
        %add3A_692 = arith.addf %add3A_681, %mul3A_691 : vector<16xf32>
        %broadcast_in_dim3A_693 = arith.constant 59 : i32
        %broadcast_in_dim3A_694 = vector.broadcast %broadcast_in_dim3A_693 : i32 to vector<16xi32>
        %gather3A_695 = tpu.vector_load_idx %arg10[%add3A_49, %broadcast_in_dim3A_694] : memref<80x128xf32, #tpu.memory_space<vmem>>[vector<16xi32>, vector<16xi32>], vector<16xf32>,
        %gather3A_696 = tpu.vector_load_idx %arg11[%add3A_49, %broadcast_in_dim3A_694] : memref<80x128xf32, #tpu.memory_space<vmem>>[vector<16xi32>, vector<16xi32>], vector<16xf32>,
        %sub3A_697 = arith.subf %gather3A_695, %gather3A_696 : vector<16xf32>
        %abs3A_698 = math.absf %sub3A_697 : vector<16xf32>
        %slice3A_699 = vector.extract_strided_slice %get3A_11 {offsets = [11], sizes = [1], strides = [1]} : vector<16xf32> to vector<1xf32>
        %squeeze3A_700 = vector.extract %slice3A_699[0] : f32 from vector<1xf32>
        %mul3A_701 = vector.broadcast %squeeze3A_700 : f32 to vector<16xf32>
        %mul3A_702 = arith.mulf %abs3A_698, %mul3A_701 : vector<16xf32>
        %add3A_703 = arith.addf %add3A_692, %mul3A_702 : vector<16xf32>
        %broadcast_in_dim3A_704 = arith.constant 60 : i32
        %broadcast_in_dim3A_705 = vector.broadcast %broadcast_in_dim3A_704 : i32 to vector<16xi32>
        %gather3A_706 = tpu.vector_load_idx %arg10[%add3A_49, %broadcast_in_dim3A_705] : memref<80x128xf32, #tpu.memory_space<vmem>>[vector<16xi32>, vector<16xi32>], vector<16xf32>,
        %gather3A_707 = tpu.vector_load_idx %arg11[%add3A_49, %broadcast_in_dim3A_705] : memref<80x128xf32, #tpu.memory_space<vmem>>[vector<16xi32>, vector<16xi32>], vector<16xf32>,
        %sub3A_708 = arith.subf %gather3A_706, %gather3A_707 : vector<16xf32>
        %abs3A_709 = math.absf %sub3A_708 : vector<16xf32>
        %slice3A_710 = vector.extract_strided_slice %get3A_11 {offsets = [12], sizes = [1], strides = [1]} : vector<16xf32> to vector<1xf32>
        %squeeze3A_711 = vector.extract %slice3A_710[0] : f32 from vector<1xf32>
        %mul3A_712 = vector.broadcast %squeeze3A_711 : f32 to vector<16xf32>
        %mul3A_713 = arith.mulf %abs3A_709, %mul3A_712 : vector<16xf32>
        %add3A_714 = arith.addf %add3A_703, %mul3A_713 : vector<16xf32>
        %broadcast_in_dim3A_715 = arith.constant 61 : i32
        %broadcast_in_dim3A_716 = vector.broadcast %broadcast_in_dim3A_715 : i32 to vector<16xi32>
        %gather3A_717 = tpu.vector_load_idx %arg10[%add3A_49, %broadcast_in_dim3A_716] : memref<80x128xf32, #tpu.memory_space<vmem>>[vector<16xi32>, vector<16xi32>], vector<16xf32>,
        %gather3A_718 = tpu.vector_load_idx %arg11[%add3A_49, %broadcast_in_dim3A_716] : memref<80x128xf32, #tpu.memory_space<vmem>>[vector<16xi32>, vector<16xi32>], vector<16xf32>,
        %sub3A_719 = arith.subf %gather3A_717, %gather3A_718 : vector<16xf32>
        %abs3A_720 = math.absf %sub3A_719 : vector<16xf32>
        %slice3A_721 = vector.extract_strided_slice %get3A_11 {offsets = [13], sizes = [1], strides = [1]} : vector<16xf32> to vector<1xf32>
        %squeeze3A_722 = vector.extract %slice3A_721[0] : f32 from vector<1xf32>
        %mul3A_723 = vector.broadcast %squeeze3A_722 : f32 to vector<16xf32>
        %mul3A_724 = arith.mulf %abs3A_720, %mul3A_723 : vector<16xf32>
        %add3A_725 = arith.addf %add3A_714, %mul3A_724 : vector<16xf32>
        %broadcast_in_dim3A_726 = arith.constant 62 : i32
        %broadcast_in_dim3A_727 = vector.broadcast %broadcast_in_dim3A_726 : i32 to vector<16xi32>
        %gather3A_728 = tpu.vector_load_idx %arg10[%add3A_49, %broadcast_in_dim3A_727] : memref<80x128xf32, #tpu.memory_space<vmem>>[vector<16xi32>, vector<16xi32>], vector<16xf32>,
        %gather3A_729 = tpu.vector_load_idx %arg11[%add3A_49, %broadcast_in_dim3A_727] : memref<80x128xf32, #tpu.memory_space<vmem>>[vector<16xi32>, vector<16xi32>], vector<16xf32>,
        %sub3A_730 = arith.subf %gather3A_728, %gather3A_729 : vector<16xf32>
        %abs3A_731 = math.absf %sub3A_730 : vector<16xf32>
        %slice3A_732 = vector.extract_strided_slice %get3A_11 {offsets = [14], sizes = [1], strides = [1]} : vector<16xf32> to vector<1xf32>
        %squeeze3A_733 = vector.extract %slice3A_732[0] : f32 from vector<1xf32>
        %mul3A_734 = vector.broadcast %squeeze3A_733 : f32 to vector<16xf32>
        %mul3A_735 = arith.mulf %abs3A_731, %mul3A_734 : vector<16xf32>
        %add3A_736 = arith.addf %add3A_725, %mul3A_735 : vector<16xf32>
        %broadcast_in_dim3A_737 = arith.constant 63 : i32
        %broadcast_in_dim3A_738 = vector.broadcast %broadcast_in_dim3A_737 : i32 to vector<16xi32>
        %gather3A_739 = tpu.vector_load_idx %arg10[%add3A_49, %broadcast_in_dim3A_738] : memref<80x128xf32, #tpu.memory_space<vmem>>[vector<16xi32>, vector<16xi32>], vector<16xf32>,
        %gather3A_740 = tpu.vector_load_idx %arg11[%add3A_49, %broadcast_in_dim3A_738] : memref<80x128xf32, #tpu.memory_space<vmem>>[vector<16xi32>, vector<16xi32>], vector<16xf32>,
        %sub3A_741 = arith.subf %gather3A_739, %gather3A_740 : vector<16xf32>
        %abs3A_742 = math.absf %sub3A_741 : vector<16xf32>
        %slice3A_743 = vector.extract_strided_slice %get3A_11 {offsets = [15], sizes = [1], strides = [1]} : vector<16xf32> to vector<1xf32>
        %squeeze3A_744 = vector.extract %slice3A_743[0] : f32 from vector<1xf32>
        %mul3A_745 = vector.broadcast %squeeze3A_744 : f32 to vector<16xf32>
        %mul3A_746 = arith.mulf %abs3A_742, %mul3A_745 : vector<16xf32>
        %add3A_747 = arith.addf %add3A_736, %mul3A_746 : vector<16xf32>
        %broadcast_in_dim3A_748 = arith.constant 64 : i32
        %broadcast_in_dim3A_749 = vector.broadcast %broadcast_in_dim3A_748 : i32 to vector<16xi32>
        %gather3A_750 = tpu.vector_load_idx %arg10[%add3A_49, %broadcast_in_dim3A_749] : memref<80x128xf32, #tpu.memory_space<vmem>>[vector<16xi32>, vector<16xi32>], vector<16xf32>,
        %gather3A_751 = tpu.vector_load_idx %arg11[%add3A_49, %broadcast_in_dim3A_749] : memref<80x128xf32, #tpu.memory_space<vmem>>[vector<16xi32>, vector<16xi32>], vector<16xf32>,
        %sub3A_752 = arith.subf %gather3A_750, %gather3A_751 : vector<16xf32>
        %abs3A_753 = math.absf %sub3A_752 : vector<16xf32>
        %slice3A_754 = vector.extract_strided_slice %get3A_13 {offsets = [0], sizes = [1], strides = [1]} : vector<16xf32> to vector<1xf32>
        %squeeze3A_755 = vector.extract %slice3A_754[0] : f32 from vector<1xf32>
        %mul3A_756 = vector.broadcast %squeeze3A_755 : f32 to vector<16xf32>
        %mul3A_757 = arith.mulf %abs3A_753, %mul3A_756 : vector<16xf32>
        %add3A_758 = arith.addf %add3A_747, %mul3A_757 : vector<16xf32>
        %broadcast_in_dim3A_759 = arith.constant 65 : i32
        %broadcast_in_dim3A_760 = vector.broadcast %broadcast_in_dim3A_759 : i32 to vector<16xi32>
        %gather3A_761 = tpu.vector_load_idx %arg10[%add3A_49, %broadcast_in_dim3A_760] : memref<80x128xf32, #tpu.memory_space<vmem>>[vector<16xi32>, vector<16xi32>], vector<16xf32>,
        %gather3A_762 = tpu.vector_load_idx %arg11[%add3A_49, %broadcast_in_dim3A_760] : memref<80x128xf32, #tpu.memory_space<vmem>>[vector<16xi32>, vector<16xi32>], vector<16xf32>,
        %sub3A_763 = arith.subf %gather3A_761, %gather3A_762 : vector<16xf32>
        %abs3A_764 = math.absf %sub3A_763 : vector<16xf32>
        %slice3A_765 = vector.extract_strided_slice %get3A_13 {offsets = [1], sizes = [1], strides = [1]} : vector<16xf32> to vector<1xf32>
        %squeeze3A_766 = vector.extract %slice3A_765[0] : f32 from vector<1xf32>
        %mul3A_767 = vector.broadcast %squeeze3A_766 : f32 to vector<16xf32>
        %mul3A_768 = arith.mulf %abs3A_764, %mul3A_767 : vector<16xf32>
        %add3A_769 = arith.addf %add3A_758, %mul3A_768 : vector<16xf32>
        %broadcast_in_dim3A_770 = arith.constant 66 : i32
        %broadcast_in_dim3A_771 = vector.broadcast %broadcast_in_dim3A_770 : i32 to vector<16xi32>
        %gather3A_772 = tpu.vector_load_idx %arg10[%add3A_49, %broadcast_in_dim3A_771] : memref<80x128xf32, #tpu.memory_space<vmem>>[vector<16xi32>, vector<16xi32>], vector<16xf32>,
        %gather3A_773 = tpu.vector_load_idx %arg11[%add3A_49, %broadcast_in_dim3A_771] : memref<80x128xf32, #tpu.memory_space<vmem>>[vector<16xi32>, vector<16xi32>], vector<16xf32>,
        %sub3A_774 = arith.subf %gather3A_772, %gather3A_773 : vector<16xf32>
        %abs3A_775 = math.absf %sub3A_774 : vector<16xf32>
        %slice3A_776 = vector.extract_strided_slice %get3A_13 {offsets = [2], sizes = [1], strides = [1]} : vector<16xf32> to vector<1xf32>
        %squeeze3A_777 = vector.extract %slice3A_776[0] : f32 from vector<1xf32>
        %mul3A_778 = vector.broadcast %squeeze3A_777 : f32 to vector<16xf32>
        %mul3A_779 = arith.mulf %abs3A_775, %mul3A_778 : vector<16xf32>
        %add3A_780 = arith.addf %add3A_769, %mul3A_779 : vector<16xf32>
        %broadcast_in_dim3A_781 = arith.constant 67 : i32
        %broadcast_in_dim3A_782 = vector.broadcast %broadcast_in_dim3A_781 : i32 to vector<16xi32>
        %gather3A_783 = tpu.vector_load_idx %arg10[%add3A_49, %broadcast_in_dim3A_782] : memref<80x128xf32, #tpu.memory_space<vmem>>[vector<16xi32>, vector<16xi32>], vector<16xf32>,
        %gather3A_784 = tpu.vector_load_idx %arg11[%add3A_49, %broadcast_in_dim3A_782] : memref<80x128xf32, #tpu.memory_space<vmem>>[vector<16xi32>, vector<16xi32>], vector<16xf32>,
        %sub3A_785 = arith.subf %gather3A_783, %gather3A_784 : vector<16xf32>
        %abs3A_786 = math.absf %sub3A_785 : vector<16xf32>
        %slice3A_787 = vector.extract_strided_slice %get3A_13 {offsets = [3], sizes = [1], strides = [1]} : vector<16xf32> to vector<1xf32>
        %squeeze3A_788 = vector.extract %slice3A_787[0] : f32 from vector<1xf32>
        %mul3A_789 = vector.broadcast %squeeze3A_788 : f32 to vector<16xf32>
        %mul3A_790 = arith.mulf %abs3A_786, %mul3A_789 : vector<16xf32>
        %add3A_791 = arith.addf %add3A_780, %mul3A_790 : vector<16xf32>
        %broadcast_in_dim3A_792 = arith.constant 68 : i32
        %broadcast_in_dim3A_793 = vector.broadcast %broadcast_in_dim3A_792 : i32 to vector<16xi32>
        %gather3A_794 = tpu.vector_load_idx %arg10[%add3A_49, %broadcast_in_dim3A_793] : memref<80x128xf32, #tpu.memory_space<vmem>>[vector<16xi32>, vector<16xi32>], vector<16xf32>,
        %gather3A_795 = tpu.vector_load_idx %arg11[%add3A_49, %broadcast_in_dim3A_793] : memref<80x128xf32, #tpu.memory_space<vmem>>[vector<16xi32>, vector<16xi32>], vector<16xf32>,
        %sub3A_796 = arith.subf %gather3A_794, %gather3A_795 : vector<16xf32>
        %abs3A_797 = math.absf %sub3A_796 : vector<16xf32>
        %slice3A_798 = vector.extract_strided_slice %get3A_13 {offsets = [4], sizes = [1], strides = [1]} : vector<16xf32> to vector<1xf32>
        %squeeze3A_799 = vector.extract %slice3A_798[0] : f32 from vector<1xf32>
        %mul3A_800 = vector.broadcast %squeeze3A_799 : f32 to vector<16xf32>
        %mul3A_801 = arith.mulf %abs3A_797, %mul3A_800 : vector<16xf32>
        %add3A_802 = arith.addf %add3A_791, %mul3A_801 : vector<16xf32>
        %broadcast_in_dim3A_803 = arith.constant 69 : i32
        %broadcast_in_dim3A_804 = vector.broadcast %broadcast_in_dim3A_803 : i32 to vector<16xi32>
        %gather3A_805 = tpu.vector_load_idx %arg10[%add3A_49, %broadcast_in_dim3A_804] : memref<80x128xf32, #tpu.memory_space<vmem>>[vector<16xi32>, vector<16xi32>], vector<16xf32>,
        %gather3A_806 = tpu.vector_load_idx %arg11[%add3A_49, %broadcast_in_dim3A_804] : memref<80x128xf32, #tpu.memory_space<vmem>>[vector<16xi32>, vector<16xi32>], vector<16xf32>,
        %sub3A_807 = arith.subf %gather3A_805, %gather3A_806 : vector<16xf32>
        %abs3A_808 = math.absf %sub3A_807 : vector<16xf32>
        %slice3A_809 = vector.extract_strided_slice %get3A_13 {offsets = [5], sizes = [1], strides = [1]} : vector<16xf32> to vector<1xf32>
        %squeeze3A_810 = vector.extract %slice3A_809[0] : f32 from vector<1xf32>
        %mul3A_811 = vector.broadcast %squeeze3A_810 : f32 to vector<16xf32>
        %mul3A_812 = arith.mulf %abs3A_808, %mul3A_811 : vector<16xf32>
        %add3A_813 = arith.addf %add3A_802, %mul3A_812 : vector<16xf32>
        %broadcast_in_dim3A_814 = arith.constant 70 : i32
        %broadcast_in_dim3A_815 = vector.broadcast %broadcast_in_dim3A_814 : i32 to vector<16xi32>
        %gather3A_816 = tpu.vector_load_idx %arg10[%add3A_49, %broadcast_in_dim3A_815] : memref<80x128xf32, #tpu.memory_space<vmem>>[vector<16xi32>, vector<16xi32>], vector<16xf32>,
        %gather3A_817 = tpu.vector_load_idx %arg11[%add3A_49, %broadcast_in_dim3A_815] : memref<80x128xf32, #tpu.memory_space<vmem>>[vector<16xi32>, vector<16xi32>], vector<16xf32>,
        %sub3A_818 = arith.subf %gather3A_816, %gather3A_817 : vector<16xf32>
        %abs3A_819 = math.absf %sub3A_818 : vector<16xf32>
        %slice3A_820 = vector.extract_strided_slice %get3A_13 {offsets = [6], sizes = [1], strides = [1]} : vector<16xf32> to vector<1xf32>
        %squeeze3A_821 = vector.extract %slice3A_820[0] : f32 from vector<1xf32>
        %mul3A_822 = vector.broadcast %squeeze3A_821 : f32 to vector<16xf32>
        %mul3A_823 = arith.mulf %abs3A_819, %mul3A_822 : vector<16xf32>
        %add3A_824 = arith.addf %add3A_813, %mul3A_823 : vector<16xf32>
        %broadcast_in_dim3A_825 = arith.constant 71 : i32
        %broadcast_in_dim3A_826 = vector.broadcast %broadcast_in_dim3A_825 : i32 to vector<16xi32>
        %gather3A_827 = tpu.vector_load_idx %arg10[%add3A_49, %broadcast_in_dim3A_826] : memref<80x128xf32, #tpu.memory_space<vmem>>[vector<16xi32>, vector<16xi32>], vector<16xf32>,
        %gather3A_828 = tpu.vector_load_idx %arg11[%add3A_49, %broadcast_in_dim3A_826] : memref<80x128xf32, #tpu.memory_space<vmem>>[vector<16xi32>, vector<16xi32>], vector<16xf32>,
        %sub3A_829 = arith.subf %gather3A_827, %gather3A_828 : vector<16xf32>
        %abs3A_830 = math.absf %sub3A_829 : vector<16xf32>
        %slice3A_831 = vector.extract_strided_slice %get3A_13 {offsets = [7], sizes = [1], strides = [1]} : vector<16xf32> to vector<1xf32>
        %squeeze3A_832 = vector.extract %slice3A_831[0] : f32 from vector<1xf32>
        %mul3A_833 = vector.broadcast %squeeze3A_832 : f32 to vector<16xf32>
        %mul3A_834 = arith.mulf %abs3A_830, %mul3A_833 : vector<16xf32>
        %add3A_835 = arith.addf %add3A_824, %mul3A_834 : vector<16xf32>
        %broadcast_in_dim3A_836 = arith.constant 72 : i32
        %broadcast_in_dim3A_837 = vector.broadcast %broadcast_in_dim3A_836 : i32 to vector<16xi32>
        %gather3A_838 = tpu.vector_load_idx %arg10[%add3A_49, %broadcast_in_dim3A_837] : memref<80x128xf32, #tpu.memory_space<vmem>>[vector<16xi32>, vector<16xi32>], vector<16xf32>,
        %gather3A_839 = tpu.vector_load_idx %arg11[%add3A_49, %broadcast_in_dim3A_837] : memref<80x128xf32, #tpu.memory_space<vmem>>[vector<16xi32>, vector<16xi32>], vector<16xf32>,
        %sub3A_840 = arith.subf %gather3A_838, %gather3A_839 : vector<16xf32>
        %abs3A_841 = math.absf %sub3A_840 : vector<16xf32>
        %slice3A_842 = vector.extract_strided_slice %get3A_13 {offsets = [8], sizes = [1], strides = [1]} : vector<16xf32> to vector<1xf32>
        %squeeze3A_843 = vector.extract %slice3A_842[0] : f32 from vector<1xf32>
        %mul3A_844 = vector.broadcast %squeeze3A_843 : f32 to vector<16xf32>
        %mul3A_845 = arith.mulf %abs3A_841, %mul3A_844 : vector<16xf32>
        %add3A_846 = arith.addf %add3A_835, %mul3A_845 : vector<16xf32>
        %broadcast_in_dim3A_847 = arith.constant 73 : i32
        %broadcast_in_dim3A_848 = vector.broadcast %broadcast_in_dim3A_847 : i32 to vector<16xi32>
        %gather3A_849 = tpu.vector_load_idx %arg10[%add3A_49, %broadcast_in_dim3A_848] : memref<80x128xf32, #tpu.memory_space<vmem>>[vector<16xi32>, vector<16xi32>], vector<16xf32>,
        %gather3A_850 = tpu.vector_load_idx %arg11[%add3A_49, %broadcast_in_dim3A_848] : memref<80x128xf32, #tpu.memory_space<vmem>>[vector<16xi32>, vector<16xi32>], vector<16xf32>,
        %sub3A_851 = arith.subf %gather3A_849, %gather3A_850 : vector<16xf32>
        %abs3A_852 = math.absf %sub3A_851 : vector<16xf32>
        %slice3A_853 = vector.extract_strided_slice %get3A_13 {offsets = [9], sizes = [1], strides = [1]} : vector<16xf32> to vector<1xf32>
        %squeeze3A_854 = vector.extract %slice3A_853[0] : f32 from vector<1xf32>
        %mul3A_855 = vector.broadcast %squeeze3A_854 : f32 to vector<16xf32>
        %mul3A_856 = arith.mulf %abs3A_852, %mul3A_855 : vector<16xf32>
        %add3A_857 = arith.addf %add3A_846, %mul3A_856 : vector<16xf32>
        %broadcast_in_dim3A_858 = arith.constant 74 : i32
        %broadcast_in_dim3A_859 = vector.broadcast %broadcast_in_dim3A_858 : i32 to vector<16xi32>
        %gather3A_860 = tpu.vector_load_idx %arg10[%add3A_49, %broadcast_in_dim3A_859] : memref<80x128xf32, #tpu.memory_space<vmem>>[vector<16xi32>, vector<16xi32>], vector<16xf32>,
        %gather3A_861 = tpu.vector_load_idx %arg11[%add3A_49, %broadcast_in_dim3A_859] : memref<80x128xf32, #tpu.memory_space<vmem>>[vector<16xi32>, vector<16xi32>], vector<16xf32>,
        %sub3A_862 = arith.subf %gather3A_860, %gather3A_861 : vector<16xf32>
        %abs3A_863 = math.absf %sub3A_862 : vector<16xf32>
        %slice3A_864 = vector.extract_strided_slice %get3A_13 {offsets = [10], sizes = [1], strides = [1]} : vector<16xf32> to vector<1xf32>
        %squeeze3A_865 = vector.extract %slice3A_864[0] : f32 from vector<1xf32>
        %mul3A_866 = vector.broadcast %squeeze3A_865 : f32 to vector<16xf32>
        %mul3A_867 = arith.mulf %abs3A_863, %mul3A_866 : vector<16xf32>
        %add3A_868 = arith.addf %add3A_857, %mul3A_867 : vector<16xf32>
        %broadcast_in_dim3A_869 = arith.constant 75 : i32
        %broadcast_in_dim3A_870 = vector.broadcast %broadcast_in_dim3A_869 : i32 to vector<16xi32>
        %gather3A_871 = tpu.vector_load_idx %arg10[%add3A_49, %broadcast_in_dim3A_870] : memref<80x128xf32, #tpu.memory_space<vmem>>[vector<16xi32>, vector<16xi32>], vector<16xf32>,
        %gather3A_872 = tpu.vector_load_idx %arg11[%add3A_49, %broadcast_in_dim3A_870] : memref<80x128xf32, #tpu.memory_space<vmem>>[vector<16xi32>, vector<16xi32>], vector<16xf32>,
        %sub3A_873 = arith.subf %gather3A_871, %gather3A_872 : vector<16xf32>
        %abs3A_874 = math.absf %sub3A_873 : vector<16xf32>
        %slice3A_875 = vector.extract_strided_slice %get3A_13 {offsets = [11], sizes = [1], strides = [1]} : vector<16xf32> to vector<1xf32>
        %squeeze3A_876 = vector.extract %slice3A_875[0] : f32 from vector<1xf32>
        %mul3A_877 = vector.broadcast %squeeze3A_876 : f32 to vector<16xf32>
        %mul3A_878 = arith.mulf %abs3A_874, %mul3A_877 : vector<16xf32>
        %add3A_879 = arith.addf %add3A_868, %mul3A_878 : vector<16xf32>
        %broadcast_in_dim3A_880 = arith.constant 76 : i32
        %broadcast_in_dim3A_881 = vector.broadcast %broadcast_in_dim3A_880 : i32 to vector<16xi32>
        %gather3A_882 = tpu.vector_load_idx %arg10[%add3A_49, %broadcast_in_dim3A_881] : memref<80x128xf32, #tpu.memory_space<vmem>>[vector<16xi32>, vector<16xi32>], vector<16xf32>,
        %gather3A_883 = tpu.vector_load_idx %arg11[%add3A_49, %broadcast_in_dim3A_881] : memref<80x128xf32, #tpu.memory_space<vmem>>[vector<16xi32>, vector<16xi32>], vector<16xf32>,
        %sub3A_884 = arith.subf %gather3A_882, %gather3A_883 : vector<16xf32>
        %abs3A_885 = math.absf %sub3A_884 : vector<16xf32>
        %slice3A_886 = vector.extract_strided_slice %get3A_13 {offsets = [12], sizes = [1], strides = [1]} : vector<16xf32> to vector<1xf32>
        %squeeze3A_887 = vector.extract %slice3A_886[0] : f32 from vector<1xf32>
        %mul3A_888 = vector.broadcast %squeeze3A_887 : f32 to vector<16xf32>
        %mul3A_889 = arith.mulf %abs3A_885, %mul3A_888 : vector<16xf32>
        %add3A_890 = arith.addf %add3A_879, %mul3A_889 : vector<16xf32>
        %broadcast_in_dim3A_891 = arith.constant 77 : i32
        %broadcast_in_dim3A_892 = vector.broadcast %broadcast_in_dim3A_891 : i32 to vector<16xi32>
        %gather3A_893 = tpu.vector_load_idx %arg10[%add3A_49, %broadcast_in_dim3A_892] : memref<80x128xf32, #tpu.memory_space<vmem>>[vector<16xi32>, vector<16xi32>], vector<16xf32>,
        %gather3A_894 = tpu.vector_load_idx %arg11[%add3A_49, %broadcast_in_dim3A_892] : memref<80x128xf32, #tpu.memory_space<vmem>>[vector<16xi32>, vector<16xi32>], vector<16xf32>,
        %sub3A_895 = arith.subf %gather3A_893, %gather3A_894 : vector<16xf32>
        %abs3A_896 = math.absf %sub3A_895 : vector<16xf32>
        %slice3A_897 = vector.extract_strided_slice %get3A_13 {offsets = [13], sizes = [1], strides = [1]} : vector<16xf32> to vector<1xf32>
        %squeeze3A_898 = vector.extract %slice3A_897[0] : f32 from vector<1xf32>
        %mul3A_899 = vector.broadcast %squeeze3A_898 : f32 to vector<16xf32>
        %mul3A_900 = arith.mulf %abs3A_896, %mul3A_899 : vector<16xf32>
        %add3A_901 = arith.addf %add3A_890, %mul3A_900 : vector<16xf32>
        %broadcast_in_dim3A_902 = arith.constant 78 : i32
        %broadcast_in_dim3A_903 = vector.broadcast %broadcast_in_dim3A_902 : i32 to vector<16xi32>
        %gather3A_904 = tpu.vector_load_idx %arg10[%add3A_49, %broadcast_in_dim3A_903] : memref<80x128xf32, #tpu.memory_space<vmem>>[vector<16xi32>, vector<16xi32>], vector<16xf32>,
        %gather3A_905 = tpu.vector_load_idx %arg11[%add3A_49, %broadcast_in_dim3A_903] : memref<80x128xf32, #tpu.memory_space<vmem>>[vector<16xi32>, vector<16xi32>], vector<16xf32>,
        %sub3A_906 = arith.subf %gather3A_904, %gather3A_905 : vector<16xf32>
        %abs3A_907 = math.absf %sub3A_906 : vector<16xf32>
        %slice3A_908 = vector.extract_strided_slice %get3A_13 {offsets = [14], sizes = [1], strides = [1]} : vector<16xf32> to vector<1xf32>
        %squeeze3A_909 = vector.extract %slice3A_908[0] : f32 from vector<1xf32>
        %mul3A_910 = vector.broadcast %squeeze3A_909 : f32 to vector<16xf32>
        %mul3A_911 = arith.mulf %abs3A_907, %mul3A_910 : vector<16xf32>
        %add3A_912 = arith.addf %add3A_901, %mul3A_911 : vector<16xf32>
        %broadcast_in_dim3A_913 = arith.constant 79 : i32
        %broadcast_in_dim3A_914 = vector.broadcast %broadcast_in_dim3A_913 : i32 to vector<16xi32>
        %gather3A_915 = tpu.vector_load_idx %arg10[%add3A_49, %broadcast_in_dim3A_914] : memref<80x128xf32, #tpu.memory_space<vmem>>[vector<16xi32>, vector<16xi32>], vector<16xf32>,
        %gather3A_916 = tpu.vector_load_idx %arg11[%add3A_49, %broadcast_in_dim3A_914] : memref<80x128xf32, #tpu.memory_space<vmem>>[vector<16xi32>, vector<16xi32>], vector<16xf32>,
        %sub3A_917 = arith.subf %gather3A_915, %gather3A_916 : vector<16xf32>
        %abs3A_918 = math.absf %sub3A_917 : vector<16xf32>
        %slice3A_919 = vector.extract_strided_slice %get3A_13 {offsets = [15], sizes = [1], strides = [1]} : vector<16xf32> to vector<1xf32>
        %squeeze3A_920 = vector.extract %slice3A_919[0] : f32 from vector<1xf32>
        %mul3A_921 = vector.broadcast %squeeze3A_920 : f32 to vector<16xf32>
        %mul3A_922 = arith.mulf %abs3A_918, %mul3A_921 : vector<16xf32>
        %add3A_923 = arith.addf %add3A_912, %mul3A_922 : vector<16xf32>
        %broadcast_in_dim3A_924 = arith.constant 80 : i32
        %broadcast_in_dim3A_925 = vector.broadcast %broadcast_in_dim3A_924 : i32 to vector<16xi32>
        %gather3A_926 = tpu.vector_load_idx %arg10[%add3A_49, %broadcast_in_dim3A_925] : memref<80x128xf32, #tpu.memory_space<vmem>>[vector<16xi32>, vector<16xi32>], vector<16xf32>,
        %gather3A_927 = tpu.vector_load_idx %arg11[%add3A_49, %broadcast_in_dim3A_925] : memref<80x128xf32, #tpu.memory_space<vmem>>[vector<16xi32>, vector<16xi32>], vector<16xf32>,
        %sub3A_928 = arith.subf %gather3A_926, %gather3A_927 : vector<16xf32>
        %abs3A_929 = math.absf %sub3A_928 : vector<16xf32>
        %slice3A_930 = vector.extract_strided_slice %get3A_15 {offsets = [0], sizes = [1], strides = [1]} : vector<16xf32> to vector<1xf32>
        %squeeze3A_931 = vector.extract %slice3A_930[0] : f32 from vector<1xf32>
        %mul3A_932 = vector.broadcast %squeeze3A_931 : f32 to vector<16xf32>
        %mul3A_933 = arith.mulf %abs3A_929, %mul3A_932 : vector<16xf32>
        %add3A_934 = arith.addf %add3A_923, %mul3A_933 : vector<16xf32>
        %broadcast_in_dim3A_935 = arith.constant 81 : i32
        %broadcast_in_dim3A_936 = vector.broadcast %broadcast_in_dim3A_935 : i32 to vector<16xi32>
        %gather3A_937 = tpu.vector_load_idx %arg10[%add3A_49, %broadcast_in_dim3A_936] : memref<80x128xf32, #tpu.memory_space<vmem>>[vector<16xi32>, vector<16xi32>], vector<16xf32>,
        %gather3A_938 = tpu.vector_load_idx %arg11[%add3A_49, %broadcast_in_dim3A_936] : memref<80x128xf32, #tpu.memory_space<vmem>>[vector<16xi32>, vector<16xi32>], vector<16xf32>,
        %sub3A_939 = arith.subf %gather3A_937, %gather3A_938 : vector<16xf32>
        %abs3A_940 = math.absf %sub3A_939 : vector<16xf32>
        %slice3A_941 = vector.extract_strided_slice %get3A_15 {offsets = [1], sizes = [1], strides = [1]} : vector<16xf32> to vector<1xf32>
        %squeeze3A_942 = vector.extract %slice3A_941[0] : f32 from vector<1xf32>
        %mul3A_943 = vector.broadcast %squeeze3A_942 : f32 to vector<16xf32>
        %mul3A_944 = arith.mulf %abs3A_940, %mul3A_943 : vector<16xf32>
        %add3A_945 = arith.addf %add3A_934, %mul3A_944 : vector<16xf32>
        %broadcast_in_dim3A_946 = arith.constant 82 : i32
        %broadcast_in_dim3A_947 = vector.broadcast %broadcast_in_dim3A_946 : i32 to vector<16xi32>
        %gather3A_948 = tpu.vector_load_idx %arg10[%add3A_49, %broadcast_in_dim3A_947] : memref<80x128xf32, #tpu.memory_space<vmem>>[vector<16xi32>, vector<16xi32>], vector<16xf32>,
        %gather3A_949 = tpu.vector_load_idx %arg11[%add3A_49, %broadcast_in_dim3A_947] : memref<80x128xf32, #tpu.memory_space<vmem>>[vector<16xi32>, vector<16xi32>], vector<16xf32>,
        %sub3A_950 = arith.subf %gather3A_948, %gather3A_949 : vector<16xf32>
        %abs3A_951 = math.absf %sub3A_950 : vector<16xf32>
        %slice3A_952 = vector.extract_strided_slice %get3A_15 {offsets = [2], sizes = [1], strides = [1]} : vector<16xf32> to vector<1xf32>
        %squeeze3A_953 = vector.extract %slice3A_952[0] : f32 from vector<1xf32>
        %mul3A_954 = vector.broadcast %squeeze3A_953 : f32 to vector<16xf32>
        %mul3A_955 = arith.mulf %abs3A_951, %mul3A_954 : vector<16xf32>
        %add3A_956 = arith.addf %add3A_945, %mul3A_955 : vector<16xf32>
        %broadcast_in_dim3A_957 = arith.constant 83 : i32
        %broadcast_in_dim3A_958 = vector.broadcast %broadcast_in_dim3A_957 : i32 to vector<16xi32>
        %gather3A_959 = tpu.vector_load_idx %arg10[%add3A_49, %broadcast_in_dim3A_958] : memref<80x128xf32, #tpu.memory_space<vmem>>[vector<16xi32>, vector<16xi32>], vector<16xf32>,
        %gather3A_960 = tpu.vector_load_idx %arg11[%add3A_49, %broadcast_in_dim3A_958] : memref<80x128xf32, #tpu.memory_space<vmem>>[vector<16xi32>, vector<16xi32>], vector<16xf32>,
        %sub3A_961 = arith.subf %gather3A_959, %gather3A_960 : vector<16xf32>
        %abs3A_962 = math.absf %sub3A_961 : vector<16xf32>
        %slice3A_963 = vector.extract_strided_slice %get3A_15 {offsets = [3], sizes = [1], strides = [1]} : vector<16xf32> to vector<1xf32>
        %squeeze3A_964 = vector.extract %slice3A_963[0] : f32 from vector<1xf32>
        %mul3A_965 = vector.broadcast %squeeze3A_964 : f32 to vector<16xf32>
        %mul3A_966 = arith.mulf %abs3A_962, %mul3A_965 : vector<16xf32>
        %add3A_967 = arith.addf %add3A_956, %mul3A_966 : vector<16xf32>
        %broadcast_in_dim3A_968 = arith.constant 84 : i32
        %broadcast_in_dim3A_969 = vector.broadcast %broadcast_in_dim3A_968 : i32 to vector<16xi32>
        %gather3A_970 = tpu.vector_load_idx %arg10[%add3A_49, %broadcast_in_dim3A_969] : memref<80x128xf32, #tpu.memory_space<vmem>>[vector<16xi32>, vector<16xi32>], vector<16xf32>,
        %gather3A_971 = tpu.vector_load_idx %arg11[%add3A_49, %broadcast_in_dim3A_969] : memref<80x128xf32, #tpu.memory_space<vmem>>[vector<16xi32>, vector<16xi32>], vector<16xf32>,
        %sub3A_972 = arith.subf %gather3A_970, %gather3A_971 : vector<16xf32>
        %abs3A_973 = math.absf %sub3A_972 : vector<16xf32>
        %slice3A_974 = vector.extract_strided_slice %get3A_15 {offsets = [4], sizes = [1], strides = [1]} : vector<16xf32> to vector<1xf32>
        %squeeze3A_975 = vector.extract %slice3A_974[0] : f32 from vector<1xf32>
        %mul3A_976 = vector.broadcast %squeeze3A_975 : f32 to vector<16xf32>
        %mul3A_977 = arith.mulf %abs3A_973, %mul3A_976 : vector<16xf32>
        %add3A_978 = arith.addf %add3A_967, %mul3A_977 : vector<16xf32>
        %broadcast_in_dim3A_979 = arith.constant 85 : i32
        %broadcast_in_dim3A_980 = vector.broadcast %broadcast_in_dim3A_979 : i32 to vector<16xi32>
        %gather3A_981 = tpu.vector_load_idx %arg10[%add3A_49, %broadcast_in_dim3A_980] : memref<80x128xf32, #tpu.memory_space<vmem>>[vector<16xi32>, vector<16xi32>], vector<16xf32>,
        %gather3A_982 = tpu.vector_load_idx %arg11[%add3A_49, %broadcast_in_dim3A_980] : memref<80x128xf32, #tpu.memory_space<vmem>>[vector<16xi32>, vector<16xi32>], vector<16xf32>,
        %sub3A_983 = arith.subf %gather3A_981, %gather3A_982 : vector<16xf32>
        %abs3A_984 = math.absf %sub3A_983 : vector<16xf32>
        %slice3A_985 = vector.extract_strided_slice %get3A_15 {offsets = [5], sizes = [1], strides = [1]} : vector<16xf32> to vector<1xf32>
        %squeeze3A_986 = vector.extract %slice3A_985[0] : f32 from vector<1xf32>
        %mul3A_987 = vector.broadcast %squeeze3A_986 : f32 to vector<16xf32>
        %mul3A_988 = arith.mulf %abs3A_984, %mul3A_987 : vector<16xf32>
        %add3A_989 = arith.addf %add3A_978, %mul3A_988 : vector<16xf32>
        %broadcast_in_dim3A_990 = arith.constant 86 : i32
        %broadcast_in_dim3A_991 = vector.broadcast %broadcast_in_dim3A_990 : i32 to vector<16xi32>
        %gather3A_992 = tpu.vector_load_idx %arg10[%add3A_49, %broadcast_in_dim3A_991] : memref<80x128xf32, #tpu.memory_space<vmem>>[vector<16xi32>, vector<16xi32>], vector<16xf32>,
        %gather3A_993 = tpu.vector_load_idx %arg11[%add3A_49, %broadcast_in_dim3A_991] : memref<80x128xf32, #tpu.memory_space<vmem>>[vector<16xi32>, vector<16xi32>], vector<16xf32>,
        %sub3A_994 = arith.subf %gather3A_992, %gather3A_993 : vector<16xf32>
        %abs3A_995 = math.absf %sub3A_994 : vector<16xf32>
        %slice3A_996 = vector.extract_strided_slice %get3A_15 {offsets = [6], sizes = [1], strides = [1]} : vector<16xf32> to vector<1xf32>
        %squeeze3A_997 = vector.extract %slice3A_996[0] : f32 from vector<1xf32>
        %mul3A_998 = vector.broadcast %squeeze3A_997 : f32 to vector<16xf32>
        %mul3A_999 = arith.mulf %abs3A_995, %mul3A_998 : vector<16xf32>
        %add3A_1000 = arith.addf %add3A_989, %mul3A_999 : vector<16xf32>
        %broadcast_in_dim3A_1001 = arith.constant 87 : i32
        %broadcast_in_dim3A_1002 = vector.broadcast %broadcast_in_dim3A_1001 : i32 to vector<16xi32>
        %gather3A_1003 = tpu.vector_load_idx %arg10[%add3A_49, %broadcast_in_dim3A_1002] : memref<80x128xf32, #tpu.memory_space<vmem>>[vector<16xi32>, vector<16xi32>], vector<16xf32>,
        %gather3A_1004 = tpu.vector_load_idx %arg11[%add3A_49, %broadcast_in_dim3A_1002] : memref<80x128xf32, #tpu.memory_space<vmem>>[vector<16xi32>, vector<16xi32>], vector<16xf32>,
        %sub3A_1005 = arith.subf %gather3A_1003, %gather3A_1004 : vector<16xf32>
        %abs3A_1006 = math.absf %sub3A_1005 : vector<16xf32>
        %slice3A_1007 = vector.extract_strided_slice %get3A_15 {offsets = [7], sizes = [1], strides = [1]} : vector<16xf32> to vector<1xf32>
        %squeeze3A_1008 = vector.extract %slice3A_1007[0] : f32 from vector<1xf32>
        %mul3A_1009 = vector.broadcast %squeeze3A_1008 : f32 to vector<16xf32>
        %mul3A_1010 = arith.mulf %abs3A_1006, %mul3A_1009 : vector<16xf32>
        %add3A_1011 = arith.addf %add3A_1000, %mul3A_1010 : vector<16xf32>
        %broadcast_in_dim3A_1012 = arith.constant 88 : i32
        %broadcast_in_dim3A_1013 = vector.broadcast %broadcast_in_dim3A_1012 : i32 to vector<16xi32>
        %gather3A_1014 = tpu.vector_load_idx %arg10[%add3A_49, %broadcast_in_dim3A_1013] : memref<80x128xf32, #tpu.memory_space<vmem>>[vector<16xi32>, vector<16xi32>], vector<16xf32>,
        %gather3A_1015 = tpu.vector_load_idx %arg11[%add3A_49, %broadcast_in_dim3A_1013] : memref<80x128xf32, #tpu.memory_space<vmem>>[vector<16xi32>, vector<16xi32>], vector<16xf32>,
        %sub3A_1016 = arith.subf %gather3A_1014, %gather3A_1015 : vector<16xf32>
        %abs3A_1017 = math.absf %sub3A_1016 : vector<16xf32>
        %slice3A_1018 = vector.extract_strided_slice %get3A_15 {offsets = [8], sizes = [1], strides = [1]} : vector<16xf32> to vector<1xf32>
        %squeeze3A_1019 = vector.extract %slice3A_1018[0] : f32 from vector<1xf32>
        %mul3A_1020 = vector.broadcast %squeeze3A_1019 : f32 to vector<16xf32>
        %mul3A_1021 = arith.mulf %abs3A_1017, %mul3A_1020 : vector<16xf32>
        %add3A_1022 = arith.addf %add3A_1011, %mul3A_1021 : vector<16xf32>
        %broadcast_in_dim3A_1023 = arith.constant 89 : i32
        %broadcast_in_dim3A_1024 = vector.broadcast %broadcast_in_dim3A_1023 : i32 to vector<16xi32>
        %gather3A_1025 = tpu.vector_load_idx %arg10[%add3A_49, %broadcast_in_dim3A_1024] : memref<80x128xf32, #tpu.memory_space<vmem>>[vector<16xi32>, vector<16xi32>], vector<16xf32>,
        %gather3A_1026 = tpu.vector_load_idx %arg11[%add3A_49, %broadcast_in_dim3A_1024] : memref<80x128xf32, #tpu.memory_space<vmem>>[vector<16xi32>, vector<16xi32>], vector<16xf32>,
        %sub3A_1027 = arith.subf %gather3A_1025, %gather3A_1026 : vector<16xf32>
        %abs3A_1028 = math.absf %sub3A_1027 : vector<16xf32>
        %slice3A_1029 = vector.extract_strided_slice %get3A_15 {offsets = [9], sizes = [1], strides = [1]} : vector<16xf32> to vector<1xf32>
        %squeeze3A_1030 = vector.extract %slice3A_1029[0] : f32 from vector<1xf32>
        %mul3A_1031 = vector.broadcast %squeeze3A_1030 : f32 to vector<16xf32>
        %mul3A_1032 = arith.mulf %abs3A_1028, %mul3A_1031 : vector<16xf32>
        %add3A_1033 = arith.addf %add3A_1022, %mul3A_1032 : vector<16xf32>
        %broadcast_in_dim3A_1034 = arith.constant 90 : i32
        %broadcast_in_dim3A_1035 = vector.broadcast %broadcast_in_dim3A_1034 : i32 to vector<16xi32>
        %gather3A_1036 = tpu.vector_load_idx %arg10[%add3A_49, %broadcast_in_dim3A_1035] : memref<80x128xf32, #tpu.memory_space<vmem>>[vector<16xi32>, vector<16xi32>], vector<16xf32>,
        %gather3A_1037 = tpu.vector_load_idx %arg11[%add3A_49, %broadcast_in_dim3A_1035] : memref<80x128xf32, #tpu.memory_space<vmem>>[vector<16xi32>, vector<16xi32>], vector<16xf32>,
        %sub3A_1038 = arith.subf %gather3A_1036, %gather3A_1037 : vector<16xf32>
        %abs3A_1039 = math.absf %sub3A_1038 : vector<16xf32>
        %slice3A_1040 = vector.extract_strided_slice %get3A_15 {offsets = [10], sizes = [1], strides = [1]} : vector<16xf32> to vector<1xf32>
        %squeeze3A_1041 = vector.extract %slice3A_1040[0] : f32 from vector<1xf32>
        %mul3A_1042 = vector.broadcast %squeeze3A_1041 : f32 to vector<16xf32>
        %mul3A_1043 = arith.mulf %abs3A_1039, %mul3A_1042 : vector<16xf32>
        %add3A_1044 = arith.addf %add3A_1033, %mul3A_1043 : vector<16xf32>
        %broadcast_in_dim3A_1045 = arith.constant 91 : i32
        %broadcast_in_dim3A_1046 = vector.broadcast %broadcast_in_dim3A_1045 : i32 to vector<16xi32>
        %gather3A_1047 = tpu.vector_load_idx %arg10[%add3A_49, %broadcast_in_dim3A_1046] : memref<80x128xf32, #tpu.memory_space<vmem>>[vector<16xi32>, vector<16xi32>], vector<16xf32>,
        %gather3A_1048 = tpu.vector_load_idx %arg11[%add3A_49, %broadcast_in_dim3A_1046] : memref<80x128xf32, #tpu.memory_space<vmem>>[vector<16xi32>, vector<16xi32>], vector<16xf32>,
        %sub3A_1049 = arith.subf %gather3A_1047, %gather3A_1048 : vector<16xf32>
        %abs3A_1050 = math.absf %sub3A_1049 : vector<16xf32>
        %slice3A_1051 = vector.extract_strided_slice %get3A_15 {offsets = [11], sizes = [1], strides = [1]} : vector<16xf32> to vector<1xf32>
        %squeeze3A_1052 = vector.extract %slice3A_1051[0] : f32 from vector<1xf32>
        %mul3A_1053 = vector.broadcast %squeeze3A_1052 : f32 to vector<16xf32>
        %mul3A_1054 = arith.mulf %abs3A_1050, %mul3A_1053 : vector<16xf32>
        %add3A_1055 = arith.addf %add3A_1044, %mul3A_1054 : vector<16xf32>
        %broadcast_in_dim3A_1056 = arith.constant 92 : i32
        %broadcast_in_dim3A_1057 = vector.broadcast %broadcast_in_dim3A_1056 : i32 to vector<16xi32>
        %gather3A_1058 = tpu.vector_load_idx %arg10[%add3A_49, %broadcast_in_dim3A_1057] : memref<80x128xf32, #tpu.memory_space<vmem>>[vector<16xi32>, vector<16xi32>], vector<16xf32>,
        %gather3A_1059 = tpu.vector_load_idx %arg11[%add3A_49, %broadcast_in_dim3A_1057] : memref<80x128xf32, #tpu.memory_space<vmem>>[vector<16xi32>, vector<16xi32>], vector<16xf32>,
        %sub3A_1060 = arith.subf %gather3A_1058, %gather3A_1059 : vector<16xf32>
        %abs3A_1061 = math.absf %sub3A_1060 : vector<16xf32>
        %slice3A_1062 = vector.extract_strided_slice %get3A_15 {offsets = [12], sizes = [1], strides = [1]} : vector<16xf32> to vector<1xf32>
        %squeeze3A_1063 = vector.extract %slice3A_1062[0] : f32 from vector<1xf32>
        %mul3A_1064 = vector.broadcast %squeeze3A_1063 : f32 to vector<16xf32>
        %mul3A_1065 = arith.mulf %abs3A_1061, %mul3A_1064 : vector<16xf32>
        %add3A_1066 = arith.addf %add3A_1055, %mul3A_1065 : vector<16xf32>
        %broadcast_in_dim3A_1067 = arith.constant 93 : i32
        %broadcast_in_dim3A_1068 = vector.broadcast %broadcast_in_dim3A_1067 : i32 to vector<16xi32>
        %gather3A_1069 = tpu.vector_load_idx %arg10[%add3A_49, %broadcast_in_dim3A_1068] : memref<80x128xf32, #tpu.memory_space<vmem>>[vector<16xi32>, vector<16xi32>], vector<16xf32>,
        %gather3A_1070 = tpu.vector_load_idx %arg11[%add3A_49, %broadcast_in_dim3A_1068] : memref<80x128xf32, #tpu.memory_space<vmem>>[vector<16xi32>, vector<16xi32>], vector<16xf32>,
        %sub3A_1071 = arith.subf %gather3A_1069, %gather3A_1070 : vector<16xf32>
        %abs3A_1072 = math.absf %sub3A_1071 : vector<16xf32>
        %slice3A_1073 = vector.extract_strided_slice %get3A_15 {offsets = [13], sizes = [1], strides = [1]} : vector<16xf32> to vector<1xf32>
        %squeeze3A_1074 = vector.extract %slice3A_1073[0] : f32 from vector<1xf32>
        %mul3A_1075 = vector.broadcast %squeeze3A_1074 : f32 to vector<16xf32>
        %mul3A_1076 = arith.mulf %abs3A_1072, %mul3A_1075 : vector<16xf32>
        %add3A_1077 = arith.addf %add3A_1066, %mul3A_1076 : vector<16xf32>
        %broadcast_in_dim3A_1078 = arith.constant 94 : i32
        %broadcast_in_dim3A_1079 = vector.broadcast %broadcast_in_dim3A_1078 : i32 to vector<16xi32>
        %gather3A_1080 = tpu.vector_load_idx %arg10[%add3A_49, %broadcast_in_dim3A_1079] : memref<80x128xf32, #tpu.memory_space<vmem>>[vector<16xi32>, vector<16xi32>], vector<16xf32>,
        %gather3A_1081 = tpu.vector_load_idx %arg11[%add3A_49, %broadcast_in_dim3A_1079] : memref<80x128xf32, #tpu.memory_space<vmem>>[vector<16xi32>, vector<16xi32>], vector<16xf32>,
        %sub3A_1082 = arith.subf %gather3A_1080, %gather3A_1081 : vector<16xf32>
        %abs3A_1083 = math.absf %sub3A_1082 : vector<16xf32>
        %slice3A_1084 = vector.extract_strided_slice %get3A_15 {offsets = [14], sizes = [1], strides = [1]} : vector<16xf32> to vector<1xf32>
        %squeeze3A_1085 = vector.extract %slice3A_1084[0] : f32 from vector<1xf32>
        %mul3A_1086 = vector.broadcast %squeeze3A_1085 : f32 to vector<16xf32>
        %mul3A_1087 = arith.mulf %abs3A_1083, %mul3A_1086 : vector<16xf32>
        %add3A_1088 = arith.addf %add3A_1077, %mul3A_1087 : vector<16xf32>
        %broadcast_in_dim3A_1089 = arith.constant 95 : i32
        %broadcast_in_dim3A_1090 = vector.broadcast %broadcast_in_dim3A_1089 : i32 to vector<16xi32>
        %gather3A_1091 = tpu.vector_load_idx %arg10[%add3A_49, %broadcast_in_dim3A_1090] : memref<80x128xf32, #tpu.memory_space<vmem>>[vector<16xi32>, vector<16xi32>], vector<16xf32>,
        %gather3A_1092 = tpu.vector_load_idx %arg11[%add3A_49, %broadcast_in_dim3A_1090] : memref<80x128xf32, #tpu.memory_space<vmem>>[vector<16xi32>, vector<16xi32>], vector<16xf32>,
        %sub3A_1093 = arith.subf %gather3A_1091, %gather3A_1092 : vector<16xf32>
        %abs3A_1094 = math.absf %sub3A_1093 : vector<16xf32>
        %slice3A_1095 = vector.extract_strided_slice %get3A_15 {offsets = [15], sizes = [1], strides = [1]} : vector<16xf32> to vector<1xf32>
        %squeeze3A_1096 = vector.extract %slice3A_1095[0] : f32 from vector<1xf32>
        %mul3A_1097 = vector.broadcast %squeeze3A_1096 : f32 to vector<16xf32>
        %mul3A_1098 = arith.mulf %abs3A_1094, %mul3A_1097 : vector<16xf32>
        %add3A_1099 = arith.addf %add3A_1088, %mul3A_1098 : vector<16xf32>
        %broadcast_in_dim3A_1100 = arith.constant 96 : i32
        %broadcast_in_dim3A_1101 = vector.broadcast %broadcast_in_dim3A_1100 : i32 to vector<16xi32>
        %gather3A_1102 = tpu.vector_load_idx %arg10[%add3A_49, %broadcast_in_dim3A_1101] : memref<80x128xf32, #tpu.memory_space<vmem>>[vector<16xi32>, vector<16xi32>], vector<16xf32>,
        %gather3A_1103 = tpu.vector_load_idx %arg11[%add3A_49, %broadcast_in_dim3A_1101] : memref<80x128xf32, #tpu.memory_space<vmem>>[vector<16xi32>, vector<16xi32>], vector<16xf32>,
        %sub3A_1104 = arith.subf %gather3A_1102, %gather3A_1103 : vector<16xf32>
        %abs3A_1105 = math.absf %sub3A_1104 : vector<16xf32>
        %slice3A_1106 = vector.extract_strided_slice %get3A_17 {offsets = [0], sizes = [1], strides = [1]} : vector<16xf32> to vector<1xf32>
        %squeeze3A_1107 = vector.extract %slice3A_1106[0] : f32 from vector<1xf32>
        %mul3A_1108 = vector.broadcast %squeeze3A_1107 : f32 to vector<16xf32>
        %mul3A_1109 = arith.mulf %abs3A_1105, %mul3A_1108 : vector<16xf32>
        %add3A_1110 = arith.addf %add3A_1099, %mul3A_1109 : vector<16xf32>
        %broadcast_in_dim3A_1111 = arith.constant 97 : i32
        %broadcast_in_dim3A_1112 = vector.broadcast %broadcast_in_dim3A_1111 : i32 to vector<16xi32>
        %gather3A_1113 = tpu.vector_load_idx %arg10[%add3A_49, %broadcast_in_dim3A_1112] : memref<80x128xf32, #tpu.memory_space<vmem>>[vector<16xi32>, vector<16xi32>], vector<16xf32>,
        %gather3A_1114 = tpu.vector_load_idx %arg11[%add3A_49, %broadcast_in_dim3A_1112] : memref<80x128xf32, #tpu.memory_space<vmem>>[vector<16xi32>, vector<16xi32>], vector<16xf32>,
        %sub3A_1115 = arith.subf %gather3A_1113, %gather3A_1114 : vector<16xf32>
        %abs3A_1116 = math.absf %sub3A_1115 : vector<16xf32>
        %slice3A_1117 = vector.extract_strided_slice %get3A_17 {offsets = [1], sizes = [1], strides = [1]} : vector<16xf32> to vector<1xf32>
        %squeeze3A_1118 = vector.extract %slice3A_1117[0] : f32 from vector<1xf32>
        %mul3A_1119 = vector.broadcast %squeeze3A_1118 : f32 to vector<16xf32>
        %mul3A_1120 = arith.mulf %abs3A_1116, %mul3A_1119 : vector<16xf32>
        %add3A_1121 = arith.addf %add3A_1110, %mul3A_1120 : vector<16xf32>
        %broadcast_in_dim3A_1122 = arith.constant 98 : i32
        %broadcast_in_dim3A_1123 = vector.broadcast %broadcast_in_dim3A_1122 : i32 to vector<16xi32>
        %gather3A_1124 = tpu.vector_load_idx %arg10[%add3A_49, %broadcast_in_dim3A_1123] : memref<80x128xf32, #tpu.memory_space<vmem>>[vector<16xi32>, vector<16xi32>], vector<16xf32>,
        %gather3A_1125 = tpu.vector_load_idx %arg11[%add3A_49, %broadcast_in_dim3A_1123] : memref<80x128xf32, #tpu.memory_space<vmem>>[vector<16xi32>, vector<16xi32>], vector<16xf32>,
        %sub3A_1126 = arith.subf %gather3A_1124, %gather3A_1125 : vector<16xf32>
        %abs3A_1127 = math.absf %sub3A_1126 : vector<16xf32>
        %slice3A_1128 = vector.extract_strided_slice %get3A_17 {offsets = [2], sizes = [1], strides = [1]} : vector<16xf32> to vector<1xf32>
        %squeeze3A_1129 = vector.extract %slice3A_1128[0] : f32 from vector<1xf32>
        %mul3A_1130 = vector.broadcast %squeeze3A_1129 : f32 to vector<16xf32>
        %mul3A_1131 = arith.mulf %abs3A_1127, %mul3A_1130 : vector<16xf32>
        %add3A_1132 = arith.addf %add3A_1121, %mul3A_1131 : vector<16xf32>
        %broadcast_in_dim3A_1133 = arith.constant 99 : i32
        %broadcast_in_dim3A_1134 = vector.broadcast %broadcast_in_dim3A_1133 : i32 to vector<16xi32>
        %gather3A_1135 = tpu.vector_load_idx %arg10[%add3A_49, %broadcast_in_dim3A_1134] : memref<80x128xf32, #tpu.memory_space<vmem>>[vector<16xi32>, vector<16xi32>], vector<16xf32>,
        %gather3A_1136 = tpu.vector_load_idx %arg11[%add3A_49, %broadcast_in_dim3A_1134] : memref<80x128xf32, #tpu.memory_space<vmem>>[vector<16xi32>, vector<16xi32>], vector<16xf32>,
        %sub3A_1137 = arith.subf %gather3A_1135, %gather3A_1136 : vector<16xf32>
        %abs3A_1138 = math.absf %sub3A_1137 : vector<16xf32>
        %slice3A_1139 = vector.extract_strided_slice %get3A_17 {offsets = [3], sizes = [1], strides = [1]} : vector<16xf32> to vector<1xf32>
        %squeeze3A_1140 = vector.extract %slice3A_1139[0] : f32 from vector<1xf32>
        %mul3A_1141 = vector.broadcast %squeeze3A_1140 : f32 to vector<16xf32>
        %mul3A_1142 = arith.mulf %abs3A_1138, %mul3A_1141 : vector<16xf32>
        %add3A_1143 = arith.addf %add3A_1132, %mul3A_1142 : vector<16xf32>
        %broadcast_in_dim3A_1144 = arith.constant 100 : i32
        %broadcast_in_dim3A_1145 = vector.broadcast %broadcast_in_dim3A_1144 : i32 to vector<16xi32>
        %gather3A_1146 = tpu.vector_load_idx %arg10[%add3A_49, %broadcast_in_dim3A_1145] : memref<80x128xf32, #tpu.memory_space<vmem>>[vector<16xi32>, vector<16xi32>], vector<16xf32>,
        %gather3A_1147 = tpu.vector_load_idx %arg11[%add3A_49, %broadcast_in_dim3A_1145] : memref<80x128xf32, #tpu.memory_space<vmem>>[vector<16xi32>, vector<16xi32>], vector<16xf32>,
        %sub3A_1148 = arith.subf %gather3A_1146, %gather3A_1147 : vector<16xf32>
        %abs3A_1149 = math.absf %sub3A_1148 : vector<16xf32>
        %slice3A_1150 = vector.extract_strided_slice %get3A_17 {offsets = [4], sizes = [1], strides = [1]} : vector<16xf32> to vector<1xf32>
        %squeeze3A_1151 = vector.extract %slice3A_1150[0] : f32 from vector<1xf32>
        %mul3A_1152 = vector.broadcast %squeeze3A_1151 : f32 to vector<16xf32>
        %mul3A_1153 = arith.mulf %abs3A_1149, %mul3A_1152 : vector<16xf32>
        %add3A_1154 = arith.addf %add3A_1143, %mul3A_1153 : vector<16xf32>
        %broadcast_in_dim3A_1155 = arith.constant 101 : i32
        %broadcast_in_dim3A_1156 = vector.broadcast %broadcast_in_dim3A_1155 : i32 to vector<16xi32>
        %gather3A_1157 = tpu.vector_load_idx %arg10[%add3A_49, %broadcast_in_dim3A_1156] : memref<80x128xf32, #tpu.memory_space<vmem>>[vector<16xi32>, vector<16xi32>], vector<16xf32>,
        %gather3A_1158 = tpu.vector_load_idx %arg11[%add3A_49, %broadcast_in_dim3A_1156] : memref<80x128xf32, #tpu.memory_space<vmem>>[vector<16xi32>, vector<16xi32>], vector<16xf32>,
        %sub3A_1159 = arith.subf %gather3A_1157, %gather3A_1158 : vector<16xf32>
        %abs3A_1160 = math.absf %sub3A_1159 : vector<16xf32>
        %slice3A_1161 = vector.extract_strided_slice %get3A_17 {offsets = [5], sizes = [1], strides = [1]} : vector<16xf32> to vector<1xf32>
        %squeeze3A_1162 = vector.extract %slice3A_1161[0] : f32 from vector<1xf32>
        %mul3A_1163 = vector.broadcast %squeeze3A_1162 : f32 to vector<16xf32>
        %mul3A_1164 = arith.mulf %abs3A_1160, %mul3A_1163 : vector<16xf32>
        %add3A_1165 = arith.addf %add3A_1154, %mul3A_1164 : vector<16xf32>
        %broadcast_in_dim3A_1166 = arith.constant 102 : i32
        %broadcast_in_dim3A_1167 = vector.broadcast %broadcast_in_dim3A_1166 : i32 to vector<16xi32>
        %gather3A_1168 = tpu.vector_load_idx %arg10[%add3A_49, %broadcast_in_dim3A_1167] : memref<80x128xf32, #tpu.memory_space<vmem>>[vector<16xi32>, vector<16xi32>], vector<16xf32>,
        %gather3A_1169 = tpu.vector_load_idx %arg11[%add3A_49, %broadcast_in_dim3A_1167] : memref<80x128xf32, #tpu.memory_space<vmem>>[vector<16xi32>, vector<16xi32>], vector<16xf32>,
        %sub3A_1170 = arith.subf %gather3A_1168, %gather3A_1169 : vector<16xf32>
        %abs3A_1171 = math.absf %sub3A_1170 : vector<16xf32>
        %slice3A_1172 = vector.extract_strided_slice %get3A_17 {offsets = [6], sizes = [1], strides = [1]} : vector<16xf32> to vector<1xf32>
        %squeeze3A_1173 = vector.extract %slice3A_1172[0] : f32 from vector<1xf32>
        %mul3A_1174 = vector.broadcast %squeeze3A_1173 : f32 to vector<16xf32>
        %mul3A_1175 = arith.mulf %abs3A_1171, %mul3A_1174 : vector<16xf32>
        %add3A_1176 = arith.addf %add3A_1165, %mul3A_1175 : vector<16xf32>
        %broadcast_in_dim3A_1177 = arith.constant 103 : i32
        %broadcast_in_dim3A_1178 = vector.broadcast %broadcast_in_dim3A_1177 : i32 to vector<16xi32>
        %gather3A_1179 = tpu.vector_load_idx %arg10[%add3A_49, %broadcast_in_dim3A_1178] : memref<80x128xf32, #tpu.memory_space<vmem>>[vector<16xi32>, vector<16xi32>], vector<16xf32>,
        %gather3A_1180 = tpu.vector_load_idx %arg11[%add3A_49, %broadcast_in_dim3A_1178] : memref<80x128xf32, #tpu.memory_space<vmem>>[vector<16xi32>, vector<16xi32>], vector<16xf32>,
        %sub3A_1181 = arith.subf %gather3A_1179, %gather3A_1180 : vector<16xf32>
        %abs3A_1182 = math.absf %sub3A_1181 : vector<16xf32>
        %slice3A_1183 = vector.extract_strided_slice %get3A_17 {offsets = [7], sizes = [1], strides = [1]} : vector<16xf32> to vector<1xf32>
        %squeeze3A_1184 = vector.extract %slice3A_1183[0] : f32 from vector<1xf32>
        %mul3A_1185 = vector.broadcast %squeeze3A_1184 : f32 to vector<16xf32>
        %mul3A_1186 = arith.mulf %abs3A_1182, %mul3A_1185 : vector<16xf32>
        %add3A_1187 = arith.addf %add3A_1176, %mul3A_1186 : vector<16xf32>
        %broadcast_in_dim3A_1188 = arith.constant 104 : i32
        %broadcast_in_dim3A_1189 = vector.broadcast %broadcast_in_dim3A_1188 : i32 to vector<16xi32>
        %gather3A_1190 = tpu.vector_load_idx %arg10[%add3A_49, %broadcast_in_dim3A_1189] : memref<80x128xf32, #tpu.memory_space<vmem>>[vector<16xi32>, vector<16xi32>], vector<16xf32>,
        %gather3A_1191 = tpu.vector_load_idx %arg11[%add3A_49, %broadcast_in_dim3A_1189] : memref<80x128xf32, #tpu.memory_space<vmem>>[vector<16xi32>, vector<16xi32>], vector<16xf32>,
        %sub3A_1192 = arith.subf %gather3A_1190, %gather3A_1191 : vector<16xf32>
        %abs3A_1193 = math.absf %sub3A_1192 : vector<16xf32>
        %slice3A_1194 = vector.extract_strided_slice %get3A_17 {offsets = [8], sizes = [1], strides = [1]} : vector<16xf32> to vector<1xf32>
        %squeeze3A_1195 = vector.extract %slice3A_1194[0] : f32 from vector<1xf32>
        %mul3A_1196 = vector.broadcast %squeeze3A_1195 : f32 to vector<16xf32>
        %mul3A_1197 = arith.mulf %abs3A_1193, %mul3A_1196 : vector<16xf32>
        %add3A_1198 = arith.addf %add3A_1187, %mul3A_1197 : vector<16xf32>
        %broadcast_in_dim3A_1199 = arith.constant 105 : i32
        %broadcast_in_dim3A_1200 = vector.broadcast %broadcast_in_dim3A_1199 : i32 to vector<16xi32>
        %gather3A_1201 = tpu.vector_load_idx %arg10[%add3A_49, %broadcast_in_dim3A_1200] : memref<80x128xf32, #tpu.memory_space<vmem>>[vector<16xi32>, vector<16xi32>], vector<16xf32>,
        %gather3A_1202 = tpu.vector_load_idx %arg11[%add3A_49, %broadcast_in_dim3A_1200] : memref<80x128xf32, #tpu.memory_space<vmem>>[vector<16xi32>, vector<16xi32>], vector<16xf32>,
        %sub3A_1203 = arith.subf %gather3A_1201, %gather3A_1202 : vector<16xf32>
        %abs3A_1204 = math.absf %sub3A_1203 : vector<16xf32>
        %slice3A_1205 = vector.extract_strided_slice %get3A_17 {offsets = [9], sizes = [1], strides = [1]} : vector<16xf32> to vector<1xf32>
        %squeeze3A_1206 = vector.extract %slice3A_1205[0] : f32 from vector<1xf32>
        %mul3A_1207 = vector.broadcast %squeeze3A_1206 : f32 to vector<16xf32>
        %mul3A_1208 = arith.mulf %abs3A_1204, %mul3A_1207 : vector<16xf32>
        %add3A_1209 = arith.addf %add3A_1198, %mul3A_1208 : vector<16xf32>
        %broadcast_in_dim3A_1210 = arith.constant 106 : i32
        %broadcast_in_dim3A_1211 = vector.broadcast %broadcast_in_dim3A_1210 : i32 to vector<16xi32>
        %gather3A_1212 = tpu.vector_load_idx %arg10[%add3A_49, %broadcast_in_dim3A_1211] : memref<80x128xf32, #tpu.memory_space<vmem>>[vector<16xi32>, vector<16xi32>], vector<16xf32>,
        %gather3A_1213 = tpu.vector_load_idx %arg11[%add3A_49, %broadcast_in_dim3A_1211] : memref<80x128xf32, #tpu.memory_space<vmem>>[vector<16xi32>, vector<16xi32>], vector<16xf32>,
        %sub3A_1214 = arith.subf %gather3A_1212, %gather3A_1213 : vector<16xf32>
        %abs3A_1215 = math.absf %sub3A_1214 : vector<16xf32>
        %slice3A_1216 = vector.extract_strided_slice %get3A_17 {offsets = [10], sizes = [1], strides = [1]} : vector<16xf32> to vector<1xf32>
        %squeeze3A_1217 = vector.extract %slice3A_1216[0] : f32 from vector<1xf32>
        %mul3A_1218 = vector.broadcast %squeeze3A_1217 : f32 to vector<16xf32>
        %mul3A_1219 = arith.mulf %abs3A_1215, %mul3A_1218 : vector<16xf32>
        %add3A_1220 = arith.addf %add3A_1209, %mul3A_1219 : vector<16xf32>
        %broadcast_in_dim3A_1221 = arith.constant 107 : i32
        %broadcast_in_dim3A_1222 = vector.broadcast %broadcast_in_dim3A_1221 : i32 to vector<16xi32>
        %gather3A_1223 = tpu.vector_load_idx %arg10[%add3A_49, %broadcast_in_dim3A_1222] : memref<80x128xf32, #tpu.memory_space<vmem>>[vector<16xi32>, vector<16xi32>], vector<16xf32>,
        %gather3A_1224 = tpu.vector_load_idx %arg11[%add3A_49, %broadcast_in_dim3A_1222] : memref<80x128xf32, #tpu.memory_space<vmem>>[vector<16xi32>, vector<16xi32>], vector<16xf32>,
        %sub3A_1225 = arith.subf %gather3A_1223, %gather3A_1224 : vector<16xf32>
        %abs3A_1226 = math.absf %sub3A_1225 : vector<16xf32>
        %slice3A_1227 = vector.extract_strided_slice %get3A_17 {offsets = [11], sizes = [1], strides = [1]} : vector<16xf32> to vector<1xf32>
        %squeeze3A_1228 = vector.extract %slice3A_1227[0] : f32 from vector<1xf32>
        %mul3A_1229 = vector.broadcast %squeeze3A_1228 : f32 to vector<16xf32>
        %mul3A_1230 = arith.mulf %abs3A_1226, %mul3A_1229 : vector<16xf32>
        %add3A_1231 = arith.addf %add3A_1220, %mul3A_1230 : vector<16xf32>
        %broadcast_in_dim3A_1232 = arith.constant 108 : i32
        %broadcast_in_dim3A_1233 = vector.broadcast %broadcast_in_dim3A_1232 : i32 to vector<16xi32>
        %gather3A_1234 = tpu.vector_load_idx %arg10[%add3A_49, %broadcast_in_dim3A_1233] : memref<80x128xf32, #tpu.memory_space<vmem>>[vector<16xi32>, vector<16xi32>], vector<16xf32>,
        %gather3A_1235 = tpu.vector_load_idx %arg11[%add3A_49, %broadcast_in_dim3A_1233] : memref<80x128xf32, #tpu.memory_space<vmem>>[vector<16xi32>, vector<16xi32>], vector<16xf32>,
        %sub3A_1236 = arith.subf %gather3A_1234, %gather3A_1235 : vector<16xf32>
        %abs3A_1237 = math.absf %sub3A_1236 : vector<16xf32>
        %slice3A_1238 = vector.extract_strided_slice %get3A_17 {offsets = [12], sizes = [1], strides = [1]} : vector<16xf32> to vector<1xf32>
        %squeeze3A_1239 = vector.extract %slice3A_1238[0] : f32 from vector<1xf32>
        %mul3A_1240 = vector.broadcast %squeeze3A_1239 : f32 to vector<16xf32>
        %mul3A_1241 = arith.mulf %abs3A_1237, %mul3A_1240 : vector<16xf32>
        %add3A_1242 = arith.addf %add3A_1231, %mul3A_1241 : vector<16xf32>
        %broadcast_in_dim3A_1243 = arith.constant 109 : i32
        %broadcast_in_dim3A_1244 = vector.broadcast %broadcast_in_dim3A_1243 : i32 to vector<16xi32>
        %gather3A_1245 = tpu.vector_load_idx %arg10[%add3A_49, %broadcast_in_dim3A_1244] : memref<80x128xf32, #tpu.memory_space<vmem>>[vector<16xi32>, vector<16xi32>], vector<16xf32>,
        %gather3A_1246 = tpu.vector_load_idx %arg11[%add3A_49, %broadcast_in_dim3A_1244] : memref<80x128xf32, #tpu.memory_space<vmem>>[vector<16xi32>, vector<16xi32>], vector<16xf32>,
        %sub3A_1247 = arith.subf %gather3A_1245, %gather3A_1246 : vector<16xf32>
        %abs3A_1248 = math.absf %sub3A_1247 : vector<16xf32>
        %slice3A_1249 = vector.extract_strided_slice %get3A_17 {offsets = [13], sizes = [1], strides = [1]} : vector<16xf32> to vector<1xf32>
        %squeeze3A_1250 = vector.extract %slice3A_1249[0] : f32 from vector<1xf32>
        %mul3A_1251 = vector.broadcast %squeeze3A_1250 : f32 to vector<16xf32>
        %mul3A_1252 = arith.mulf %abs3A_1248, %mul3A_1251 : vector<16xf32>
        %add3A_1253 = arith.addf %add3A_1242, %mul3A_1252 : vector<16xf32>
        %broadcast_in_dim3A_1254 = arith.constant 110 : i32
        %broadcast_in_dim3A_1255 = vector.broadcast %broadcast_in_dim3A_1254 : i32 to vector<16xi32>
        %gather3A_1256 = tpu.vector_load_idx %arg10[%add3A_49, %broadcast_in_dim3A_1255] : memref<80x128xf32, #tpu.memory_space<vmem>>[vector<16xi32>, vector<16xi32>], vector<16xf32>,
        %gather3A_1257 = tpu.vector_load_idx %arg11[%add3A_49, %broadcast_in_dim3A_1255] : memref<80x128xf32, #tpu.memory_space<vmem>>[vector<16xi32>, vector<16xi32>], vector<16xf32>,
        %sub3A_1258 = arith.subf %gather3A_1256, %gather3A_1257 : vector<16xf32>
        %abs3A_1259 = math.absf %sub3A_1258 : vector<16xf32>
        %slice3A_1260 = vector.extract_strided_slice %get3A_17 {offsets = [14], sizes = [1], strides = [1]} : vector<16xf32> to vector<1xf32>
        %squeeze3A_1261 = vector.extract %slice3A_1260[0] : f32 from vector<1xf32>
        %mul3A_1262 = vector.broadcast %squeeze3A_1261 : f32 to vector<16xf32>
        %mul3A_1263 = arith.mulf %abs3A_1259, %mul3A_1262 : vector<16xf32>
        %add3A_1264 = arith.addf %add3A_1253, %mul3A_1263 : vector<16xf32>
        %broadcast_in_dim3A_1265 = arith.constant 111 : i32
        %broadcast_in_dim3A_1266 = vector.broadcast %broadcast_in_dim3A_1265 : i32 to vector<16xi32>
        %gather3A_1267 = tpu.vector_load_idx %arg10[%add3A_49, %broadcast_in_dim3A_1266] : memref<80x128xf32, #tpu.memory_space<vmem>>[vector<16xi32>, vector<16xi32>], vector<16xf32>,
        %gather3A_1268 = tpu.vector_load_idx %arg11[%add3A_49, %broadcast_in_dim3A_1266] : memref<80x128xf32, #tpu.memory_space<vmem>>[vector<16xi32>, vector<16xi32>], vector<16xf32>,
        %sub3A_1269 = arith.subf %gather3A_1267, %gather3A_1268 : vector<16xf32>
        %abs3A_1270 = math.absf %sub3A_1269 : vector<16xf32>
        %slice3A_1271 = vector.extract_strided_slice %get3A_17 {offsets = [15], sizes = [1], strides = [1]} : vector<16xf32> to vector<1xf32>
        %squeeze3A_1272 = vector.extract %slice3A_1271[0] : f32 from vector<1xf32>
        %mul3A_1273 = vector.broadcast %squeeze3A_1272 : f32 to vector<16xf32>
        %mul3A_1274 = arith.mulf %abs3A_1270, %mul3A_1273 : vector<16xf32>
        %add3A_1275 = arith.addf %add3A_1264, %mul3A_1274 : vector<16xf32>
        %broadcast_in_dim3A_1276 = arith.constant 112 : i32
        %broadcast_in_dim3A_1277 = vector.broadcast %broadcast_in_dim3A_1276 : i32 to vector<16xi32>
        %gather3A_1278 = tpu.vector_load_idx %arg10[%add3A_49, %broadcast_in_dim3A_1277] : memref<80x128xf32, #tpu.memory_space<vmem>>[vector<16xi32>, vector<16xi32>], vector<16xf32>,
        %gather3A_1279 = tpu.vector_load_idx %arg11[%add3A_49, %broadcast_in_dim3A_1277] : memref<80x128xf32, #tpu.memory_space<vmem>>[vector<16xi32>, vector<16xi32>], vector<16xf32>,
        %sub3A_1280 = arith.subf %gather3A_1278, %gather3A_1279 : vector<16xf32>
        %abs3A_1281 = math.absf %sub3A_1280 : vector<16xf32>
        %slice3A_1282 = vector.extract_strided_slice %get3A_19 {offsets = [0], sizes = [1], strides = [1]} : vector<16xf32> to vector<1xf32>
        %squeeze3A_1283 = vector.extract %slice3A_1282[0] : f32 from vector<1xf32>
        %mul3A_1284 = vector.broadcast %squeeze3A_1283 : f32 to vector<16xf32>
        %mul3A_1285 = arith.mulf %abs3A_1281, %mul3A_1284 : vector<16xf32>
        %add3A_1286 = arith.addf %add3A_1275, %mul3A_1285 : vector<16xf32>
        %broadcast_in_dim3A_1287 = arith.constant 113 : i32
        %broadcast_in_dim3A_1288 = vector.broadcast %broadcast_in_dim3A_1287 : i32 to vector<16xi32>
        %gather3A_1289 = tpu.vector_load_idx %arg10[%add3A_49, %broadcast_in_dim3A_1288] : memref<80x128xf32, #tpu.memory_space<vmem>>[vector<16xi32>, vector<16xi32>], vector<16xf32>,
        %gather3A_1290 = tpu.vector_load_idx %arg11[%add3A_49, %broadcast_in_dim3A_1288] : memref<80x128xf32, #tpu.memory_space<vmem>>[vector<16xi32>, vector<16xi32>], vector<16xf32>,
        %sub3A_1291 = arith.subf %gather3A_1289, %gather3A_1290 : vector<16xf32>
        %abs3A_1292 = math.absf %sub3A_1291 : vector<16xf32>
        %slice3A_1293 = vector.extract_strided_slice %get3A_19 {offsets = [1], sizes = [1], strides = [1]} : vector<16xf32> to vector<1xf32>
        %squeeze3A_1294 = vector.extract %slice3A_1293[0] : f32 from vector<1xf32>
        %mul3A_1295 = vector.broadcast %squeeze3A_1294 : f32 to vector<16xf32>
        %mul3A_1296 = arith.mulf %abs3A_1292, %mul3A_1295 : vector<16xf32>
        %add3A_1297 = arith.addf %add3A_1286, %mul3A_1296 : vector<16xf32>
        %broadcast_in_dim3A_1298 = arith.constant 114 : i32
        %broadcast_in_dim3A_1299 = vector.broadcast %broadcast_in_dim3A_1298 : i32 to vector<16xi32>
        %gather3A_1300 = tpu.vector_load_idx %arg10[%add3A_49, %broadcast_in_dim3A_1299] : memref<80x128xf32, #tpu.memory_space<vmem>>[vector<16xi32>, vector<16xi32>], vector<16xf32>,
        %gather3A_1301 = tpu.vector_load_idx %arg11[%add3A_49, %broadcast_in_dim3A_1299] : memref<80x128xf32, #tpu.memory_space<vmem>>[vector<16xi32>, vector<16xi32>], vector<16xf32>,
        %sub3A_1302 = arith.subf %gather3A_1300, %gather3A_1301 : vector<16xf32>
        %abs3A_1303 = math.absf %sub3A_1302 : vector<16xf32>
        %slice3A_1304 = vector.extract_strided_slice %get3A_19 {offsets = [2], sizes = [1], strides = [1]} : vector<16xf32> to vector<1xf32>
        %squeeze3A_1305 = vector.extract %slice3A_1304[0] : f32 from vector<1xf32>
        %mul3A_1306 = vector.broadcast %squeeze3A_1305 : f32 to vector<16xf32>
        %mul3A_1307 = arith.mulf %abs3A_1303, %mul3A_1306 : vector<16xf32>
        %add3A_1308 = arith.addf %add3A_1297, %mul3A_1307 : vector<16xf32>
        %broadcast_in_dim3A_1309 = arith.constant 115 : i32
        %broadcast_in_dim3A_1310 = vector.broadcast %broadcast_in_dim3A_1309 : i32 to vector<16xi32>
        %gather3A_1311 = tpu.vector_load_idx %arg10[%add3A_49, %broadcast_in_dim3A_1310] : memref<80x128xf32, #tpu.memory_space<vmem>>[vector<16xi32>, vector<16xi32>], vector<16xf32>,
        %gather3A_1312 = tpu.vector_load_idx %arg11[%add3A_49, %broadcast_in_dim3A_1310] : memref<80x128xf32, #tpu.memory_space<vmem>>[vector<16xi32>, vector<16xi32>], vector<16xf32>,
        %sub3A_1313 = arith.subf %gather3A_1311, %gather3A_1312 : vector<16xf32>
        %abs3A_1314 = math.absf %sub3A_1313 : vector<16xf32>
        %slice3A_1315 = vector.extract_strided_slice %get3A_19 {offsets = [3], sizes = [1], strides = [1]} : vector<16xf32> to vector<1xf32>
        %squeeze3A_1316 = vector.extract %slice3A_1315[0] : f32 from vector<1xf32>
        %mul3A_1317 = vector.broadcast %squeeze3A_1316 : f32 to vector<16xf32>
        %mul3A_1318 = arith.mulf %abs3A_1314, %mul3A_1317 : vector<16xf32>
        %add3A_1319 = arith.addf %add3A_1308, %mul3A_1318 : vector<16xf32>
        %broadcast_in_dim3A_1320 = arith.constant 116 : i32
        %broadcast_in_dim3A_1321 = vector.broadcast %broadcast_in_dim3A_1320 : i32 to vector<16xi32>
        %gather3A_1322 = tpu.vector_load_idx %arg10[%add3A_49, %broadcast_in_dim3A_1321] : memref<80x128xf32, #tpu.memory_space<vmem>>[vector<16xi32>, vector<16xi32>], vector<16xf32>,
        %gather3A_1323 = tpu.vector_load_idx %arg11[%add3A_49, %broadcast_in_dim3A_1321] : memref<80x128xf32, #tpu.memory_space<vmem>>[vector<16xi32>, vector<16xi32>], vector<16xf32>,
        %sub3A_1324 = arith.subf %gather3A_1322, %gather3A_1323 : vector<16xf32>
        %abs3A_1325 = math.absf %sub3A_1324 : vector<16xf32>
        %slice3A_1326 = vector.extract_strided_slice %get3A_19 {offsets = [4], sizes = [1], strides = [1]} : vector<16xf32> to vector<1xf32>
        %squeeze3A_1327 = vector.extract %slice3A_1326[0] : f32 from vector<1xf32>
        %mul3A_1328 = vector.broadcast %squeeze3A_1327 : f32 to vector<16xf32>
        %mul3A_1329 = arith.mulf %abs3A_1325, %mul3A_1328 : vector<16xf32>
        %add3A_1330 = arith.addf %add3A_1319, %mul3A_1329 : vector<16xf32>
        %broadcast_in_dim3A_1331 = arith.constant 117 : i32
        %broadcast_in_dim3A_1332 = vector.broadcast %broadcast_in_dim3A_1331 : i32 to vector<16xi32>
        %gather3A_1333 = tpu.vector_load_idx %arg10[%add3A_49, %broadcast_in_dim3A_1332] : memref<80x128xf32, #tpu.memory_space<vmem>>[vector<16xi32>, vector<16xi32>], vector<16xf32>,
        %gather3A_1334 = tpu.vector_load_idx %arg11[%add3A_49, %broadcast_in_dim3A_1332] : memref<80x128xf32, #tpu.memory_space<vmem>>[vector<16xi32>, vector<16xi32>], vector<16xf32>,
        %sub3A_1335 = arith.subf %gather3A_1333, %gather3A_1334 : vector<16xf32>
        %abs3A_1336 = math.absf %sub3A_1335 : vector<16xf32>
        %slice3A_1337 = vector.extract_strided_slice %get3A_19 {offsets = [5], sizes = [1], strides = [1]} : vector<16xf32> to vector<1xf32>
        %squeeze3A_1338 = vector.extract %slice3A_1337[0] : f32 from vector<1xf32>
        %mul3A_1339 = vector.broadcast %squeeze3A_1338 : f32 to vector<16xf32>
        %mul3A_1340 = arith.mulf %abs3A_1336, %mul3A_1339 : vector<16xf32>
        %add3A_1341 = arith.addf %add3A_1330, %mul3A_1340 : vector<16xf32>
        %broadcast_in_dim3A_1342 = arith.constant 118 : i32
        %broadcast_in_dim3A_1343 = vector.broadcast %broadcast_in_dim3A_1342 : i32 to vector<16xi32>
        %gather3A_1344 = tpu.vector_load_idx %arg10[%add3A_49, %broadcast_in_dim3A_1343] : memref<80x128xf32, #tpu.memory_space<vmem>>[vector<16xi32>, vector<16xi32>], vector<16xf32>,
        %gather3A_1345 = tpu.vector_load_idx %arg11[%add3A_49, %broadcast_in_dim3A_1343] : memref<80x128xf32, #tpu.memory_space<vmem>>[vector<16xi32>, vector<16xi32>], vector<16xf32>,
        %sub3A_1346 = arith.subf %gather3A_1344, %gather3A_1345 : vector<16xf32>
        %abs3A_1347 = math.absf %sub3A_1346 : vector<16xf32>
        %slice3A_1348 = vector.extract_strided_slice %get3A_19 {offsets = [6], sizes = [1], strides = [1]} : vector<16xf32> to vector<1xf32>
        %squeeze3A_1349 = vector.extract %slice3A_1348[0] : f32 from vector<1xf32>
        %mul3A_1350 = vector.broadcast %squeeze3A_1349 : f32 to vector<16xf32>
        %mul3A_1351 = arith.mulf %abs3A_1347, %mul3A_1350 : vector<16xf32>
        %add3A_1352 = arith.addf %add3A_1341, %mul3A_1351 : vector<16xf32>
        %broadcast_in_dim3A_1353 = arith.constant 119 : i32
        %broadcast_in_dim3A_1354 = vector.broadcast %broadcast_in_dim3A_1353 : i32 to vector<16xi32>
        %gather3A_1355 = tpu.vector_load_idx %arg10[%add3A_49, %broadcast_in_dim3A_1354] : memref<80x128xf32, #tpu.memory_space<vmem>>[vector<16xi32>, vector<16xi32>], vector<16xf32>,
        %gather3A_1356 = tpu.vector_load_idx %arg11[%add3A_49, %broadcast_in_dim3A_1354] : memref<80x128xf32, #tpu.memory_space<vmem>>[vector<16xi32>, vector<16xi32>], vector<16xf32>,
        %sub3A_1357 = arith.subf %gather3A_1355, %gather3A_1356 : vector<16xf32>
        %abs3A_1358 = math.absf %sub3A_1357 : vector<16xf32>
        %slice3A_1359 = vector.extract_strided_slice %get3A_19 {offsets = [7], sizes = [1], strides = [1]} : vector<16xf32> to vector<1xf32>
        %squeeze3A_1360 = vector.extract %slice3A_1359[0] : f32 from vector<1xf32>
        %mul3A_1361 = vector.broadcast %squeeze3A_1360 : f32 to vector<16xf32>
        %mul3A_1362 = arith.mulf %abs3A_1358, %mul3A_1361 : vector<16xf32>
        %add3A_1363 = arith.addf %add3A_1352, %mul3A_1362 : vector<16xf32>
        %broadcast_in_dim3A_1364 = arith.constant 120 : i32
        %broadcast_in_dim3A_1365 = vector.broadcast %broadcast_in_dim3A_1364 : i32 to vector<16xi32>
        %gather3A_1366 = tpu.vector_load_idx %arg10[%add3A_49, %broadcast_in_dim3A_1365] : memref<80x128xf32, #tpu.memory_space<vmem>>[vector<16xi32>, vector<16xi32>], vector<16xf32>,
        %gather3A_1367 = tpu.vector_load_idx %arg11[%add3A_49, %broadcast_in_dim3A_1365] : memref<80x128xf32, #tpu.memory_space<vmem>>[vector<16xi32>, vector<16xi32>], vector<16xf32>,
        %sub3A_1368 = arith.subf %gather3A_1366, %gather3A_1367 : vector<16xf32>
        %abs3A_1369 = math.absf %sub3A_1368 : vector<16xf32>
        %slice3A_1370 = vector.extract_strided_slice %get3A_19 {offsets = [8], sizes = [1], strides = [1]} : vector<16xf32> to vector<1xf32>
        %squeeze3A_1371 = vector.extract %slice3A_1370[0] : f32 from vector<1xf32>
        %mul3A_1372 = vector.broadcast %squeeze3A_1371 : f32 to vector<16xf32>
        %mul3A_1373 = arith.mulf %abs3A_1369, %mul3A_1372 : vector<16xf32>
        %add3A_1374 = arith.addf %add3A_1363, %mul3A_1373 : vector<16xf32>
        %broadcast_in_dim3A_1375 = arith.constant 121 : i32
        %broadcast_in_dim3A_1376 = vector.broadcast %broadcast_in_dim3A_1375 : i32 to vector<16xi32>
        %gather3A_1377 = tpu.vector_load_idx %arg10[%add3A_49, %broadcast_in_dim3A_1376] : memref<80x128xf32, #tpu.memory_space<vmem>>[vector<16xi32>, vector<16xi32>], vector<16xf32>,
        %gather3A_1378 = tpu.vector_load_idx %arg11[%add3A_49, %broadcast_in_dim3A_1376] : memref<80x128xf32, #tpu.memory_space<vmem>>[vector<16xi32>, vector<16xi32>], vector<16xf32>,
        %sub3A_1379 = arith.subf %gather3A_1377, %gather3A_1378 : vector<16xf32>
        %abs3A_1380 = math.absf %sub3A_1379 : vector<16xf32>
        %slice3A_1381 = vector.extract_strided_slice %get3A_19 {offsets = [9], sizes = [1], strides = [1]} : vector<16xf32> to vector<1xf32>
        %squeeze3A_1382 = vector.extract %slice3A_1381[0] : f32 from vector<1xf32>
        %mul3A_1383 = vector.broadcast %squeeze3A_1382 : f32 to vector<16xf32>
        %mul3A_1384 = arith.mulf %abs3A_1380, %mul3A_1383 : vector<16xf32>
        %add3A_1385 = arith.addf %add3A_1374, %mul3A_1384 : vector<16xf32>
        %broadcast_in_dim3A_1386 = arith.constant 122 : i32
        %broadcast_in_dim3A_1387 = vector.broadcast %broadcast_in_dim3A_1386 : i32 to vector<16xi32>
        %gather3A_1388 = tpu.vector_load_idx %arg10[%add3A_49, %broadcast_in_dim3A_1387] : memref<80x128xf32, #tpu.memory_space<vmem>>[vector<16xi32>, vector<16xi32>], vector<16xf32>,
        %gather3A_1389 = tpu.vector_load_idx %arg11[%add3A_49, %broadcast_in_dim3A_1387] : memref<80x128xf32, #tpu.memory_space<vmem>>[vector<16xi32>, vector<16xi32>], vector<16xf32>,
        %sub3A_1390 = arith.subf %gather3A_1388, %gather3A_1389 : vector<16xf32>
        %abs3A_1391 = math.absf %sub3A_1390 : vector<16xf32>
        %slice3A_1392 = vector.extract_strided_slice %get3A_19 {offsets = [10], sizes = [1], strides = [1]} : vector<16xf32> to vector<1xf32>
        %squeeze3A_1393 = vector.extract %slice3A_1392[0] : f32 from vector<1xf32>
        %mul3A_1394 = vector.broadcast %squeeze3A_1393 : f32 to vector<16xf32>
        %mul3A_1395 = arith.mulf %abs3A_1391, %mul3A_1394 : vector<16xf32>
        %add3A_1396 = arith.addf %add3A_1385, %mul3A_1395 : vector<16xf32>
        %broadcast_in_dim3A_1397 = arith.constant 123 : i32
        %broadcast_in_dim3A_1398 = vector.broadcast %broadcast_in_dim3A_1397 : i32 to vector<16xi32>
        %gather3A_1399 = tpu.vector_load_idx %arg10[%add3A_49, %broadcast_in_dim3A_1398] : memref<80x128xf32, #tpu.memory_space<vmem>>[vector<16xi32>, vector<16xi32>], vector<16xf32>,
        %gather3A_1400 = tpu.vector_load_idx %arg11[%add3A_49, %broadcast_in_dim3A_1398] : memref<80x128xf32, #tpu.memory_space<vmem>>[vector<16xi32>, vector<16xi32>], vector<16xf32>,
        %sub3A_1401 = arith.subf %gather3A_1399, %gather3A_1400 : vector<16xf32>
        %abs3A_1402 = math.absf %sub3A_1401 : vector<16xf32>
        %slice3A_1403 = vector.extract_strided_slice %get3A_19 {offsets = [11], sizes = [1], strides = [1]} : vector<16xf32> to vector<1xf32>
        %squeeze3A_1404 = vector.extract %slice3A_1403[0] : f32 from vector<1xf32>
        %mul3A_1405 = vector.broadcast %squeeze3A_1404 : f32 to vector<16xf32>
        %mul3A_1406 = arith.mulf %abs3A_1402, %mul3A_1405 : vector<16xf32>
        %add3A_1407 = arith.addf %add3A_1396, %mul3A_1406 : vector<16xf32>
        %broadcast_in_dim3A_1408 = arith.constant 124 : i32
        %broadcast_in_dim3A_1409 = vector.broadcast %broadcast_in_dim3A_1408 : i32 to vector<16xi32>
        %gather3A_1410 = tpu.vector_load_idx %arg10[%add3A_49, %broadcast_in_dim3A_1409] : memref<80x128xf32, #tpu.memory_space<vmem>>[vector<16xi32>, vector<16xi32>], vector<16xf32>,
        %gather3A_1411 = tpu.vector_load_idx %arg11[%add3A_49, %broadcast_in_dim3A_1409] : memref<80x128xf32, #tpu.memory_space<vmem>>[vector<16xi32>, vector<16xi32>], vector<16xf32>,
        %sub3A_1412 = arith.subf %gather3A_1410, %gather3A_1411 : vector<16xf32>
        %abs3A_1413 = math.absf %sub3A_1412 : vector<16xf32>
        %slice3A_1414 = vector.extract_strided_slice %get3A_19 {offsets = [12], sizes = [1], strides = [1]} : vector<16xf32> to vector<1xf32>
        %squeeze3A_1415 = vector.extract %slice3A_1414[0] : f32 from vector<1xf32>
        %mul3A_1416 = vector.broadcast %squeeze3A_1415 : f32 to vector<16xf32>
        %mul3A_1417 = arith.mulf %abs3A_1413, %mul3A_1416 : vector<16xf32>
        %add3A_1418 = arith.addf %add3A_1407, %mul3A_1417 : vector<16xf32>
        %broadcast_in_dim3A_1419 = arith.constant 125 : i32
        %broadcast_in_dim3A_1420 = vector.broadcast %broadcast_in_dim3A_1419 : i32 to vector<16xi32>
        %gather3A_1421 = tpu.vector_load_idx %arg10[%add3A_49, %broadcast_in_dim3A_1420] : memref<80x128xf32, #tpu.memory_space<vmem>>[vector<16xi32>, vector<16xi32>], vector<16xf32>,
        %gather3A_1422 = tpu.vector_load_idx %arg11[%add3A_49, %broadcast_in_dim3A_1420] : memref<80x128xf32, #tpu.memory_space<vmem>>[vector<16xi32>, vector<16xi32>], vector<16xf32>,
        %sub3A_1423 = arith.subf %gather3A_1421, %gather3A_1422 : vector<16xf32>
        %abs3A_1424 = math.absf %sub3A_1423 : vector<16xf32>
        %slice3A_1425 = vector.extract_strided_slice %get3A_19 {offsets = [13], sizes = [1], strides = [1]} : vector<16xf32> to vector<1xf32>
        %squeeze3A_1426 = vector.extract %slice3A_1425[0] : f32 from vector<1xf32>
        %mul3A_1427 = vector.broadcast %squeeze3A_1426 : f32 to vector<16xf32>
        %mul3A_1428 = arith.mulf %abs3A_1424, %mul3A_1427 : vector<16xf32>
        %add3A_1429 = arith.addf %add3A_1418, %mul3A_1428 : vector<16xf32>
        %broadcast_in_dim3A_1430 = arith.constant 126 : i32
        %broadcast_in_dim3A_1431 = vector.broadcast %broadcast_in_dim3A_1430 : i32 to vector<16xi32>
        %gather3A_1432 = tpu.vector_load_idx %arg10[%add3A_49, %broadcast_in_dim3A_1431] : memref<80x128xf32, #tpu.memory_space<vmem>>[vector<16xi32>, vector<16xi32>], vector<16xf32>,
        %gather3A_1433 = tpu.vector_load_idx %arg11[%add3A_49, %broadcast_in_dim3A_1431] : memref<80x128xf32, #tpu.memory_space<vmem>>[vector<16xi32>, vector<16xi32>], vector<16xf32>,
        %sub3A_1434 = arith.subf %gather3A_1432, %gather3A_1433 : vector<16xf32>
        %abs3A_1435 = math.absf %sub3A_1434 : vector<16xf32>
        %slice3A_1436 = vector.extract_strided_slice %get3A_19 {offsets = [14], sizes = [1], strides = [1]} : vector<16xf32> to vector<1xf32>
        %squeeze3A_1437 = vector.extract %slice3A_1436[0] : f32 from vector<1xf32>
        %mul3A_1438 = vector.broadcast %squeeze3A_1437 : f32 to vector<16xf32>
        %mul3A_1439 = arith.mulf %abs3A_1435, %mul3A_1438 : vector<16xf32>
        %add3A_1440 = arith.addf %add3A_1429, %mul3A_1439 : vector<16xf32>
        %broadcast_in_dim3A_1441 = arith.constant 127 : i32
        %broadcast_in_dim3A_1442 = vector.broadcast %broadcast_in_dim3A_1441 : i32 to vector<16xi32>
        %gather3A_1443 = tpu.vector_load_idx %arg10[%add3A_49, %broadcast_in_dim3A_1442] : memref<80x128xf32, #tpu.memory_space<vmem>>[vector<16xi32>, vector<16xi32>], vector<16xf32>,
        %gather3A_1444 = tpu.vector_load_idx %arg11[%add3A_49, %broadcast_in_dim3A_1442] : memref<80x128xf32, #tpu.memory_space<vmem>>[vector<16xi32>, vector<16xi32>], vector<16xf32>,
        %sub3A_1445 = arith.subf %gather3A_1443, %gather3A_1444 : vector<16xf32>
        %abs3A_1446 = math.absf %sub3A_1445 : vector<16xf32>
        %slice3A_1447 = vector.extract_strided_slice %get3A_19 {offsets = [15], sizes = [1], strides = [1]} : vector<16xf32> to vector<1xf32>
        %squeeze3A_1448 = vector.extract %slice3A_1447[0] : f32 from vector<1xf32>
        %mul3A_1449 = vector.broadcast %squeeze3A_1448 : f32 to vector<16xf32>
        %mul3A_1450 = arith.mulf %abs3A_1446, %mul3A_1449 : vector<16xf32>
        %add3A_1451 = arith.addf %add3A_1440, %mul3A_1450 : vector<16xf32>
        %mul3A_1452 = arith.constant 16 : i32
        %mul3A_1453 = arith.muli %scan3A_45, %mul3A_1452 : i32
        %swap3A = arith.index_cast %mul3A_1453 : i32 to index
        %swap3A_1454 = tpu.vector_load %arg12[%swap3A] {strides = array<i32>} : memref<80xf32, #tpu.memory_space<vmem>>, vector<16xf32>,
        tpu.vector_store %arg12[%swap3A], %add3A_1451 {strides = array<i32>} : memref<80xf32, #tpu.memory_space<vmem>>, vector<16xf32>,
      }
      %scan3A_44 = arith.constant 5 : i32
      "tpu.region"() ({
        %run_scoped3A = tpu.sem_alloc : memref<!tpu.dma_semaphore, #tpu.memory_space<semaphore_mem>>
        %dma_start3A_45 = tpu.memref_slice %arg7[%add3A_28] : memref<320000xf32, #tpu.memory_space<hbm>> -> memref<80xf32, #tpu.memory_space<hbm>>
        %dma_start3A_46 = tpu.memref_slice %arg7[%add3A_28] : memref<320000xf32, #tpu.memory_space<hbm>> -> memref<80xf32, #tpu.memory_space<hbm>>
        tpu.enqueue_dma source(%arg12 : memref<80xf32, #tpu.memory_space<vmem>>) target(%dma_start3A_46 : memref<80xf32, #tpu.memory_space<hbm>>) target_semaphore(%run_scoped3A : memref<!tpu.dma_semaphore, #tpu.memory_space<semaphore_mem>>)
        %dma_wait3A_47 = tpu.memref_slice %arg7[%add3A_28] : memref<320000xf32, #tpu.memory_space<hbm>> -> memref<80xf32, #tpu.memory_space<hbm>>
        %dma_wait3A_48 = tpu.memref_slice %arg7[%add3A_28] : memref<320000xf32, #tpu.memory_space<hbm>> -> memref<80xf32, #tpu.memory_space<hbm>>
        tpu.wait_dma2 semaphore(%run_scoped3A : memref<!tpu.dma_semaphore, #tpu.memory_space<semaphore_mem>>) src(%arg12 : memref<80xf32, #tpu.memory_space<vmem>>) dst(%dma_wait3A_48 : memref<80xf32, #tpu.memory_space<hbm>>)
        tpu.yield
      }) : () -> ()
    }
    %scan3A_24 = arith.constant 125 : i32
    return
  }
}

</mosaic_0001>

<sc_bundles>
// kernel: kernel.3.cloned.1.call-start
scs
__scs_entry_jumppad:
0x0: {  	(pc) =	sbr.rel $0x88, $3  }
0x1: {  	(tag) =	ssettag $0x0;
	lr =	simm.s32 $0x1  }
0x2: {  	[smem:$0x3F9C] =	sst lr;
	_ =	strace $0xD0000000  }
0x3: {  	_ = 	snop  }
0x4: {  	_ = 	snop  }
0x5: {  	_ = 	snop  }
0x6: {  	_ = 	snop  }
0x7: {  	_ = 	snop  }
__scs_overlays_trampoline_lowered:
0x8: {  	[smem:$0x3FAB] =	sst s0  }
0x9: {  	[smem:$0x3FAC] =	sst s1  }
0xa: {  	[smem:$0x3FAD] =	sst s2  }
0xb: {  	[smem:$0x3FAE] =	sst s3  }
0xc: {  	[smem:$0x3FAF] =	sst s4  }
0xd: {  	[smem:$0x3FB0] =	sst s5  }
0xe: {  	[smem:$0x3FB1] =	sst s6  }
0xf: {  	[smem:$0x3FB2] =	sst s7  }
0x10: {  	[smem:$0x3FB3] =	sst s8  }
0x11: {  	[smem:$0x3FB4] =	sst s9;
	s0 =	simm.s32 @!p0 $0x0  }
0x12: {  	s1 =	sld [smem:$0x3F9A];
	s0 =	simm.s32 @p0 $0x1  }
0x13: {  	[smem:$0x3FB5] =	sst s0;
	s0 =	simm.s32 @!p1 $0x0  }
0x14: {  	s2 =	sld [smem:$0x3F99];
	s0 =	simm.s32 @p1 $0x1  }
0x15: {  	[smem:$0x3FB6] =	sst s0;
	s0 =	simm.s32 @!p2 $0x0  }
0x16: {  	s3 =	sld [smem:$0x3FDB];
	s0 =	simm.s32 @p2 $0x1  }
0x17: {  	s4 =	simm.s32 $0x1BF5;
	[smem:$0x3FB8] =	sst s0  }
0x18: {  	s0 =	sld [smem:$0x3F9B];
	_ =	swait.ge [sflag:s4], $0x0  }
0x19: {  	s7 =	sld [smem:$0x3F9C]  }
0x1a: {  	s8 =	sadd.s32 $0xFFFFE003, lr  }
0x1b: {  	s9 =	sadd.s32 $0xFFFFFEF7, lr;
	s5 =	simm.s32 $0xFFFFFFFF;
	p2 =	slt.u32 s8, $0xFFFFF086  }
0x1c: {  	p1 =	slt.u32 s9, $0xF7A;
	s5 =	simm.s32 @!p2 $0x0  }
0x1d: {  	s5 =	simm.s32 @p1 $0x1;
	p0 =	seq.s32 s7, s2  }
0x1e: {  	s7 =	smul.u32 @!p0 $0xF7A, s2;
	p2 =	seq.s32 @!p0 s5, $0x0  }
0x1f: {  	s9 =	smul.u32 $0xF7A, s1;
	s8 =	simm.s32 @!p0 $0x1BF5;
	p2 =	por !p2, p0  }
0x20: {  	[sflag:s8] =	ssyncset.s32 @!p0 $0xFFFFF086;
	s6 =	sadd.s32 @!p0 s3, s7;
	s7 =	simm.s32 @!p0 $0x108  }
0x21: {  	s3 =	sadd.s32 s3, s9;
	s6 =	sadd.s32 @!p0 $0x88, s6;
	s7 =	simm.s32 @p2 $0x1082  }
0x22: {  	[simem:s7], [sflag:s8] =	dma.local @!p0 [hbm:s6], $0xF7A  }
0x23: {  	s9 =	sor.u32 $0xD0000000, s2;
	s6 =	simm.s32 $0x108;
	_ =	swait.ge @!p0 [sflag:s8], $0x0  }
0x24: {  	s3 =	sadd.s32 $0x88, s3;
	s6 =	simm.s32 @!p1 $0x1082;
	[sflag:s4] =	ssyncset.s32 $0xFFFFF086  }
0x25: {  	[simem:s6], [sflag:s4] =	dma.local [hbm:s3], $0xF7A  }
0x26: {  	[smem:$0x3F9C] =	sst s1;
	(tag) =	ssettag s2;
	_ =	strace s9  }
0x27: {  	s1 =	sld [smem:$0x3FAC]  }
0x28: {  	s2 =	sld [smem:$0x3FAD]  }
0x29: {  	s4 =	sld [smem:$0x3FAF]  }
0x2a: {  	p0 =	seq.s32 s5, $0x0;
	s5 =	sld [smem:$0x3FB0]  }
0x2b: {  	s6 =	sld [smem:$0x3FB1]  }
0x2c: {  	s7 =	sld [smem:$0x3FB2]  }
0x2d: {  	s3 =	simm.s32 $0x108;
	s8 =	sld [smem:$0x3FB3]  }
0x2e: {  	s3 =	simm.s32 @!p0 $0x1082;
	s9 =	sld [smem:$0x3FB4]  }
0x2f: {  	lr =	sadd.s32 s0, s3;
	s0 =	sld [smem:$0x3FAB]  }
0x30: {  	s3 =	sld [smem:$0x3FAE]  }
0x31: {  	[smem:$0x3FB7] =	sst s10  }
0x32: {  	s10 =	sld [smem:$0x3FB5];
	_ =	sdelay $0x3  }
0x33: {  	p0 =	seq.s32 s10, $0x1;
	s10 =	sld [smem:$0x3FB7];
	_ =	sdelay $0x3  }
0x34: {  	[smem:$0x3FB7] =	sst s10  }
0x35: {  	s10 =	sld [smem:$0x3FB6];
	_ =	sdelay $0x3  }
0x36: {  	p1 =	seq.s32 s10, $0x1;
	s10 =	sld [smem:$0x3FB7];
	_ =	sdelay $0x3  }
0x37: {  	[smem:$0x3FB7] =	sst s10  }
0x38: {  	s10 =	sld [smem:$0x3FB8]  }
0x39: {  	_ = 	snop;
	(pc) =	sbr.ind lr, $3  }
0x3a: {  	_ = 	snop  }
0x3b: {  	_ = 	snop  }
0x3c: {  	p2 =	seq.s32 s10, $0x1;
	s10 =	sld [smem:$0x3FB7]  }
0x3d: {  	_ =	shalt  }
0x3e: {  	_ =	shalt  }
0x3f: {  	_ =	shalt  }
0x40: {  	_ =	shalt  }
0x41: {  	_ =	shalt  }
0x42: {  	_ =	shalt  }
0x43: {  	_ =	shalt  }
0x44: {  	_ =	shalt  }
0x45: {  	_ =	shalt  }
0x46: {  	_ =	shalt  }
0x47: {  	_ =	shalt  }
0x48: {  	_ =	shalt  }
0x49: {  	_ =	shalt  }
0x4a: {  	_ =	shalt  }
0x4b: {  	_ =	shalt  }
0x4c: {  	_ =	shalt  }
0x4d: {  	_ =	shalt  }
0x4e: {  	_ =	shalt  }
0x4f: {  	_ =	shalt  }
0x50: {  	_ =	shalt  }
0x51: {  	_ =	shalt  }
0x52: {  	_ =	shalt  }
0x53: {  	_ =	shalt  }
0x54: {  	_ =	shalt  }
0x55: {  	_ =	shalt  }
0x56: {  	_ =	shalt  }
0x57: {  	_ =	shalt  }
0x58: {  	_ =	shalt  }
0x59: {  	_ =	shalt  }
0x5a: {  	_ =	shalt  }
0x5b: {  	_ =	shalt  }
0x5c: {  	_ =	shalt  }
0x5d: {  	_ =	shalt  }
0x5e: {  	_ =	shalt  }
0x5f: {  	_ =	shalt  }
0x60: {  	_ =	shalt  }
0x61: {  	_ =	shalt  }
0x62: {  	_ =	shalt  }
0x63: {  	_ =	shalt  }
0x64: {  	_ =	shalt  }
0x65: {  	_ =	shalt  }
0x66: {  	_ =	shalt  }
0x67: {  	_ =	shalt  }
0x68: {  	_ =	shalt  }
0x69: {  	_ =	shalt  }
0x6a: {  	_ =	shalt  }
0x6b: {  	_ =	shalt  }
0x6c: {  	_ =	shalt  }
0x6d: {  	_ =	shalt  }
0x6e: {  	_ =	shalt  }
0x6f: {  	_ =	shalt  }
0x70: {  	_ =	shalt  }
0x71: {  	_ =	shalt  }
0x72: {  	_ =	shalt  }
0x73: {  	_ =	shalt  }
0x74: {  	_ =	shalt  }
0x75: {  	_ =	shalt  }
0x76: {  	_ =	shalt  }
0x77: {  	_ =	shalt  }
0x78: {  	_ =	shalt  }
0x79: {  	_ =	shalt  }
0x7a: {  	_ =	shalt  }
0x7b: {  	_ =	shalt  }
0x7c: {  	_ =	shalt  }
0x7d: {  	_ =	shalt  }
0x7e: {  	_ =	shalt  }
0x7f: {  	_ =	shalt  }
0x80: {  	_ =	shalt  }
0x81: {  	_ =	shalt  }
0x82: {  	_ =	shalt  }
0x83: {  	_ =	shalt  }
0x84: {  	_ =	shalt  }
0x85: {  	_ =	shalt  }
0x86: {  	_ =	shalt  }
0x87: {  	_ =	shalt  }
.Lfunc_end0:
.L_simem_size_0:
called_computation_lowered:
.L_overlay_start_0:
0x88: {  	s2 =	sld [smem:$0x3FD9]  }
0x89: {  	s3 =	sld [smem:$0x3FFE];
	_ =	sdelay $0x1  }
0x8a: {  	s1 =	srdreg.scid  }
0x8b: {  	s0 =	sand.u32 $0x1, s1  }
0x8c: {  	s17 =	sshll.u32 s0, $0xA;
	s2 =	sadd.s32 s3, s2  }
0x8d: {  	s2 =	sadd.s32 s2, s17  }
0x8e: {  	[smem:$0x3FC3] =	sst s2  }
0x8f: {  	_ = 	snop  }
0x90: {  	s2 =	sld [smem:$0x3FC9]  }
0x91: {  	s18 =	sld [smem:$0x3FC8]  }
0x92: {  	s4 =	sld [smem:$0x3FC7]  }
0x93: {  	s5 =	sld [smem:$0x3FC6];
	(tm) =	ssettm $0x1  }
0x94: {  	s6 =	sld [smem:$0x3FFB];
	_ =	sdelay $0x3  }
0x95: {  	_ =	strace s6  }
0x96: {  	s6 =	sld [smem:$0x3FFC];
	_ =	sdelay $0x3  }
0x97: {  	_ =	strace s6  }
0x98: {  	s6 =	sld [smem:$0x3FFD];
	_ =	sdelay $0x3  }
0x99: {  	_ =	strace s6  }
0x9a: {  	_ =	strace $0x8FFFFFFF  }
0x9b: {  	s19 =	sld [smem:$0x3FDB];
	_ =	sdelay $0x1  }
0x9c: {  	s7 =	simm.s32 $_scs_section_size  }
0x9d: {  	s8 =	simm.s32 $_size__tile_overlayer_lowered;
	s9 =	simm.s32 $_tile_overlayer_lowered  }
0x9e: {  	s22 =	simm.s32 $0x1BFF;
	s21 =	sshll.u32 s9, $0x1;
	s6 =	sadd.s32 s7, s19  }
0x9f: {  	s10 =	simm.s32 $0x0;
	s20 =	sshll.u32 s8, $0x1;
	s8 =	sadd.s32 s21, s6  }
0xa0: {  	[timem:s10], [sflag:s22] =	dma.local [hbm:s8], s20  }
0xa1: {  	_ =	swait.ge [sflag:s22], s20  }
0xa2: {  	s7 =	ssub.s32 $0x0, s20;
	[sflag:s22] =	ssyncset.done $0x0  }
0xa3: {  	[sflag:s22] =	ssyncadd.s32 s7;
	_ =	sdelay $0x1  }
0xa4: {  	s23 =	simm.s32 $0x1B8B  }
0xa5: {  	_ =	swait.ge [sflag:s23], $0x1  }
0xa6: {  	[sflag:s23] =	ssyncset.done $0x0  }
0xa7: {  	s25 =	simm.s32 $0x1B8E;
	s24 =	sld [smem:$0x3FFE];
	[sflag:s23] =	ssyncadd.s32 $0xFFFFFFFF  }
0xa8: {  	s26 =	simm.s32 $execute0_lowered;
	[smem:$0x3FD2] =	sst s25  }
0xa9: {  	s8 =	sshll.u32 s26, $0x1;
	_ =	strace $0x80000046;
	[dreg:$0x1] =	wrdreg $0xFFFFFFFF  }
0xaa: {  	s28 =	simm.s32 $_size_execute0_lowered;
	s6 =	sadd.s32 s6, s8;
	[dreg:$0x0] =	wrdreg $0x0  }
0xab: {  	s8 =	sshll.u32 s28, $0x1;
	[dreg:$0x2] =	wrdreg s6  }
0xac: {  	[dreg:$0x3] =	wrdreg s8  }
0xad: {  	[dreg:$0x4] =	wrdreg $0xC0  }
0xae: {  	_ =	task [dreg:s10], $0x5FFFF  }
0xaf: {  	[dreg:$0x1] =	wrdreg $0xFFFFFFFF  }
0xb0: {  	[dreg:$0x0] =	wrdreg $0x60  }
0xb1: {  	[dreg:$0x2] =	wrdreg s2  }
0xb2: {  	[dreg:$0x3] =	wrdreg s18  }
0xb3: {  	[dreg:$0x4] =	wrdreg s4  }
0xb4: {  	[dreg:$0x5] =	wrdreg s5  }
0xb5: {  	[dreg:$0x6] =	wrdreg s24  }
0xb6: {  	[dreg:$0x7] =	wrdreg $0x9  }
0xb7: {  	_ =	task.clear_ibuf [dreg:s10], $0x8FFFF;
	_ =	strace $0x90000046  }
0xb8: {  	s29 =	simm.s32 $0x9;
	_ =	strace $0x80000048  }
0xb9: {  	_ =	swait.ge [sflag:s29], $0x1  }
0xba: {  	[sflag:s29] =	ssyncadd.s32 $0xFFFFFFFF  }
0xbb: {  	_ =	strace $0x90000048  }
0xbc: {  	_ =	sfence  }
0xbd: {  	s30 =	sld [smem:$0x0];
	_ =	sdelay $0x2  }
0xbe: {  	s31 =	sshll.u32 s1, $0xD;
	s1 =	sshrl.u32 s1, $0x2  }
0xbf: {  	s3 =	sand.u32 $0x4000, s31;
	s1 =	sadd.s32 s1, s30  }
0xc0: {  	s0 =	sor.u32 s3, s0;
	s1 =	sshll.u32 s1, $0x11  }
0xc1: {  	s0 =	sor.u32 s1, s0  }
0xc2: {  	s0 =	sadd.s32 $0x8F2B, s0  }
0xc3: {  	[sflag:s0] =	ssyncadd.remote.s32 $0x1  }
0xc4: {  	_ =	sfence.sel $0xFFFF  }
0xc5: {  	[dreg:$0x0] =	wrdreg $0xFFFFFFFF;
	(pc) =	sbr.abs _section_cstart, $3  }
0xc6: {  	[dreg:$0x1] =	wrdreg $0xFFFFFFFF  }
0xc7: {  	_ =	task.clear_ibuf [dreg:s10], $0x2FFFF;
	_ =	strace $0x9FFFFFFF  }
0xc8: {  	(tm) =	ssettm $0x7FFFFFFF  }
0xc9: {  	_ =	shalt  }
tec
execute0_lowered:
.L_overlay_start_1:
0x0: {  	(tag) =	ssettag $0x1  }
0x1: {  	s1 =	rddreg [dreg:$0x0]  }
0x2: {  	s2 =	rddreg [dreg:$0x1]  }
0x3: {  	s3 =	rddreg [dreg:$0x2]  }
0x4: {  	s4 =	rddreg [dreg:$0x3]  }
0x5: {  	s8 =	rddreg [dreg:$0x4]  }
0x6: {  	s0 =	rddreg [dreg:$0x5];
	s6 =	simm.s32 $0x0;
	s7 =	srdreg.scid  }
0x7: {  	s5 =	stileid.u32;
	s13 =	simm.s32 $0x5200;
	s14 =	simm.s32 $0x80  }
0x8: {  	s15 =	simm.s32 $0x50;
	s16 =	simm.s32 $0x100;
	s17 =	simm.s32 $0x2900  }
0x9: {  	s18 =	simm.s32 $0x1;
	s19 =	simm.s32 $0x2;
	s20 =	simm.s32 $0x5100  }
0xa: {  	s21 =	simm.s32 $0x0;
	[smem:$0x7FF] =	sst s6;
	s9 =	sand.u32 $0x1, s7  }
0xb: {  	s11 =	sshll.u32 s5, $0x1;
	s7 =	sadd.s32 $0x400, s8;
	s10 =	ssub.s32 $0x2, s9  }
0xc: {  	s8 =	sadd.s32 $0x600, s8;
	_ =	strace $0x80000047;
	s12 =	sshrl.u32 s10, $0x1  }
0xd: {  	v0 =	vlaneseq.u32;
	s9 =	sor.u32 s9, s11;
	s11 =	simm.s32 $0x5180;
	s10 =	ssub.s32 s10, s12  }
0xe: {  	v15 =	vmul.u32 $0x80, v0;
	s9 =	smul.u32 $0x2710, s9;
	s12 =	simm.s32 $0x3;
	s10 =	smax.u32 s10, $0x1  }
.LBB2_1:
0xf: {  	[tilespmem:s11], [sflag:$0x3] =	stream.linear.gather [hbm4b:s4+s6], $0x80, $0x38;
	[tilespmem:$0x5280] =	vst v63  }
0x10: {  	_ =	swait.ge [sflag:s12], $0x80  }
0x11: {  	[sflag:s12] =	ssyncset.done $0x0  }
0x12: {  	[sflag:s12] =	ssyncadd.s32 $0xFFFFFF80  }
0x13: {  	[tilespmem:s13], [sflag:$0x3] =	stream.linear.gather [hbm4b:s7+s6], $0x80, $0x38;
	[tilespmem:$0x5280] =	vst v63  }
0x14: {  	_ =	swait.ge [sflag:s12], $0x80  }
0x15: {  	[sflag:s12] =	ssyncset.done $0x0  }
0x16: {  	[sflag:s12] =	ssyncadd.s32 $0xFFFFFF80  }
0x17: {  	v0 =	vld [tilespmem:$0x5180];
	_ =	sdelay $0x4  }
0x18: {  	v2 =	vbroadcast v0, $0x6  }
0x19: {  	v1 =	vbroadcast v0, $0x0  }
0x1a: {  	[tilespmem:$0x1F950] =	vst v2;
	v2 =	vbroadcast v0, $0x7  }
0x1b: {  	[tilespmem:$0x1F8F0] =	vst v1;
	v1 =	vbroadcast v0, $0x1  }
0x1c: {  	[tilespmem:$0x1F960] =	vst v2;
	v2 =	vbroadcast v0, $0x8  }
0x1d: {  	[tilespmem:$0x1F900] =	vst v1;
	v1 =	vbroadcast v0, $0x2  }
0x1e: {  	[tilespmem:$0x1F970] =	vst v2;
	v2 =	vbroadcast v0, $0x9  }
0x1f: {  	[tilespmem:$0x1F910] =	vst v1;
	v1 =	vbroadcast v0, $0x3  }
0x20: {  	[tilespmem:$0x1F980] =	vst v2;
	v2 =	vbroadcast v0, $0xA  }
0x21: {  	[tilespmem:$0x1F920] =	vst v1;
	v1 =	vbroadcast v0, $0x4  }
0x22: {  	[tilespmem:$0x1F990] =	vst v2;
	v2 =	vbroadcast v0, $0xB  }
0x23: {  	[tilespmem:$0x1F930] =	vst v1;
	v1 =	vbroadcast v0, $0x5  }
0x24: {  	[tilespmem:$0x1F9A0] =	vst v2;
	v2 =	vbroadcast v0, $0xC  }
0x25: {  	[tilespmem:$0x1F940] =	vst v1;
	v1 =	vld [tilespmem:$0x5190]  }
0x26: {  	[tilespmem:$0x1F9B0] =	vst v2;
	v2 =	vbroadcast v0, $0xD;
	_ =	sdelay $0x1  }
0x27: {  	[tilespmem:$0x1F9C0] =	vst v2;
	v2 =	vbroadcast v0, $0xE  }
0x28: {  	v0 =	vbroadcast v0, $0xF  }
0x29: {  	[tilespmem:$0x1F9D0] =	vst v2;
	v2 =	vbroadcast v1, $0x6  }
0x2a: {  	[tilespmem:$0x1F9E0] =	vst v0;
	v0 =	vbroadcast v1, $0x0  }
0x2b: {  	[tilespmem:$0x1FA50] =	vst v2;
	v2 =	vbroadcast v1, $0x7  }
0x2c: {  	[tilespmem:$0x1F9F0] =	vst v0;
	v0 =	vbroadcast v1, $0x1  }
0x2d: {  	[tilespmem:$0x1FA60] =	vst v2;
	v2 =	vbroadcast v1, $0x8  }
0x2e: {  	[tilespmem:$0x1FA00] =	vst v0;
	v0 =	vbroadcast v1, $0x2  }
0x2f: {  	[tilespmem:$0x1FA70] =	vst v2;
	v2 =	vbroadcast v1, $0x9  }
0x30: {  	[tilespmem:$0x1FA10] =	vst v0;
	v0 =	vbroadcast v1, $0x3  }
0x31: {  	[tilespmem:$0x1FA80] =	vst v2;
	v2 =	vbroadcast v1, $0xA  }
0x32: {  	[tilespmem:$0x1FA20] =	vst v0;
	v0 =	vbroadcast v1, $0x4  }
0x33: {  	[tilespmem:$0x1FA90] =	vst v2;
	v2 =	vbroadcast v1, $0xB  }
0x34: {  	[tilespmem:$0x1FA30] =	vst v0;
	v0 =	vbroadcast v1, $0x5  }
0x35: {  	[tilespmem:$0x1FAA0] =	vst v2;
	v2 =	vbroadcast v1, $0xC  }
0x36: {  	[tilespmem:$0x1FA40] =	vst v0;
	v0 =	vld [tilespmem:$0x51A0]  }
0x37: {  	[tilespmem:$0x1FAB0] =	vst v2;
	v2 =	vbroadcast v1, $0xD;
	_ =	sdelay $0x1  }
0x38: {  	[tilespmem:$0x1FAC0] =	vst v2;
	v2 =	vbroadcast v1, $0xE  }
0x39: {  	v1 =	vbroadcast v1, $0xF  }
0x3a: {  	[tilespmem:$0x1FAD0] =	vst v2;
	v2 =	vbroadcast v0, $0x6  }
0x3b: {  	[tilespmem:$0x1FAE0] =	vst v1;
	v1 =	vbroadcast v0, $0x0  }
0x3c: {  	[tilespmem:$0x1FB50] =	vst v2;
	v2 =	vbroadcast v0, $0x7  }
0x3d: {  	[tilespmem:$0x1FAF0] =	vst v1;
	v1 =	vbroadcast v0, $0x1  }
0x3e: {  	[tilespmem:$0x1FB60] =	vst v2;
	v2 =	vbroadcast v0, $0x8  }
0x3f: {  	[tilespmem:$0x1FB00] =	vst v1;
	v1 =	vbroadcast v0, $0x2  }
0x40: {  	[tilespmem:$0x1FB70] =	vst v2;
	v2 =	vbroadcast v0, $0x9  }
0x41: {  	[tilespmem:$0x1FB10] =	vst v1;
	v1 =	vbroadcast v0, $0x3  }
0x42: {  	[tilespmem:$0x1FB80] =	vst v2;
	v2 =	vbroadcast v0, $0xA  }
0x43: {  	[tilespmem:$0x1FB20] =	vst v1;
	v1 =	vbroadcast v0, $0x4  }
0x44: {  	[tilespmem:$0x1FB90] =	vst v2;
	v2 =	vbroadcast v0, $0xB  }
0x45: {  	[tilespmem:$0x1FB30] =	vst v1;
	v1 =	vbroadcast v0, $0x5  }
0x46: {  	[tilespmem:$0x1FBA0] =	vst v2;
	v2 =	vbroadcast v0, $0xC  }
0x47: {  	[tilespmem:$0x1FB40] =	vst v1;
	v1 =	vld [tilespmem:$0x51B0]  }
0x48: {  	[tilespmem:$0x1FBB0] =	vst v2;
	v2 =	vbroadcast v0, $0xD;
	_ =	sdelay $0x1  }
0x49: {  	[tilespmem:$0x1FBC0] =	vst v2;
	v2 =	vbroadcast v0, $0xE  }
0x4a: {  	v0 =	vbroadcast v0, $0xF  }
0x4b: {  	[tilespmem:$0x1FBD0] =	vst v2;
	v2 =	vbroadcast v1, $0x6  }
0x4c: {  	[tilespmem:$0x1FBE0] =	vst v0;
	v0 =	vbroadcast v1, $0x0  }
0x4d: {  	[tilespmem:$0x1FC50] =	vst v2;
	v2 =	vbroadcast v1, $0x7  }
0x4e: {  	[tilespmem:$0x1FBF0] =	vst v0;
	v0 =	vbroadcast v1, $0x1  }
0x4f: {  	[tilespmem:$0x1FC60] =	vst v2;
	v2 =	vbroadcast v1, $0x8  }
0x50: {  	[tilespmem:$0x1FC00] =	vst v0;
	v0 =	vbroadcast v1, $0x2  }
0x51: {  	[tilespmem:$0x1FC70] =	vst v2;
	v2 =	vbroadcast v1, $0x9  }
0x52: {  	[tilespmem:$0x1FC10] =	vst v0;
	v0 =	vbroadcast v1, $0x3  }
0x53: {  	[tilespmem:$0x1FC80] =	vst v2;
	v2 =	vbroadcast v1, $0xA  }
0x54: {  	[tilespmem:$0x1FC20] =	vst v0;
	v0 =	vbroadcast v1, $0x4  }
0x55: {  	[tilespmem:$0x1FC90] =	vst v2;
	v2 =	vbroadcast v1, $0xB  }
0x56: {  	[tilespmem:$0x1FC30] =	vst v0;
	v0 =	vbroadcast v1, $0x5  }
0x57: {  	[tilespmem:$0x1FCA0] =	vst v2;
	v2 =	vbroadcast v1, $0xC  }
0x58: {  	[tilespmem:$0x1FC40] =	vst v0;
	v0 =	vld [tilespmem:$0x51C0]  }
0x59: {  	[tilespmem:$0x1FCB0] =	vst v2;
	v2 =	vbroadcast v1, $0xD;
	_ =	sdelay $0x1  }
0x5a: {  	[tilespmem:$0x1FCC0] =	vst v2;
	v2 =	vbroadcast v1, $0xE  }
0x5b: {  	v1 =	vbroadcast v1, $0xF  }
0x5c: {  	[tilespmem:$0x1FCD0] =	vst v2;
	v2 =	vbroadcast v0, $0x6  }
0x5d: {  	[tilespmem:$0x1FCE0] =	vst v1;
	v1 =	vbroadcast v0, $0x0  }
0x5e: {  	[tilespmem:$0x1FD50] =	vst v2;
	v2 =	vbroadcast v0, $0x7  }
0x5f: {  	[tilespmem:$0x1FCF0] =	vst v1;
	v1 =	vbroadcast v0, $0x1  }
0x60: {  	[tilespmem:$0x1FD60] =	vst v2;
	v2 =	vbroadcast v0, $0x8  }
0x61: {  	[tilespmem:$0x1FD00] =	vst v1;
	v1 =	vbroadcast v0, $0x2  }
0x62: {  	[tilespmem:$0x1FD70] =	vst v2;
	v2 =	vbroadcast v0, $0x9  }
0x63: {  	[tilespmem:$0x1FD10] =	vst v1;
	v1 =	vbroadcast v0, $0x3  }
0x64: {  	[tilespmem:$0x1FD80] =	vst v2;
	v2 =	vbroadcast v0, $0xA  }
0x65: {  	[tilespmem:$0x1FD20] =	vst v1;
	v1 =	vbroadcast v0, $0x4  }
0x66: {  	[tilespmem:$0x1FD90] =	vst v2;
	v2 =	vbroadcast v0, $0xB  }
0x67: {  	[tilespmem:$0x1FD30] =	vst v1;
	v1 =	vbroadcast v0, $0x5  }
0x68: {  	[tilespmem:$0x1FDA0] =	vst v2;
	v2 =	vbroadcast v0, $0xC  }
0x69: {  	[tilespmem:$0x1FD40] =	vst v1;
	v1 =	vld [tilespmem:$0x51D0]  }
0x6a: {  	[tilespmem:$0x1FDB0] =	vst v2;
	v2 =	vbroadcast v0, $0xD;
	_ =	sdelay $0x1  }
0x6b: {  	[tilespmem:$0x1FDC0] =	vst v2;
	v2 =	vbroadcast v0, $0xE  }
0x6c: {  	v0 =	vbroadcast v0, $0xF  }
0x6d: {  	v34 =	vbroadcast v1, $0x1;
	[tilespmem:$0x1FDD0] =	vst v2  }
0x6e: {  	v25 =	vbroadcast v1, $0x0;
	[tilespmem:$0x1FDE0] =	vst v0  }
0x6f: {  	v21 =	vbroadcast v1, $0x2;
	[tilespmem:$0x1FDF0] =	vst v34  }
0x70: {  	v26 =	vbroadcast v1, $0x4;
	[tilespmem:$0x1FE00] =	vst v25  }
0x71: {  	v35 =	vbroadcast v1, $0x3;
	[tilespmem:$0x1FE10] =	vst v21  }
0x72: {  	v36 =	vbroadcast v1, $0x5;
	[tilespmem:$0x1FE20] =	vst v26  }
0x73: {  	v37 =	vbroadcast v1, $0x7;
	[tilespmem:$0x1FE30] =	vst v35  }
0x74: {  	v19 =	vbroadcast v1, $0x6;
	[tilespmem:$0x1FE40] =	vst v36  }
0x75: {  	v27 =	vbroadcast v1, $0x8;
	v38 =	vbroadcast v1, $0x9;
	[tilespmem:$0x1FE50] =	vst v37  }
0x76: {  	v22 =	vbroadcast v1, $0xA;
	v28 =	vbroadcast v1, $0xB;
	[tilespmem:$0x1FE60] =	vst v19  }
0x77: {  	v39 =	vbroadcast v1, $0xC;
	v40 =	vbroadcast v1, $0xD;
	[tilespmem:$0x1FE70] =	vst v27  }
0x78: {  	v18 =	vbroadcast v1, $0xE;
	v41 =	vbroadcast v1, $0xF;
	v1 =	vld [tilespmem:$0x51F0];
	[tilespmem:$0x1FE80] =	vst v22  }
0x79: {  	v0 =	vld [tilespmem:$0x51E0];
	[tilespmem:$0x1FE90] =	vst v38  }
0x7a: {  	[tilespmem:$0x1FEA0] =	vst v28  }
0x7b: {  	[tilespmem:$0x1FEB0] =	vst v40  }
0x7c: {  	[tilespmem:$0x1FEC0] =	vst v39  }
0x7d: {  	[tilespmem:$0x1FED0] =	vst v18;
	v33 =	vbroadcast v1, $0x0  }
0x7e: {  	[tilespmem:$0x1FEF0] =	vst v41;
	v29 =	vbroadcast v0, $0x0  }
0x7f: {  	v42 =	vbroadcast v0, $0x1;
	[tilespmem:$0x1FFF0] =	vst v33  }
0x80: {  	v43 =	vbroadcast v0, $0x3;
	[tilespmem:$0x1FEE0] =	vst v29  }
0x81: {  	v20 =	vbroadcast v0, $0x2;
	[tilespmem:$0x1FF00] =	vst v42  }
0x82: {  	v30 =	vbroadcast v0, $0x4;
	[tilespmem:$0x1FF10] =	vst v43  }
0x83: {  	v50 =	vbroadcast v1, $0x1;
	v23 =	vbroadcast v0, $0x6;
	[tilespmem:$0x1FF20] =	vst v20  }
0x84: {  	v51 =	vbroadcast v1, $0x2;
	v44 =	vbroadcast v0, $0x5;
	[tilespmem:$0x1FF30] =	vst v30  }
0x85: {  	v52 =	vbroadcast v1, $0x3;
	v45 =	vbroadcast v0, $0x7;
	[tilespmem:$0x1FF40] =	vst v23  }
0x86: {  	v53 =	vbroadcast v1, $0x4;
	v46 =	vbroadcast v0, $0x9;
	[tilespmem:$0x1FF50] =	vst v44  }
0x87: {  	v54 =	vbroadcast v1, $0x5;
	v31 =	vbroadcast v0, $0x8;
	[tilespmem:$0x1FF60] =	vst v45  }
0x88: {  	v55 =	vbroadcast v1, $0x6;
	v24 =	vbroadcast v0, $0xA;
	[tilespmem:$0x1FF70] =	vst v46  }
0x89: {  	v56 =	vbroadcast v1, $0x7;
	v32 =	vbroadcast v0, $0xC;
	[tilespmem:$0x1FF80] =	vst v31  }
0x8a: {  	v57 =	vbroadcast v1, $0x8;
	v47 =	vbroadcast v0, $0xB;
	[tilespmem:$0x1FF90] =	vst v24  }
0x8b: {  	v58 =	vbroadcast v1, $0x9;
	v48 =	vbroadcast v0, $0xD;
	[tilespmem:$0x1FFA0] =	vst v32  }
0x8c: {  	v59 =	vbroadcast v1, $0xA;
	v49 =	vbroadcast v0, $0xF;
	[tilespmem:$0x1FFB0] =	vst v47  }
0x8d: {  	v60 =	vbroadcast v1, $0xB;
	v17 =	vbroadcast v0, $0xE;
	[tilespmem:$0x1FFC0] =	vst v48  }
0x8e: {  	v61 =	vbroadcast v1, $0xC;
	v62 =	vbroadcast v1, $0xD;
	[tilespmem:$0x1FFD0] =	vst v49  }
0x8f: {  	s22 =	simm.s32 $0x0;
	v63 =	vbroadcast v1, $0xE;
	v0 =	vbroadcast v1, $0xF;
	v1 =	vld [tilespmem:$0x5200];
	[tilespmem:$0x1FFE0] =	vst v17  }
.LBB2_2:
0x90: {  	s23 =	smul.u32 $0x50, s22;
	_ =	sdelay $0x1  }
0x91: {  	s23 =	sadd.s32 s9, s23  }
0x92: {  	s23 =	sshrl.u32 s23, $0x3  }
0x93: {  	s25 =	simm.s32 $0x0;
	s24 =	sadd.s32 s2, s23  }
0x94: {  	[tilespmem:s25], [sflag:$0x3] =	stream.linear.gather [hbm4b:s24+s25], $0x50, $0x38;
	[tilespmem:$0x5280] =	vst v63  }
0x95: {  	_ =	swait.ge [sflag:s12], $0x50  }
0x96: {  	[sflag:s12] =	ssyncset.done $0x0  }
0x97: {  	s29 =	sadd.s32 s3, s23;
	[sflag:s12] =	ssyncadd.s32 $0xFFFFFFB0  }
0x98: {  	[tilespmem:s14], [sflag:$0x3] =	stream.linear.gather [hbm4b:s29+s25], $0x50, $0x38;
	[tilespmem:$0x5280] =	vst v63  }
0x99: {  	_ =	swait.ge [sflag:s12], $0x50  }
0x9a: {  	[sflag:s12] =	ssyncset.done $0x0  }
0x9b: {  	[sflag:s12] =	ssyncadd.s32 $0xFFFFFFB0  }
0x9c: {  	[tilespmem:s16], [sflag:$0x1] =	stream.indirect.gather [hbm4b:s1+s15], $0x80, s25, s15, $0xb8;
	[tilespmem:$0x5280] =	vst v63  }
0x9d: {  	_ = 	snop  }
0x9e: {  	v2 =	vmov s25;
	[tilespmem:s17], [sflag:$0x2] =	stream.indirect.gather [hbm4b:s1+s15], $0x80, s14, s15, $0xb8;
	[tilespmem:$0x5280] =	vst v63  }
0x9f: {  	v2 =	vshll.u32 v2, $0x7;
	_ =	swait.ge [sflag:s18], $0x2800  }
0xa0: {  	v2 =	vor.u32 v15, v2;
	[sflag:s18] =	ssyncset.done $0x0  }
0xa1: {  	[sflag:s18] =	ssyncadd.s32 $0xFFFFD800  }
0xa2: {  	v3 =	vor.u32 $0x1, v2;
	_ =	swait.ge [sflag:s19], $0x2800  }
0xa3: {  	[sflag:s19] =	ssyncset.done $0x0  }
0xa4: {  	[sflag:s19] =	ssyncadd.s32 $0xFFFFD800  }
0xa5: {  	v9 =	vld.idx.msk [tilespmem:v2+s17+$0x0], $0xffff  }
0xa6: {  	v4 =	vor.u32 $0x2, v2;
	v12 =	vld.idx.msk [tilespmem:v2+s16+$0x0], $0xffff  }
0xa7: {  	v6 =	vld.idx.msk [tilespmem:v3+s16+$0x0], $0xffff  }
0xa8: {  	v7 =	vld.idx.msk [tilespmem:v3+s17+$0x0], $0xffff;
	v3 =	vor.u32 $0x4, v2;
	_ =	sdelay $0x2  }
0xa9: {  	v8 =	vld.idx.msk [tilespmem:v4+s16+$0x0], $0xffff  }
0xaa: {  	v10 =	vld.idx.msk [tilespmem:v4+s17+$0x0], $0xffff;
	v12 =	vsub.f32 v12, v9  }
0xab: {  	v9 =	vld.idx.msk [tilespmem:v3+s16+$0x0], $0xffff  }
0xac: {  	v5 =	vor.u32 $0x3, v2;
	v16 =	vand.u32 $0x7FFFFFFF, v12;
	v12 =	vld.idx.msk [tilespmem:v3+s17+$0x0], $0xffff  }
0xad: {  	v4 =	vor.u32 $0x5, v2;
	v3 =	vld [tilespmem:$0x1F8F0];
	_ =	sdelay $0x3  }
0xae: {  	v11 =	vld.idx.msk [tilespmem:v5+s16+$0x0], $0xffff  }
0xaf: {  	v14 =	vsub.f32 v6, v7;
	v6 =	vld.idx.msk [tilespmem:v4+s16+$0x0], $0xffff;
	v3 =	vmul.f32 v16, v3  }
0xb0: {  	v16 =	vsub.f32 v8, v10;
	v8 =	vld.idx.msk [tilespmem:v4+s17+$0x0], $0xffff  }
0xb1: {  	v4 =	vadd.f32 v3, v1;
	v3 =	vld [tilespmem:$0x1F900]  }
0xb2: {  	v13 =	vld.idx.msk [tilespmem:v5+s17+$0x0], $0xffff;
	v5 =	vor.u32 $0x6, v2;
	_ =	sdelay $0x2  }
0xb3: {  	v14 =	vand.u32 $0x7FFFFFFF, v14  }
0xb4: {  	v3 =	vmul.f32 v14, v3  }
0xb5: {  	v14 =	vsub.f32 v11, v13;
	v11 =	vld.idx.msk [tilespmem:v5+s16+$0x0], $0xffff  }
0xb6: {  	v13 =	vld.idx.msk [tilespmem:v5+s17+$0x0], $0xffff;
	[tilespmem:$0x1D530] =	vst v3  }
0xb7: {  	v5 =	vld [tilespmem:$0x1D530];
	_ =	sdelay $0x3  }
0xb8: {  	v7 =	vor.u32 $0x7, v2  }
0xb9: {  	v4 =	vadd.f32 v5, v4;
	v5 =	vld [tilespmem:$0x1F910];
	_ =	sdelay $0x3  }
0xba: {  	v3 =	vand.u32 $0x7FFFFFFF, v16;
	v16 =	vld.idx.msk [tilespmem:v7+s17+$0x0], $0xffff  }
0xbb: {  	[tilespmem:$0x1D540] =	vst v4;
	v5 =	vmul.f32 v3, v5;
	v3 =	vsub.f32 v9, v12;
	v12 =	vld.idx.msk [tilespmem:v7+s16+$0x0], $0xffff  }
0xbc: {  	v7 =	vld [tilespmem:$0x1D540];
	_ =	sdelay $0x4  }
0xbd: {  	v10 =	vor.u32 $0x8, v2;
	v9 =	vadd.f32 v5, v7;
	v7 =	vld [tilespmem:$0x1F920];
	_ =	sdelay $0x3  }
0xbe: {  	[tilespmem:$0x1D550] =	vst v3;
	v3 =	vand.u32 $0x7FFFFFFF, v14  }
0xbf: {  	v7 =	vmul.f32 v3, v7;
	v3 =	vsub.f32 v6, v8;
	v6 =	vld.idx.msk [tilespmem:v10+s16+$0x0], $0xffff  }
0xc0: {  	v8 =	vld.idx.msk [tilespmem:v10+s17+$0x0], $0xffff  }
0xc1: {  	[tilespmem:$0x1D560] =	vst v3;
	v3 =	vld [tilespmem:$0x1D550]  }
0xc2: {  	v10 =	vld [tilespmem:$0x1F930];
	_ =	sdelay $0x3  }
0xc3: {  	v3 =	vand.u32 $0x7FFFFFFF, v3  }
0xc4: {  	v3 =	vmul.f32 v3, v10;
	_ =	sdelay $0x1  }
0xc5: {  	[tilespmem:$0x1D570] =	vst v3;
	v3 =	vld [tilespmem:$0x1D560]  }
0xc6: {  	v13 =	vsub.f32 v11, v13;
	v11 =	vld [tilespmem:$0x1F940];
	v4 =	vor.u32 $0x9, v2;
	_ =	sdelay $0x1  }
0xc7: {  	v5 =	vor.u32 $0xA, v2;
	_ =	sdelay $0x1  }
0xc8: {  	v3 =	vand.u32 $0x7FFFFFFF, v3  }
0xc9: {  	v14 =	vld.idx.msk [tilespmem:v4+s16+$0x0], $0xffff;
	v3 =	vmul.f32 v3, v11  }
0xca: {  	v4 =	vld.idx.msk [tilespmem:v4+s17+$0x0], $0xffff  }
0xcb: {  	[tilespmem:$0x1D580] =	vst v3;
	v3 =	vsub.f32 v12, v16;
	v16 =	vld.idx.msk [tilespmem:v5+s16+$0x0], $0xffff  }
0xcc: {  	v5 =	vld.idx.msk [tilespmem:v5+s17+$0x0], $0xffff  }
0xcd: {  	v9 =	vadd.f32 v7, v9;
	v7 =	vor.u32 $0xB, v2;
	v12 =	vld [tilespmem:$0x1F950];
	_ =	sdelay $0x1  }
0xce: {  	[tilespmem:$0x1D5A0] =	vst v4;
	v4 =	vld [tilespmem:$0x1D570]  }
0xcf: {  	[tilespmem:$0x1D590] =	vst v3  }
0xd0: {  	v3 =	vand.u32 $0x7FFFFFFF, v13;
	[tilespmem:$0x1D5C0] =	vst v5;
	v5 =	vld [tilespmem:$0x1D580]  }
0xd1: {  	v13 =	vmul.f32 v3, v12;
	v3 =	vld.idx.msk [tilespmem:v7+s16+$0x0], $0xffff;
	_ =	sdelay $0x1  }
0xd2: {  	v9 =	vadd.f32 v4, v9;
	_ =	sdelay $0x1  }
0xd3: {  	v9 =	vadd.f32 v5, v9  }
0xd4: {  	[tilespmem:$0x1D5F0] =	vst v3;
	v3 =	vld [tilespmem:$0x1D590]  }
0xd5: {  	v9 =	vadd.f32 v13, v9;
	v13 =	vld [tilespmem:$0x1F960];
	_ =	sdelay $0x3  }
0xd6: {  	v3 =	vand.u32 $0x7FFFFFFF, v3  }
0xd7: {  	v3 =	vmul.f32 v3, v13;
	_ =	sdelay $0x1  }
0xd8: {  	[tilespmem:$0x1D5B0] =	vst v3;
	v3 =	vld [tilespmem:$0x1D5A0];
	_ =	sdelay $0x1  }
0xd9: {  	v4 =	vor.u32 $0xC, v2;
	_ =	sdelay $0x2  }
0xda: {  	v3 =	vsub.f32 v14, v3;
	_ =	sdelay $0x1  }
0xdb: {  	[tilespmem:$0x1D5D0] =	vst v3;
	v3 =	vld.idx.msk [tilespmem:v4+s16+$0x0], $0xffff  }
0xdc: {  	v4 =	vld.idx.msk [tilespmem:v4+s17+$0x0], $0xffff;
	_ =	sdelay $0x4  }
0xdd: {  	[tilespmem:$0x1D630] =	vst v4;
	v4 =	vld [tilespmem:$0x1D5B0];
	_ =	sdelay $0x4  }
0xde: {  	v9 =	vadd.f32 v4, v9;
	v4 =	vld [tilespmem:$0x1F970];
	_ =	sdelay $0x1  }
0xdf: {  	v6 =	vsub.f32 v6, v8;
	_ =	sdelay $0x1  }
0xe0: {  	[tilespmem:$0x1D620] =	vst v3;
	v3 =	vand.u32 $0x7FFFFFFF, v6  }
0xe1: {  	v3 =	vmul.f32 v3, v4;
	_ =	sdelay $0x1  }
0xe2: {  	[tilespmem:$0x1D5E0] =	vst v3;
	v3 =	vld [tilespmem:$0x1D5C0];
	_ =	sdelay $0x1  }
0xe3: {  	v5 =	vor.u32 $0xD, v2;
	_ =	sdelay $0x2  }
0xe4: {  	v3 =	vsub.f32 v16, v3;
	_ =	sdelay $0x1  }
0xe5: {  	[tilespmem:$0x1D600] =	vst v3;
	v3 =	vld.idx.msk [tilespmem:v5+s16+$0x0], $0xffff;
	_ =	sdelay $0x4  }
0xe6: {  	[tilespmem:$0x1D660] =	vst v3;
	v3 =	vld [tilespmem:$0x1D5D0]  }
0xe7: {  	v16 =	vld [tilespmem:$0x1F980];
	_ =	sdelay $0x3  }
0xe8: {  	v3 =	vand.u32 $0x7FFFFFFF, v3  }
0xe9: {  	v3 =	vmul.f32 v3, v16  }
0xea: {  	v8 =	vld.idx.msk [tilespmem:v7+s17+$0x0], $0xffff  }
0xeb: {  	[tilespmem:$0x1D610] =	vst v3;
	v3 =	vld [tilespmem:$0x1D5F0];
	_ =	sdelay $0x1  }
0xec: {  	v7 =	vor.u32 $0xE, v2;
	_ =	sdelay $0x2  }
0xed: {  	v3 =	vsub.f32 v3, v8  }
0xee: {  	v4 =	vld.idx.msk [tilespmem:v5+s17+$0x0], $0xffff  }
0xef: {  	[tilespmem:$0x1D640] =	vst v3;
	v3 =	vld.idx.msk [tilespmem:v7+s16+$0x0], $0xffff;
	_ =	sdelay $0x3  }
0xf0: {  	[tilespmem:$0x1D670] =	vst v4;
	v4 =	vld [tilespmem:$0x1D5E0]  }
0xf1: {  	[tilespmem:$0x1D6A0] =	vst v3;
	v3 =	vld [tilespmem:$0x1D600];
	_ =	sdelay $0x4  }
0xf2: {  	v9 =	vadd.f32 v4, v9;
	v4 =	vand.u32 $0x7FFFFFFF, v3;
	v3 =	vld [tilespmem:$0x1D610];
	_ =	sdelay $0x4  }
0xf3: {  	v9 =	vadd.f32 v3, v9;
	v3 =	vld [tilespmem:$0x1F990];
	_ =	sdelay $0x4  }
0xf4: {  	v3 =	vmul.f32 v4, v3  }
0xf5: {  	v4 =	vld [tilespmem:$0x1D630]  }
0xf6: {  	v6 =	vor.u32 $0xF, v2;
	[tilespmem:$0x1D650] =	vst v3;
	v3 =	vld [tilespmem:$0x1D620];
	_ =	sdelay $0x4  }
0xf7: {  	v3 =	vsub.f32 v3, v4;
	v4 =	vld.idx.msk [tilespmem:v6+s17+$0x0], $0xffff;
	_ =	sdelay $0x3  }
0xf8: {  	[tilespmem:$0x1D680] =	vst v3;
	v3 =	vld.idx.msk [tilespmem:v6+s16+$0x0], $0xffff  }
0xf9: {  	[tilespmem:$0x1D6D0] =	vst v4;
	v4 =	vld [tilespmem:$0x1D650];
	_ =	sdelay $0x3  }
0xfa: {  	[tilespmem:$0x1D6C0] =	vst v3;
	v3 =	vld [tilespmem:$0x1D640]  }
0xfb: {  	v9 =	vadd.f32 v4, v9;
	v4 =	vld [tilespmem:$0x1F9A0];
	_ =	sdelay $0x3  }
0xfc: {  	v3 =	vand.u32 $0x7FFFFFFF, v3  }
0xfd: {  	v3 =	vmul.f32 v3, v4  }
0xfe: {  	v4 =	vld [tilespmem:$0x1D670]  }
0xff: {  	[tilespmem:$0x1D690] =	vst v3;
	v3 =	vld [tilespmem:$0x1D660];
	_ =	sdelay $0x1  }
0x100: {  	v5 =	vor.u32 $0x10, v2;
	_ =	sdelay $0x2  }
0x101: {  	v3 =	vsub.f32 v3, v4;
	_ =	sdelay $0x1  }
0x102: {  	[tilespmem:$0x1D6B0] =	vst v3;
	v3 =	vld.idx.msk [tilespmem:v5+s16+$0x0], $0xffff;
	_ =	sdelay $0x4  }
0x103: {  	[tilespmem:$0x1D700] =	vst v3;
	v3 =	vld [tilespmem:$0x1D680];
	_ =	sdelay $0x4  }
0x104: {  	v4 =	vand.u32 $0x7FFFFFFF, v3;
	v3 =	vld.idx.msk [tilespmem:v5+s17+$0x0], $0xffff;
	_ =	sdelay $0x4  }
0x105: {  	[tilespmem:$0x1D710] =	vst v3;
	v3 =	vld [tilespmem:$0x1D690];
	_ =	sdelay $0x4  }
0x106: {  	v9 =	vadd.f32 v3, v9;
	v3 =	vld [tilespmem:$0x1F9B0];
	_ =	sdelay $0x3  }
0x107: {  	v8 =	vld.idx.msk [tilespmem:v7+s17+$0x0], $0xffff  }
0x108: {  	v4 =	vmul.f32 v4, v3;
	v3 =	vld [tilespmem:$0x1D6A0];
	_ =	sdelay $0x1  }
0x109: {  	v7 =	vor.u32 $0x11, v2;
	_ =	sdelay $0x2  }
0x10a: {  	v3 =	vsub.f32 v3, v8;
	_ =	sdelay $0x1  }
0x10b: {  	[tilespmem:$0x1D6E0] =	vst v3;
	v3 =	vld.idx.msk [tilespmem:v7+s16+$0x0], $0xffff;
	_ =	sdelay $0x4  }
0x10c: {  	[tilespmem:$0x1D740] =	vst v3;
	v3 =	vld [tilespmem:$0x1D6B0]  }
0x10d: {  	v9 =	vadd.f32 v4, v9;
	v4 =	vld [tilespmem:$0x1F9C0];
	_ =	sdelay $0x3  }
0x10e: {  	v3 =	vand.u32 $0x7FFFFFFF, v3  }
0x10f: {  	v3 =	vmul.f32 v3, v4  }
0x110: {  	v4 =	vld [tilespmem:$0x1D6D0]  }
0x111: {  	v6 =	vor.u32 $0x12, v2;
	[tilespmem:$0x1D6F0] =	vst v3;
	v3 =	vld [tilespmem:$0x1D6C0];
	_ =	sdelay $0x4  }
0x112: {  	v3 =	vsub.f32 v3, v4;
	v4 =	vld.idx.msk [tilespmem:v6+s17+$0x0], $0xffff;
	_ =	sdelay $0x3  }
0x113: {  	[tilespmem:$0x1D720] =	vst v3;
	v3 =	vld.idx.msk [tilespmem:v6+s16+$0x0], $0xffff  }
0x114: {  	[tilespmem:$0x1D770] =	vst v4;
	v4 =	vld [tilespmem:$0x1D6F0];
	_ =	sdelay $0x3  }
0x115: {  	[tilespmem:$0x1D760] =	vst v3;
	v3 =	vld [tilespmem:$0x1D6E0]  }
0x116: {  	v9 =	vadd.f32 v4, v9;
	v4 =	vld [tilespmem:$0x1F9D0];
	_ =	sdelay $0x3  }
0x117: {  	v3 =	vand.u32 $0x7FFFFFFF, v3  }
0x118: {  	v3 =	vmul.f32 v3, v4  }
0x119: {  	v4 =	vld [tilespmem:$0x1D710]  }
0x11a: {  	[tilespmem:$0x1D730] =	vst v3;
	v3 =	vld [tilespmem:$0x1D700];
	_ =	sdelay $0x1  }
0x11b: {  	v5 =	vor.u32 $0x13, v2;
	_ =	sdelay $0x2  }
0x11c: {  	v3 =	vsub.f32 v3, v4;
	_ =	sdelay $0x1  }
0x11d: {  	[tilespmem:$0x1D750] =	vst v3;
	v3 =	vld.idx.msk [tilespmem:v5+s16+$0x0], $0xffff;
	_ =	sdelay $0x4  }
0x11e: {  	[tilespmem:$0x1D7A0] =	vst v3;
	v3 =	vld [tilespmem:$0x1D720];
	_ =	sdelay $0x4  }
0x11f: {  	v4 =	vand.u32 $0x7FFFFFFF, v3;
	v3 =	vld.idx.msk [tilespmem:v5+s17+$0x0], $0xffff;
	_ =	sdelay $0x4  }
0x120: {  	[tilespmem:$0x1D7B0] =	vst v3;
	v3 =	vld [tilespmem:$0x1D730];
	_ =	sdelay $0x4  }
0x121: {  	v9 =	vadd.f32 v3, v9;
	v3 =	vld [tilespmem:$0x1F9E0];
	_ =	sdelay $0x3  }
0x122: {  	v8 =	vld.idx.msk [tilespmem:v7+s17+$0x0], $0xffff  }
0x123: {  	v4 =	vmul.f32 v4, v3;
	v3 =	vld [tilespmem:$0x1D740];
	_ =	sdelay $0x1  }
0x124: {  	v7 =	vor.u32 $0x14, v2;
	_ =	sdelay $0x2  }
0x125: {  	v3 =	vsub.f32 v3, v8;
	_ =	sdelay $0x1  }
0x126: {  	[tilespmem:$0x1D780] =	vst v3;
	v3 =	vld.idx.msk [tilespmem:v7+s16+$0x0], $0xffff;
	_ =	sdelay $0x4  }
0x127: {  	[tilespmem:$0x1D7E0] =	vst v3;
	v3 =	vld [tilespmem:$0x1D750]  }
0x128: {  	v9 =	vadd.f32 v4, v9;
	v4 =	vld [tilespmem:$0x1F9F0];
	_ =	sdelay $0x3  }
0x129: {  	v3 =	vand.u32 $0x7FFFFFFF, v3  }
0x12a: {  	v3 =	vmul.f32 v3, v4  }
0x12b: {  	v4 =	vld [tilespmem:$0x1D770]  }
0x12c: {  	v6 =	vor.u32 $0x15, v2;
	[tilespmem:$0x1D790] =	vst v3;
	v3 =	vld [tilespmem:$0x1D760];
	_ =	sdelay $0x4  }
0x12d: {  	v3 =	vsub.f32 v3, v4;
	v4 =	vld.idx.msk [tilespmem:v6+s17+$0x0], $0xffff;
	_ =	sdelay $0x3  }
0x12e: {  	[tilespmem:$0x1D7C0] =	vst v3;
	v3 =	vld.idx.msk [tilespmem:v6+s16+$0x0], $0xffff  }
0x12f: {  	[tilespmem:$0x1D810] =	vst v4;
	v4 =	vld [tilespmem:$0x1D790];
	_ =	sdelay $0x3  }
0x130: {  	[tilespmem:$0x1D800] =	vst v3;
	v3 =	vld [tilespmem:$0x1D780]  }
0x131: {  	v9 =	vadd.f32 v4, v9;
	v4 =	vld [tilespmem:$0x1FA00];
	_ =	sdelay $0x3  }
0x132: {  	v3 =	vand.u32 $0x7FFFFFFF, v3  }
0x133: {  	v3 =	vmul.f32 v3, v4  }
0x134: {  	v4 =	vld [tilespmem:$0x1D7B0]  }
0x135: {  	[tilespmem:$0x1D7D0] =	vst v3;
	v3 =	vld [tilespmem:$0x1D7A0];
	_ =	sdelay $0x1  }
0x136: {  	v5 =	vor.u32 $0x16, v2;
	_ =	sdelay $0x2  }
0x137: {  	v3 =	vsub.f32 v3, v4;
	_ =	sdelay $0x1  }
0x138: {  	[tilespmem:$0x1D7F0] =	vst v3;
	v3 =	vld.idx.msk [tilespmem:v5+s16+$0x0], $0xffff;
	_ =	sdelay $0x4  }
0x139: {  	[tilespmem:$0x1D840] =	vst v3;
	v3 =	vld [tilespmem:$0x1D7C0];
	_ =	sdelay $0x4  }
0x13a: {  	v4 =	vand.u32 $0x7FFFFFFF, v3;
	v3 =	vld.idx.msk [tilespmem:v5+s17+$0x0], $0xffff;
	_ =	sdelay $0x4  }
0x13b: {  	[tilespmem:$0x1D850] =	vst v3;
	v3 =	vld [tilespmem:$0x1D7D0];
	_ =	sdelay $0x4  }
0x13c: {  	v9 =	vadd.f32 v3, v9;
	v3 =	vld [tilespmem:$0x1FA10];
	_ =	sdelay $0x3  }
0x13d: {  	v8 =	vld.idx.msk [tilespmem:v7+s17+$0x0], $0xffff  }
0x13e: {  	v4 =	vmul.f32 v4, v3;
	v3 =	vld [tilespmem:$0x1D7E0];
	_ =	sdelay $0x1  }
0x13f: {  	v7 =	vor.u32 $0x17, v2;
	_ =	sdelay $0x2  }
0x140: {  	v3 =	vsub.f32 v3, v8;
	_ =	sdelay $0x1  }
0x141: {  	[tilespmem:$0x1D820] =	vst v3;
	v3 =	vld.idx.msk [tilespmem:v7+s16+$0x0], $0xffff;
	_ =	sdelay $0x4  }
0x142: {  	[tilespmem:$0x1D880] =	vst v3;
	v3 =	vld [tilespmem:$0x1D7F0]  }
0x143: {  	v9 =	vadd.f32 v4, v9;
	v4 =	vld [tilespmem:$0x1FA20];
	_ =	sdelay $0x3  }
0x144: {  	v3 =	vand.u32 $0x7FFFFFFF, v3  }
0x145: {  	v3 =	vmul.f32 v3, v4  }
0x146: {  	v4 =	vld [tilespmem:$0x1D810]  }
0x147: {  	v6 =	vor.u32 $0x18, v2;
	[tilespmem:$0x1D830] =	vst v3;
	v3 =	vld [tilespmem:$0x1D800];
	_ =	sdelay $0x4  }
0x148: {  	v3 =	vsub.f32 v3, v4;
	v4 =	vld.idx.msk [tilespmem:v6+s17+$0x0], $0xffff;
	_ =	sdelay $0x3  }
0x149: {  	[tilespmem:$0x1D860] =	vst v3;
	v3 =	vld.idx.msk [tilespmem:v6+s16+$0x0], $0xffff  }
0x14a: {  	[tilespmem:$0x1D8B0] =	vst v4;
	v4 =	vld [tilespmem:$0x1D830];
	_ =	sdelay $0x3  }
0x14b: {  	[tilespmem:$0x1D8A0] =	vst v3;
	v3 =	vld [tilespmem:$0x1D820]  }
0x14c: {  	v9 =	vadd.f32 v4, v9;
	v4 =	vld [tilespmem:$0x1FA30];
	_ =	sdelay $0x3  }
0x14d: {  	v3 =	vand.u32 $0x7FFFFFFF, v3  }
0x14e: {  	v3 =	vmul.f32 v3, v4  }
0x14f: {  	v4 =	vld [tilespmem:$0x1D850]  }
0x150: {  	[tilespmem:$0x1D870] =	vst v3;
	v3 =	vld [tilespmem:$0x1D840];
	_ =	sdelay $0x1  }
0x151: {  	v5 =	vor.u32 $0x19, v2;
	_ =	sdelay $0x2  }
0x152: {  	v3 =	vsub.f32 v3, v4;
	_ =	sdelay $0x1  }
0x153: {  	[tilespmem:$0x1D890] =	vst v3;
	v3 =	vld.idx.msk [tilespmem:v5+s16+$0x0], $0xffff;
	_ =	sdelay $0x4  }
0x154: {  	[tilespmem:$0x1D8E0] =	vst v3;
	v3 =	vld [tilespmem:$0x1D860];
	_ =	sdelay $0x4  }
0x155: {  	v4 =	vand.u32 $0x7FFFFFFF, v3;
	v3 =	vld.idx.msk [tilespmem:v5+s17+$0x0], $0xffff;
	_ =	sdelay $0x4  }
0x156: {  	[tilespmem:$0x1D8F0] =	vst v3;
	v3 =	vld [tilespmem:$0x1D870];
	_ =	sdelay $0x4  }
0x157: {  	v9 =	vadd.f32 v3, v9;
	v3 =	vld [tilespmem:$0x1FA40];
	_ =	sdelay $0x3  }
0x158: {  	v8 =	vld.idx.msk [tilespmem:v7+s17+$0x0], $0xffff  }
0x159: {  	v4 =	vmul.f32 v4, v3;
	v3 =	vld [tilespmem:$0x1D880];
	_ =	sdelay $0x1  }
0x15a: {  	v7 =	vor.u32 $0x1A, v2;
	_ =	sdelay $0x2  }
0x15b: {  	v3 =	vsub.f32 v3, v8;
	_ =	sdelay $0x1  }
0x15c: {  	[tilespmem:$0x1D8C0] =	vst v3;
	v3 =	vld.idx.msk [tilespmem:v7+s16+$0x0], $0xffff;
	_ =	sdelay $0x4  }
0x15d: {  	[tilespmem:$0x1D920] =	vst v3;
	v3 =	vld [tilespmem:$0x1D890]  }
0x15e: {  	v9 =	vadd.f32 v4, v9;
	v4 =	vld [tilespmem:$0x1FA50];
	_ =	sdelay $0x3  }
0x15f: {  	v3 =	vand.u32 $0x7FFFFFFF, v3  }
0x160: {  	v3 =	vmul.f32 v3, v4  }
0x161: {  	v4 =	vld [tilespmem:$0x1D8B0]  }
0x162: {  	v6 =	vor.u32 $0x1B, v2;
	[tilespmem:$0x1D8D0] =	vst v3;
	v3 =	vld [tilespmem:$0x1D8A0];
	_ =	sdelay $0x4  }
0x163: {  	v3 =	vsub.f32 v3, v4;
	v4 =	vld.idx.msk [tilespmem:v6+s17+$0x0], $0xffff;
	_ =	sdelay $0x3  }
0x164: {  	[tilespmem:$0x1D900] =	vst v3;
	v3 =	vld.idx.msk [tilespmem:v6+s16+$0x0], $0xffff  }
0x165: {  	[tilespmem:$0x1D950] =	vst v4;
	v4 =	vld [tilespmem:$0x1D8D0];
	_ =	sdelay $0x3  }
0x166: {  	[tilespmem:$0x1D940] =	vst v3;
	v3 =	vld [tilespmem:$0x1D8C0]  }
0x167: {  	v9 =	vadd.f32 v4, v9;
	v4 =	vld [tilespmem:$0x1FA60];
	_ =	sdelay $0x3  }
0x168: {  	v3 =	vand.u32 $0x7FFFFFFF, v3  }
0x169: {  	v3 =	vmul.f32 v3, v4  }
0x16a: {  	v4 =	vld [tilespmem:$0x1D8F0]  }
0x16b: {  	[tilespmem:$0x1D910] =	vst v3;
	v3 =	vld [tilespmem:$0x1D8E0];
	_ =	sdelay $0x1  }
0x16c: {  	v5 =	vor.u32 $0x1C, v2;
	_ =	sdelay $0x2  }
0x16d: {  	v3 =	vsub.f32 v3, v4;
	_ =	sdelay $0x1  }
0x16e: {  	[tilespmem:$0x1D930] =	vst v3;
	v3 =	vld.idx.msk [tilespmem:v5+s16+$0x0], $0xffff;
	_ =	sdelay $0x4  }
0x16f: {  	[tilespmem:$0x1D980] =	vst v3;
	v3 =	vld [tilespmem:$0x1D900];
	_ =	sdelay $0x4  }
0x170: {  	v4 =	vand.u32 $0x7FFFFFFF, v3;
	v3 =	vld.idx.msk [tilespmem:v5+s17+$0x0], $0xffff;
	_ =	sdelay $0x4  }
0x171: {  	[tilespmem:$0x1D990] =	vst v3;
	v3 =	vld [tilespmem:$0x1D910];
	_ =	sdelay $0x4  }
0x172: {  	v9 =	vadd.f32 v3, v9;
	v3 =	vld [tilespmem:$0x1FA70];
	_ =	sdelay $0x3  }
0x173: {  	v8 =	vld.idx.msk [tilespmem:v7+s17+$0x0], $0xffff  }
0x174: {  	v4 =	vmul.f32 v4, v3;
	v3 =	vld [tilespmem:$0x1D920];
	_ =	sdelay $0x1  }
0x175: {  	v7 =	vor.u32 $0x1D, v2;
	_ =	sdelay $0x2  }
0x176: {  	v3 =	vsub.f32 v3, v8;
	_ =	sdelay $0x1  }
0x177: {  	[tilespmem:$0x1D960] =	vst v3;
	v3 =	vld.idx.msk [tilespmem:v7+s16+$0x0], $0xffff;
	_ =	sdelay $0x4  }
0x178: {  	[tilespmem:$0x1D9C0] =	vst v3;
	v3 =	vld [tilespmem:$0x1D930]  }
0x179: {  	v9 =	vadd.f32 v4, v9;
	v4 =	vld [tilespmem:$0x1FA80];
	_ =	sdelay $0x3  }
0x17a: {  	v3 =	vand.u32 $0x7FFFFFFF, v3  }
0x17b: {  	v3 =	vmul.f32 v3, v4  }
0x17c: {  	v4 =	vld [tilespmem:$0x1D950]  }
0x17d: {  	v6 =	vor.u32 $0x1E, v2;
	[tilespmem:$0x1D970] =	vst v3;
	v3 =	vld [tilespmem:$0x1D940];
	_ =	sdelay $0x4  }
0x17e: {  	v3 =	vsub.f32 v3, v4;
	v4 =	vld.idx.msk [tilespmem:v6+s17+$0x0], $0xffff;
	_ =	sdelay $0x3  }
0x17f: {  	[tilespmem:$0x1D9A0] =	vst v3;
	v3 =	vld.idx.msk [tilespmem:v6+s16+$0x0], $0xffff  }
0x180: {  	[tilespmem:$0x1D9F0] =	vst v4;
	v4 =	vld [tilespmem:$0x1D970];
	_ =	sdelay $0x3  }
0x181: {  	[tilespmem:$0x1D9E0] =	vst v3;
	v3 =	vld [tilespmem:$0x1D960]  }
0x182: {  	v9 =	vadd.f32 v4, v9;
	v4 =	vld [tilespmem:$0x1FA90];
	_ =	sdelay $0x3  }
0x183: {  	v3 =	vand.u32 $0x7FFFFFFF, v3  }
0x184: {  	v3 =	vmul.f32 v3, v4  }
0x185: {  	v4 =	vld [tilespmem:$0x1D990]  }
0x186: {  	[tilespmem:$0x1D9B0] =	vst v3;
	v3 =	vld [tilespmem:$0x1D980];
	_ =	sdelay $0x1  }
0x187: {  	v5 =	vor.u32 $0x1F, v2;
	_ =	sdelay $0x2  }
0x188: {  	v3 =	vsub.f32 v3, v4;
	_ =	sdelay $0x1  }
0x189: {  	[tilespmem:$0x1D9D0] =	vst v3;
	v3 =	vld.idx.msk [tilespmem:v5+s16+$0x0], $0xffff;
	_ =	sdelay $0x4  }
0x18a: {  	[tilespmem:$0x1DA20] =	vst v3;
	v3 =	vld [tilespmem:$0x1D9A0];
	_ =	sdelay $0x4  }
0x18b: {  	v4 =	vand.u32 $0x7FFFFFFF, v3;
	v3 =	vld.idx.msk [tilespmem:v5+s17+$0x0], $0xffff;
	_ =	sdelay $0x4  }
0x18c: {  	[tilespmem:$0x1DA30] =	vst v3;
	v3 =	vld [tilespmem:$0x1D9B0];
	_ =	sdelay $0x4  }
0x18d: {  	v9 =	vadd.f32 v3, v9;
	v3 =	vld [tilespmem:$0x1FAA0];
	_ =	sdelay $0x3  }
0x18e: {  	v8 =	vld.idx.msk [tilespmem:v7+s17+$0x0], $0xffff  }
0x18f: {  	v4 =	vmul.f32 v4, v3;
	v3 =	vld [tilespmem:$0x1D9C0];
	_ =	sdelay $0x1  }
0x190: {  	v7 =	vor.u32 $0x20, v2;
	_ =	sdelay $0x2  }
0x191: {  	v3 =	vsub.f32 v3, v8;
	_ =	sdelay $0x1  }
0x192: {  	[tilespmem:$0x1DA00] =	vst v3;
	v3 =	vld.idx.msk [tilespmem:v7+s16+$0x0], $0xffff;
	_ =	sdelay $0x4  }
0x193: {  	[tilespmem:$0x1DA60] =	vst v3;
	v3 =	vld [tilespmem:$0x1D9D0]  }
0x194: {  	v9 =	vadd.f32 v4, v9;
	v4 =	vld [tilespmem:$0x1FAB0];
	_ =	sdelay $0x3  }
0x195: {  	v3 =	vand.u32 $0x7FFFFFFF, v3  }
0x196: {  	v3 =	vmul.f32 v3, v4  }
0x197: {  	v4 =	vld [tilespmem:$0x1D9F0]  }
0x198: {  	v6 =	vor.u32 $0x21, v2;
	[tilespmem:$0x1DA10] =	vst v3;
	v3 =	vld [tilespmem:$0x1D9E0];
	_ =	sdelay $0x4  }
0x199: {  	v3 =	vsub.f32 v3, v4;
	v4 =	vld.idx.msk [tilespmem:v6+s17+$0x0], $0xffff;
	_ =	sdelay $0x3  }
0x19a: {  	[tilespmem:$0x1DA40] =	vst v3;
	v3 =	vld.idx.msk [tilespmem:v6+s16+$0x0], $0xffff  }
0x19b: {  	[tilespmem:$0x1DA90] =	vst v4;
	v4 =	vld [tilespmem:$0x1DA10];
	_ =	sdelay $0x3  }
0x19c: {  	[tilespmem:$0x1DA80] =	vst v3;
	v3 =	vld [tilespmem:$0x1DA00]  }
0x19d: {  	v9 =	vadd.f32 v4, v9;
	v4 =	vld [tilespmem:$0x1FAC0];
	_ =	sdelay $0x3  }
0x19e: {  	v3 =	vand.u32 $0x7FFFFFFF, v3  }
0x19f: {  	v3 =	vmul.f32 v3, v4  }
0x1a0: {  	v4 =	vld [tilespmem:$0x1DA30]  }
0x1a1: {  	[tilespmem:$0x1DA50] =	vst v3;
	v3 =	vld [tilespmem:$0x1DA20];
	_ =	sdelay $0x1  }
0x1a2: {  	v5 =	vor.u32 $0x22, v2;
	_ =	sdelay $0x2  }
0x1a3: {  	v3 =	vsub.f32 v3, v4;
	_ =	sdelay $0x1  }
0x1a4: {  	[tilespmem:$0x1DA70] =	vst v3;
	v3 =	vld.idx.msk [tilespmem:v5+s16+$0x0], $0xffff;
	_ =	sdelay $0x4  }
0x1a5: {  	[tilespmem:$0x1DAC0] =	vst v3;
	v3 =	vld [tilespmem:$0x1DA40];
	_ =	sdelay $0x4  }
0x1a6: {  	v4 =	vand.u32 $0x7FFFFFFF, v3;
	v3 =	vld.idx.msk [tilespmem:v5+s17+$0x0], $0xffff;
	_ =	sdelay $0x4  }
0x1a7: {  	[tilespmem:$0x1DAD0] =	vst v3;
	v3 =	vld [tilespmem:$0x1DA50];
	_ =	sdelay $0x4  }
0x1a8: {  	v9 =	vadd.f32 v3, v9;
	v3 =	vld [tilespmem:$0x1FAD0];
	_ =	sdelay $0x3  }
0x1a9: {  	v8 =	vld.idx.msk [tilespmem:v7+s17+$0x0], $0xffff  }
0x1aa: {  	v4 =	vmul.f32 v4, v3;
	v3 =	vld [tilespmem:$0x1DA60];
	_ =	sdelay $0x1  }
0x1ab: {  	v7 =	vor.u32 $0x23, v2;
	_ =	sdelay $0x2  }
0x1ac: {  	v3 =	vsub.f32 v3, v8;
	_ =	sdelay $0x1  }
0x1ad: {  	[tilespmem:$0x1DAA0] =	vst v3;
	v3 =	vld.idx.msk [tilespmem:v7+s16+$0x0], $0xffff;
	_ =	sdelay $0x4  }
0x1ae: {  	[tilespmem:$0x1DB00] =	vst v3;
	v3 =	vld [tilespmem:$0x1DA70]  }
0x1af: {  	v9 =	vadd.f32 v4, v9;
	v4 =	vld [tilespmem:$0x1FAE0];
	_ =	sdelay $0x3  }
0x1b0: {  	v3 =	vand.u32 $0x7FFFFFFF, v3  }
0x1b1: {  	v3 =	vmul.f32 v3, v4  }
0x1b2: {  	v4 =	vld [tilespmem:$0x1DA90]  }
0x1b3: {  	v6 =	vor.u32 $0x24, v2;
	[tilespmem:$0x1DAB0] =	vst v3;
	v3 =	vld [tilespmem:$0x1DA80];
	_ =	sdelay $0x4  }
0x1b4: {  	v3 =	vsub.f32 v3, v4;
	v4 =	vld.idx.msk [tilespmem:v6+s17+$0x0], $0xffff;
	_ =	sdelay $0x3  }
0x1b5: {  	[tilespmem:$0x1DAE0] =	vst v3;
	v3 =	vld.idx.msk [tilespmem:v6+s16+$0x0], $0xffff  }
0x1b6: {  	[tilespmem:$0x1DB30] =	vst v4;
	v4 =	vld [tilespmem:$0x1DAB0];
	_ =	sdelay $0x3  }
0x1b7: {  	[tilespmem:$0x1DB20] =	vst v3;
	v3 =	vld [tilespmem:$0x1DAA0]  }
0x1b8: {  	v9 =	vadd.f32 v4, v9;
	v4 =	vld [tilespmem:$0x1FAF0];
	_ =	sdelay $0x3  }
0x1b9: {  	v3 =	vand.u32 $0x7FFFFFFF, v3  }
0x1ba: {  	v3 =	vmul.f32 v3, v4  }
0x1bb: {  	v4 =	vld [tilespmem:$0x1DAD0]  }
0x1bc: {  	[tilespmem:$0x1DAF0] =	vst v3;
	v3 =	vld [tilespmem:$0x1DAC0];
	_ =	sdelay $0x1  }
0x1bd: {  	v5 =	vor.u32 $0x25, v2;
	_ =	sdelay $0x2  }
0x1be: {  	v3 =	vsub.f32 v3, v4;
	_ =	sdelay $0x1  }
0x1bf: {  	[tilespmem:$0x1DB10] =	vst v3;
	v3 =	vld.idx.msk [tilespmem:v5+s16+$0x0], $0xffff;
	_ =	sdelay $0x4  }
0x1c0: {  	[tilespmem:$0x1DB60] =	vst v3;
	v3 =	vld [tilespmem:$0x1DAE0];
	_ =	sdelay $0x4  }
0x1c1: {  	v4 =	vand.u32 $0x7FFFFFFF, v3;
	v3 =	vld.idx.msk [tilespmem:v5+s17+$0x0], $0xffff;
	_ =	sdelay $0x4  }
0x1c2: {  	[tilespmem:$0x1DB70] =	vst v3;
	v3 =	vld [tilespmem:$0x1DAF0];
	_ =	sdelay $0x4  }
0x1c3: {  	v9 =	vadd.f32 v3, v9;
	v3 =	vld [tilespmem:$0x1FB00];
	_ =	sdelay $0x3  }
0x1c4: {  	v8 =	vld.idx.msk [tilespmem:v7+s17+$0x0], $0xffff  }
0x1c5: {  	v4 =	vmul.f32 v4, v3;
	v3 =	vld [tilespmem:$0x1DB00];
	_ =	sdelay $0x1  }
0x1c6: {  	v7 =	vor.u32 $0x26, v2;
	_ =	sdelay $0x2  }
0x1c7: {  	v3 =	vsub.f32 v3, v8;
	_ =	sdelay $0x1  }
0x1c8: {  	[tilespmem:$0x1DB40] =	vst v3;
	v3 =	vld.idx.msk [tilespmem:v7+s16+$0x0], $0xffff;
	_ =	sdelay $0x4  }
0x1c9: {  	[tilespmem:$0x1DBA0] =	vst v3;
	v3 =	vld [tilespmem:$0x1DB10]  }
0x1ca: {  	v9 =	vadd.f32 v4, v9;
	v4 =	vld [tilespmem:$0x1FB10];
	_ =	sdelay $0x3  }
0x1cb: {  	v3 =	vand.u32 $0x7FFFFFFF, v3  }
0x1cc: {  	v3 =	vmul.f32 v3, v4  }
0x1cd: {  	v4 =	vld [tilespmem:$0x1DB30]  }
0x1ce: {  	v6 =	vor.u32 $0x27, v2;
	[tilespmem:$0x1DB50] =	vst v3;
	v3 =	vld [tilespmem:$0x1DB20];
	_ =	sdelay $0x4  }
0x1cf: {  	v3 =	vsub.f32 v3, v4;
	v4 =	vld.idx.msk [tilespmem:v6+s17+$0x0], $0xffff;
	_ =	sdelay $0x3  }
0x1d0: {  	[tilespmem:$0x1DB80] =	vst v3;
	v3 =	vld.idx.msk [tilespmem:v6+s16+$0x0], $0xffff  }
0x1d1: {  	[tilespmem:$0x1DBD0] =	vst v4;
	v4 =	vld [tilespmem:$0x1DB50];
	_ =	sdelay $0x3  }
0x1d2: {  	[tilespmem:$0x1DBC0] =	vst v3;
	v3 =	vld [tilespmem:$0x1DB40]  }
0x1d3: {  	v9 =	vadd.f32 v4, v9;
	v4 =	vld [tilespmem:$0x1FB20];
	_ =	sdelay $0x3  }
0x1d4: {  	v3 =	vand.u32 $0x7FFFFFFF, v3  }
0x1d5: {  	v3 =	vmul.f32 v3, v4  }
0x1d6: {  	v4 =	vld [tilespmem:$0x1DB70]  }
0x1d7: {  	[tilespmem:$0x1DB90] =	vst v3;
	v3 =	vld [tilespmem:$0x1DB60];
	_ =	sdelay $0x1  }
0x1d8: {  	v5 =	vor.u32 $0x28, v2;
	_ =	sdelay $0x2  }
0x1d9: {  	v3 =	vsub.f32 v3, v4;
	_ =	sdelay $0x1  }
0x1da: {  	[tilespmem:$0x1DBB0] =	vst v3;
	v3 =	vld.idx.msk [tilespmem:v5+s16+$0x0], $0xffff;
	_ =	sdelay $0x4  }
0x1db: {  	[tilespmem:$0x1DC00] =	vst v3;
	v3 =	vld [tilespmem:$0x1DB80];
	_ =	sdelay $0x4  }
0x1dc: {  	v4 =	vand.u32 $0x7FFFFFFF, v3;
	v3 =	vld.idx.msk [tilespmem:v5+s17+$0x0], $0xffff;
	_ =	sdelay $0x4  }
0x1dd: {  	[tilespmem:$0x1DC10] =	vst v3;
	v3 =	vld [tilespmem:$0x1DB90];
	_ =	sdelay $0x4  }
0x1de: {  	v9 =	vadd.f32 v3, v9;
	v3 =	vld [tilespmem:$0x1FB30];
	_ =	sdelay $0x3  }
0x1df: {  	v8 =	vld.idx.msk [tilespmem:v7+s17+$0x0], $0xffff  }
0x1e0: {  	v4 =	vmul.f32 v4, v3;
	v3 =	vld [tilespmem:$0x1DBA0];
	_ =	sdelay $0x1  }
0x1e1: {  	v7 =	vor.u32 $0x29, v2;
	_ =	sdelay $0x2  }
0x1e2: {  	v3 =	vsub.f32 v3, v8;
	_ =	sdelay $0x1  }
0x1e3: {  	[tilespmem:$0x1DBE0] =	vst v3;
	v3 =	vld.idx.msk [tilespmem:v7+s16+$0x0], $0xffff;
	_ =	sdelay $0x4  }
0x1e4: {  	[tilespmem:$0x1DC40] =	vst v3;
	v3 =	vld [tilespmem:$0x1DBB0]  }
0x1e5: {  	v9 =	vadd.f32 v4, v9;
	v4 =	vld [tilespmem:$0x1FB40];
	_ =	sdelay $0x3  }
0x1e6: {  	v3 =	vand.u32 $0x7FFFFFFF, v3  }
0x1e7: {  	v3 =	vmul.f32 v3, v4  }
0x1e8: {  	v4 =	vld [tilespmem:$0x1DBD0]  }
0x1e9: {  	[tilespmem:$0x1DBF0] =	vst v3;
	v3 =	vld [tilespmem:$0x1DBC0];
	_ =	sdelay $0x1  }
0x1ea: {  	v6 =	vor.u32 $0x2A, v2;
	_ =	sdelay $0x2  }
0x1eb: {  	v3 =	vsub.f32 v3, v4;
	_ =	sdelay $0x1  }
0x1ec: {  	[tilespmem:$0x1DC20] =	vst v3;
	v3 =	vld.idx.msk [tilespmem:v6+s16+$0x0], $0xffff  }
0x1ed: {  	v4 =	vld.idx.msk [tilespmem:v6+s17+$0x0], $0xffff;
	_ =	sdelay $0x3  }
0x1ee: {  	v8 =	vld.idx.msk [tilespmem:v7+s17+$0x0], $0xffff;
	[tilespmem:$0x1DC60] =	vst v3  }
0x1ef: {  	v3 =	vld [tilespmem:$0x1DBE0];
	[tilespmem:$0x1DC70] =	vst v4  }
0x1f0: {  	v4 =	vld [tilespmem:$0x1DBF0];
	_ =	sdelay $0x4  }
0x1f1: {  	v9 =	vadd.f32 v4, v9;
	v4 =	vld [tilespmem:$0x1FB50];
	_ =	sdelay $0x3  }
0x1f2: {  	v3 =	vand.u32 $0x7FFFFFFF, v3  }
0x1f3: {  	v3 =	vmul.f32 v3, v4  }
0x1f4: {  	v4 =	vld [tilespmem:$0x1DC10]  }
0x1f5: {  	[tilespmem:$0x1DC30] =	vst v3;
	v3 =	vld [tilespmem:$0x1DC00];
	_ =	sdelay $0x1  }
0x1f6: {  	v5 =	vor.u32 $0x2B, v2;
	_ =	sdelay $0x2  }
0x1f7: {  	v3 =	vsub.f32 v3, v4;
	_ =	sdelay $0x1  }
0x1f8: {  	[tilespmem:$0x1DC50] =	vst v3;
	v3 =	vld.idx.msk [tilespmem:v5+s16+$0x0], $0xffff;
	_ =	sdelay $0x4  }
0x1f9: {  	[tilespmem:$0x1DCA0] =	vst v3;
	v3 =	vld [tilespmem:$0x1DC20];
	_ =	sdelay $0x4  }
0x1fa: {  	v4 =	vand.u32 $0x7FFFFFFF, v3;
	v3 =	vld.idx.msk [tilespmem:v5+s17+$0x0], $0xffff;
	_ =	sdelay $0x4  }
0x1fb: {  	[tilespmem:$0x1DCB0] =	vst v3;
	v3 =	vld [tilespmem:$0x1DC30];
	_ =	sdelay $0x4  }
0x1fc: {  	v9 =	vadd.f32 v3, v9;
	v3 =	vld [tilespmem:$0x1FB60];
	_ =	sdelay $0x4  }
0x1fd: {  	v4 =	vmul.f32 v4, v3;
	v3 =	vld [tilespmem:$0x1DC40];
	_ =	sdelay $0x1  }
0x1fe: {  	v7 =	vor.u32 $0x2C, v2;
	_ =	sdelay $0x2  }
0x1ff: {  	v3 =	vsub.f32 v3, v8;
	_ =	sdelay $0x1  }
0x200: {  	[tilespmem:$0x1DC80] =	vst v3;
	v3 =	vld.idx.msk [tilespmem:v7+s16+$0x0], $0xffff;
	_ =	sdelay $0x4  }
0x201: {  	[tilespmem:$0x1DCE0] =	vst v3;
	v3 =	vld [tilespmem:$0x1DC50]  }
0x202: {  	v9 =	vadd.f32 v4, v9;
	v4 =	vld [tilespmem:$0x1FB70];
	_ =	sdelay $0x3  }
0x203: {  	v3 =	vand.u32 $0x7FFFFFFF, v3  }
0x204: {  	v3 =	vmul.f32 v3, v4  }
0x205: {  	v4 =	vld [tilespmem:$0x1DC70]  }
0x206: {  	v6 =	vor.u32 $0x2D, v2;
	[tilespmem:$0x1DC90] =	vst v3;
	v3 =	vld [tilespmem:$0x1DC60];
	_ =	sdelay $0x4  }
0x207: {  	v3 =	vsub.f32 v3, v4;
	v4 =	vld.idx.msk [tilespmem:v6+s17+$0x0], $0xffff;
	_ =	sdelay $0x3  }
0x208: {  	[tilespmem:$0x1DCC0] =	vst v3;
	v3 =	vld.idx.msk [tilespmem:v6+s16+$0x0], $0xffff  }
0x209: {  	[tilespmem:$0x1DD10] =	vst v4;
	v4 =	vld [tilespmem:$0x1DC90];
	_ =	sdelay $0x3  }
0x20a: {  	[tilespmem:$0x1DD00] =	vst v3;
	v3 =	vld [tilespmem:$0x1DC80]  }
0x20b: {  	v9 =	vadd.f32 v4, v9;
	v4 =	vld [tilespmem:$0x1FB80];
	_ =	sdelay $0x3  }
0x20c: {  	v3 =	vand.u32 $0x7FFFFFFF, v3  }
0x20d: {  	v3 =	vmul.f32 v3, v4  }
0x20e: {  	v4 =	vld [tilespmem:$0x1DCB0]  }
0x20f: {  	[tilespmem:$0x1DCD0] =	vst v3;
	v3 =	vld [tilespmem:$0x1DCA0];
	_ =	sdelay $0x1  }
0x210: {  	v5 =	vor.u32 $0x2E, v2;
	_ =	sdelay $0x2  }
0x211: {  	v3 =	vsub.f32 v3, v4;
	_ =	sdelay $0x1  }
0x212: {  	[tilespmem:$0x1DCF0] =	vst v3;
	v3 =	vld.idx.msk [tilespmem:v5+s16+$0x0], $0xffff;
	_ =	sdelay $0x4  }
0x213: {  	[tilespmem:$0x1DD40] =	vst v3;
	v3 =	vld [tilespmem:$0x1DCC0];
	_ =	sdelay $0x4  }
0x214: {  	v4 =	vand.u32 $0x7FFFFFFF, v3;
	v3 =	vld.idx.msk [tilespmem:v5+s17+$0x0], $0xffff;
	_ =	sdelay $0x4  }
0x215: {  	[tilespmem:$0x1DD50] =	vst v3;
	v3 =	vld [tilespmem:$0x1DCD0];
	_ =	sdelay $0x4  }
0x216: {  	v9 =	vadd.f32 v3, v9;
	v3 =	vld [tilespmem:$0x1FB90];
	_ =	sdelay $0x3  }
0x217: {  	v8 =	vld.idx.msk [tilespmem:v7+s17+$0x0], $0xffff  }
0x218: {  	v4 =	vmul.f32 v4, v3;
	v3 =	vld [tilespmem:$0x1DCE0];
	_ =	sdelay $0x1  }
0x219: {  	v7 =	vor.u32 $0x2F, v2;
	_ =	sdelay $0x2  }
0x21a: {  	v3 =	vsub.f32 v3, v8;
	_ =	sdelay $0x1  }
0x21b: {  	[tilespmem:$0x1DD20] =	vst v3;
	v3 =	vld.idx.msk [tilespmem:v7+s16+$0x0], $0xffff;
	_ =	sdelay $0x4  }
0x21c: {  	[tilespmem:$0x1DD80] =	vst v3;
	v3 =	vld [tilespmem:$0x1DCF0]  }
0x21d: {  	v9 =	vadd.f32 v4, v9;
	v4 =	vld [tilespmem:$0x1FBA0];
	_ =	sdelay $0x3  }
0x21e: {  	v3 =	vand.u32 $0x7FFFFFFF, v3  }
0x21f: {  	v3 =	vmul.f32 v3, v4  }
0x220: {  	v4 =	vld [tilespmem:$0x1DD10]  }
0x221: {  	v6 =	vor.u32 $0x30, v2;
	[tilespmem:$0x1DD30] =	vst v3;
	v3 =	vld [tilespmem:$0x1DD00];
	_ =	sdelay $0x4  }
0x222: {  	v3 =	vsub.f32 v3, v4;
	v4 =	vld.idx.msk [tilespmem:v6+s17+$0x0], $0xffff;
	_ =	sdelay $0x3  }
0x223: {  	[tilespmem:$0x1DD60] =	vst v3;
	v3 =	vld.idx.msk [tilespmem:v6+s16+$0x0], $0xffff  }
0x224: {  	[tilespmem:$0x1DDB0] =	vst v4;
	v4 =	vld [tilespmem:$0x1DD30];
	_ =	sdelay $0x3  }
0x225: {  	[tilespmem:$0x1DDA0] =	vst v3;
	v3 =	vld [tilespmem:$0x1DD20]  }
0x226: {  	v9 =	vadd.f32 v4, v9;
	v4 =	vld [tilespmem:$0x1FBB0];
	_ =	sdelay $0x3  }
0x227: {  	v3 =	vand.u32 $0x7FFFFFFF, v3  }
0x228: {  	v3 =	vmul.f32 v3, v4  }
0x229: {  	v4 =	vld [tilespmem:$0x1DD50]  }
0x22a: {  	[tilespmem:$0x1DD70] =	vst v3;
	v3 =	vld [tilespmem:$0x1DD40];
	_ =	sdelay $0x1  }
0x22b: {  	v5 =	vor.u32 $0x31, v2;
	_ =	sdelay $0x2  }
0x22c: {  	v3 =	vsub.f32 v3, v4;
	_ =	sdelay $0x1  }
0x22d: {  	[tilespmem:$0x1DD90] =	vst v3;
	v3 =	vld.idx.msk [tilespmem:v5+s16+$0x0], $0xffff;
	_ =	sdelay $0x4  }
0x22e: {  	[tilespmem:$0x1DDE0] =	vst v3;
	v3 =	vld [tilespmem:$0x1DD60];
	_ =	sdelay $0x4  }
0x22f: {  	v4 =	vand.u32 $0x7FFFFFFF, v3;
	v3 =	vld.idx.msk [tilespmem:v5+s17+$0x0], $0xffff;
	_ =	sdelay $0x4  }
0x230: {  	[tilespmem:$0x1DDF0] =	vst v3;
	v3 =	vld [tilespmem:$0x1DD70];
	_ =	sdelay $0x4  }
0x231: {  	v9 =	vadd.f32 v3, v9;
	v3 =	vld [tilespmem:$0x1FBC0];
	_ =	sdelay $0x3  }
0x232: {  	v8 =	vld.idx.msk [tilespmem:v7+s17+$0x0], $0xffff  }
0x233: {  	v4 =	vmul.f32 v4, v3;
	v3 =	vld [tilespmem:$0x1DD80];
	_ =	sdelay $0x1  }
0x234: {  	v7 =	vor.u32 $0x32, v2;
	_ =	sdelay $0x2  }
0x235: {  	v3 =	vsub.f32 v3, v8;
	_ =	sdelay $0x1  }
0x236: {  	[tilespmem:$0x1DDC0] =	vst v3;
	v3 =	vld.idx.msk [tilespmem:v7+s16+$0x0], $0xffff;
	_ =	sdelay $0x4  }
0x237: {  	[tilespmem:$0x1DE20] =	vst v3;
	v3 =	vld [tilespmem:$0x1DD90]  }
0x238: {  	v9 =	vadd.f32 v4, v9;
	v4 =	vld [tilespmem:$0x1FBD0];
	_ =	sdelay $0x3  }
0x239: {  	v3 =	vand.u32 $0x7FFFFFFF, v3  }
0x23a: {  	v3 =	vmul.f32 v3, v4  }
0x23b: {  	v4 =	vld [tilespmem:$0x1DDB0]  }
0x23c: {  	v6 =	vor.u32 $0x33, v2;
	[tilespmem:$0x1DDD0] =	vst v3;
	v3 =	vld [tilespmem:$0x1DDA0];
	_ =	sdelay $0x4  }
0x23d: {  	v3 =	vsub.f32 v3, v4;
	v4 =	vld.idx.msk [tilespmem:v6+s17+$0x0], $0xffff;
	_ =	sdelay $0x3  }
0x23e: {  	[tilespmem:$0x1DE00] =	vst v3;
	v3 =	vld.idx.msk [tilespmem:v6+s16+$0x0], $0xffff  }
0x23f: {  	[tilespmem:$0x1DE50] =	vst v4;
	v4 =	vld [tilespmem:$0x1DDD0];
	_ =	sdelay $0x3  }
0x240: {  	[tilespmem:$0x1DE40] =	vst v3;
	v3 =	vld [tilespmem:$0x1DDC0]  }
0x241: {  	v9 =	vadd.f32 v4, v9;
	v4 =	vld [tilespmem:$0x1FBE0];
	_ =	sdelay $0x3  }
0x242: {  	v3 =	vand.u32 $0x7FFFFFFF, v3  }
0x243: {  	v3 =	vmul.f32 v3, v4  }
0x244: {  	v4 =	vld [tilespmem:$0x1DDF0]  }
0x245: {  	[tilespmem:$0x1DE10] =	vst v3;
	v3 =	vld [tilespmem:$0x1DDE0];
	_ =	sdelay $0x1  }
0x246: {  	v5 =	vor.u32 $0x34, v2;
	_ =	sdelay $0x2  }
0x247: {  	v3 =	vsub.f32 v3, v4;
	_ =	sdelay $0x1  }
0x248: {  	[tilespmem:$0x1DE30] =	vst v3;
	v3 =	vld.idx.msk [tilespmem:v5+s16+$0x0], $0xffff;
	_ =	sdelay $0x4  }
0x249: {  	[tilespmem:$0x1DE80] =	vst v3;
	v3 =	vld [tilespmem:$0x1DE00];
	_ =	sdelay $0x4  }
0x24a: {  	v4 =	vand.u32 $0x7FFFFFFF, v3;
	v3 =	vld.idx.msk [tilespmem:v5+s17+$0x0], $0xffff;
	_ =	sdelay $0x4  }
0x24b: {  	[tilespmem:$0x1DE90] =	vst v3;
	v3 =	vld [tilespmem:$0x1DE10];
	_ =	sdelay $0x4  }
0x24c: {  	v9 =	vadd.f32 v3, v9;
	v3 =	vld [tilespmem:$0x1FBF0];
	_ =	sdelay $0x3  }
0x24d: {  	v8 =	vld.idx.msk [tilespmem:v7+s17+$0x0], $0xffff  }
0x24e: {  	v4 =	vmul.f32 v4, v3;
	v3 =	vld [tilespmem:$0x1DE20];
	_ =	sdelay $0x1  }
0x24f: {  	v7 =	vor.u32 $0x35, v2;
	_ =	sdelay $0x2  }
0x250: {  	v3 =	vsub.f32 v3, v8;
	_ =	sdelay $0x1  }
0x251: {  	[tilespmem:$0x1DE60] =	vst v3;
	v3 =	vld.idx.msk [tilespmem:v7+s16+$0x0], $0xffff;
	_ =	sdelay $0x4  }
0x252: {  	[tilespmem:$0x1DEC0] =	vst v3;
	v3 =	vld [tilespmem:$0x1DE30]  }
0x253: {  	v9 =	vadd.f32 v4, v9;
	v4 =	vld [tilespmem:$0x1FC00];
	_ =	sdelay $0x3  }
0x254: {  	v3 =	vand.u32 $0x7FFFFFFF, v3  }
0x255: {  	v3 =	vmul.f32 v3, v4  }
0x256: {  	v4 =	vld [tilespmem:$0x1DE50]  }
0x257: {  	v6 =	vor.u32 $0x36, v2;
	[tilespmem:$0x1DE70] =	vst v3;
	v3 =	vld [tilespmem:$0x1DE40];
	_ =	sdelay $0x4  }
0x258: {  	v3 =	vsub.f32 v3, v4;
	v4 =	vld.idx.msk [tilespmem:v6+s17+$0x0], $0xffff;
	_ =	sdelay $0x3  }
0x259: {  	[tilespmem:$0x1DEA0] =	vst v3;
	v3 =	vld.idx.msk [tilespmem:v6+s16+$0x0], $0xffff  }
0x25a: {  	[tilespmem:$0x1DEF0] =	vst v4;
	v4 =	vld [tilespmem:$0x1DE70];
	_ =	sdelay $0x3  }
0x25b: {  	[tilespmem:$0x1DEE0] =	vst v3;
	v3 =	vld [tilespmem:$0x1DE60]  }
0x25c: {  	v9 =	vadd.f32 v4, v9;
	v4 =	vld [tilespmem:$0x1FC10];
	_ =	sdelay $0x3  }
0x25d: {  	v3 =	vand.u32 $0x7FFFFFFF, v3  }
0x25e: {  	v3 =	vmul.f32 v3, v4  }
0x25f: {  	v4 =	vld [tilespmem:$0x1DE90]  }
0x260: {  	[tilespmem:$0x1DEB0] =	vst v3;
	v3 =	vld [tilespmem:$0x1DE80];
	_ =	sdelay $0x1  }
0x261: {  	v5 =	vor.u32 $0x37, v2;
	_ =	sdelay $0x2  }
0x262: {  	v3 =	vsub.f32 v3, v4;
	_ =	sdelay $0x1  }
0x263: {  	[tilespmem:$0x1DED0] =	vst v3;
	v3 =	vld.idx.msk [tilespmem:v5+s16+$0x0], $0xffff;
	_ =	sdelay $0x4  }
0x264: {  	[tilespmem:$0x1DF20] =	vst v3;
	v3 =	vld [tilespmem:$0x1DEA0];
	_ =	sdelay $0x4  }
0x265: {  	v4 =	vand.u32 $0x7FFFFFFF, v3;
	v3 =	vld.idx.msk [tilespmem:v5+s17+$0x0], $0xffff;
	_ =	sdelay $0x4  }
0x266: {  	[tilespmem:$0x1DF30] =	vst v3;
	v3 =	vld [tilespmem:$0x1DEB0];
	_ =	sdelay $0x4  }
0x267: {  	v9 =	vadd.f32 v3, v9;
	v3 =	vld [tilespmem:$0x1FC20];
	_ =	sdelay $0x3  }
0x268: {  	v8 =	vld.idx.msk [tilespmem:v7+s17+$0x0], $0xffff  }
0x269: {  	v4 =	vmul.f32 v4, v3;
	v3 =	vld [tilespmem:$0x1DEC0];
	_ =	sdelay $0x1  }
0x26a: {  	v7 =	vor.u32 $0x38, v2;
	_ =	sdelay $0x2  }
0x26b: {  	v3 =	vsub.f32 v3, v8;
	_ =	sdelay $0x1  }
0x26c: {  	[tilespmem:$0x1DF00] =	vst v3;
	v3 =	vld.idx.msk [tilespmem:v7+s16+$0x0], $0xffff;
	_ =	sdelay $0x4  }
0x26d: {  	[tilespmem:$0x1DF60] =	vst v3;
	v3 =	vld [tilespmem:$0x1DED0]  }
0x26e: {  	v9 =	vadd.f32 v4, v9;
	v4 =	vld [tilespmem:$0x1FC30];
	_ =	sdelay $0x3  }
0x26f: {  	v3 =	vand.u32 $0x7FFFFFFF, v3  }
0x270: {  	v3 =	vmul.f32 v3, v4  }
0x271: {  	v4 =	vld [tilespmem:$0x1DEF0]  }
0x272: {  	v6 =	vor.u32 $0x39, v2;
	[tilespmem:$0x1DF10] =	vst v3;
	v3 =	vld [tilespmem:$0x1DEE0];
	_ =	sdelay $0x4  }
0x273: {  	v3 =	vsub.f32 v3, v4;
	v4 =	vld.idx.msk [tilespmem:v6+s17+$0x0], $0xffff;
	_ =	sdelay $0x3  }
0x274: {  	[tilespmem:$0x1DF40] =	vst v3;
	v3 =	vld.idx.msk [tilespmem:v6+s16+$0x0], $0xffff  }
0x275: {  	[tilespmem:$0x1DF90] =	vst v4;
	v4 =	vld [tilespmem:$0x1DF10];
	_ =	sdelay $0x3  }
0x276: {  	[tilespmem:$0x1DF80] =	vst v3;
	v3 =	vld [tilespmem:$0x1DF00]  }
0x277: {  	v9 =	vadd.f32 v4, v9;
	v4 =	vld [tilespmem:$0x1FC40];
	_ =	sdelay $0x3  }
0x278: {  	v3 =	vand.u32 $0x7FFFFFFF, v3  }
0x279: {  	v3 =	vmul.f32 v3, v4  }
0x27a: {  	v4 =	vld [tilespmem:$0x1DF30]  }
0x27b: {  	[tilespmem:$0x1DF50] =	vst v3;
	v3 =	vld [tilespmem:$0x1DF20];
	_ =	sdelay $0x1  }
0x27c: {  	v5 =	vor.u32 $0x3A, v2;
	_ =	sdelay $0x2  }
0x27d: {  	v3 =	vsub.f32 v3, v4;
	_ =	sdelay $0x1  }
0x27e: {  	[tilespmem:$0x1DF70] =	vst v3;
	v3 =	vld.idx.msk [tilespmem:v5+s16+$0x0], $0xffff;
	_ =	sdelay $0x4  }
0x27f: {  	[tilespmem:$0x1DFC0] =	vst v3;
	v3 =	vld [tilespmem:$0x1DF40];
	_ =	sdelay $0x4  }
0x280: {  	v4 =	vand.u32 $0x7FFFFFFF, v3;
	v3 =	vld.idx.msk [tilespmem:v5+s17+$0x0], $0xffff;
	_ =	sdelay $0x4  }
0x281: {  	[tilespmem:$0x1DFD0] =	vst v3;
	v3 =	vld [tilespmem:$0x1DF50];
	_ =	sdelay $0x4  }
0x282: {  	v9 =	vadd.f32 v3, v9;
	v3 =	vld [tilespmem:$0x1FC50];
	_ =	sdelay $0x3  }
0x283: {  	v8 =	vld.idx.msk [tilespmem:v7+s17+$0x0], $0xffff  }
0x284: {  	v4 =	vmul.f32 v4, v3;
	v3 =	vld [tilespmem:$0x1DF60];
	_ =	sdelay $0x1  }
0x285: {  	v7 =	vor.u32 $0x3B, v2;
	_ =	sdelay $0x2  }
0x286: {  	v3 =	vsub.f32 v3, v8;
	_ =	sdelay $0x1  }
0x287: {  	[tilespmem:$0x1DFA0] =	vst v3;
	v3 =	vld.idx.msk [tilespmem:v7+s16+$0x0], $0xffff;
	_ =	sdelay $0x4  }
0x288: {  	[tilespmem:$0x1E000] =	vst v3;
	v3 =	vld [tilespmem:$0x1DF70]  }
0x289: {  	v9 =	vadd.f32 v4, v9;
	v4 =	vld [tilespmem:$0x1FC60];
	_ =	sdelay $0x3  }
0x28a: {  	v3 =	vand.u32 $0x7FFFFFFF, v3  }
0x28b: {  	v3 =	vmul.f32 v3, v4  }
0x28c: {  	v4 =	vld [tilespmem:$0x1DF90]  }
0x28d: {  	v6 =	vor.u32 $0x3C, v2;
	[tilespmem:$0x1DFB0] =	vst v3;
	v3 =	vld [tilespmem:$0x1DF80];
	_ =	sdelay $0x4  }
0x28e: {  	v3 =	vsub.f32 v3, v4;
	v4 =	vld.idx.msk [tilespmem:v6+s17+$0x0], $0xffff;
	_ =	sdelay $0x3  }
0x28f: {  	[tilespmem:$0x1DFE0] =	vst v3;
	v3 =	vld.idx.msk [tilespmem:v6+s16+$0x0], $0xffff  }
0x290: {  	[tilespmem:$0x1E030] =	vst v4;
	v4 =	vld [tilespmem:$0x1DFB0];
	_ =	sdelay $0x3  }
0x291: {  	[tilespmem:$0x1E020] =	vst v3;
	v3 =	vld [tilespmem:$0x1DFA0]  }
0x292: {  	v9 =	vadd.f32 v4, v9;
	v4 =	vld [tilespmem:$0x1FC70];
	_ =	sdelay $0x3  }
0x293: {  	v3 =	vand.u32 $0x7FFFFFFF, v3  }
0x294: {  	v3 =	vmul.f32 v3, v4  }
0x295: {  	v4 =	vld [tilespmem:$0x1DFD0]  }
0x296: {  	[tilespmem:$0x1DFF0] =	vst v3;
	v3 =	vld [tilespmem:$0x1DFC0];
	_ =	sdelay $0x1  }
0x297: {  	v5 =	vor.u32 $0x3D, v2;
	_ =	sdelay $0x2  }
0x298: {  	v3 =	vsub.f32 v3, v4;
	_ =	sdelay $0x1  }
0x299: {  	[tilespmem:$0x1E010] =	vst v3;
	v3 =	vld.idx.msk [tilespmem:v5+s16+$0x0], $0xffff;
	_ =	sdelay $0x4  }
0x29a: {  	[tilespmem:$0x1E060] =	vst v3;
	v3 =	vld [tilespmem:$0x1DFE0];
	_ =	sdelay $0x4  }
0x29b: {  	v4 =	vand.u32 $0x7FFFFFFF, v3;
	v3 =	vld.idx.msk [tilespmem:v5+s17+$0x0], $0xffff;
	_ =	sdelay $0x4  }
0x29c: {  	[tilespmem:$0x1E070] =	vst v3;
	v3 =	vld [tilespmem:$0x1DFF0];
	_ =	sdelay $0x4  }
0x29d: {  	v9 =	vadd.f32 v3, v9;
	v3 =	vld [tilespmem:$0x1FC80];
	_ =	sdelay $0x3  }
0x29e: {  	v8 =	vld.idx.msk [tilespmem:v7+s17+$0x0], $0xffff  }
0x29f: {  	v4 =	vmul.f32 v4, v3;
	v3 =	vld [tilespmem:$0x1E000];
	_ =	sdelay $0x1  }
0x2a0: {  	v7 =	vor.u32 $0x3E, v2;
	_ =	sdelay $0x2  }
0x2a1: {  	v3 =	vsub.f32 v3, v8;
	_ =	sdelay $0x1  }
0x2a2: {  	[tilespmem:$0x1E040] =	vst v3;
	v3 =	vld.idx.msk [tilespmem:v7+s16+$0x0], $0xffff;
	_ =	sdelay $0x4  }
0x2a3: {  	[tilespmem:$0x1E0A0] =	vst v3;
	v3 =	vld [tilespmem:$0x1E010]  }
0x2a4: {  	v9 =	vadd.f32 v4, v9;
	v4 =	vld [tilespmem:$0x1FC90];
	_ =	sdelay $0x3  }
0x2a5: {  	v3 =	vand.u32 $0x7FFFFFFF, v3  }
0x2a6: {  	v3 =	vmul.f32 v3, v4  }
0x2a7: {  	v4 =	vld [tilespmem:$0x1E030]  }
0x2a8: {  	v6 =	vor.u32 $0x3F, v2;
	[tilespmem:$0x1E050] =	vst v3;
	v3 =	vld [tilespmem:$0x1E020];
	_ =	sdelay $0x4  }
0x2a9: {  	v3 =	vsub.f32 v3, v4;
	v4 =	vld.idx.msk [tilespmem:v6+s17+$0x0], $0xffff;
	_ =	sdelay $0x3  }
0x2aa: {  	[tilespmem:$0x1E080] =	vst v3;
	v3 =	vld.idx.msk [tilespmem:v6+s16+$0x0], $0xffff  }
0x2ab: {  	[tilespmem:$0x1E0D0] =	vst v4;
	v4 =	vld [tilespmem:$0x1E050];
	_ =	sdelay $0x3  }
0x2ac: {  	[tilespmem:$0x1E0C0] =	vst v3;
	v3 =	vld [tilespmem:$0x1E040]  }
0x2ad: {  	v9 =	vadd.f32 v4, v9;
	v4 =	vld [tilespmem:$0x1FCA0];
	_ =	sdelay $0x3  }
0x2ae: {  	v3 =	vand.u32 $0x7FFFFFFF, v3  }
0x2af: {  	v3 =	vmul.f32 v3, v4  }
0x2b0: {  	v4 =	vld [tilespmem:$0x1E070]  }
0x2b1: {  	[tilespmem:$0x1E090] =	vst v3;
	v3 =	vld [tilespmem:$0x1E060];
	_ =	sdelay $0x1  }
0x2b2: {  	v5 =	vor.u32 $0x40, v2;
	_ =	sdelay $0x2  }
0x2b3: {  	v3 =	vsub.f32 v3, v4;
	_ =	sdelay $0x1  }
0x2b4: {  	[tilespmem:$0x1E0B0] =	vst v3;
	v3 =	vld.idx.msk [tilespmem:v5+s16+$0x0], $0xffff;
	_ =	sdelay $0x4  }
0x2b5: {  	[tilespmem:$0x1E100] =	vst v3;
	v3 =	vld [tilespmem:$0x1E080];
	_ =	sdelay $0x4  }
0x2b6: {  	v4 =	vand.u32 $0x7FFFFFFF, v3;
	v3 =	vld.idx.msk [tilespmem:v5+s17+$0x0], $0xffff;
	_ =	sdelay $0x4  }
0x2b7: {  	[tilespmem:$0x1E110] =	vst v3;
	v3 =	vld [tilespmem:$0x1E090];
	_ =	sdelay $0x4  }
0x2b8: {  	v9 =	vadd.f32 v3, v9;
	v3 =	vld [tilespmem:$0x1FCB0];
	_ =	sdelay $0x3  }
0x2b9: {  	v8 =	vld.idx.msk [tilespmem:v7+s17+$0x0], $0xffff  }
0x2ba: {  	v4 =	vmul.f32 v4, v3;
	v3 =	vld [tilespmem:$0x1E0A0];
	_ =	sdelay $0x1  }
0x2bb: {  	v7 =	vor.u32 $0x41, v2;
	_ =	sdelay $0x2  }
0x2bc: {  	v3 =	vsub.f32 v3, v8;
	_ =	sdelay $0x1  }
0x2bd: {  	[tilespmem:$0x1E0E0] =	vst v3;
	v3 =	vld.idx.msk [tilespmem:v7+s16+$0x0], $0xffff;
	_ =	sdelay $0x4  }
0x2be: {  	[tilespmem:$0x1E140] =	vst v3;
	v3 =	vld [tilespmem:$0x1E0B0]  }
0x2bf: {  	v9 =	vadd.f32 v4, v9;
	v4 =	vld [tilespmem:$0x1FCC0];
	_ =	sdelay $0x3  }
0x2c0: {  	v3 =	vand.u32 $0x7FFFFFFF, v3  }
0x2c1: {  	v3 =	vmul.f32 v3, v4  }
0x2c2: {  	v4 =	vld [tilespmem:$0x1E0D0]  }
0x2c3: {  	v6 =	vor.u32 $0x42, v2;
	[tilespmem:$0x1E0F0] =	vst v3;
	v3 =	vld [tilespmem:$0x1E0C0];
	_ =	sdelay $0x4  }
0x2c4: {  	v3 =	vsub.f32 v3, v4;
	v4 =	vld.idx.msk [tilespmem:v6+s17+$0x0], $0xffff;
	_ =	sdelay $0x3  }
0x2c5: {  	[tilespmem:$0x1E120] =	vst v3;
	v3 =	vld.idx.msk [tilespmem:v6+s16+$0x0], $0xffff  }
0x2c6: {  	[tilespmem:$0x1E170] =	vst v4;
	v4 =	vld [tilespmem:$0x1E0F0];
	_ =	sdelay $0x3  }
0x2c7: {  	[tilespmem:$0x1E160] =	vst v3;
	v3 =	vld [tilespmem:$0x1E0E0]  }
0x2c8: {  	v9 =	vadd.f32 v4, v9;
	v4 =	vld [tilespmem:$0x1FCD0];
	_ =	sdelay $0x3  }
0x2c9: {  	v3 =	vand.u32 $0x7FFFFFFF, v3  }
0x2ca: {  	v3 =	vmul.f32 v3, v4  }
0x2cb: {  	v4 =	vld [tilespmem:$0x1E110]  }
0x2cc: {  	[tilespmem:$0x1E130] =	vst v3;
	v3 =	vld [tilespmem:$0x1E100];
	_ =	sdelay $0x1  }
0x2cd: {  	v5 =	vor.u32 $0x43, v2;
	_ =	sdelay $0x2  }
0x2ce: {  	v3 =	vsub.f32 v3, v4;
	_ =	sdelay $0x1  }
0x2cf: {  	[tilespmem:$0x1E150] =	vst v3;
	v3 =	vld.idx.msk [tilespmem:v5+s16+$0x0], $0xffff;
	_ =	sdelay $0x4  }
0x2d0: {  	[tilespmem:$0x1E1A0] =	vst v3;
	v3 =	vld [tilespmem:$0x1E120];
	_ =	sdelay $0x4  }
0x2d1: {  	v4 =	vand.u32 $0x7FFFFFFF, v3;
	v3 =	vld.idx.msk [tilespmem:v5+s17+$0x0], $0xffff;
	_ =	sdelay $0x4  }
0x2d2: {  	[tilespmem:$0x1E1B0] =	vst v3;
	v3 =	vld [tilespmem:$0x1E130];
	_ =	sdelay $0x4  }
0x2d3: {  	v9 =	vadd.f32 v3, v9;
	v3 =	vld [tilespmem:$0x1FCE0];
	_ =	sdelay $0x3  }
0x2d4: {  	v8 =	vld.idx.msk [tilespmem:v7+s17+$0x0], $0xffff  }
0x2d5: {  	v4 =	vmul.f32 v4, v3;
	v3 =	vld [tilespmem:$0x1E140];
	_ =	sdelay $0x1  }
0x2d6: {  	v7 =	vor.u32 $0x44, v2;
	_ =	sdelay $0x2  }
0x2d7: {  	v3 =	vsub.f32 v3, v8;
	_ =	sdelay $0x1  }
0x2d8: {  	[tilespmem:$0x1E180] =	vst v3;
	v3 =	vld.idx.msk [tilespmem:v7+s16+$0x0], $0xffff;
	_ =	sdelay $0x4  }
0x2d9: {  	[tilespmem:$0x1E1E0] =	vst v3;
	v3 =	vld [tilespmem:$0x1E150]  }
0x2da: {  	v9 =	vadd.f32 v4, v9;
	v4 =	vld [tilespmem:$0x1FCF0];
	_ =	sdelay $0x3  }
0x2db: {  	v3 =	vand.u32 $0x7FFFFFFF, v3  }
0x2dc: {  	v3 =	vmul.f32 v3, v4  }
0x2dd: {  	v4 =	vld [tilespmem:$0x1E170]  }
0x2de: {  	v6 =	vor.u32 $0x45, v2;
	[tilespmem:$0x1E190] =	vst v3;
	v3 =	vld [tilespmem:$0x1E160];
	_ =	sdelay $0x4  }
0x2df: {  	v3 =	vsub.f32 v3, v4;
	v4 =	vld.idx.msk [tilespmem:v6+s17+$0x0], $0xffff;
	_ =	sdelay $0x3  }
0x2e0: {  	[tilespmem:$0x1E1C0] =	vst v3;
	v3 =	vld.idx.msk [tilespmem:v6+s16+$0x0], $0xffff  }
0x2e1: {  	[tilespmem:$0x1E210] =	vst v4;
	v4 =	vld [tilespmem:$0x1E190];
	_ =	sdelay $0x3  }
0x2e2: {  	[tilespmem:$0x1E200] =	vst v3;
	v3 =	vld [tilespmem:$0x1E180]  }
0x2e3: {  	v9 =	vadd.f32 v4, v9;
	v4 =	vld [tilespmem:$0x1FD00];
	_ =	sdelay $0x3  }
0x2e4: {  	v3 =	vand.u32 $0x7FFFFFFF, v3  }
0x2e5: {  	v3 =	vmul.f32 v3, v4  }
0x2e6: {  	v4 =	vld [tilespmem:$0x1E1B0]  }
0x2e7: {  	[tilespmem:$0x1E1D0] =	vst v3;
	v3 =	vld [tilespmem:$0x1E1A0];
	_ =	sdelay $0x1  }
0x2e8: {  	v5 =	vor.u32 $0x46, v2;
	_ =	sdelay $0x2  }
0x2e9: {  	v3 =	vsub.f32 v3, v4;
	_ =	sdelay $0x1  }
0x2ea: {  	[tilespmem:$0x1E1F0] =	vst v3;
	v3 =	vld.idx.msk [tilespmem:v5+s16+$0x0], $0xffff;
	_ =	sdelay $0x4  }
0x2eb: {  	[tilespmem:$0x1E240] =	vst v3;
	v3 =	vld [tilespmem:$0x1E1C0];
	_ =	sdelay $0x4  }
0x2ec: {  	v4 =	vand.u32 $0x7FFFFFFF, v3;
	v3 =	vld.idx.msk [tilespmem:v5+s17+$0x0], $0xffff;
	_ =	sdelay $0x4  }
0x2ed: {  	[tilespmem:$0x1E250] =	vst v3;
	v3 =	vld [tilespmem:$0x1E1D0];
	_ =	sdelay $0x4  }
0x2ee: {  	v9 =	vadd.f32 v3, v9;
	v3 =	vld [tilespmem:$0x1FD10];
	_ =	sdelay $0x3  }
0x2ef: {  	v8 =	vld.idx.msk [tilespmem:v7+s17+$0x0], $0xffff  }
0x2f0: {  	v4 =	vmul.f32 v4, v3;
	v3 =	vld [tilespmem:$0x1E1E0];
	_ =	sdelay $0x1  }
0x2f1: {  	v7 =	vor.u32 $0x47, v2;
	_ =	sdelay $0x2  }
0x2f2: {  	v3 =	vsub.f32 v3, v8;
	_ =	sdelay $0x1  }
0x2f3: {  	[tilespmem:$0x1E220] =	vst v3;
	v3 =	vld.idx.msk [tilespmem:v7+s16+$0x0], $0xffff;
	_ =	sdelay $0x4  }
0x2f4: {  	[tilespmem:$0x1E280] =	vst v3;
	v3 =	vld [tilespmem:$0x1E1F0]  }
0x2f5: {  	v9 =	vadd.f32 v4, v9;
	v4 =	vld [tilespmem:$0x1FD20];
	_ =	sdelay $0x3  }
0x2f6: {  	v3 =	vand.u32 $0x7FFFFFFF, v3  }
0x2f7: {  	v3 =	vmul.f32 v3, v4  }
0x2f8: {  	v4 =	vld [tilespmem:$0x1E210]  }
0x2f9: {  	v6 =	vor.u32 $0x48, v2;
	[tilespmem:$0x1E230] =	vst v3;
	v3 =	vld [tilespmem:$0x1E200];
	_ =	sdelay $0x4  }
0x2fa: {  	v3 =	vsub.f32 v3, v4;
	v4 =	vld.idx.msk [tilespmem:v6+s17+$0x0], $0xffff;
	_ =	sdelay $0x3  }
0x2fb: {  	[tilespmem:$0x1E260] =	vst v3;
	v3 =	vld.idx.msk [tilespmem:v6+s16+$0x0], $0xffff  }
0x2fc: {  	[tilespmem:$0x1E2B0] =	vst v4;
	v4 =	vld [tilespmem:$0x1E230];
	_ =	sdelay $0x3  }
0x2fd: {  	[tilespmem:$0x1E2A0] =	vst v3;
	v3 =	vld [tilespmem:$0x1E220]  }
0x2fe: {  	v9 =	vadd.f32 v4, v9;
	v4 =	vld [tilespmem:$0x1FD30];
	_ =	sdelay $0x3  }
0x2ff: {  	v3 =	vand.u32 $0x7FFFFFFF, v3  }
0x300: {  	v3 =	vmul.f32 v3, v4  }
0x301: {  	v4 =	vld [tilespmem:$0x1E250]  }
0x302: {  	[tilespmem:$0x1E270] =	vst v3;
	v3 =	vld [tilespmem:$0x1E240];
	_ =	sdelay $0x1  }
0x303: {  	v5 =	vor.u32 $0x49, v2;
	_ =	sdelay $0x2  }
0x304: {  	v3 =	vsub.f32 v3, v4;
	_ =	sdelay $0x1  }
0x305: {  	[tilespmem:$0x1E290] =	vst v3;
	v3 =	vld.idx.msk [tilespmem:v5+s16+$0x0], $0xffff;
	_ =	sdelay $0x4  }
0x306: {  	[tilespmem:$0x1E2E0] =	vst v3;
	v3 =	vld [tilespmem:$0x1E260];
	_ =	sdelay $0x4  }
0x307: {  	v4 =	vand.u32 $0x7FFFFFFF, v3;
	v3 =	vld.idx.msk [tilespmem:v5+s17+$0x0], $0xffff;
	_ =	sdelay $0x4  }
0x308: {  	[tilespmem:$0x1E2F0] =	vst v3;
	v3 =	vld [tilespmem:$0x1E270];
	_ =	sdelay $0x4  }
0x309: {  	v9 =	vadd.f32 v3, v9;
	v3 =	vld [tilespmem:$0x1FD40];
	_ =	sdelay $0x3  }
0x30a: {  	v8 =	vld.idx.msk [tilespmem:v7+s17+$0x0], $0xffff  }
0x30b: {  	v4 =	vmul.f32 v4, v3;
	v3 =	vld [tilespmem:$0x1E280];
	_ =	sdelay $0x1  }
0x30c: {  	v7 =	vor.u32 $0x4A, v2;
	_ =	sdelay $0x2  }
0x30d: {  	v3 =	vsub.f32 v3, v8;
	_ =	sdelay $0x1  }
0x30e: {  	[tilespmem:$0x1E2C0] =	vst v3;
	v3 =	vld.idx.msk [tilespmem:v7+s16+$0x0], $0xffff;
	_ =	sdelay $0x4  }
0x30f: {  	[tilespmem:$0x1E320] =	vst v3;
	v3 =	vld [tilespmem:$0x1E290]  }
0x310: {  	v9 =	vadd.f32 v4, v9;
	v4 =	vld [tilespmem:$0x1FD50];
	_ =	sdelay $0x3  }
0x311: {  	v3 =	vand.u32 $0x7FFFFFFF, v3  }
0x312: {  	v3 =	vmul.f32 v3, v4  }
0x313: {  	v4 =	vld [tilespmem:$0x1E2B0]  }
0x314: {  	v6 =	vor.u32 $0x4B, v2;
	[tilespmem:$0x1E2D0] =	vst v3;
	v3 =	vld [tilespmem:$0x1E2A0];
	_ =	sdelay $0x4  }
0x315: {  	v3 =	vsub.f32 v3, v4;
	v4 =	vld.idx.msk [tilespmem:v6+s17+$0x0], $0xffff;
	_ =	sdelay $0x3  }
0x316: {  	[tilespmem:$0x1E300] =	vst v3;
	v3 =	vld.idx.msk [tilespmem:v6+s16+$0x0], $0xffff  }
0x317: {  	[tilespmem:$0x1E350] =	vst v4;
	v4 =	vld [tilespmem:$0x1E2D0];
	_ =	sdelay $0x3  }
0x318: {  	[tilespmem:$0x1E340] =	vst v3;
	v3 =	vld [tilespmem:$0x1E2C0]  }
0x319: {  	v9 =	vadd.f32 v4, v9;
	v4 =	vld [tilespmem:$0x1FD60];
	_ =	sdelay $0x3  }
0x31a: {  	v3 =	vand.u32 $0x7FFFFFFF, v3  }
0x31b: {  	v3 =	vmul.f32 v3, v4  }
0x31c: {  	v4 =	vld [tilespmem:$0x1E2F0]  }
0x31d: {  	[tilespmem:$0x1E310] =	vst v3;
	v3 =	vld [tilespmem:$0x1E2E0];
	_ =	sdelay $0x1  }
0x31e: {  	v5 =	vor.u32 $0x4C, v2;
	_ =	sdelay $0x2  }
0x31f: {  	v3 =	vsub.f32 v3, v4;
	_ =	sdelay $0x1  }
0x320: {  	[tilespmem:$0x1E330] =	vst v3;
	v3 =	vld.idx.msk [tilespmem:v5+s16+$0x0], $0xffff;
	_ =	sdelay $0x4  }
0x321: {  	[tilespmem:$0x1E380] =	vst v3;
	v3 =	vld [tilespmem:$0x1E300];
	_ =	sdelay $0x4  }
0x322: {  	v4 =	vand.u32 $0x7FFFFFFF, v3;
	v3 =	vld.idx.msk [tilespmem:v5+s17+$0x0], $0xffff;
	_ =	sdelay $0x4  }
0x323: {  	[tilespmem:$0x1E390] =	vst v3;
	v3 =	vld [tilespmem:$0x1E310];
	_ =	sdelay $0x4  }
0x324: {  	v9 =	vadd.f32 v3, v9;
	v3 =	vld [tilespmem:$0x1FD70];
	_ =	sdelay $0x3  }
0x325: {  	v8 =	vld.idx.msk [tilespmem:v7+s17+$0x0], $0xffff  }
0x326: {  	v4 =	vmul.f32 v4, v3;
	v3 =	vld [tilespmem:$0x1E320];
	_ =	sdelay $0x1  }
0x327: {  	v7 =	vor.u32 $0x4D, v2;
	_ =	sdelay $0x2  }
0x328: {  	v3 =	vsub.f32 v3, v8;
	_ =	sdelay $0x1  }
0x329: {  	[tilespmem:$0x1E360] =	vst v3;
	v3 =	vld.idx.msk [tilespmem:v7+s16+$0x0], $0xffff;
	_ =	sdelay $0x4  }
0x32a: {  	[tilespmem:$0x1E3C0] =	vst v3;
	v3 =	vld [tilespmem:$0x1E330]  }
0x32b: {  	v9 =	vadd.f32 v4, v9;
	v4 =	vld [tilespmem:$0x1FD80];
	_ =	sdelay $0x3  }
0x32c: {  	v3 =	vand.u32 $0x7FFFFFFF, v3  }
0x32d: {  	v3 =	vmul.f32 v3, v4  }
0x32e: {  	v4 =	vld [tilespmem:$0x1E350]  }
0x32f: {  	v6 =	vor.u32 $0x4E, v2;
	[tilespmem:$0x1E370] =	vst v3;
	v3 =	vld [tilespmem:$0x1E340];
	_ =	sdelay $0x4  }
0x330: {  	v3 =	vsub.f32 v3, v4;
	v4 =	vld.idx.msk [tilespmem:v6+s17+$0x0], $0xffff;
	_ =	sdelay $0x3  }
0x331: {  	[tilespmem:$0x1E3A0] =	vst v3;
	v3 =	vld.idx.msk [tilespmem:v6+s16+$0x0], $0xffff  }
0x332: {  	[tilespmem:$0x1E3F0] =	vst v4;
	v4 =	vld [tilespmem:$0x1E370];
	_ =	sdelay $0x3  }
0x333: {  	[tilespmem:$0x1E3E0] =	vst v3;
	v3 =	vld [tilespmem:$0x1E360]  }
0x334: {  	v9 =	vadd.f32 v4, v9;
	v4 =	vld [tilespmem:$0x1FD90];
	_ =	sdelay $0x3  }
0x335: {  	v3 =	vand.u32 $0x7FFFFFFF, v3  }
0x336: {  	v3 =	vmul.f32 v3, v4  }
0x337: {  	v4 =	vld [tilespmem:$0x1E390]  }
0x338: {  	[tilespmem:$0x1E3B0] =	vst v3;
	v3 =	vld [tilespmem:$0x1E380];
	_ =	sdelay $0x1  }
0x339: {  	v5 =	vor.u32 $0x4F, v2;
	_ =	sdelay $0x2  }
0x33a: {  	v3 =	vsub.f32 v3, v4;
	_ =	sdelay $0x1  }
0x33b: {  	[tilespmem:$0x1E3D0] =	vst v3;
	v3 =	vld.idx.msk [tilespmem:v5+s16+$0x0], $0xffff;
	_ =	sdelay $0x4  }
0x33c: {  	[tilespmem:$0x1E420] =	vst v3;
	v3 =	vld [tilespmem:$0x1E3A0];
	_ =	sdelay $0x4  }
0x33d: {  	v4 =	vand.u32 $0x7FFFFFFF, v3;
	v3 =	vld.idx.msk [tilespmem:v5+s17+$0x0], $0xffff;
	_ =	sdelay $0x4  }
0x33e: {  	[tilespmem:$0x1E430] =	vst v3;
	v3 =	vld [tilespmem:$0x1E3B0];
	_ =	sdelay $0x4  }
0x33f: {  	v9 =	vadd.f32 v3, v9;
	v3 =	vld [tilespmem:$0x1FDA0];
	_ =	sdelay $0x3  }
0x340: {  	v8 =	vld.idx.msk [tilespmem:v7+s17+$0x0], $0xffff  }
0x341: {  	v4 =	vmul.f32 v4, v3;
	v3 =	vld [tilespmem:$0x1E3C0];
	_ =	sdelay $0x1  }
0x342: {  	v7 =	vor.u32 $0x50, v2;
	_ =	sdelay $0x2  }
0x343: {  	v3 =	vsub.f32 v3, v8;
	_ =	sdelay $0x1  }
0x344: {  	[tilespmem:$0x1E400] =	vst v3;
	v3 =	vld.idx.msk [tilespmem:v7+s16+$0x0], $0xffff;
	_ =	sdelay $0x4  }
0x345: {  	[tilespmem:$0x1E460] =	vst v3;
	v3 =	vld [tilespmem:$0x1E3D0]  }
0x346: {  	v9 =	vadd.f32 v4, v9;
	v4 =	vld [tilespmem:$0x1FDB0];
	_ =	sdelay $0x3  }
0x347: {  	v3 =	vand.u32 $0x7FFFFFFF, v3  }
0x348: {  	v3 =	vmul.f32 v3, v4  }
0x349: {  	v4 =	vld [tilespmem:$0x1E3F0]  }
0x34a: {  	v6 =	vor.u32 $0x51, v2;
	[tilespmem:$0x1E410] =	vst v3;
	v3 =	vld [tilespmem:$0x1E3E0];
	_ =	sdelay $0x4  }
0x34b: {  	v3 =	vsub.f32 v3, v4;
	v4 =	vld.idx.msk [tilespmem:v6+s17+$0x0], $0xffff;
	_ =	sdelay $0x3  }
0x34c: {  	[tilespmem:$0x1E440] =	vst v3;
	v3 =	vld.idx.msk [tilespmem:v6+s16+$0x0], $0xffff  }
0x34d: {  	[tilespmem:$0x1E490] =	vst v4;
	v4 =	vld [tilespmem:$0x1E410];
	_ =	sdelay $0x3  }
0x34e: {  	[tilespmem:$0x1E480] =	vst v3;
	v3 =	vld [tilespmem:$0x1E400]  }
0x34f: {  	v9 =	vadd.f32 v4, v9;
	v4 =	vld [tilespmem:$0x1FDC0];
	_ =	sdelay $0x3  }
0x350: {  	v3 =	vand.u32 $0x7FFFFFFF, v3  }
0x351: {  	v3 =	vmul.f32 v3, v4  }
0x352: {  	v4 =	vld [tilespmem:$0x1E430]  }
0x353: {  	[tilespmem:$0x1E450] =	vst v3;
	v3 =	vld [tilespmem:$0x1E420];
	_ =	sdelay $0x1  }
0x354: {  	v5 =	vor.u32 $0x52, v2;
	_ =	sdelay $0x2  }
0x355: {  	v3 =	vsub.f32 v3, v4;
	_ =	sdelay $0x1  }
0x356: {  	[tilespmem:$0x1E470] =	vst v3;
	v3 =	vld.idx.msk [tilespmem:v5+s16+$0x0], $0xffff;
	_ =	sdelay $0x4  }
0x357: {  	[tilespmem:$0x1E4C0] =	vst v3;
	v3 =	vld [tilespmem:$0x1E440];
	_ =	sdelay $0x4  }
0x358: {  	v4 =	vand.u32 $0x7FFFFFFF, v3;
	v3 =	vld.idx.msk [tilespmem:v5+s17+$0x0], $0xffff;
	_ =	sdelay $0x4  }
0x359: {  	[tilespmem:$0x1E4D0] =	vst v3;
	v3 =	vld [tilespmem:$0x1E450];
	_ =	sdelay $0x4  }
0x35a: {  	v9 =	vadd.f32 v3, v9;
	v3 =	vld [tilespmem:$0x1FDD0];
	_ =	sdelay $0x3  }
0x35b: {  	v8 =	vld.idx.msk [tilespmem:v7+s17+$0x0], $0xffff  }
0x35c: {  	v4 =	vmul.f32 v4, v3;
	v3 =	vld [tilespmem:$0x1E460];
	_ =	sdelay $0x1  }
0x35d: {  	v7 =	vor.u32 $0x53, v2;
	_ =	sdelay $0x2  }
0x35e: {  	v3 =	vsub.f32 v3, v8;
	_ =	sdelay $0x1  }
0x35f: {  	[tilespmem:$0x1E4A0] =	vst v3;
	v3 =	vld.idx.msk [tilespmem:v7+s16+$0x0], $0xffff;
	_ =	sdelay $0x4  }
0x360: {  	[tilespmem:$0x1E500] =	vst v3;
	v3 =	vld [tilespmem:$0x1E470]  }
0x361: {  	v9 =	vadd.f32 v4, v9;
	v4 =	vld [tilespmem:$0x1FDE0];
	_ =	sdelay $0x3  }
0x362: {  	v3 =	vand.u32 $0x7FFFFFFF, v3  }
0x363: {  	v3 =	vmul.f32 v3, v4  }
0x364: {  	v4 =	vld [tilespmem:$0x1E490]  }
0x365: {  	[tilespmem:$0x1E4B0] =	vst v3;
	v3 =	vld [tilespmem:$0x1E480];
	_ =	sdelay $0x1  }
0x366: {  	v6 =	vor.u32 $0x54, v2;
	_ =	sdelay $0x2  }
0x367: {  	v3 =	vsub.f32 v3, v4;
	_ =	sdelay $0x1  }
0x368: {  	[tilespmem:$0x1E4E0] =	vst v3;
	v3 =	vld.idx.msk [tilespmem:v6+s16+$0x0], $0xffff;
	_ =	sdelay $0x1  }
0x369: {  	v4 =	vld.idx.msk [tilespmem:v6+s17+$0x0], $0xffff;
	_ =	sdelay $0x2  }
0x36a: {  	[tilespmem:$0x1E520] =	vst v3;
	v3 =	vld [tilespmem:$0x1E4A0];
	_ =	sdelay $0x1  }
0x36b: {  	[tilespmem:$0x1E530] =	vst v4;
	v4 =	vld [tilespmem:$0x1E4B0];
	_ =	sdelay $0x2  }
0x36c: {  	v3 =	vand.u32 $0x7FFFFFFF, v3  }
0x36d: {  	v3 =	vmul.f32 v3, v25  }
0x36e: {  	v9 =	vadd.f32 v4, v9;
	v4 =	vld [tilespmem:$0x1E4D0]  }
0x36f: {  	[tilespmem:$0x1E4F0] =	vst v3;
	v3 =	vld [tilespmem:$0x1E4C0];
	_ =	sdelay $0x1  }
0x370: {  	v5 =	vor.u32 $0x55, v2;
	_ =	sdelay $0x2  }
0x371: {  	v3 =	vsub.f32 v3, v4;
	_ =	sdelay $0x1  }
0x372: {  	[tilespmem:$0x1E510] =	vst v3;
	v3 =	vld.idx.msk [tilespmem:v5+s16+$0x0], $0xffff;
	_ =	sdelay $0x4  }
0x373: {  	[tilespmem:$0x1E560] =	vst v3;
	v3 =	vld [tilespmem:$0x1E4E0];
	_ =	sdelay $0x4  }
0x374: {  	v4 =	vand.u32 $0x7FFFFFFF, v3;
	v3 =	vld.idx.msk [tilespmem:v5+s17+$0x0], $0xffff;
	_ =	sdelay $0x4  }
0x375: {  	[tilespmem:$0x1E570] =	vst v3;
	v3 =	vld [tilespmem:$0x1E4F0];
	_ =	sdelay $0x3  }
0x376: {  	v8 =	vld.idx.msk [tilespmem:v7+s17+$0x0], $0xffff  }
0x377: {  	v9 =	vadd.f32 v3, v9;
	v3 =	vld [tilespmem:$0x1E500];
	_ =	sdelay $0x1  }
0x378: {  	v7 =	vor.u32 $0x56, v2;
	_ =	sdelay $0x2  }
0x379: {  	v3 =	vsub.f32 v3, v8;
	_ =	sdelay $0x1  }
0x37a: {  	[tilespmem:$0x1E540] =	vst v3;
	v3 =	vld.idx.msk [tilespmem:v7+s16+$0x0], $0xffff;
	_ =	sdelay $0x4  }
0x37b: {  	[tilespmem:$0x1E5A0] =	vst v3;
	v3 =	vld [tilespmem:$0x1E510];
	_ =	sdelay $0x4  }
0x37c: {  	v4 =	vmul.f32 v4, v34;
	v3 =	vand.u32 $0x7FFFFFFF, v3  }
0x37d: {  	v3 =	vmul.f32 v3, v21  }
0x37e: {  	v9 =	vadd.f32 v4, v9;
	v4 =	vld [tilespmem:$0x1E530]  }
0x37f: {  	[tilespmem:$0x1E550] =	vst v3;
	v3 =	vld [tilespmem:$0x1E520];
	_ =	sdelay $0x1  }
0x380: {  	v6 =	vor.u32 $0x57, v2;
	_ =	sdelay $0x2  }
0x381: {  	v3 =	vsub.f32 v3, v4;
	_ =	sdelay $0x1  }
0x382: {  	[tilespmem:$0x1E580] =	vst v3;
	v3 =	vld.idx.msk [tilespmem:v6+s16+$0x0], $0xffff;
	_ =	sdelay $0x1  }
0x383: {  	v4 =	vld.idx.msk [tilespmem:v6+s17+$0x0], $0xffff;
	_ =	sdelay $0x2  }
0x384: {  	[tilespmem:$0x1E5C0] =	vst v3;
	v3 =	vld [tilespmem:$0x1E540];
	_ =	sdelay $0x1  }
0x385: {  	[tilespmem:$0x1E5D0] =	vst v4;
	v4 =	vld [tilespmem:$0x1E550];
	_ =	sdelay $0x2  }
0x386: {  	v3 =	vand.u32 $0x7FFFFFFF, v3  }
0x387: {  	v3 =	vmul.f32 v3, v35  }
0x388: {  	v9 =	vadd.f32 v4, v9;
	v4 =	vld [tilespmem:$0x1E570]  }
0x389: {  	[tilespmem:$0x1E590] =	vst v3;
	v3 =	vld [tilespmem:$0x1E560];
	_ =	sdelay $0x1  }
0x38a: {  	v5 =	vor.u32 $0x58, v2;
	_ =	sdelay $0x2  }
0x38b: {  	v3 =	vsub.f32 v3, v4;
	_ =	sdelay $0x1  }
0x38c: {  	[tilespmem:$0x1E5B0] =	vst v3;
	v3 =	vld.idx.msk [tilespmem:v5+s16+$0x0], $0xffff;
	_ =	sdelay $0x4  }
0x38d: {  	[tilespmem:$0x1E600] =	vst v3;
	v3 =	vld [tilespmem:$0x1E580];
	_ =	sdelay $0x4  }
0x38e: {  	v4 =	vand.u32 $0x7FFFFFFF, v3;
	v3 =	vld.idx.msk [tilespmem:v5+s17+$0x0], $0xffff;
	_ =	sdelay $0x4  }
0x38f: {  	[tilespmem:$0x1E610] =	vst v3;
	v3 =	vld [tilespmem:$0x1E590];
	_ =	sdelay $0x3  }
0x390: {  	v8 =	vld.idx.msk [tilespmem:v7+s17+$0x0], $0xffff  }
0x391: {  	v9 =	vadd.f32 v3, v9;
	v3 =	vld [tilespmem:$0x1E5A0];
	_ =	sdelay $0x1  }
0x392: {  	v7 =	vor.u32 $0x59, v2;
	_ =	sdelay $0x2  }
0x393: {  	v3 =	vsub.f32 v3, v8;
	_ =	sdelay $0x1  }
0x394: {  	[tilespmem:$0x1E5E0] =	vst v3;
	v3 =	vld.idx.msk [tilespmem:v7+s16+$0x0], $0xffff;
	_ =	sdelay $0x4  }
0x395: {  	[tilespmem:$0x1E640] =	vst v3;
	v3 =	vld [tilespmem:$0x1E5B0];
	_ =	sdelay $0x4  }
0x396: {  	v4 =	vmul.f32 v4, v26;
	v3 =	vand.u32 $0x7FFFFFFF, v3  }
0x397: {  	v3 =	vmul.f32 v3, v36  }
0x398: {  	v9 =	vadd.f32 v4, v9;
	v4 =	vld [tilespmem:$0x1E5D0]  }
0x399: {  	[tilespmem:$0x1E5F0] =	vst v3;
	v3 =	vld [tilespmem:$0x1E5C0];
	_ =	sdelay $0x1  }
0x39a: {  	v6 =	vor.u32 $0x5A, v2;
	_ =	sdelay $0x2  }
0x39b: {  	v3 =	vsub.f32 v3, v4;
	_ =	sdelay $0x1  }
0x39c: {  	[tilespmem:$0x1E620] =	vst v3;
	v3 =	vld.idx.msk [tilespmem:v6+s16+$0x0], $0xffff;
	_ =	sdelay $0x1  }
0x39d: {  	v4 =	vld.idx.msk [tilespmem:v6+s17+$0x0], $0xffff;
	_ =	sdelay $0x2  }
0x39e: {  	[tilespmem:$0x1E660] =	vst v3;
	v3 =	vld [tilespmem:$0x1E5E0];
	_ =	sdelay $0x1  }
0x39f: {  	[tilespmem:$0x1E670] =	vst v4;
	v4 =	vld [tilespmem:$0x1E5F0];
	_ =	sdelay $0x2  }
0x3a0: {  	v3 =	vand.u32 $0x7FFFFFFF, v3  }
0x3a1: {  	v3 =	vmul.f32 v3, v19  }
0x3a2: {  	v9 =	vadd.f32 v4, v9;
	v4 =	vld [tilespmem:$0x1E610]  }
0x3a3: {  	[tilespmem:$0x1E630] =	vst v3;
	v3 =	vld [tilespmem:$0x1E600];
	_ =	sdelay $0x1  }
0x3a4: {  	v5 =	vor.u32 $0x5B, v2;
	_ =	sdelay $0x2  }
0x3a5: {  	v3 =	vsub.f32 v3, v4;
	_ =	sdelay $0x1  }
0x3a6: {  	[tilespmem:$0x1E650] =	vst v3;
	v3 =	vld.idx.msk [tilespmem:v5+s16+$0x0], $0xffff;
	_ =	sdelay $0x4  }
0x3a7: {  	[tilespmem:$0x1E6A0] =	vst v3;
	v3 =	vld [tilespmem:$0x1E620];
	_ =	sdelay $0x4  }
0x3a8: {  	v4 =	vand.u32 $0x7FFFFFFF, v3;
	v3 =	vld.idx.msk [tilespmem:v5+s17+$0x0], $0xffff;
	_ =	sdelay $0x4  }
0x3a9: {  	[tilespmem:$0x1E6B0] =	vst v3;
	v3 =	vld [tilespmem:$0x1E630];
	_ =	sdelay $0x3  }
0x3aa: {  	v8 =	vld.idx.msk [tilespmem:v7+s17+$0x0], $0xffff  }
0x3ab: {  	v9 =	vadd.f32 v3, v9;
	v3 =	vld [tilespmem:$0x1E640];
	_ =	sdelay $0x1  }
0x3ac: {  	v7 =	vor.u32 $0x5C, v2;
	_ =	sdelay $0x2  }
0x3ad: {  	v3 =	vsub.f32 v3, v8;
	_ =	sdelay $0x1  }
0x3ae: {  	[tilespmem:$0x1E680] =	vst v3;
	v3 =	vld.idx.msk [tilespmem:v7+s16+$0x0], $0xffff;
	_ =	sdelay $0x4  }
0x3af: {  	[tilespmem:$0x1E6E0] =	vst v3;
	v3 =	vld [tilespmem:$0x1E650];
	_ =	sdelay $0x4  }
0x3b0: {  	v4 =	vmul.f32 v4, v37;
	v3 =	vand.u32 $0x7FFFFFFF, v3  }
0x3b1: {  	v3 =	vmul.f32 v3, v27  }
0x3b2: {  	v9 =	vadd.f32 v4, v9;
	v4 =	vld [tilespmem:$0x1E670]  }
0x3b3: {  	[tilespmem:$0x1E690] =	vst v3;
	v3 =	vld [tilespmem:$0x1E660];
	_ =	sdelay $0x1  }
0x3b4: {  	v6 =	vor.u32 $0x5D, v2;
	_ =	sdelay $0x2  }
0x3b5: {  	v3 =	vsub.f32 v3, v4;
	_ =	sdelay $0x1  }
0x3b6: {  	[tilespmem:$0x1E6C0] =	vst v3;
	v3 =	vld.idx.msk [tilespmem:v6+s16+$0x0], $0xffff;
	_ =	sdelay $0x1  }
0x3b7: {  	v4 =	vld.idx.msk [tilespmem:v6+s17+$0x0], $0xffff;
	_ =	sdelay $0x2  }
0x3b8: {  	[tilespmem:$0x1E700] =	vst v3;
	v3 =	vld [tilespmem:$0x1E680];
	_ =	sdelay $0x1  }
0x3b9: {  	[tilespmem:$0x1E710] =	vst v4;
	v4 =	vld [tilespmem:$0x1E690];
	_ =	sdelay $0x2  }
0x3ba: {  	v3 =	vand.u32 $0x7FFFFFFF, v3  }
0x3bb: {  	v3 =	vmul.f32 v3, v38  }
0x3bc: {  	v9 =	vadd.f32 v4, v9;
	v4 =	vld [tilespmem:$0x1E6B0]  }
0x3bd: {  	[tilespmem:$0x1E6D0] =	vst v3;
	v3 =	vld [tilespmem:$0x1E6A0];
	_ =	sdelay $0x1  }
0x3be: {  	v5 =	vor.u32 $0x5E, v2;
	_ =	sdelay $0x2  }
0x3bf: {  	v3 =	vsub.f32 v3, v4;
	_ =	sdelay $0x1  }
0x3c0: {  	[tilespmem:$0x1E6F0] =	vst v3;
	v3 =	vld.idx.msk [tilespmem:v5+s16+$0x0], $0xffff;
	_ =	sdelay $0x4  }
0x3c1: {  	[tilespmem:$0x1E740] =	vst v3;
	v3 =	vld [tilespmem:$0x1E6C0];
	_ =	sdelay $0x4  }
0x3c2: {  	v4 =	vand.u32 $0x7FFFFFFF, v3;
	v3 =	vld.idx.msk [tilespmem:v5+s17+$0x0], $0xffff;
	_ =	sdelay $0x4  }
0x3c3: {  	[tilespmem:$0x1E750] =	vst v3;
	v3 =	vld [tilespmem:$0x1E6D0];
	_ =	sdelay $0x3  }
0x3c4: {  	v8 =	vld.idx.msk [tilespmem:v7+s17+$0x0], $0xffff  }
0x3c5: {  	v9 =	vadd.f32 v3, v9;
	v3 =	vld [tilespmem:$0x1E6E0];
	_ =	sdelay $0x1  }
0x3c6: {  	v7 =	vor.u32 $0x5F, v2;
	_ =	sdelay $0x2  }
0x3c7: {  	v3 =	vsub.f32 v3, v8;
	_ =	sdelay $0x1  }
0x3c8: {  	[tilespmem:$0x1E720] =	vst v3;
	v3 =	vld.idx.msk [tilespmem:v7+s16+$0x0], $0xffff;
	_ =	sdelay $0x4  }
0x3c9: {  	[tilespmem:$0x1E780] =	vst v3  }
0x3ca: {  	v3 =	vld [tilespmem:$0x1E6F0];
	_ =	sdelay $0x4  }
0x3cb: {  	v4 =	vmul.f32 v4, v22;
	v3 =	vand.u32 $0x7FFFFFFF, v3  }
0x3cc: {  	v3 =	vmul.f32 v3, v28  }
0x3cd: {  	v9 =	vadd.f32 v4, v9;
	v4 =	vld [tilespmem:$0x1E710]  }
0x3ce: {  	[tilespmem:$0x1E730] =	vst v3;
	v3 =	vld [tilespmem:$0x1E700];
	_ =	sdelay $0x1  }
0x3cf: {  	v6 =	vor.u32 $0x60, v2;
	_ =	sdelay $0x2  }
0x3d0: {  	v3 =	vsub.f32 v3, v4;
	_ =	sdelay $0x1  }
0x3d1: {  	[tilespmem:$0x1E760] =	vst v3;
	v3 =	vld.idx.msk [tilespmem:v6+s16+$0x0], $0xffff;
	_ =	sdelay $0x1  }
0x3d2: {  	v4 =	vld.idx.msk [tilespmem:v6+s17+$0x0], $0xffff;
	_ =	sdelay $0x2  }
0x3d3: {  	[tilespmem:$0x1E7A0] =	vst v3;
	v3 =	vld [tilespmem:$0x1E720];
	_ =	sdelay $0x1  }
0x3d4: {  	[tilespmem:$0x1E7B0] =	vst v4;
	v4 =	vld [tilespmem:$0x1E730];
	_ =	sdelay $0x2  }
0x3d5: {  	v3 =	vand.u32 $0x7FFFFFFF, v3  }
0x3d6: {  	v3 =	vmul.f32 v3, v39  }
0x3d7: {  	v9 =	vadd.f32 v4, v9;
	v4 =	vld [tilespmem:$0x1E750]  }
0x3d8: {  	[tilespmem:$0x1E770] =	vst v3;
	v3 =	vld [tilespmem:$0x1E740];
	_ =	sdelay $0x1  }
0x3d9: {  	v5 =	vor.u32 $0x61, v2;
	_ =	sdelay $0x2  }
0x3da: {  	v3 =	vsub.f32 v3, v4;
	_ =	sdelay $0x1  }
0x3db: {  	[tilespmem:$0x1E790] =	vst v3;
	v3 =	vld.idx.msk [tilespmem:v5+s16+$0x0], $0xffff;
	_ =	sdelay $0x4  }
0x3dc: {  	[tilespmem:$0x1E7E0] =	vst v3;
	v3 =	vld [tilespmem:$0x1E760];
	_ =	sdelay $0x4  }
0x3dd: {  	v4 =	vand.u32 $0x7FFFFFFF, v3;
	v3 =	vld.idx.msk [tilespmem:v5+s17+$0x0], $0xffff;
	_ =	sdelay $0x4  }
0x3de: {  	[tilespmem:$0x1E7F0] =	vst v3;
	v3 =	vld [tilespmem:$0x1E770];
	_ =	sdelay $0x3  }
0x3df: {  	v8 =	vld.idx.msk [tilespmem:v7+s17+$0x0], $0xffff  }
0x3e0: {  	v9 =	vadd.f32 v3, v9;
	v3 =	vld [tilespmem:$0x1E780];
	_ =	sdelay $0x1  }
0x3e1: {  	v7 =	vor.u32 $0x62, v2;
	_ =	sdelay $0x2  }
0x3e2: {  	v3 =	vsub.f32 v3, v8;
	_ =	sdelay $0x1  }
0x3e3: {  	[tilespmem:$0x1E7C0] =	vst v3;
	v3 =	vld.idx.msk [tilespmem:v7+s16+$0x0], $0xffff;
	_ =	sdelay $0x4  }
0x3e4: {  	[tilespmem:$0x1E820] =	vst v3;
	v3 =	vld [tilespmem:$0x1E790];
	_ =	sdelay $0x4  }
0x3e5: {  	v4 =	vmul.f32 v4, v40;
	v3 =	vand.u32 $0x7FFFFFFF, v3  }
0x3e6: {  	v3 =	vmul.f32 v3, v18  }
0x3e7: {  	v9 =	vadd.f32 v4, v9;
	v4 =	vld [tilespmem:$0x1E7B0]  }
0x3e8: {  	[tilespmem:$0x1E7D0] =	vst v3;
	v3 =	vld [tilespmem:$0x1E7A0];
	_ =	sdelay $0x1  }
0x3e9: {  	v6 =	vor.u32 $0x63, v2;
	_ =	sdelay $0x2  }
0x3ea: {  	v3 =	vsub.f32 v3, v4;
	_ =	sdelay $0x1  }
0x3eb: {  	[tilespmem:$0x1E800] =	vst v3;
	v3 =	vld.idx.msk [tilespmem:v6+s16+$0x0], $0xffff;
	_ =	sdelay $0x1  }
0x3ec: {  	v4 =	vld.idx.msk [tilespmem:v6+s17+$0x0], $0xffff;
	_ =	sdelay $0x2  }
0x3ed: {  	[tilespmem:$0x1E840] =	vst v3;
	v3 =	vld [tilespmem:$0x1E7C0];
	_ =	sdelay $0x1  }
0x3ee: {  	[tilespmem:$0x1E850] =	vst v4;
	v4 =	vld [tilespmem:$0x1E7D0];
	_ =	sdelay $0x2  }
0x3ef: {  	v3 =	vand.u32 $0x7FFFFFFF, v3  }
0x3f0: {  	v3 =	vmul.f32 v3, v41  }
0x3f1: {  	v9 =	vadd.f32 v4, v9;
	v4 =	vld [tilespmem:$0x1E7F0]  }
0x3f2: {  	[tilespmem:$0x1E810] =	vst v3;
	v3 =	vld [tilespmem:$0x1E7E0];
	_ =	sdelay $0x1  }
0x3f3: {  	v5 =	vor.u32 $0x64, v2;
	_ =	sdelay $0x2  }
0x3f4: {  	v3 =	vsub.f32 v3, v4;
	_ =	sdelay $0x1  }
0x3f5: {  	[tilespmem:$0x1E830] =	vst v3;
	v3 =	vld.idx.msk [tilespmem:v5+s16+$0x0], $0xffff;
	_ =	sdelay $0x4  }
0x3f6: {  	[tilespmem:$0x1E880] =	vst v3;
	v3 =	vld [tilespmem:$0x1E800];
	_ =	sdelay $0x4  }
0x3f7: {  	v4 =	vand.u32 $0x7FFFFFFF, v3;
	v3 =	vld.idx.msk [tilespmem:v5+s17+$0x0], $0xffff;
	_ =	sdelay $0x4  }
0x3f8: {  	[tilespmem:$0x1E890] =	vst v3;
	v3 =	vld [tilespmem:$0x1E810];
	_ =	sdelay $0x3  }
0x3f9: {  	v8 =	vld.idx.msk [tilespmem:v7+s17+$0x0], $0xffff  }
0x3fa: {  	v9 =	vadd.f32 v3, v9;
	v3 =	vld [tilespmem:$0x1E820];
	_ =	sdelay $0x1  }
0x3fb: {  	v7 =	vor.u32 $0x65, v2;
	_ =	sdelay $0x2  }
0x3fc: {  	v3 =	vsub.f32 v3, v8;
	_ =	sdelay $0x1  }
0x3fd: {  	[tilespmem:$0x1E860] =	vst v3;
	v3 =	vld.idx.msk [tilespmem:v7+s16+$0x0], $0xffff;
	_ =	sdelay $0x4  }
0x3fe: {  	[tilespmem:$0x1E8C0] =	vst v3;
	v3 =	vld [tilespmem:$0x1E830];
	_ =	sdelay $0x4  }
0x3ff: {  	v4 =	vmul.f32 v4, v29;
	v3 =	vand.u32 $0x7FFFFFFF, v3  }
0x400: {  	v3 =	vmul.f32 v3, v42  }
0x401: {  	v9 =	vadd.f32 v4, v9;
	v4 =	vld [tilespmem:$0x1E850]  }
0x402: {  	[tilespmem:$0x1E870] =	vst v3;
	v3 =	vld [tilespmem:$0x1E840];
	_ =	sdelay $0x1  }
0x403: {  	v6 =	vor.u32 $0x66, v2;
	_ =	sdelay $0x2  }
0x404: {  	v3 =	vsub.f32 v3, v4;
	_ =	sdelay $0x1  }
0x405: {  	[tilespmem:$0x1E8A0] =	vst v3;
	v3 =	vld.idx.msk [tilespmem:v6+s16+$0x0], $0xffff;
	_ =	sdelay $0x1  }
0x406: {  	v4 =	vld.idx.msk [tilespmem:v6+s17+$0x0], $0xffff;
	_ =	sdelay $0x2  }
0x407: {  	[tilespmem:$0x1E8E0] =	vst v3;
	v3 =	vld [tilespmem:$0x1E860];
	_ =	sdelay $0x1  }
0x408: {  	[tilespmem:$0x1E8F0] =	vst v4;
	v4 =	vld [tilespmem:$0x1E870];
	_ =	sdelay $0x2  }
0x409: {  	v3 =	vand.u32 $0x7FFFFFFF, v3  }
0x40a: {  	v3 =	vmul.f32 v3, v20  }
0x40b: {  	v9 =	vadd.f32 v4, v9;
	v4 =	vld [tilespmem:$0x1E890]  }
0x40c: {  	[tilespmem:$0x1E8B0] =	vst v3;
	v3 =	vld [tilespmem:$0x1E880];
	_ =	sdelay $0x1  }
0x40d: {  	v5 =	vor.u32 $0x67, v2;
	_ =	sdelay $0x2  }
0x40e: {  	v3 =	vsub.f32 v3, v4;
	_ =	sdelay $0x1  }
0x40f: {  	[tilespmem:$0x1E8D0] =	vst v3;
	v3 =	vld.idx.msk [tilespmem:v5+s16+$0x0], $0xffff;
	_ =	sdelay $0x4  }
0x410: {  	[tilespmem:$0x1E920] =	vst v3;
	v3 =	vld [tilespmem:$0x1E8A0];
	_ =	sdelay $0x4  }
0x411: {  	v4 =	vand.u32 $0x7FFFFFFF, v3;
	v3 =	vld.idx.msk [tilespmem:v5+s17+$0x0], $0xffff;
	_ =	sdelay $0x4  }
0x412: {  	[tilespmem:$0x1E930] =	vst v3;
	v3 =	vld [tilespmem:$0x1E8B0];
	_ =	sdelay $0x3  }
0x413: {  	v8 =	vld.idx.msk [tilespmem:v7+s17+$0x0], $0xffff  }
0x414: {  	v9 =	vadd.f32 v3, v9;
	v3 =	vld [tilespmem:$0x1E8C0];
	_ =	sdelay $0x1  }
0x415: {  	v7 =	vor.u32 $0x68, v2;
	_ =	sdelay $0x2  }
0x416: {  	v3 =	vsub.f32 v3, v8;
	_ =	sdelay $0x1  }
0x417: {  	[tilespmem:$0x1E900] =	vst v3;
	v3 =	vld.idx.msk [tilespmem:v7+s16+$0x0], $0xffff;
	_ =	sdelay $0x4  }
0x418: {  	[tilespmem:$0x1E960] =	vst v3;
	v3 =	vld [tilespmem:$0x1E8D0];
	_ =	sdelay $0x4  }
0x419: {  	v4 =	vmul.f32 v4, v43;
	v3 =	vand.u32 $0x7FFFFFFF, v3  }
0x41a: {  	v3 =	vmul.f32 v3, v30  }
0x41b: {  	v9 =	vadd.f32 v4, v9;
	v4 =	vld [tilespmem:$0x1E8F0]  }
0x41c: {  	[tilespmem:$0x1E910] =	vst v3;
	v3 =	vld [tilespmem:$0x1E8E0];
	_ =	sdelay $0x1  }
0x41d: {  	v6 =	vor.u32 $0x69, v2;
	_ =	sdelay $0x2  }
0x41e: {  	v3 =	vsub.f32 v3, v4;
	_ =	sdelay $0x1  }
0x41f: {  	[tilespmem:$0x1E940] =	vst v3;
	v3 =	vld.idx.msk [tilespmem:v6+s16+$0x0], $0xffff;
	_ =	sdelay $0x1  }
0x420: {  	v4 =	vld.idx.msk [tilespmem:v6+s17+$0x0], $0xffff;
	_ =	sdelay $0x2  }
0x421: {  	[tilespmem:$0x1E980] =	vst v3;
	v3 =	vld [tilespmem:$0x1E900];
	_ =	sdelay $0x1  }
0x422: {  	[tilespmem:$0x1E990] =	vst v4;
	v4 =	vld [tilespmem:$0x1E910];
	_ =	sdelay $0x2  }
0x423: {  	v3 =	vand.u32 $0x7FFFFFFF, v3  }
0x424: {  	v3 =	vmul.f32 v3, v44  }
0x425: {  	v9 =	vadd.f32 v4, v9;
	v4 =	vld [tilespmem:$0x1E930]  }
0x426: {  	[tilespmem:$0x1E950] =	vst v3;
	v3 =	vld [tilespmem:$0x1E920];
	_ =	sdelay $0x1  }
0x427: {  	v5 =	vor.u32 $0x6A, v2;
	_ =	sdelay $0x2  }
0x428: {  	v3 =	vsub.f32 v3, v4;
	_ =	sdelay $0x1  }
0x429: {  	[tilespmem:$0x1E970] =	vst v3;
	v3 =	vld.idx.msk [tilespmem:v5+s16+$0x0], $0xffff;
	_ =	sdelay $0x4  }
0x42a: {  	[tilespmem:$0x1E9C0] =	vst v3;
	v3 =	vld [tilespmem:$0x1E940];
	_ =	sdelay $0x4  }
0x42b: {  	v4 =	vand.u32 $0x7FFFFFFF, v3;
	v3 =	vld.idx.msk [tilespmem:v5+s17+$0x0], $0xffff;
	_ =	sdelay $0x4  }
0x42c: {  	[tilespmem:$0x1E9D0] =	vst v3;
	v3 =	vld [tilespmem:$0x1E950];
	_ =	sdelay $0x3  }
0x42d: {  	v8 =	vld.idx.msk [tilespmem:v7+s17+$0x0], $0xffff  }
0x42e: {  	v9 =	vadd.f32 v3, v9;
	v3 =	vld [tilespmem:$0x1E960];
	_ =	sdelay $0x1  }
0x42f: {  	v7 =	vor.u32 $0x6B, v2;
	_ =	sdelay $0x2  }
0x430: {  	v3 =	vsub.f32 v3, v8;
	_ =	sdelay $0x1  }
0x431: {  	[tilespmem:$0x1E9A0] =	vst v3;
	v3 =	vld.idx.msk [tilespmem:v7+s16+$0x0], $0xffff;
	_ =	sdelay $0x4  }
0x432: {  	[tilespmem:$0x1EA00] =	vst v3;
	v3 =	vld [tilespmem:$0x1E970];
	_ =	sdelay $0x4  }
0x433: {  	v4 =	vmul.f32 v4, v23;
	v3 =	vand.u32 $0x7FFFFFFF, v3  }
0x434: {  	v3 =	vmul.f32 v3, v45  }
0x435: {  	v9 =	vadd.f32 v4, v9;
	v4 =	vld [tilespmem:$0x1E990]  }
0x436: {  	[tilespmem:$0x1E9B0] =	vst v3;
	v3 =	vld [tilespmem:$0x1E980];
	_ =	sdelay $0x1  }
0x437: {  	v6 =	vor.u32 $0x6C, v2;
	_ =	sdelay $0x2  }
0x438: {  	v3 =	vsub.f32 v3, v4;
	_ =	sdelay $0x1  }
0x439: {  	[tilespmem:$0x1E9E0] =	vst v3;
	v3 =	vld.idx.msk [tilespmem:v6+s16+$0x0], $0xffff;
	_ =	sdelay $0x1  }
0x43a: {  	v4 =	vld.idx.msk [tilespmem:v6+s17+$0x0], $0xffff;
	_ =	sdelay $0x2  }
0x43b: {  	[tilespmem:$0x1EA20] =	vst v3;
	v3 =	vld [tilespmem:$0x1E9A0];
	_ =	sdelay $0x1  }
0x43c: {  	[tilespmem:$0x1EA30] =	vst v4;
	v4 =	vld [tilespmem:$0x1E9B0];
	_ =	sdelay $0x2  }
0x43d: {  	v3 =	vand.u32 $0x7FFFFFFF, v3  }
0x43e: {  	v3 =	vmul.f32 v3, v31  }
0x43f: {  	v9 =	vadd.f32 v4, v9;
	v4 =	vld [tilespmem:$0x1E9D0]  }
0x440: {  	[tilespmem:$0x1E9F0] =	vst v3;
	v3 =	vld [tilespmem:$0x1E9C0];
	_ =	sdelay $0x1  }
0x441: {  	v5 =	vor.u32 $0x6D, v2;
	_ =	sdelay $0x2  }
0x442: {  	v3 =	vsub.f32 v3, v4;
	_ =	sdelay $0x1  }
0x443: {  	[tilespmem:$0x1EA10] =	vst v3;
	v3 =	vld.idx.msk [tilespmem:v5+s16+$0x0], $0xffff;
	_ =	sdelay $0x4  }
0x444: {  	[tilespmem:$0x1EA60] =	vst v3;
	v3 =	vld [tilespmem:$0x1E9E0];
	_ =	sdelay $0x4  }
0x445: {  	v4 =	vand.u32 $0x7FFFFFFF, v3;
	v3 =	vld.idx.msk [tilespmem:v5+s17+$0x0], $0xffff;
	_ =	sdelay $0x4  }
0x446: {  	[tilespmem:$0x1EA70] =	vst v3;
	v3 =	vld [tilespmem:$0x1E9F0];
	_ =	sdelay $0x3  }
0x447: {  	v8 =	vld.idx.msk [tilespmem:v7+s17+$0x0], $0xffff  }
0x448: {  	v9 =	vadd.f32 v3, v9;
	v3 =	vld [tilespmem:$0x1EA00];
	_ =	sdelay $0x1  }
0x449: {  	v7 =	vor.u32 $0x6E, v2;
	_ =	sdelay $0x2  }
0x44a: {  	v3 =	vsub.f32 v3, v8;
	_ =	sdelay $0x1  }
0x44b: {  	[tilespmem:$0x1EA40] =	vst v3;
	v3 =	vld.idx.msk [tilespmem:v7+s16+$0x0], $0xffff;
	_ =	sdelay $0x4  }
0x44c: {  	[tilespmem:$0x1EAA0] =	vst v3;
	v3 =	vld [tilespmem:$0x1EA10];
	_ =	sdelay $0x4  }
0x44d: {  	v4 =	vmul.f32 v4, v46;
	v3 =	vand.u32 $0x7FFFFFFF, v3  }
0x44e: {  	v3 =	vmul.f32 v3, v24  }
0x44f: {  	v9 =	vadd.f32 v4, v9;
	v4 =	vld [tilespmem:$0x1EA30]  }
0x450: {  	[tilespmem:$0x1EA50] =	vst v3;
	v3 =	vld [tilespmem:$0x1EA20];
	_ =	sdelay $0x1  }
0x451: {  	v6 =	vor.u32 $0x6F, v2;
	_ =	sdelay $0x2  }
0x452: {  	v3 =	vsub.f32 v3, v4;
	_ =	sdelay $0x1  }
0x453: {  	[tilespmem:$0x1EA80] =	vst v3;
	v3 =	vld.idx.msk [tilespmem:v6+s16+$0x0], $0xffff;
	_ =	sdelay $0x1  }
0x454: {  	v4 =	vld.idx.msk [tilespmem:v6+s17+$0x0], $0xffff;
	_ =	sdelay $0x2  }
0x455: {  	[tilespmem:$0x1EAC0] =	vst v3;
	v3 =	vld [tilespmem:$0x1EA40];
	_ =	sdelay $0x1  }
0x456: {  	[tilespmem:$0x1EAD0] =	vst v4;
	v4 =	vld [tilespmem:$0x1EA50];
	_ =	sdelay $0x2  }
0x457: {  	v3 =	vand.u32 $0x7FFFFFFF, v3  }
0x458: {  	v3 =	vmul.f32 v3, v47  }
0x459: {  	v9 =	vadd.f32 v4, v9;
	v4 =	vld [tilespmem:$0x1EA70]  }
0x45a: {  	[tilespmem:$0x1EA90] =	vst v3;
	v3 =	vld [tilespmem:$0x1EA60];
	_ =	sdelay $0x1  }
0x45b: {  	v5 =	vor.u32 $0x70, v2;
	_ =	sdelay $0x2  }
0x45c: {  	v3 =	vsub.f32 v3, v4;
	_ =	sdelay $0x1  }
0x45d: {  	[tilespmem:$0x1EAB0] =	vst v3;
	v3 =	vld.idx.msk [tilespmem:v5+s16+$0x0], $0xffff;
	_ =	sdelay $0x4  }
0x45e: {  	[tilespmem:$0x1EB00] =	vst v3;
	v3 =	vld [tilespmem:$0x1EA80];
	_ =	sdelay $0x4  }
0x45f: {  	v4 =	vand.u32 $0x7FFFFFFF, v3;
	v3 =	vld.idx.msk [tilespmem:v5+s17+$0x0], $0xffff;
	_ =	sdelay $0x4  }
0x460: {  	[tilespmem:$0x1EB10] =	vst v3;
	v3 =	vld [tilespmem:$0x1EA90];
	_ =	sdelay $0x3  }
0x461: {  	v8 =	vld.idx.msk [tilespmem:v7+s17+$0x0], $0xffff  }
0x462: {  	v9 =	vadd.f32 v3, v9;
	v3 =	vld [tilespmem:$0x1EAA0];
	_ =	sdelay $0x1  }
0x463: {  	v7 =	vor.u32 $0x71, v2;
	_ =	sdelay $0x2  }
0x464: {  	v3 =	vsub.f32 v3, v8;
	_ =	sdelay $0x1  }
0x465: {  	[tilespmem:$0x1EAE0] =	vst v3;
	v3 =	vld.idx.msk [tilespmem:v7+s16+$0x0], $0xffff;
	_ =	sdelay $0x4  }
0x466: {  	[tilespmem:$0x1EB40] =	vst v3;
	v3 =	vld [tilespmem:$0x1EAB0];
	_ =	sdelay $0x4  }
0x467: {  	v4 =	vmul.f32 v4, v32;
	v3 =	vand.u32 $0x7FFFFFFF, v3  }
0x468: {  	v3 =	vmul.f32 v3, v48  }
0x469: {  	v9 =	vadd.f32 v4, v9;
	v4 =	vld [tilespmem:$0x1EAD0]  }
0x46a: {  	[tilespmem:$0x1EAF0] =	vst v3;
	v3 =	vld [tilespmem:$0x1EAC0];
	_ =	sdelay $0x1  }
0x46b: {  	v6 =	vor.u32 $0x72, v2;
	_ =	sdelay $0x2  }
0x46c: {  	v3 =	vsub.f32 v3, v4;
	_ =	sdelay $0x1  }
0x46d: {  	[tilespmem:$0x1EB20] =	vst v3;
	v3 =	vld.idx.msk [tilespmem:v6+s16+$0x0], $0xffff;
	_ =	sdelay $0x1  }
0x46e: {  	v4 =	vld.idx.msk [tilespmem:v6+s17+$0x0], $0xffff;
	_ =	sdelay $0x2  }
0x46f: {  	[tilespmem:$0x1EB60] =	vst v3;
	v3 =	vld [tilespmem:$0x1EAE0];
	_ =	sdelay $0x1  }
0x470: {  	[tilespmem:$0x1EB70] =	vst v4;
	v4 =	vld [tilespmem:$0x1EAF0];
	_ =	sdelay $0x2  }
0x471: {  	v3 =	vand.u32 $0x7FFFFFFF, v3  }
0x472: {  	v3 =	vmul.f32 v3, v17  }
0x473: {  	v9 =	vadd.f32 v4, v9;
	v4 =	vld [tilespmem:$0x1EB10]  }
0x474: {  	[tilespmem:$0x1EB30] =	vst v3;
	v3 =	vld [tilespmem:$0x1EB00];
	_ =	sdelay $0x1  }
0x475: {  	v5 =	vor.u32 $0x73, v2;
	_ =	sdelay $0x2  }
0x476: {  	v3 =	vsub.f32 v3, v4;
	_ =	sdelay $0x1  }
0x477: {  	[tilespmem:$0x1EB50] =	vst v3;
	v3 =	vld.idx.msk [tilespmem:v5+s16+$0x0], $0xffff;
	_ =	sdelay $0x4  }
0x478: {  	[tilespmem:$0x1EBA0] =	vst v3;
	v3 =	vld [tilespmem:$0x1EB20];
	_ =	sdelay $0x4  }
0x479: {  	v4 =	vand.u32 $0x7FFFFFFF, v3;
	v3 =	vld.idx.msk [tilespmem:v5+s17+$0x0], $0xffff;
	_ =	sdelay $0x4  }
0x47a: {  	[tilespmem:$0x1EBB0] =	vst v3;
	v3 =	vld [tilespmem:$0x1EB30];
	_ =	sdelay $0x3  }
0x47b: {  	v8 =	vld.idx.msk [tilespmem:v7+s17+$0x0], $0xffff  }
0x47c: {  	v9 =	vadd.f32 v3, v9;
	v3 =	vld [tilespmem:$0x1EB40];
	_ =	sdelay $0x1  }
0x47d: {  	v7 =	vor.u32 $0x74, v2;
	_ =	sdelay $0x2  }
0x47e: {  	v3 =	vsub.f32 v3, v8;
	_ =	sdelay $0x1  }
0x47f: {  	[tilespmem:$0x1EB80] =	vst v3;
	v3 =	vld.idx.msk [tilespmem:v7+s16+$0x0], $0xffff;
	_ =	sdelay $0x4  }
0x480: {  	[tilespmem:$0x1EBE0] =	vst v3;
	v3 =	vld [tilespmem:$0x1EB50];
	_ =	sdelay $0x4  }
0x481: {  	v4 =	vmul.f32 v4, v49;
	v3 =	vand.u32 $0x7FFFFFFF, v3  }
0x482: {  	v3 =	vmul.f32 v3, v33  }
0x483: {  	v9 =	vadd.f32 v4, v9;
	v4 =	vld [tilespmem:$0x1EB70]  }
0x484: {  	[tilespmem:$0x1EB90] =	vst v3;
	v3 =	vld [tilespmem:$0x1EB60];
	_ =	sdelay $0x1  }
0x485: {  	v6 =	vor.u32 $0x75, v2;
	_ =	sdelay $0x2  }
0x486: {  	v3 =	vsub.f32 v3, v4;
	_ =	sdelay $0x1  }
0x487: {  	[tilespmem:$0x1EBC0] =	vst v3;
	v3 =	vld.idx.msk [tilespmem:v6+s16+$0x0], $0xffff;
	_ =	sdelay $0x4  }
0x488: {  	[tilespmem:$0x1EC00] =	vst v3;
	v3 =	vld [tilespmem:$0x1EB80];
	_ =	sdelay $0x4  }
0x489: {  	v3 =	vand.u32 $0x7FFFFFFF, v3  }
0x48a: {  	v4 =	vld.idx.msk [tilespmem:v6+s17+$0x0], $0xffff;
	v3 =	vmul.f32 v3, v50  }
0x48b: {  	v6 =	vld [tilespmem:$0x1EBB0]  }
0x48c: {  	[tilespmem:$0x1EBD0] =	vst v3;
	v3 =	vld [tilespmem:$0x1EBA0];
	_ =	sdelay $0x1  }
0x48d: {  	v5 =	vor.u32 $0x76, v2;
	_ =	sdelay $0x2  }
0x48e: {  	v3 =	vsub.f32 v3, v6;
	_ =	sdelay $0x1  }
0x48f: {  	[tilespmem:$0x1EBF0] =	vst v3;
	v3 =	vld.idx.msk [tilespmem:v5+s16+$0x0], $0xffff  }
0x490: {  	v5 =	vld.idx.msk [tilespmem:v5+s17+$0x0], $0xffff;
	_ =	sdelay $0x2  }
0x491: {  	[tilespmem:$0x1EC10] =	vst v4;
	v4 =	vld [tilespmem:$0x1EB90]  }
0x492: {  	[tilespmem:$0x1EC40] =	vst v3;
	v3 =	vld [tilespmem:$0x1EBC0]  }
0x493: {  	[tilespmem:$0x1EC50] =	vst v5;
	v5 =	vld [tilespmem:$0x1EBD0];
	_ =	sdelay $0x2  }
0x494: {  	v9 =	vadd.f32 v4, v9  }
0x495: {  	v8 =	vld.idx.msk [tilespmem:v7+s17+$0x0], $0xffff;
	v3 =	vand.u32 $0x7FFFFFFF, v3  }
0x496: {  	v5 =	vadd.f32 v5, v9;
	v9 =	vmul.f32 v3, v51;
	v3 =	vld [tilespmem:$0x1EBE0];
	_ =	sdelay $0x1  }
0x497: {  	v7 =	vor.u32 $0x77, v2;
	_ =	sdelay $0x2  }
0x498: {  	v3 =	vsub.f32 v3, v8;
	_ =	sdelay $0x1  }
0x499: {  	[tilespmem:$0x1EC20] =	vst v3;
	v3 =	vld.idx.msk [tilespmem:v7+s16+$0x0], $0xffff;
	_ =	sdelay $0x4  }
0x49a: {  	[tilespmem:$0x1EC80] =	vst v3;
	v3 =	vld [tilespmem:$0x1EBF0];
	_ =	sdelay $0x4  }
0x49b: {  	v3 =	vand.u32 $0x7FFFFFFF, v3  }
0x49c: {  	v3 =	vmul.f32 v3, v52  }
0x49d: {  	v9 =	vadd.f32 v9, v5;
	v5 =	vld [tilespmem:$0x1EC10]  }
0x49e: {  	[tilespmem:$0x1EC30] =	vst v3;
	v3 =	vld [tilespmem:$0x1EC00];
	_ =	sdelay $0x1  }
0x49f: {  	v4 =	vor.u32 $0x78, v2;
	_ =	sdelay $0x2  }
0x4a0: {  	v3 =	vsub.f32 v3, v5;
	_ =	sdelay $0x1  }
0x4a1: {  	[tilespmem:$0x1EC60] =	vst v3;
	v3 =	vld.idx.msk [tilespmem:v4+s16+$0x0], $0xffff;
	_ =	sdelay $0x1  }
0x4a2: {  	v4 =	vld.idx.msk [tilespmem:v4+s17+$0x0], $0xffff;
	_ =	sdelay $0x2  }
0x4a3: {  	[tilespmem:$0x1ECB0] =	vst v3;
	v3 =	vld [tilespmem:$0x1EC20];
	_ =	sdelay $0x1  }
0x4a4: {  	[tilespmem:$0x1ECC0] =	vst v4;
	v4 =	vld [tilespmem:$0x1EC30];
	_ =	sdelay $0x2  }
0x4a5: {  	v3 =	vand.u32 $0x7FFFFFFF, v3  }
0x4a6: {  	v3 =	vmul.f32 v3, v53  }
0x4a7: {  	v9 =	vadd.f32 v4, v9;
	v4 =	vld [tilespmem:$0x1EC50]  }
0x4a8: {  	[tilespmem:$0x1EC70] =	vst v3;
	v3 =	vld [tilespmem:$0x1EC40];
	_ =	sdelay $0x1  }
0x4a9: {  	v6 =	vor.u32 $0x79, v2;
	_ =	sdelay $0x2  }
0x4aa: {  	v3 =	vsub.f32 v3, v4;
	_ =	sdelay $0x1  }
0x4ab: {  	[tilespmem:$0x1EC90] =	vst v3;
	v3 =	vld.idx.msk [tilespmem:v6+s16+$0x0], $0xffff;
	_ =	sdelay $0x4  }
0x4ac: {  	[tilespmem:$0x1ECE0] =	vst v3;
	v3 =	vld [tilespmem:$0x1EC60];
	_ =	sdelay $0x4  }
0x4ad: {  	v4 =	vld.idx.msk [tilespmem:v6+s17+$0x0], $0xffff;
	v3 =	vand.u32 $0x7FFFFFFF, v3  }
0x4ae: {  	v3 =	vmul.f32 v3, v54  }
0x4af: {  	v8 =	vld.idx.msk [tilespmem:v7+s17+$0x0], $0xffff  }
0x4b0: {  	v7 =	vor.u32 $0x7A, v2;
	[tilespmem:$0x1ECA0] =	vst v3;
	v3 =	vld [tilespmem:$0x1EC80];
	_ =	sdelay $0x1  }
0x4b1: {  	[tilespmem:$0x1ECF0] =	vst v4;
	v4 =	vld [tilespmem:$0x1EC70];
	_ =	sdelay $0x2  }
0x4b2: {  	v8 =	vsub.f32 v3, v8;
	v3 =	vld.idx.msk [tilespmem:v7+s16+$0x0], $0xffff;
	_ =	sdelay $0x1  }
0x4b3: {  	v9 =	vadd.f32 v4, v9;
	v4 =	vld.idx.msk [tilespmem:v7+s17+$0x0], $0xffff;
	_ =	sdelay $0x2  }
0x4b4: {  	[tilespmem:$0x1ED30] =	vst v3;
	v3 =	vld [tilespmem:$0x1EC90];
	_ =	sdelay $0x1  }
0x4b5: {  	[tilespmem:$0x1ED20] =	vst v4;
	v4 =	vld [tilespmem:$0x1ECA0];
	_ =	sdelay $0x2  }
0x4b6: {  	v3 =	vand.u32 $0x7FFFFFFF, v3  }
0x4b7: {  	v3 =	vmul.f32 v3, v55  }
0x4b8: {  	v9 =	vadd.f32 v4, v9;
	v4 =	vld [tilespmem:$0x1ECC0]  }
0x4b9: {  	[tilespmem:$0x1ECD0] =	vst v3;
	v3 =	vld [tilespmem:$0x1ECB0];
	_ =	sdelay $0x1  }
0x4ba: {  	v5 =	vor.u32 $0x7B, v2;
	_ =	sdelay $0x2  }
0x4bb: {  	v3 =	vsub.f32 v3, v4;
	_ =	sdelay $0x1  }
0x4bc: {  	[tilespmem:$0x1ED00] =	vst v3;
	v3 =	vld.idx.msk [tilespmem:v5+s16+$0x0], $0xffff;
	_ =	sdelay $0x4  }
0x4bd: {  	v4 =	vand.u32 $0x7FFFFFFF, v8;
	[tilespmem:$0x1ED50] =	vst v3;
	v3 =	vld.idx.msk [tilespmem:v5+s17+$0x0], $0xffff  }
0x4be: {  	v4 =	vmul.f32 v4, v56;
	_ =	sdelay $0x1  }
0x4bf: {  	[tilespmem:$0x1ED10] =	vst v4;
	v4 =	vld [tilespmem:$0x1ECE0]  }
0x4c0: {  	v5 =	vld [tilespmem:$0x1ECF0]  }
0x4c1: {  	v6 =	vor.u32 $0x7C, v2;
	[tilespmem:$0x1ED60] =	vst v3;
	v3 =	vld [tilespmem:$0x1ECD0];
	_ =	sdelay $0x4  }
0x4c2: {  	v8 =	vadd.f32 v3, v9;
	v9 =	vsub.f32 v4, v5;
	v5 =	vld.idx.msk [tilespmem:v6+s17+$0x0], $0xffff;
	_ =	sdelay $0x4  }
0x4c3: {  	v7 =	vor.u32 $0x7D, v2;
	v3 =	vor.u32 $0x7E, v2;
	[tilespmem:$0x1ED80] =	vst v5;
	v5 =	vor.u32 $0x7F, v2;
	v2 =	vld [tilespmem:$0x1ED10];
	_ =	sdelay $0x4  }
0x4c4: {  	v2 =	vadd.f32 v2, v8;
	_ =	sdelay $0x1  }
0x4c5: {  	[tilespmem:$0x1ED40] =	vst v2;
	v2 =	vld.idx.msk [tilespmem:v7+s16+$0x0], $0xffff;
	_ =	sdelay $0x4  }
0x4c6: {  	[tilespmem:$0x1ED90] =	vst v2;
	v2 =	vmov v7;
	_ =	sdelay $0x1  }
0x4c7: {  	v4 =	vld.idx.msk [tilespmem:v6+s16+$0x0], $0xffff;
	_ =	sdelay $0x2  }
0x4c8: {  	v2 =	vld.idx.msk [tilespmem:v2+s17+$0x0], $0xffff  }
0x4c9: {  	v6 =	vld [tilespmem:$0x1ED30]  }
0x4ca: {  	[tilespmem:$0x1ED70] =	vst v4;
	v4 =	vld [tilespmem:$0x1ED00]  }
0x4cb: {  	v7 =	vld [tilespmem:$0x1ED20];
	_ =	sdelay $0x1  }
0x4cc: {  	[tilespmem:$0x1EDA0] =	vst v2;
	v2 =	vld [tilespmem:$0x1ED40];
	_ =	sdelay $0x1  }
0x4cd: {  	v4 =	vand.u32 $0x7FFFFFFF, v4  }
0x4ce: {  	v8 =	vmul.f32 v4, v57;
	v6 =	vsub.f32 v6, v7  }
0x4cf: {  	v4 =	vand.u32 $0x7FFFFFFF, v9;
	v7 =	vld [tilespmem:$0x1ED60]  }
0x4d0: {  	v9 =	vadd.f32 v8, v2;
	v2 =	vmul.f32 v4, v58;
	v4 =	vand.u32 $0x7FFFFFFF, v6;
	v6 =	vld [tilespmem:$0x1ED50]  }
0x4d1: {  	v8 =	vld.idx.msk [tilespmem:v3+s16+$0x0], $0xffff  }
0x4d2: {  	v3 =	vld.idx.msk [tilespmem:v3+s17+$0x0], $0xffff;
	_ =	sdelay $0x1  }
0x4d3: {  	v9 =	vadd.f32 v2, v9;
	v2 =	vmul.f32 v4, v59;
	v4 =	vld [tilespmem:$0x1ED70]  }
0x4d4: {  	v6 =	vsub.f32 v6, v7;
	v7 =	vld.idx.msk [tilespmem:v5+s16+$0x0], $0xffff  }
0x4d5: {  	v5 =	vld.idx.msk [tilespmem:v5+s17+$0x0], $0xffff  }
0x4d6: {  	[tilespmem:$0x1EDB0] =	vst v3;
	v3 =	vand.u32 $0x7FFFFFFF, v6;
	v6 =	vld [tilespmem:$0x1ED80];
	_ =	sdelay $0x3  }
0x4d7: {  	[tilespmem:$0x1EDC0] =	vst v5;
	v5 =	vadd.f32 v2, v9;
	v2 =	vld [tilespmem:$0x1ED90]  }
0x4d8: {  	v4 =	vsub.f32 v4, v6;
	v6 =	vld [tilespmem:$0x1EDA0];
	_ =	sdelay $0x3  }
0x4d9: {  	v3 =	vmul.f32 v3, v60  }
0x4da: {  	v4 =	vand.u32 $0x7FFFFFFF, v4;
	v2 =	vsub.f32 v2, v6  }
0x4db: {  	v3 =	vadd.f32 v3, v5;
	v5 =	vld [tilespmem:$0x1EDB0];
	v4 =	vmul.f32 v4, v61  }
0x4dc: {  	v2 =	vand.u32 $0x7FFFFFFF, v2  }
0x4dd: {  	v6 =	vadd.f32 v4, v3;
	v3 =	vmul.f32 v2, v62;
	v2 =	vld [tilespmem:$0x1EDC0];
	_ =	sdelay $0x2  }
0x4de: {  	v5 =	vsub.f32 v8, v5;
	_ =	sdelay $0x1  }
0x4df: {  	s30 =	simm.s32 $0x10;
	v4 =	vand.u32 $0x7FFFFFFF, v5;
	v5 =	vsub.f32 v7, v2  }
0x4e0: {  	v4 =	vmul.f32 v4, v63;
	v3 =	vadd.f32 v3, v6;
	v2 =	vmov s30  }
0x4e1: {  	v2 =	vshll.u32 v2, $0x7;
	v5 =	vand.u32 $0x7FFFFFFF, v5  }
0x4e2: {  	v3 =	vadd.f32 v4, v3;
	v2 =	vor.u32 v15, v2;
	v4 =	vmul.f32 v5, v0;
	_ =	sdelay $0x1  }
0x4e3: {  	v3 =	vadd.f32 v4, v3  }
0x4e4: {  	s24 =	simm.s32 $0x5100;
	v5 =	vor.u32 $0x1, v2  }
0x4e5: {  	v4 =	vor.u32 $0x2, v2;
	[tilespmem:s24+$0x0] =	vst v3  }
0x4e6: {  	v3 =	vld.idx.msk [tilespmem:v2+s17+$0x0], $0xffff;
	_ =	sdelay $0x2  }
0x4e7: {  	v7 =	vld.idx.msk [tilespmem:v5+s16+$0x0], $0xffff  }
0x4e8: {  	v6 =	vld.idx.msk [tilespmem:v4+s16+$0x0], $0xffff  }
0x4e9: {  	[tilespmem:$0x1EDD0] =	vst v3;
	v3 =	vld.idx.msk [tilespmem:v2+s16+$0x0], $0xffff  }
0x4ea: {  	v5 =	vld.idx.msk [tilespmem:v5+s17+$0x0], $0xffff;
	_ =	sdelay $0x2  }
0x4eb: {  	[tilespmem:$0x1EE10] =	vst v6  }
0x4ec: {  	v6 =	vld [tilespmem:$0x1EDD0];
	[tilespmem:$0x1EDE0] =	vst v3  }
0x4ed: {  	[tilespmem:$0x1EDF0] =	vst v5;
	v5 =	vor.u32 $0x4, v2;
	v9 =	vld [tilespmem:$0x1EDE0];
	_ =	sdelay $0x2  }
0x4ee: {  	v4 =	vld.idx.msk [tilespmem:v4+s17+$0x0], $0xffff;
	_ =	sdelay $0x1  }
0x4ef: {  	v9 =	vsub.f32 v9, v6;
	v6 =	vld.idx.msk [tilespmem:v5+s16+$0x0], $0xffff;
	_ =	sdelay $0x2  }
0x4f0: {  	[tilespmem:$0x1EE20] =	vst v4;
	v4 =	vor.u32 $0x5, v2;
	v5 =	vld.idx.msk [tilespmem:v5+s17+$0x0], $0xffff;
	_ =	sdelay $0x1  }
0x4f1: {  	[tilespmem:$0x1EE70] =	vst v6;
	v6 =	vld [tilespmem:$0x1EDF0];
	_ =	sdelay $0x2  }
0x4f2: {  	[tilespmem:$0x1EE80] =	vst v5;
	v5 =	vld.idx.msk [tilespmem:v4+s16+$0x0], $0xffff;
	_ =	sdelay $0x1  }
0x4f3: {  	v6 =	vsub.f32 v7, v6  }
0x4f4: {  	v4 =	vld.idx.msk [tilespmem:v4+s17+$0x0], $0xffff  }
0x4f5: {  	[tilespmem:$0x1EE00] =	vst v6;
	v6 =	vld [tilespmem:$0x1F8F0]  }
0x4f6: {  	[tilespmem:$0x1EEA0] =	vst v5;
	v5 =	vld [tilespmem:$0x1EE00]  }
0x4f7: {  	v3 =	vor.u32 $0x3, v2;
	_ =	sdelay $0x1  }
0x4f8: {  	v9 =	vand.u32 $0x7FFFFFFF, v9  }
0x4f9: {  	v9 =	vmul.f32 v9, v6  }
0x4fa: {  	[tilespmem:$0x1EEB0] =	vst v4;
	v5 =	vand.u32 $0x7FFFFFFF, v5  }
0x4fb: {  	v8 =	vld.idx.msk [tilespmem:v3+s16+$0x0], $0xffff;
	[tilespmem:$0x1EE30] =	vst v5;
	v4 =	vadd.f32 v9, v1  }
0x4fc: {  	v9 =	vld [tilespmem:$0x1EE30]  }
0x4fd: {  	[tilespmem:$0x1EE50] =	vst v4;
	v4 =	vld [tilespmem:$0x1F900]  }
0x4fe: {  	v3 =	vld.idx.msk [tilespmem:v3+s17+$0x0], $0xffff;
	_ =	sdelay $0x3  }
0x4ff: {  	v4 =	vmul.f32 v9, v4  }
0x500: {  	[tilespmem:$0x1EE40] =	vst v3  }
0x501: {  	v3 =	vor.u32 $0x6, v2;
	[tilespmem:$0x1EE60] =	vst v4;
	v4 =	vld [tilespmem:$0x1EE40];
	_ =	sdelay $0x4  }
0x502: {  	v9 =	vsub.f32 v8, v4;
	v4 =	vld.idx.msk [tilespmem:v3+s16+$0x0], $0xffff  }
0x503: {  	v3 =	vld.idx.msk [tilespmem:v3+s17+$0x0], $0xffff;
	_ =	sdelay $0x4  }
0x504: {  	[tilespmem:$0x1EEF0] =	vst v3;
	v3 =	vld [tilespmem:$0x1EE50]  }
0x505: {  	[tilespmem:$0x1EEE0] =	vst v4;
	v4 =	vld [tilespmem:$0x1EE60];
	_ =	sdelay $0x2  }
0x506: {  	v6 =	vld [tilespmem:$0x1EE20]  }
0x507: {  	v5 =	vld [tilespmem:$0x1EE10]  }
0x508: {  	v3 =	vadd.f32 v4, v3;
	_ =	sdelay $0x1  }
0x509: {  	[tilespmem:$0x1EE90] =	vst v3;
	v3 =	vld [tilespmem:$0x1F910];
	_ =	sdelay $0x1  }
0x50a: {  	v6 =	vsub.f32 v5, v6;
	_ =	sdelay $0x1  }
0x50b: {  	v8 =	vand.u32 $0x7FFFFFFF, v6  }
0x50c: {  	v6 =	vmul.f32 v8, v3;
	v3 =	vld [tilespmem:$0x1EE70]  }
0x50d: {  	v7 =	vor.u32 $0x7, v2;
	v8 =	vld [tilespmem:$0x1EE80];
	_ =	sdelay $0x4  }
0x50e: {  	v3 =	vsub.f32 v3, v8;
	v8 =	vld.idx.msk [tilespmem:v7+s16+$0x0], $0xffff  }
0x50f: {  	v7 =	vld.idx.msk [tilespmem:v7+s17+$0x0], $0xffff;
	_ =	sdelay $0x4  }
0x510: {  	[tilespmem:$0x1EF20] =	vst v7;
	v7 =	vld [tilespmem:$0x1EE90];
	_ =	sdelay $0x4  }
0x511: {  	v6 =	vadd.f32 v6, v7;
	v7 =	vld [tilespmem:$0x1F920];
	_ =	sdelay $0x3  }
0x512: {  	[tilespmem:$0x1EEC0] =	vst v3;
	v3 =	vand.u32 $0x7FFFFFFF, v9;
	v9 =	vld [tilespmem:$0x1EEB0]  }
0x513: {  	v5 =	vor.u32 $0x8, v2;
	v7 =	vmul.f32 v3, v7;
	v3 =	vld [tilespmem:$0x1EEA0];
	_ =	sdelay $0x4  }
0x514: {  	v3 =	vsub.f32 v3, v9;
	v9 =	vld.idx.msk [tilespmem:v5+s16+$0x0], $0xffff  }
0x515: {  	v5 =	vld.idx.msk [tilespmem:v5+s17+$0x0], $0xffff;
	_ =	sdelay $0x2  }
0x516: {  	[tilespmem:$0x1EF00] =	vst v3;
	v3 =	vld [tilespmem:$0x1EEC0]  }
0x517: {  	[tilespmem:$0x1EED0] =	vst v6  }
0x518: {  	[tilespmem:$0x1EF50] =	vst v5;
	v5 =	vld [tilespmem:$0x1EED0];
	_ =	sdelay $0x2  }
0x519: {  	v3 =	vand.u32 $0x7FFFFFFF, v3  }
0x51a: {  	v10 =	vmul.f32 v3, v10;
	v3 =	vld [tilespmem:$0x1EEE0]  }
0x51b: {  	v5 =	vadd.f32 v7, v5;
	v7 =	vld [tilespmem:$0x1EEF0];
	_ =	sdelay $0x4  }
0x51c: {  	v3 =	vsub.f32 v3, v7;
	_ =	sdelay $0x1  }
0x51d: {  	[tilespmem:$0x1EF30] =	vst v3;
	v3 =	vld [tilespmem:$0x1EF00];
	_ =	sdelay $0x4  }
0x51e: {  	v3 =	vand.u32 $0x7FFFFFFF, v3  }
0x51f: {  	v3 =	vmul.f32 v3, v11  }
0x520: {  	v4 =	vor.u32 $0x9, v2  }
0x521: {  	[tilespmem:$0x1EF40] =	vst v3;
	v3 =	vld [tilespmem:$0x1EF20];
	_ =	sdelay $0x3  }
0x522: {  	v7 =	vld.idx.msk [tilespmem:v4+s16+$0x0], $0xffff  }
0x523: {  	v4 =	vld.idx.msk [tilespmem:v4+s17+$0x0], $0xffff;
	v3 =	vsub.f32 v8, v3  }
0x524: {  	v6 =	vor.u32 $0xA, v2  }
0x525: {  	[tilespmem:$0x1EF60] =	vst v3;
	v3 =	vld [tilespmem:$0x1EF30];
	_ =	sdelay $0x1  }
0x526: {  	[tilespmem:$0x1EF10] =	vst v5  }
0x527: {  	[tilespmem:$0x1EF90] =	vst v4;
	v4 =	vld [tilespmem:$0x1EF10]  }
0x528: {  	v11 =	vld.idx.msk [tilespmem:v6+s17+$0x0], $0xffff  }
0x529: {  	v8 =	vld.idx.msk [tilespmem:v6+s16+$0x0], $0xffff;
	v3 =	vand.u32 $0x7FFFFFFF, v3  }
0x52a: {  	v5 =	vor.u32 $0xB, v2;
	v6 =	vld [tilespmem:$0x1EF40];
	v3 =	vmul.f32 v3, v12;
	_ =	sdelay $0x1  }
0x52b: {  	[tilespmem:$0x1EF80] =	vst v3;
	v3 =	vld [tilespmem:$0x1EF50]  }
0x52c: {  	v4 =	vadd.f32 v10, v4;
	_ =	sdelay $0x1  }
0x52d: {  	v4 =	vadd.f32 v6, v4;
	v6 =	vld.idx.msk [tilespmem:v5+s16+$0x0], $0xffff  }
0x52e: {  	v13 =	vld [tilespmem:$0x1EF80]  }
0x52f: {  	[tilespmem:$0x1EF70] =	vst v4;
	v12 =	vsub.f32 v9, v3;
	v9 =	vld.idx.msk [tilespmem:v5+s17+$0x0], $0xffff  }
0x530: {  	v5 =	vld [tilespmem:$0x1EF70];
	_ =	sdelay $0x3  }
0x531: {  	v3 =	vld [tilespmem:$0x1EF60]  }
0x532: {  	v5 =	vadd.f32 v13, v5;
	v13 =	vld [tilespmem:$0x1F960];
	_ =	sdelay $0x3  }
0x533: {  	v3 =	vand.u32 $0x7FFFFFFF, v3  }
0x534: {  	v3 =	vmul.f32 v3, v13;
	_ =	sdelay $0x1  }
0x535: {  	v10 =	vor.u32 $0xC, v2;
	[tilespmem:$0x1EFB0] =	vst v3;
	v3 =	vld [tilespmem:$0x1EF90];
	_ =	sdelay $0x3  }
0x536: {  	v14 =	vld [tilespmem:$0x1EFB0]  }
0x537: {  	v13 =	vsub.f32 v7, v3;
	v7 =	vld.idx.msk [tilespmem:v10+s16+$0x0], $0xffff  }
0x538: {  	[tilespmem:$0x1EFA0] =	vst v5;
	v3 =	vand.u32 $0x7FFFFFFF, v12;
	v12 =	vld.idx.msk [tilespmem:v10+s17+$0x0], $0xffff  }
0x539: {  	v10 =	vld [tilespmem:$0x1EFA0];
	_ =	sdelay $0x4  }
0x53a: {  	v4 =	vor.u32 $0xD, v2;
	v10 =	vadd.f32 v14, v10;
	v14 =	vld [tilespmem:$0x1F970];
	_ =	sdelay $0x4  }
0x53b: {  	v3 =	vmul.f32 v3, v14;
	v14 =	vsub.f32 v8, v11;
	v8 =	vld.idx.msk [tilespmem:v4+s16+$0x0], $0xffff  }
0x53c: {  	[tilespmem:$0x1EFC0] =	vst v10;
	v11 =	vld.idx.msk [tilespmem:v4+s17+$0x0], $0xffff  }
0x53d: {  	v4 =	vld [tilespmem:$0x1EFC0];
	[tilespmem:$0x1EFD0] =	vst v3  }
0x53e: {  	v5 =	vor.u32 $0xE, v2;
	v3 =	vand.u32 $0x7FFFFFFF, v13;
	v13 =	vld [tilespmem:$0x1EFD0];
	_ =	sdelay $0x2  }
0x53f: {  	v3 =	vmul.f32 v3, v16;
	_ =	sdelay $0x1  }
0x540: {  	v16 =	vsub.f32 v6, v9;
	v9 =	vld.idx.msk [tilespmem:v5+s16+$0x0], $0xffff;
	[tilespmem:$0x1EFF0] =	vst v3;
	v4 =	vadd.f32 v13, v4  }
0x541: {  	v6 =	vld [tilespmem:$0x1EFF0]  }
0x542: {  	v13 =	vld.idx.msk [tilespmem:v5+s17+$0x0], $0xffff;
	[tilespmem:$0x1EFE0] =	vst v4  }
0x543: {  	v5 =	vld [tilespmem:$0x1EFE0];
	_ =	sdelay $0x4  }
0x544: {  	v10 =	vor.u32 $0xF, v2;
	v5 =	vadd.f32 v6, v5;
	v6 =	vld [tilespmem:$0x1F990];
	_ =	sdelay $0x3  }
0x545: {  	v3 =	vand.u32 $0x7FFFFFFF, v14  }
0x546: {  	v14 =	vsub.f32 v7, v12;
	v7 =	vld.idx.msk [tilespmem:v10+s16+$0x0], $0xffff;
	v3 =	vmul.f32 v3, v6  }
0x547: {  	v12 =	vld.idx.msk [tilespmem:v10+s17+$0x0], $0xffff;
	[tilespmem:$0x1F000] =	vst v5  }
0x548: {  	v6 =	vld [tilespmem:$0x1F000];
	[tilespmem:$0x1F010] =	vst v3  }
0x549: {  	v10 =	vld [tilespmem:$0x1F010]  }
0x54a: {  	v4 =	vor.u32 $0x10, v2;
	_ =	sdelay $0x3  }
0x54b: {  	v6 =	vadd.f32 v10, v6  }
0x54c: {  	v3 =	vand.u32 $0x7FFFFFFF, v16;
	v16 =	vsub.f32 v8, v11;
	v8 =	vld.idx.msk [tilespmem:v4+s16+$0x0], $0xffff  }
0x54d: {  	[tilespmem:$0x1F020] =	vst v6;
	v6 =	vld [tilespmem:$0x1F9A0]  }
0x54e: {  	v11 =	vld.idx.msk [tilespmem:v4+s17+$0x0], $0xffff  }
0x54f: {  	v5 =	vor.u32 $0x11, v2;
	v4 =	vld [tilespmem:$0x1F020];
	_ =	sdelay $0x2  }
0x550: {  	v6 =	vmul.f32 v3, v6;
	_ =	sdelay $0x1  }
0x551: {  	v3 =	vand.u32 $0x7FFFFFFF, v14;
	v14 =	vsub.f32 v9, v13;
	v9 =	vld.idx.msk [tilespmem:v5+s16+$0x0], $0xffff;
	v4 =	vadd.f32 v6, v4  }
0x552: {  	v6 =	vld [tilespmem:$0x1F9B0]  }
0x553: {  	v13 =	vld.idx.msk [tilespmem:v5+s17+$0x0], $0xffff;
	[tilespmem:$0x1F030] =	vst v4  }
0x554: {  	v5 =	vld [tilespmem:$0x1F030];
	_ =	sdelay $0x2  }
0x555: {  	v6 =	vmul.f32 v3, v6;
	_ =	sdelay $0x1  }
0x556: {  	v10 =	vor.u32 $0x12, v2;
	v5 =	vadd.f32 v6, v5;
	v6 =	vld [tilespmem:$0x1F9C0];
	_ =	sdelay $0x3  }
0x557: {  	v3 =	vand.u32 $0x7FFFFFFF, v16  }
0x558: {  	v16 =	vsub.f32 v7, v12;
	v7 =	vld.idx.msk [tilespmem:v10+s16+$0x0], $0xffff;
	v3 =	vmul.f32 v3, v6  }
0x559: {  	v12 =	vld.idx.msk [tilespmem:v10+s17+$0x0], $0xffff;
	[tilespmem:$0x1F040] =	vst v5  }
0x55a: {  	v6 =	vld [tilespmem:$0x1F040];
	[tilespmem:$0x1F050] =	vst v3  }
0x55b: {  	v10 =	vld [tilespmem:$0x1F050]  }
0x55c: {  	v4 =	vor.u32 $0x13, v2;
	_ =	sdelay $0x3  }
0x55d: {  	v6 =	vadd.f32 v10, v6  }
0x55e: {  	v3 =	vand.u32 $0x7FFFFFFF, v14;
	v14 =	vsub.f32 v8, v11;
	v8 =	vld.idx.msk [tilespmem:v4+s16+$0x0], $0xffff  }
0x55f: {  	[tilespmem:$0x1F060] =	vst v6;
	v6 =	vld [tilespmem:$0x1F9D0]  }
0x560: {  	v11 =	vld.idx.msk [tilespmem:v4+s17+$0x0], $0xffff  }
0x561: {  	v5 =	vor.u32 $0x14, v2;
	v4 =	vld [tilespmem:$0x1F060];
	_ =	sdelay $0x2  }
0x562: {  	v6 =	vmul.f32 v3, v6;
	_ =	sdelay $0x1  }
0x563: {  	v3 =	vand.u32 $0x7FFFFFFF, v16;
	v16 =	vsub.f32 v9, v13;
	v9 =	vld.idx.msk [tilespmem:v5+s16+$0x0], $0xffff;
	v4 =	vadd.f32 v6, v4  }
0x564: {  	v6 =	vld [tilespmem:$0x1F9E0]  }
0x565: {  	v13 =	vld.idx.msk [tilespmem:v5+s17+$0x0], $0xffff;
	[tilespmem:$0x1F070] =	vst v4  }
0x566: {  	v5 =	vld [tilespmem:$0x1F070];
	_ =	sdelay $0x2  }
0x567: {  	v6 =	vmul.f32 v3, v6;
	_ =	sdelay $0x1  }
0x568: {  	v10 =	vor.u32 $0x15, v2;
	v5 =	vadd.f32 v6, v5;
	v6 =	vld [tilespmem:$0x1F9F0];
	_ =	sdelay $0x3  }
0x569: {  	v3 =	vand.u32 $0x7FFFFFFF, v14  }
0x56a: {  	v14 =	vsub.f32 v7, v12;
	v7 =	vld.idx.msk [tilespmem:v10+s16+$0x0], $0xffff;
	v3 =	vmul.f32 v3, v6  }
0x56b: {  	v12 =	vld.idx.msk [tilespmem:v10+s17+$0x0], $0xffff;
	[tilespmem:$0x1F080] =	vst v5  }
0x56c: {  	v6 =	vld [tilespmem:$0x1F080];
	[tilespmem:$0x1F090] =	vst v3  }
0x56d: {  	v10 =	vld [tilespmem:$0x1F090]  }
0x56e: {  	v4 =	vor.u32 $0x16, v2;
	_ =	sdelay $0x3  }
0x56f: {  	v6 =	vadd.f32 v10, v6  }
0x570: {  	v3 =	vand.u32 $0x7FFFFFFF, v16;
	v16 =	vsub.f32 v8, v11;
	v8 =	vld.idx.msk [tilespmem:v4+s16+$0x0], $0xffff  }
0x571: {  	[tilespmem:$0x1F0A0] =	vst v6;
	v6 =	vld [tilespmem:$0x1FA00]  }
0x572: {  	v11 =	vld.idx.msk [tilespmem:v4+s17+$0x0], $0xffff  }
0x573: {  	v5 =	vor.u32 $0x17, v2;
	v4 =	vld [tilespmem:$0x1F0A0];
	_ =	sdelay $0x2  }
0x574: {  	v6 =	vmul.f32 v3, v6;
	_ =	sdelay $0x1  }
0x575: {  	v3 =	vand.u32 $0x7FFFFFFF, v14;
	v14 =	vsub.f32 v9, v13;
	v9 =	vld.idx.msk [tilespmem:v5+s16+$0x0], $0xffff;
	v4 =	vadd.f32 v6, v4  }
0x576: {  	v6 =	vld [tilespmem:$0x1FA10]  }
0x577: {  	v13 =	vld.idx.msk [tilespmem:v5+s17+$0x0], $0xffff;
	[tilespmem:$0x1F0B0] =	vst v4  }
0x578: {  	v5 =	vld [tilespmem:$0x1F0B0];
	_ =	sdelay $0x2  }
0x579: {  	v6 =	vmul.f32 v3, v6;
	_ =	sdelay $0x1  }
0x57a: {  	v10 =	vor.u32 $0x18, v2;
	v5 =	vadd.f32 v6, v5;
	v6 =	vld [tilespmem:$0x1FA20];
	_ =	sdelay $0x3  }
0x57b: {  	v3 =	vand.u32 $0x7FFFFFFF, v16  }
0x57c: {  	v16 =	vsub.f32 v7, v12;
	v7 =	vld.idx.msk [tilespmem:v10+s16+$0x0], $0xffff;
	v3 =	vmul.f32 v3, v6  }
0x57d: {  	v12 =	vld.idx.msk [tilespmem:v10+s17+$0x0], $0xffff;
	[tilespmem:$0x1F0C0] =	vst v5  }
0x57e: {  	v6 =	vld [tilespmem:$0x1F0C0];
	[tilespmem:$0x1F0D0] =	vst v3  }
0x57f: {  	v10 =	vld [tilespmem:$0x1F0D0]  }
0x580: {  	v4 =	vor.u32 $0x19, v2;
	_ =	sdelay $0x3  }
0x581: {  	v6 =	vadd.f32 v10, v6  }
0x582: {  	v3 =	vand.u32 $0x7FFFFFFF, v14;
	v14 =	vsub.f32 v8, v11;
	v8 =	vld.idx.msk [tilespmem:v4+s16+$0x0], $0xffff  }
0x583: {  	[tilespmem:$0x1F0E0] =	vst v6;
	v6 =	vld [tilespmem:$0x1FA30]  }
0x584: {  	v11 =	vld.idx.msk [tilespmem:v4+s17+$0x0], $0xffff  }
0x585: {  	v5 =	vor.u32 $0x1A, v2;
	v4 =	vld [tilespmem:$0x1F0E0];
	_ =	sdelay $0x2  }
0x586: {  	v6 =	vmul.f32 v3, v6;
	_ =	sdelay $0x1  }
0x587: {  	v3 =	vand.u32 $0x7FFFFFFF, v16;
	v16 =	vsub.f32 v9, v13;
	v9 =	vld.idx.msk [tilespmem:v5+s16+$0x0], $0xffff;
	v4 =	vadd.f32 v6, v4  }
0x588: {  	v6 =	vld [tilespmem:$0x1FA40]  }
0x589: {  	v13 =	vld.idx.msk [tilespmem:v5+s17+$0x0], $0xffff;
	[tilespmem:$0x1F0F0] =	vst v4  }
0x58a: {  	v5 =	vld [tilespmem:$0x1F0F0];
	_ =	sdelay $0x2  }
0x58b: {  	v6 =	vmul.f32 v3, v6;
	_ =	sdelay $0x1  }
0x58c: {  	v10 =	vor.u32 $0x1B, v2;
	v5 =	vadd.f32 v6, v5;
	v6 =	vld [tilespmem:$0x1FA50];
	_ =	sdelay $0x3  }
0x58d: {  	v3 =	vand.u32 $0x7FFFFFFF, v14  }
0x58e: {  	v14 =	vsub.f32 v7, v12;
	v7 =	vld.idx.msk [tilespmem:v10+s16+$0x0], $0xffff;
	v3 =	vmul.f32 v3, v6  }
0x58f: {  	v12 =	vld.idx.msk [tilespmem:v10+s17+$0x0], $0xffff;
	[tilespmem:$0x1F100] =	vst v5  }
0x590: {  	v6 =	vld [tilespmem:$0x1F100];
	[tilespmem:$0x1F110] =	vst v3  }
0x591: {  	v10 =	vld [tilespmem:$0x1F110]  }
0x592: {  	v4 =	vor.u32 $0x1C, v2;
	_ =	sdelay $0x3  }
0x593: {  	v6 =	vadd.f32 v10, v6  }
0x594: {  	v3 =	vand.u32 $0x7FFFFFFF, v16;
	v16 =	vsub.f32 v8, v11;
	v8 =	vld.idx.msk [tilespmem:v4+s16+$0x0], $0xffff  }
0x595: {  	[tilespmem:$0x1F120] =	vst v6;
	v6 =	vld [tilespmem:$0x1FA60]  }
0x596: {  	v11 =	vld.idx.msk [tilespmem:v4+s17+$0x0], $0xffff  }
0x597: {  	v5 =	vor.u32 $0x1D, v2;
	v4 =	vld [tilespmem:$0x1F120];
	_ =	sdelay $0x2  }
0x598: {  	v6 =	vmul.f32 v3, v6;
	_ =	sdelay $0x1  }
0x599: {  	v3 =	vand.u32 $0x7FFFFFFF, v14;
	v14 =	vsub.f32 v9, v13;
	v9 =	vld.idx.msk [tilespmem:v5+s16+$0x0], $0xffff;
	v4 =	vadd.f32 v6, v4  }
0x59a: {  	v6 =	vld [tilespmem:$0x1FA70]  }
0x59b: {  	v13 =	vld.idx.msk [tilespmem:v5+s17+$0x0], $0xffff;
	[tilespmem:$0x1F130] =	vst v4  }
0x59c: {  	v5 =	vld [tilespmem:$0x1F130];
	_ =	sdelay $0x2  }
0x59d: {  	v6 =	vmul.f32 v3, v6;
	_ =	sdelay $0x1  }
0x59e: {  	v10 =	vor.u32 $0x1E, v2;
	v5 =	vadd.f32 v6, v5;
	v6 =	vld [tilespmem:$0x1FA80];
	_ =	sdelay $0x3  }
0x59f: {  	v3 =	vand.u32 $0x7FFFFFFF, v16  }
0x5a0: {  	v16 =	vsub.f32 v7, v12;
	v7 =	vld.idx.msk [tilespmem:v10+s16+$0x0], $0xffff;
	v3 =	vmul.f32 v3, v6  }
0x5a1: {  	v12 =	vld.idx.msk [tilespmem:v10+s17+$0x0], $0xffff;
	[tilespmem:$0x1F140] =	vst v5  }
0x5a2: {  	v6 =	vld [tilespmem:$0x1F140];
	[tilespmem:$0x1F150] =	vst v3  }
0x5a3: {  	v10 =	vld [tilespmem:$0x1F150]  }
0x5a4: {  	v4 =	vor.u32 $0x1F, v2;
	_ =	sdelay $0x3  }
0x5a5: {  	v6 =	vadd.f32 v10, v6  }
0x5a6: {  	v3 =	vand.u32 $0x7FFFFFFF, v14;
	v14 =	vsub.f32 v8, v11;
	v8 =	vld.idx.msk [tilespmem:v4+s16+$0x0], $0xffff  }
0x5a7: {  	[tilespmem:$0x1F160] =	vst v6;
	v6 =	vld [tilespmem:$0x1FA90]  }
0x5a8: {  	v11 =	vld.idx.msk [tilespmem:v4+s17+$0x0], $0xffff  }
0x5a9: {  	v5 =	vor.u32 $0x20, v2;
	v4 =	vld [tilespmem:$0x1F160];
	_ =	sdelay $0x2  }
0x5aa: {  	v6 =	vmul.f32 v3, v6;
	_ =	sdelay $0x1  }
0x5ab: {  	v3 =	vand.u32 $0x7FFFFFFF, v16;
	v16 =	vsub.f32 v9, v13;
	v9 =	vld.idx.msk [tilespmem:v5+s16+$0x0], $0xffff;
	v4 =	vadd.f32 v6, v4  }
0x5ac: {  	v6 =	vld [tilespmem:$0x1FAA0]  }
0x5ad: {  	v13 =	vld.idx.msk [tilespmem:v5+s17+$0x0], $0xffff;
	[tilespmem:$0x1F170] =	vst v4  }
0x5ae: {  	v5 =	vld [tilespmem:$0x1F170];
	_ =	sdelay $0x2  }
0x5af: {  	v6 =	vmul.f32 v3, v6;
	_ =	sdelay $0x1  }
0x5b0: {  	v10 =	vor.u32 $0x21, v2;
	v5 =	vadd.f32 v6, v5;
	v6 =	vld [tilespmem:$0x1FAB0];
	_ =	sdelay $0x3  }
0x5b1: {  	v3 =	vand.u32 $0x7FFFFFFF, v14  }
0x5b2: {  	v14 =	vsub.f32 v7, v12;
	v7 =	vld.idx.msk [tilespmem:v10+s16+$0x0], $0xffff;
	v3 =	vmul.f32 v3, v6  }
0x5b3: {  	v12 =	vld.idx.msk [tilespmem:v10+s17+$0x0], $0xffff;
	[tilespmem:$0x1F180] =	vst v5  }
0x5b4: {  	v6 =	vld [tilespmem:$0x1F180];
	[tilespmem:$0x1F190] =	vst v3  }
0x5b5: {  	v10 =	vld [tilespmem:$0x1F190]  }
0x5b6: {  	v4 =	vor.u32 $0x22, v2;
	_ =	sdelay $0x3  }
0x5b7: {  	v6 =	vadd.f32 v10, v6  }
0x5b8: {  	v3 =	vand.u32 $0x7FFFFFFF, v16;
	v16 =	vsub.f32 v8, v11;
	v8 =	vld.idx.msk [tilespmem:v4+s16+$0x0], $0xffff  }
0x5b9: {  	[tilespmem:$0x1F1A0] =	vst v6;
	v6 =	vld [tilespmem:$0x1FAC0]  }
0x5ba: {  	v11 =	vld.idx.msk [tilespmem:v4+s17+$0x0], $0xffff  }
0x5bb: {  	v4 =	vld [tilespmem:$0x1F1A0];
	_ =	sdelay $0x2  }
0x5bc: {  	v6 =	vmul.f32 v3, v6  }
0x5bd: {  	v5 =	vor.u32 $0x23, v2  }
0x5be: {  	v4 =	vadd.f32 v6, v4;
	_ =	sdelay $0x1  }
0x5bf: {  	[tilespmem:$0x1F1B0] =	vst v4  }
0x5c0: {  	v6 =	vld [tilespmem:$0x1FAD0]  }
0x5c1: {  	v3 =	vand.u32 $0x7FFFFFFF, v14;
	v14 =	vsub.f32 v9, v13;
	v9 =	vld.idx.msk [tilespmem:v5+s16+$0x0], $0xffff  }
0x5c2: {  	v13 =	vld.idx.msk [tilespmem:v5+s17+$0x0], $0xffff  }
0x5c3: {  	v5 =	vld [tilespmem:$0x1F1B0];
	_ =	sdelay $0x2  }
0x5c4: {  	v6 =	vmul.f32 v3, v6;
	_ =	sdelay $0x1  }
0x5c5: {  	v10 =	vor.u32 $0x24, v2;
	v5 =	vadd.f32 v6, v5;
	v6 =	vld [tilespmem:$0x1FAE0];
	_ =	sdelay $0x3  }
0x5c6: {  	v3 =	vand.u32 $0x7FFFFFFF, v16  }
0x5c7: {  	v16 =	vsub.f32 v7, v12;
	v7 =	vld.idx.msk [tilespmem:v10+s16+$0x0], $0xffff;
	v3 =	vmul.f32 v3, v6  }
0x5c8: {  	v12 =	vld.idx.msk [tilespmem:v10+s17+$0x0], $0xffff;
	[tilespmem:$0x1F1C0] =	vst v5  }
0x5c9: {  	v6 =	vld [tilespmem:$0x1F1C0];
	[tilespmem:$0x1F1D0] =	vst v3  }
0x5ca: {  	v10 =	vld [tilespmem:$0x1F1D0]  }
0x5cb: {  	v4 =	vor.u32 $0x25, v2;
	_ =	sdelay $0x3  }
0x5cc: {  	v6 =	vadd.f32 v10, v6  }
0x5cd: {  	v3 =	vand.u32 $0x7FFFFFFF, v14;
	v14 =	vsub.f32 v8, v11;
	v8 =	vld.idx.msk [tilespmem:v4+s16+$0x0], $0xffff  }
0x5ce: {  	[tilespmem:$0x1F1E0] =	vst v6;
	v6 =	vld [tilespmem:$0x1FAF0]  }
0x5cf: {  	v11 =	vld.idx.msk [tilespmem:v4+s17+$0x0], $0xffff  }
0x5d0: {  	v5 =	vor.u32 $0x26, v2;
	v4 =	vld [tilespmem:$0x1F1E0];
	_ =	sdelay $0x2  }
0x5d1: {  	v6 =	vmul.f32 v3, v6;
	_ =	sdelay $0x1  }
0x5d2: {  	v3 =	vand.u32 $0x7FFFFFFF, v16;
	v16 =	vsub.f32 v9, v13;
	v9 =	vld.idx.msk [tilespmem:v5+s16+$0x0], $0xffff;
	v4 =	vadd.f32 v6, v4  }
0x5d3: {  	v6 =	vld [tilespmem:$0x1FB00]  }
0x5d4: {  	v13 =	vld.idx.msk [tilespmem:v5+s17+$0x0], $0xffff;
	[tilespmem:$0x1F1F0] =	vst v4  }
0x5d5: {  	v5 =	vld [tilespmem:$0x1F1F0];
	_ =	sdelay $0x2  }
0x5d6: {  	v6 =	vmul.f32 v3, v6;
	_ =	sdelay $0x1  }
0x5d7: {  	v10 =	vor.u32 $0x27, v2;
	v5 =	vadd.f32 v6, v5;
	v6 =	vld [tilespmem:$0x1FB10];
	_ =	sdelay $0x3  }
0x5d8: {  	v3 =	vand.u32 $0x7FFFFFFF, v14  }
0x5d9: {  	v14 =	vsub.f32 v7, v12;
	v7 =	vld.idx.msk [tilespmem:v10+s16+$0x0], $0xffff;
	v3 =	vmul.f32 v3, v6  }
0x5da: {  	v12 =	vld.idx.msk [tilespmem:v10+s17+$0x0], $0xffff;
	[tilespmem:$0x1F200] =	vst v5  }
0x5db: {  	v6 =	vld [tilespmem:$0x1F200];
	[tilespmem:$0x1F210] =	vst v3  }
0x5dc: {  	v10 =	vld [tilespmem:$0x1F210]  }
0x5dd: {  	v4 =	vor.u32 $0x28, v2;
	_ =	sdelay $0x3  }
0x5de: {  	v6 =	vadd.f32 v10, v6  }
0x5df: {  	v3 =	vand.u32 $0x7FFFFFFF, v16;
	v16 =	vsub.f32 v8, v11;
	v8 =	vld.idx.msk [tilespmem:v4+s16+$0x0], $0xffff  }
0x5e0: {  	[tilespmem:$0x1F220] =	vst v6;
	v6 =	vld [tilespmem:$0x1FB20]  }
0x5e1: {  	v11 =	vld.idx.msk [tilespmem:v4+s17+$0x0], $0xffff  }
0x5e2: {  	v5 =	vor.u32 $0x29, v2;
	v4 =	vld [tilespmem:$0x1F220];
	_ =	sdelay $0x2  }
0x5e3: {  	v6 =	vmul.f32 v3, v6;
	_ =	sdelay $0x1  }
0x5e4: {  	v3 =	vand.u32 $0x7FFFFFFF, v14;
	v14 =	vsub.f32 v9, v13;
	v9 =	vld.idx.msk [tilespmem:v5+s16+$0x0], $0xffff;
	v4 =	vadd.f32 v6, v4  }
0x5e5: {  	v6 =	vld [tilespmem:$0x1FB30]  }
0x5e6: {  	v13 =	vld.idx.msk [tilespmem:v5+s17+$0x0], $0xffff;
	[tilespmem:$0x1F230] =	vst v4  }
0x5e7: {  	v5 =	vld [tilespmem:$0x1F230];
	_ =	sdelay $0x2  }
0x5e8: {  	v6 =	vmul.f32 v3, v6;
	_ =	sdelay $0x1  }
0x5e9: {  	v10 =	vor.u32 $0x2A, v2;
	v5 =	vadd.f32 v6, v5;
	v6 =	vld [tilespmem:$0x1FB40];
	_ =	sdelay $0x3  }
0x5ea: {  	v3 =	vand.u32 $0x7FFFFFFF, v16  }
0x5eb: {  	v16 =	vsub.f32 v7, v12;
	v7 =	vld.idx.msk [tilespmem:v10+s16+$0x0], $0xffff;
	v3 =	vmul.f32 v3, v6  }
0x5ec: {  	v12 =	vld.idx.msk [tilespmem:v10+s17+$0x0], $0xffff;
	[tilespmem:$0x1F240] =	vst v5  }
0x5ed: {  	v6 =	vld [tilespmem:$0x1F240];
	[tilespmem:$0x1F250] =	vst v3  }
0x5ee: {  	v10 =	vld [tilespmem:$0x1F250]  }
0x5ef: {  	v4 =	vor.u32 $0x2B, v2;
	_ =	sdelay $0x3  }
0x5f0: {  	v6 =	vadd.f32 v10, v6  }
0x5f1: {  	v3 =	vand.u32 $0x7FFFFFFF, v14;
	v14 =	vsub.f32 v8, v11;
	v8 =	vld.idx.msk [tilespmem:v4+s16+$0x0], $0xffff  }
0x5f2: {  	[tilespmem:$0x1F260] =	vst v6;
	v6 =	vld [tilespmem:$0x1FB50]  }
0x5f3: {  	v11 =	vld.idx.msk [tilespmem:v4+s17+$0x0], $0xffff  }
0x5f4: {  	v5 =	vor.u32 $0x2C, v2;
	v4 =	vld [tilespmem:$0x1F260];
	_ =	sdelay $0x2  }
0x5f5: {  	v6 =	vmul.f32 v3, v6;
	_ =	sdelay $0x1  }
0x5f6: {  	v3 =	vand.u32 $0x7FFFFFFF, v16;
	v16 =	vsub.f32 v9, v13;
	v9 =	vld.idx.msk [tilespmem:v5+s16+$0x0], $0xffff;
	v4 =	vadd.f32 v6, v4  }
0x5f7: {  	v6 =	vld [tilespmem:$0x1FB60]  }
0x5f8: {  	v13 =	vld.idx.msk [tilespmem:v5+s17+$0x0], $0xffff;
	[tilespmem:$0x1F270] =	vst v4  }
0x5f9: {  	v5 =	vld [tilespmem:$0x1F270];
	_ =	sdelay $0x2  }
0x5fa: {  	v6 =	vmul.f32 v3, v6;
	_ =	sdelay $0x1  }
0x5fb: {  	v10 =	vor.u32 $0x2D, v2;
	v5 =	vadd.f32 v6, v5;
	v6 =	vld [tilespmem:$0x1FB70];
	_ =	sdelay $0x3  }
0x5fc: {  	v3 =	vand.u32 $0x7FFFFFFF, v14  }
0x5fd: {  	v14 =	vsub.f32 v7, v12;
	v7 =	vld.idx.msk [tilespmem:v10+s16+$0x0], $0xffff;
	v3 =	vmul.f32 v3, v6  }
0x5fe: {  	v12 =	vld.idx.msk [tilespmem:v10+s17+$0x0], $0xffff;
	[tilespmem:$0x1F280] =	vst v5  }
0x5ff: {  	v6 =	vld [tilespmem:$0x1F280];
	[tilespmem:$0x1F290] =	vst v3  }
0x600: {  	v10 =	vld [tilespmem:$0x1F290]  }
0x601: {  	v4 =	vor.u32 $0x2E, v2;
	_ =	sdelay $0x3  }
0x602: {  	v6 =	vadd.f32 v10, v6  }
0x603: {  	v3 =	vand.u32 $0x7FFFFFFF, v16;
	v16 =	vsub.f32 v8, v11;
	v8 =	vld.idx.msk [tilespmem:v4+s16+$0x0], $0xffff  }
0x604: {  	[tilespmem:$0x1F2A0] =	vst v6;
	v6 =	vld [tilespmem:$0x1FB80]  }
0x605: {  	v11 =	vld.idx.msk [tilespmem:v4+s17+$0x0], $0xffff  }
0x606: {  	v5 =	vor.u32 $0x2F, v2;
	v4 =	vld [tilespmem:$0x1F2A0];
	_ =	sdelay $0x2  }
0x607: {  	v6 =	vmul.f32 v3, v6;
	_ =	sdelay $0x1  }
0x608: {  	v3 =	vand.u32 $0x7FFFFFFF, v14;
	v14 =	vsub.f32 v9, v13;
	v9 =	vld.idx.msk [tilespmem:v5+s16+$0x0], $0xffff;
	v4 =	vadd.f32 v6, v4  }
0x609: {  	v6 =	vld [tilespmem:$0x1FB90]  }
0x60a: {  	v13 =	vld.idx.msk [tilespmem:v5+s17+$0x0], $0xffff;
	[tilespmem:$0x1F2B0] =	vst v4  }
0x60b: {  	v5 =	vld [tilespmem:$0x1F2B0];
	_ =	sdelay $0x2  }
0x60c: {  	v6 =	vmul.f32 v3, v6;
	_ =	sdelay $0x1  }
0x60d: {  	v10 =	vor.u32 $0x30, v2;
	v5 =	vadd.f32 v6, v5;
	v6 =	vld [tilespmem:$0x1FBA0];
	_ =	sdelay $0x3  }
0x60e: {  	v3 =	vand.u32 $0x7FFFFFFF, v16  }
0x60f: {  	v16 =	vsub.f32 v7, v12;
	v7 =	vld.idx.msk [tilespmem:v10+s16+$0x0], $0xffff;
	v3 =	vmul.f32 v3, v6  }
0x610: {  	v12 =	vld.idx.msk [tilespmem:v10+s17+$0x0], $0xffff;
	[tilespmem:$0x1F2C0] =	vst v5  }
0x611: {  	v6 =	vld [tilespmem:$0x1F2C0];
	[tilespmem:$0x1F2D0] =	vst v3  }
0x612: {  	v10 =	vld [tilespmem:$0x1F2D0]  }
0x613: {  	v4 =	vor.u32 $0x31, v2;
	_ =	sdelay $0x3  }
0x614: {  	v6 =	vadd.f32 v10, v6  }
0x615: {  	v3 =	vand.u32 $0x7FFFFFFF, v14;
	v14 =	vsub.f32 v8, v11;
	v8 =	vld.idx.msk [tilespmem:v4+s16+$0x0], $0xffff  }
0x616: {  	[tilespmem:$0x1F2E0] =	vst v6;
	v6 =	vld [tilespmem:$0x1FBB0]  }
0x617: {  	v11 =	vld.idx.msk [tilespmem:v4+s17+$0x0], $0xffff  }
0x618: {  	v5 =	vor.u32 $0x32, v2;
	v4 =	vld [tilespmem:$0x1F2E0];
	_ =	sdelay $0x2  }
0x619: {  	v6 =	vmul.f32 v3, v6;
	_ =	sdelay $0x1  }
0x61a: {  	v3 =	vand.u32 $0x7FFFFFFF, v16;
	v16 =	vsub.f32 v9, v13;
	v9 =	vld.idx.msk [tilespmem:v5+s16+$0x0], $0xffff;
	v4 =	vadd.f32 v6, v4  }
0x61b: {  	v6 =	vld [tilespmem:$0x1FBC0]  }
0x61c: {  	v13 =	vld.idx.msk [tilespmem:v5+s17+$0x0], $0xffff;
	[tilespmem:$0x1F2F0] =	vst v4  }
0x61d: {  	v5 =	vld [tilespmem:$0x1F2F0];
	_ =	sdelay $0x2  }
0x61e: {  	v6 =	vmul.f32 v3, v6;
	_ =	sdelay $0x1  }
0x61f: {  	v10 =	vor.u32 $0x33, v2;
	v5 =	vadd.f32 v6, v5;
	v6 =	vld [tilespmem:$0x1FBD0];
	_ =	sdelay $0x3  }
0x620: {  	v3 =	vand.u32 $0x7FFFFFFF, v14  }
0x621: {  	v14 =	vsub.f32 v7, v12;
	v7 =	vld.idx.msk [tilespmem:v10+s16+$0x0], $0xffff;
	v3 =	vmul.f32 v3, v6  }
0x622: {  	v12 =	vld.idx.msk [tilespmem:v10+s17+$0x0], $0xffff;
	[tilespmem:$0x1F300] =	vst v5  }
0x623: {  	v6 =	vld [tilespmem:$0x1F300];
	[tilespmem:$0x1F310] =	vst v3  }
0x624: {  	v10 =	vld [tilespmem:$0x1F310]  }
0x625: {  	v4 =	vor.u32 $0x34, v2;
	_ =	sdelay $0x3  }
0x626: {  	v6 =	vadd.f32 v10, v6  }
0x627: {  	v3 =	vand.u32 $0x7FFFFFFF, v16;
	v16 =	vsub.f32 v8, v11;
	v8 =	vld.idx.msk [tilespmem:v4+s16+$0x0], $0xffff  }
0x628: {  	[tilespmem:$0x1F320] =	vst v6;
	v6 =	vld [tilespmem:$0x1FBE0]  }
0x629: {  	v11 =	vld.idx.msk [tilespmem:v4+s17+$0x0], $0xffff  }
0x62a: {  	v5 =	vor.u32 $0x35, v2;
	v4 =	vld [tilespmem:$0x1F320];
	_ =	sdelay $0x2  }
0x62b: {  	v6 =	vmul.f32 v3, v6;
	_ =	sdelay $0x1  }
0x62c: {  	v3 =	vand.u32 $0x7FFFFFFF, v14;
	v14 =	vsub.f32 v9, v13;
	v9 =	vld.idx.msk [tilespmem:v5+s16+$0x0], $0xffff;
	v4 =	vadd.f32 v6, v4  }
0x62d: {  	v6 =	vld [tilespmem:$0x1FBF0]  }
0x62e: {  	v13 =	vld.idx.msk [tilespmem:v5+s17+$0x0], $0xffff;
	[tilespmem:$0x1F330] =	vst v4  }
0x62f: {  	v5 =	vld [tilespmem:$0x1F330];
	_ =	sdelay $0x2  }
0x630: {  	v6 =	vmul.f32 v3, v6;
	_ =	sdelay $0x1  }
0x631: {  	v10 =	vor.u32 $0x36, v2;
	v5 =	vadd.f32 v6, v5;
	v6 =	vld [tilespmem:$0x1FC00];
	_ =	sdelay $0x3  }
0x632: {  	v3 =	vand.u32 $0x7FFFFFFF, v16  }
0x633: {  	v16 =	vsub.f32 v7, v12;
	v7 =	vld.idx.msk [tilespmem:v10+s16+$0x0], $0xffff;
	v3 =	vmul.f32 v3, v6  }
0x634: {  	v12 =	vld.idx.msk [tilespmem:v10+s17+$0x0], $0xffff;
	[tilespmem:$0x1F340] =	vst v5  }
0x635: {  	v6 =	vld [tilespmem:$0x1F340];
	[tilespmem:$0x1F350] =	vst v3  }
0x636: {  	v10 =	vld [tilespmem:$0x1F350]  }
0x637: {  	v4 =	vor.u32 $0x37, v2;
	_ =	sdelay $0x3  }
0x638: {  	v6 =	vadd.f32 v10, v6  }
0x639: {  	v3 =	vand.u32 $0x7FFFFFFF, v14;
	v14 =	vsub.f32 v8, v11;
	v8 =	vld.idx.msk [tilespmem:v4+s16+$0x0], $0xffff  }
0x63a: {  	[tilespmem:$0x1F360] =	vst v6;
	v6 =	vld [tilespmem:$0x1FC10]  }
0x63b: {  	v11 =	vld.idx.msk [tilespmem:v4+s17+$0x0], $0xffff  }
0x63c: {  	v5 =	vor.u32 $0x38, v2;
	v4 =	vld [tilespmem:$0x1F360];
	_ =	sdelay $0x2  }
0x63d: {  	v6 =	vmul.f32 v3, v6;
	_ =	sdelay $0x1  }
0x63e: {  	v3 =	vand.u32 $0x7FFFFFFF, v16;
	v16 =	vsub.f32 v9, v13;
	v9 =	vld.idx.msk [tilespmem:v5+s16+$0x0], $0xffff;
	v4 =	vadd.f32 v6, v4  }
0x63f: {  	v6 =	vld [tilespmem:$0x1FC20]  }
0x640: {  	v13 =	vld.idx.msk [tilespmem:v5+s17+$0x0], $0xffff;
	[tilespmem:$0x1F370] =	vst v4  }
0x641: {  	v5 =	vld [tilespmem:$0x1F370];
	_ =	sdelay $0x2  }
0x642: {  	v6 =	vmul.f32 v3, v6;
	_ =	sdelay $0x1  }
0x643: {  	v10 =	vor.u32 $0x39, v2;
	v5 =	vadd.f32 v6, v5;
	v6 =	vld [tilespmem:$0x1FC30];
	_ =	sdelay $0x3  }
0x644: {  	v3 =	vand.u32 $0x7FFFFFFF, v14  }
0x645: {  	v14 =	vsub.f32 v7, v12;
	v7 =	vld.idx.msk [tilespmem:v10+s16+$0x0], $0xffff;
	v3 =	vmul.f32 v3, v6  }
0x646: {  	v12 =	vld.idx.msk [tilespmem:v10+s17+$0x0], $0xffff;
	[tilespmem:$0x1F380] =	vst v5  }
0x647: {  	v6 =	vld [tilespmem:$0x1F380];
	[tilespmem:$0x1F390] =	vst v3  }
0x648: {  	v10 =	vld [tilespmem:$0x1F390]  }
0x649: {  	v4 =	vor.u32 $0x3A, v2;
	_ =	sdelay $0x3  }
0x64a: {  	v6 =	vadd.f32 v10, v6  }
0x64b: {  	v3 =	vand.u32 $0x7FFFFFFF, v16;
	v16 =	vsub.f32 v8, v11;
	v8 =	vld.idx.msk [tilespmem:v4+s16+$0x0], $0xffff  }
0x64c: {  	[tilespmem:$0x1F3A0] =	vst v6;
	v6 =	vld [tilespmem:$0x1FC40]  }
0x64d: {  	v11 =	vld.idx.msk [tilespmem:v4+s17+$0x0], $0xffff  }
0x64e: {  	v5 =	vor.u32 $0x3B, v2;
	v4 =	vld [tilespmem:$0x1F3A0];
	_ =	sdelay $0x2  }
0x64f: {  	v6 =	vmul.f32 v3, v6;
	_ =	sdelay $0x1  }
0x650: {  	v3 =	vand.u32 $0x7FFFFFFF, v14;
	v14 =	vsub.f32 v9, v13;
	v9 =	vld.idx.msk [tilespmem:v5+s16+$0x0], $0xffff;
	v4 =	vadd.f32 v6, v4  }
0x651: {  	v6 =	vld [tilespmem:$0x1FC50]  }
0x652: {  	v13 =	vld.idx.msk [tilespmem:v5+s17+$0x0], $0xffff;
	[tilespmem:$0x1F3B0] =	vst v4  }
0x653: {  	v5 =	vld [tilespmem:$0x1F3B0];
	_ =	sdelay $0x2  }
0x654: {  	v6 =	vmul.f32 v3, v6;
	_ =	sdelay $0x1  }
0x655: {  	v10 =	vor.u32 $0x3C, v2;
	v5 =	vadd.f32 v6, v5;
	v6 =	vld [tilespmem:$0x1FC60];
	_ =	sdelay $0x3  }
0x656: {  	v3 =	vand.u32 $0x7FFFFFFF, v16  }
0x657: {  	v16 =	vsub.f32 v7, v12;
	v7 =	vld.idx.msk [tilespmem:v10+s16+$0x0], $0xffff;
	v3 =	vmul.f32 v3, v6  }
0x658: {  	v12 =	vld.idx.msk [tilespmem:v10+s17+$0x0], $0xffff;
	[tilespmem:$0x1F3C0] =	vst v5  }
0x659: {  	v6 =	vld [tilespmem:$0x1F3C0];
	[tilespmem:$0x1F3D0] =	vst v3  }
0x65a: {  	v10 =	vld [tilespmem:$0x1F3D0]  }
0x65b: {  	v4 =	vor.u32 $0x3D, v2;
	_ =	sdelay $0x3  }
0x65c: {  	v6 =	vadd.f32 v10, v6  }
0x65d: {  	v3 =	vand.u32 $0x7FFFFFFF, v14;
	v14 =	vsub.f32 v8, v11;
	v8 =	vld.idx.msk [tilespmem:v4+s16+$0x0], $0xffff  }
0x65e: {  	[tilespmem:$0x1F3E0] =	vst v6;
	v6 =	vld [tilespmem:$0x1FC70]  }
0x65f: {  	v11 =	vld.idx.msk [tilespmem:v4+s17+$0x0], $0xffff  }
0x660: {  	v5 =	vor.u32 $0x3E, v2;
	v4 =	vld [tilespmem:$0x1F3E0];
	_ =	sdelay $0x2  }
0x661: {  	v6 =	vmul.f32 v3, v6;
	_ =	sdelay $0x1  }
0x662: {  	v3 =	vand.u32 $0x7FFFFFFF, v16;
	v16 =	vsub.f32 v9, v13;
	v9 =	vld.idx.msk [tilespmem:v5+s16+$0x0], $0xffff;
	v4 =	vadd.f32 v6, v4  }
0x663: {  	v6 =	vld [tilespmem:$0x1FC80]  }
0x664: {  	v13 =	vld.idx.msk [tilespmem:v5+s17+$0x0], $0xffff;
	[tilespmem:$0x1F3F0] =	vst v4  }
0x665: {  	v5 =	vld [tilespmem:$0x1F3F0];
	_ =	sdelay $0x2  }
0x666: {  	v6 =	vmul.f32 v3, v6;
	_ =	sdelay $0x1  }
0x667: {  	v10 =	vor.u32 $0x3F, v2;
	v5 =	vadd.f32 v6, v5;
	v6 =	vld [tilespmem:$0x1FC90];
	_ =	sdelay $0x3  }
0x668: {  	v3 =	vand.u32 $0x7FFFFFFF, v14  }
0x669: {  	v14 =	vsub.f32 v7, v12;
	v7 =	vld.idx.msk [tilespmem:v10+s16+$0x0], $0xffff;
	v3 =	vmul.f32 v3, v6  }
0x66a: {  	v12 =	vld.idx.msk [tilespmem:v10+s17+$0x0], $0xffff;
	[tilespmem:$0x1F400] =	vst v5  }
0x66b: {  	v6 =	vld [tilespmem:$0x1F400];
	[tilespmem:$0x1F410] =	vst v3  }
0x66c: {  	v10 =	vld [tilespmem:$0x1F410]  }
0x66d: {  	v4 =	vor.u32 $0x40, v2;
	_ =	sdelay $0x3  }
0x66e: {  	v6 =	vadd.f32 v10, v6  }
0x66f: {  	v3 =	vand.u32 $0x7FFFFFFF, v16;
	v16 =	vsub.f32 v8, v11;
	v8 =	vld.idx.msk [tilespmem:v4+s16+$0x0], $0xffff  }
0x670: {  	[tilespmem:$0x1F420] =	vst v6;
	v6 =	vld [tilespmem:$0x1FCA0]  }
0x671: {  	v11 =	vld.idx.msk [tilespmem:v4+s17+$0x0], $0xffff  }
0x672: {  	v5 =	vor.u32 $0x41, v2;
	v4 =	vld [tilespmem:$0x1F420];
	_ =	sdelay $0x2  }
0x673: {  	v6 =	vmul.f32 v3, v6;
	_ =	sdelay $0x1  }
0x674: {  	v3 =	vand.u32 $0x7FFFFFFF, v14;
	v14 =	vsub.f32 v9, v13;
	v9 =	vld.idx.msk [tilespmem:v5+s16+$0x0], $0xffff;
	v4 =	vadd.f32 v6, v4  }
0x675: {  	v6 =	vld [tilespmem:$0x1FCB0]  }
0x676: {  	v13 =	vld.idx.msk [tilespmem:v5+s17+$0x0], $0xffff;
	[tilespmem:$0x1F430] =	vst v4  }
0x677: {  	v5 =	vld [tilespmem:$0x1F430];
	_ =	sdelay $0x2  }
0x678: {  	v6 =	vmul.f32 v3, v6;
	_ =	sdelay $0x1  }
0x679: {  	v10 =	vor.u32 $0x42, v2;
	v5 =	vadd.f32 v6, v5;
	v6 =	vld [tilespmem:$0x1FCC0];
	_ =	sdelay $0x3  }
0x67a: {  	v3 =	vand.u32 $0x7FFFFFFF, v16  }
0x67b: {  	v16 =	vsub.f32 v7, v12;
	v7 =	vld.idx.msk [tilespmem:v10+s16+$0x0], $0xffff;
	v3 =	vmul.f32 v3, v6  }
0x67c: {  	v12 =	vld.idx.msk [tilespmem:v10+s17+$0x0], $0xffff;
	[tilespmem:$0x1F440] =	vst v5  }
0x67d: {  	v6 =	vld [tilespmem:$0x1F440];
	[tilespmem:$0x1F450] =	vst v3  }
0x67e: {  	v10 =	vld [tilespmem:$0x1F450]  }
0x67f: {  	v4 =	vor.u32 $0x43, v2;
	_ =	sdelay $0x3  }
0x680: {  	v6 =	vadd.f32 v10, v6  }
0x681: {  	v3 =	vand.u32 $0x7FFFFFFF, v14;
	v14 =	vsub.f32 v8, v11;
	v8 =	vld.idx.msk [tilespmem:v4+s16+$0x0], $0xffff  }
0x682: {  	[tilespmem:$0x1F460] =	vst v6;
	v6 =	vld [tilespmem:$0x1FCD0]  }
0x683: {  	v11 =	vld.idx.msk [tilespmem:v4+s17+$0x0], $0xffff  }
0x684: {  	v5 =	vor.u32 $0x44, v2;
	v4 =	vld [tilespmem:$0x1F460];
	_ =	sdelay $0x2  }
0x685: {  	v6 =	vmul.f32 v3, v6;
	_ =	sdelay $0x1  }
0x686: {  	v3 =	vand.u32 $0x7FFFFFFF, v16;
	v16 =	vsub.f32 v9, v13;
	v9 =	vld.idx.msk [tilespmem:v5+s16+$0x0], $0xffff;
	v4 =	vadd.f32 v6, v4  }
0x687: {  	v6 =	vld [tilespmem:$0x1FCE0]  }
0x688: {  	v13 =	vld.idx.msk [tilespmem:v5+s17+$0x0], $0xffff;
	[tilespmem:$0x1F470] =	vst v4  }
0x689: {  	v5 =	vld [tilespmem:$0x1F470];
	_ =	sdelay $0x2  }
0x68a: {  	v6 =	vmul.f32 v3, v6;
	_ =	sdelay $0x1  }
0x68b: {  	v10 =	vor.u32 $0x45, v2;
	v5 =	vadd.f32 v6, v5;
	v6 =	vld [tilespmem:$0x1FCF0];
	_ =	sdelay $0x3  }
0x68c: {  	v3 =	vand.u32 $0x7FFFFFFF, v14  }
0x68d: {  	v14 =	vsub.f32 v7, v12;
	v7 =	vld.idx.msk [tilespmem:v10+s16+$0x0], $0xffff;
	v3 =	vmul.f32 v3, v6  }
0x68e: {  	v12 =	vld.idx.msk [tilespmem:v10+s17+$0x0], $0xffff;
	[tilespmem:$0x1F480] =	vst v5  }
0x68f: {  	v6 =	vld [tilespmem:$0x1F480];
	[tilespmem:$0x1F490] =	vst v3  }
0x690: {  	v10 =	vld [tilespmem:$0x1F490]  }
0x691: {  	v4 =	vor.u32 $0x46, v2;
	_ =	sdelay $0x3  }
0x692: {  	v6 =	vadd.f32 v10, v6  }
0x693: {  	v3 =	vand.u32 $0x7FFFFFFF, v16;
	v16 =	vsub.f32 v8, v11;
	v8 =	vld.idx.msk [tilespmem:v4+s16+$0x0], $0xffff  }
0x694: {  	[tilespmem:$0x1F4A0] =	vst v6;
	v6 =	vld [tilespmem:$0x1FD00]  }
0x695: {  	v11 =	vld.idx.msk [tilespmem:v4+s17+$0x0], $0xffff  }
0x696: {  	v5 =	vor.u32 $0x47, v2;
	v4 =	vld [tilespmem:$0x1F4A0];
	_ =	sdelay $0x2  }
0x697: {  	v6 =	vmul.f32 v3, v6;
	_ =	sdelay $0x1  }
0x698: {  	v3 =	vand.u32 $0x7FFFFFFF, v14;
	v14 =	vsub.f32 v9, v13;
	v9 =	vld.idx.msk [tilespmem:v5+s16+$0x0], $0xffff;
	v4 =	vadd.f32 v6, v4  }
0x699: {  	v6 =	vld [tilespmem:$0x1FD10]  }
0x69a: {  	v13 =	vld.idx.msk [tilespmem:v5+s17+$0x0], $0xffff;
	[tilespmem:$0x1F4B0] =	vst v4  }
0x69b: {  	v5 =	vld [tilespmem:$0x1F4B0];
	_ =	sdelay $0x2  }
0x69c: {  	v6 =	vmul.f32 v3, v6;
	_ =	sdelay $0x1  }
0x69d: {  	v10 =	vor.u32 $0x48, v2;
	v5 =	vadd.f32 v6, v5;
	v6 =	vld [tilespmem:$0x1FD20];
	_ =	sdelay $0x3  }
0x69e: {  	v3 =	vand.u32 $0x7FFFFFFF, v16  }
0x69f: {  	v16 =	vsub.f32 v7, v12;
	v7 =	vld.idx.msk [tilespmem:v10+s16+$0x0], $0xffff;
	v3 =	vmul.f32 v3, v6  }
0x6a0: {  	v12 =	vld.idx.msk [tilespmem:v10+s17+$0x0], $0xffff;
	[tilespmem:$0x1F4C0] =	vst v5  }
0x6a1: {  	v6 =	vld [tilespmem:$0x1F4C0];
	[tilespmem:$0x1F4D0] =	vst v3  }
0x6a2: {  	v10 =	vld [tilespmem:$0x1F4D0]  }
0x6a3: {  	v4 =	vor.u32 $0x49, v2;
	_ =	sdelay $0x3  }
0x6a4: {  	v6 =	vadd.f32 v10, v6  }
0x6a5: {  	v3 =	vand.u32 $0x7FFFFFFF, v14;
	v14 =	vsub.f32 v8, v11;
	v8 =	vld.idx.msk [tilespmem:v4+s16+$0x0], $0xffff  }
0x6a6: {  	[tilespmem:$0x1F4E0] =	vst v6;
	v6 =	vld [tilespmem:$0x1FD30]  }
0x6a7: {  	v11 =	vld.idx.msk [tilespmem:v4+s17+$0x0], $0xffff  }
0x6a8: {  	v5 =	vor.u32 $0x4A, v2;
	v4 =	vld [tilespmem:$0x1F4E0];
	_ =	sdelay $0x2  }
0x6a9: {  	v6 =	vmul.f32 v3, v6;
	_ =	sdelay $0x1  }
0x6aa: {  	v3 =	vand.u32 $0x7FFFFFFF, v16;
	v16 =	vsub.f32 v9, v13;
	v9 =	vld.idx.msk [tilespmem:v5+s16+$0x0], $0xffff;
	v4 =	vadd.f32 v6, v4  }
0x6ab: {  	v6 =	vld [tilespmem:$0x1FD40]  }
0x6ac: {  	v13 =	vld.idx.msk [tilespmem:v5+s17+$0x0], $0xffff;
	[tilespmem:$0x1F4F0] =	vst v4  }
0x6ad: {  	v5 =	vld [tilespmem:$0x1F4F0];
	_ =	sdelay $0x2  }
0x6ae: {  	v6 =	vmul.f32 v3, v6;
	_ =	sdelay $0x1  }
0x6af: {  	v10 =	vor.u32 $0x4B, v2;
	v5 =	vadd.f32 v6, v5;
	v6 =	vld [tilespmem:$0x1FD50];
	_ =	sdelay $0x3  }
0x6b0: {  	v3 =	vand.u32 $0x7FFFFFFF, v14  }
0x6b1: {  	v14 =	vsub.f32 v7, v12;
	v7 =	vld.idx.msk [tilespmem:v10+s16+$0x0], $0xffff;
	v3 =	vmul.f32 v3, v6  }
0x6b2: {  	v12 =	vld.idx.msk [tilespmem:v10+s17+$0x0], $0xffff;
	[tilespmem:$0x1F500] =	vst v5  }
0x6b3: {  	v6 =	vld [tilespmem:$0x1F500];
	[tilespmem:$0x1F510] =	vst v3  }
0x6b4: {  	v10 =	vld [tilespmem:$0x1F510]  }
0x6b5: {  	v4 =	vor.u32 $0x4C, v2;
	_ =	sdelay $0x3  }
0x6b6: {  	v6 =	vadd.f32 v10, v6  }
0x6b7: {  	v3 =	vand.u32 $0x7FFFFFFF, v16;
	v16 =	vsub.f32 v8, v11;
	v8 =	vld.idx.msk [tilespmem:v4+s16+$0x0], $0xffff  }
0x6b8: {  	[tilespmem:$0x1F520] =	vst v6;
	v6 =	vld [tilespmem:$0x1FD60]  }
0x6b9: {  	v11 =	vld.idx.msk [tilespmem:v4+s17+$0x0], $0xffff  }
0x6ba: {  	v5 =	vor.u32 $0x4D, v2;
	v4 =	vld [tilespmem:$0x1F520];
	_ =	sdelay $0x2  }
0x6bb: {  	v6 =	vmul.f32 v3, v6;
	_ =	sdelay $0x1  }
0x6bc: {  	v3 =	vand.u32 $0x7FFFFFFF, v14;
	v14 =	vsub.f32 v9, v13;
	v9 =	vld.idx.msk [tilespmem:v5+s16+$0x0], $0xffff;
	v4 =	vadd.f32 v6, v4  }
0x6bd: {  	v6 =	vld [tilespmem:$0x1FD70]  }
0x6be: {  	v13 =	vld.idx.msk [tilespmem:v5+s17+$0x0], $0xffff;
	[tilespmem:$0x1F530] =	vst v4  }
0x6bf: {  	v5 =	vld [tilespmem:$0x1F530];
	_ =	sdelay $0x2  }
0x6c0: {  	v6 =	vmul.f32 v3, v6;
	_ =	sdelay $0x1  }
0x6c1: {  	v10 =	vor.u32 $0x4E, v2;
	v5 =	vadd.f32 v6, v5;
	v6 =	vld [tilespmem:$0x1FD80];
	_ =	sdelay $0x3  }
0x6c2: {  	v3 =	vand.u32 $0x7FFFFFFF, v16  }
0x6c3: {  	v16 =	vsub.f32 v7, v12;
	v7 =	vld.idx.msk [tilespmem:v10+s16+$0x0], $0xffff;
	v3 =	vmul.f32 v3, v6  }
0x6c4: {  	v12 =	vld.idx.msk [tilespmem:v10+s17+$0x0], $0xffff;
	[tilespmem:$0x1F540] =	vst v5  }
0x6c5: {  	v6 =	vld [tilespmem:$0x1F540];
	[tilespmem:$0x1F550] =	vst v3  }
0x6c6: {  	v10 =	vld [tilespmem:$0x1F550]  }
0x6c7: {  	v4 =	vor.u32 $0x4F, v2;
	_ =	sdelay $0x3  }
0x6c8: {  	v6 =	vadd.f32 v10, v6  }
0x6c9: {  	v3 =	vand.u32 $0x7FFFFFFF, v14;
	v14 =	vsub.f32 v8, v11;
	v8 =	vld.idx.msk [tilespmem:v4+s16+$0x0], $0xffff  }
0x6ca: {  	[tilespmem:$0x1F560] =	vst v6;
	v6 =	vld [tilespmem:$0x1FD90]  }
0x6cb: {  	v11 =	vld.idx.msk [tilespmem:v4+s17+$0x0], $0xffff  }
0x6cc: {  	v5 =	vor.u32 $0x50, v2;
	v4 =	vld [tilespmem:$0x1F560];
	_ =	sdelay $0x2  }
0x6cd: {  	v6 =	vmul.f32 v3, v6;
	_ =	sdelay $0x1  }
0x6ce: {  	v3 =	vand.u32 $0x7FFFFFFF, v16;
	v16 =	vsub.f32 v9, v13;
	v9 =	vld.idx.msk [tilespmem:v5+s16+$0x0], $0xffff;
	v4 =	vadd.f32 v6, v4  }
0x6cf: {  	v6 =	vld [tilespmem:$0x1FDA0]  }
0x6d0: {  	v13 =	vld.idx.msk [tilespmem:v5+s17+$0x0], $0xffff;
	[tilespmem:$0x1F570] =	vst v4  }
0x6d1: {  	v5 =	vld [tilespmem:$0x1F570];
	_ =	sdelay $0x2  }
0x6d2: {  	v6 =	vmul.f32 v3, v6;
	_ =	sdelay $0x1  }
0x6d3: {  	v10 =	vor.u32 $0x51, v2;
	v5 =	vadd.f32 v6, v5;
	v6 =	vld [tilespmem:$0x1FDB0];
	_ =	sdelay $0x3  }
0x6d4: {  	v3 =	vand.u32 $0x7FFFFFFF, v14  }
0x6d5: {  	v14 =	vsub.f32 v7, v12;
	v7 =	vld.idx.msk [tilespmem:v10+s16+$0x0], $0xffff;
	v3 =	vmul.f32 v3, v6  }
0x6d6: {  	v12 =	vld.idx.msk [tilespmem:v10+s17+$0x0], $0xffff;
	[tilespmem:$0x1F580] =	vst v5  }
0x6d7: {  	v6 =	vld [tilespmem:$0x1F580];
	[tilespmem:$0x1F590] =	vst v3  }
0x6d8: {  	v10 =	vld [tilespmem:$0x1F590]  }
0x6d9: {  	v4 =	vor.u32 $0x52, v2;
	_ =	sdelay $0x3  }
0x6da: {  	v6 =	vadd.f32 v10, v6  }
0x6db: {  	v3 =	vand.u32 $0x7FFFFFFF, v16;
	v16 =	vsub.f32 v8, v11;
	v8 =	vld.idx.msk [tilespmem:v4+s16+$0x0], $0xffff  }
0x6dc: {  	[tilespmem:$0x1F5A0] =	vst v6;
	v6 =	vld [tilespmem:$0x1FDC0]  }
0x6dd: {  	v11 =	vld.idx.msk [tilespmem:v4+s17+$0x0], $0xffff  }
0x6de: {  	v5 =	vor.u32 $0x53, v2;
	v4 =	vld [tilespmem:$0x1F5A0];
	_ =	sdelay $0x2  }
0x6df: {  	v6 =	vmul.f32 v3, v6;
	_ =	sdelay $0x1  }
0x6e0: {  	v3 =	vand.u32 $0x7FFFFFFF, v14;
	v14 =	vsub.f32 v9, v13;
	v9 =	vld.idx.msk [tilespmem:v5+s16+$0x0], $0xffff;
	v4 =	vadd.f32 v6, v4  }
0x6e1: {  	v6 =	vld [tilespmem:$0x1FDD0]  }
0x6e2: {  	v13 =	vld.idx.msk [tilespmem:v5+s17+$0x0], $0xffff;
	[tilespmem:$0x1F5B0] =	vst v4  }
0x6e3: {  	v5 =	vld [tilespmem:$0x1F5B0];
	_ =	sdelay $0x2  }
0x6e4: {  	v6 =	vmul.f32 v3, v6;
	_ =	sdelay $0x1  }
0x6e5: {  	v10 =	vor.u32 $0x54, v2;
	v5 =	vadd.f32 v6, v5;
	v6 =	vld [tilespmem:$0x1FDE0];
	_ =	sdelay $0x3  }
0x6e6: {  	v3 =	vand.u32 $0x7FFFFFFF, v16  }
0x6e7: {  	v16 =	vsub.f32 v7, v12;
	v7 =	vld.idx.msk [tilespmem:v10+s16+$0x0], $0xffff;
	v3 =	vmul.f32 v3, v6  }
0x6e8: {  	v12 =	vld.idx.msk [tilespmem:v10+s17+$0x0], $0xffff;
	[tilespmem:$0x1F5C0] =	vst v5  }
0x6e9: {  	v6 =	vld [tilespmem:$0x1F5C0];
	[tilespmem:$0x1F5D0] =	vst v3  }
0x6ea: {  	v10 =	vld [tilespmem:$0x1F5D0]  }
0x6eb: {  	v4 =	vor.u32 $0x55, v2;
	_ =	sdelay $0x3  }
0x6ec: {  	v6 =	vadd.f32 v10, v6  }
0x6ed: {  	v3 =	vand.u32 $0x7FFFFFFF, v14;
	v14 =	vsub.f32 v8, v11;
	v8 =	vld.idx.msk [tilespmem:v4+s16+$0x0], $0xffff  }
0x6ee: {  	[tilespmem:$0x1F5E0] =	vst v6;
	v6 =	vld [tilespmem:$0x1FE00]  }
0x6ef: {  	v11 =	vld.idx.msk [tilespmem:v4+s17+$0x0], $0xffff  }
0x6f0: {  	v5 =	vor.u32 $0x56, v2;
	v4 =	vld [tilespmem:$0x1F5E0];
	_ =	sdelay $0x2  }
0x6f1: {  	v6 =	vmul.f32 v3, v6;
	_ =	sdelay $0x1  }
0x6f2: {  	v3 =	vand.u32 $0x7FFFFFFF, v16;
	v16 =	vsub.f32 v9, v13;
	v9 =	vld.idx.msk [tilespmem:v5+s16+$0x0], $0xffff;
	v4 =	vadd.f32 v6, v4  }
0x6f3: {  	v6 =	vld [tilespmem:$0x1FDF0]  }
0x6f4: {  	v13 =	vld.idx.msk [tilespmem:v5+s17+$0x0], $0xffff;
	[tilespmem:$0x1F5F0] =	vst v4  }
0x6f5: {  	v5 =	vld [tilespmem:$0x1F5F0];
	_ =	sdelay $0x2  }
0x6f6: {  	v6 =	vmul.f32 v3, v6;
	_ =	sdelay $0x1  }
0x6f7: {  	v10 =	vor.u32 $0x57, v2;
	v5 =	vadd.f32 v6, v5;
	v6 =	vld [tilespmem:$0x1FE10];
	_ =	sdelay $0x3  }
0x6f8: {  	v3 =	vand.u32 $0x7FFFFFFF, v14  }
0x6f9: {  	v14 =	vsub.f32 v7, v12;
	v7 =	vld.idx.msk [tilespmem:v10+s16+$0x0], $0xffff;
	v3 =	vmul.f32 v3, v6  }
0x6fa: {  	v12 =	vld.idx.msk [tilespmem:v10+s17+$0x0], $0xffff;
	[tilespmem:$0x1F600] =	vst v5  }
0x6fb: {  	v6 =	vld [tilespmem:$0x1F600];
	[tilespmem:$0x1F610] =	vst v3  }
0x6fc: {  	v10 =	vld [tilespmem:$0x1F610]  }
0x6fd: {  	v4 =	vor.u32 $0x58, v2;
	_ =	sdelay $0x3  }
0x6fe: {  	v6 =	vadd.f32 v10, v6  }
0x6ff: {  	v3 =	vand.u32 $0x7FFFFFFF, v16;
	v16 =	vsub.f32 v8, v11;
	v8 =	vld.idx.msk [tilespmem:v4+s16+$0x0], $0xffff  }
0x700: {  	[tilespmem:$0x1F620] =	vst v6;
	v6 =	vld [tilespmem:$0x1FE30]  }
0x701: {  	v11 =	vld.idx.msk [tilespmem:v4+s17+$0x0], $0xffff  }
0x702: {  	v5 =	vor.u32 $0x59, v2;
	v4 =	vld [tilespmem:$0x1F620];
	_ =	sdelay $0x2  }
0x703: {  	v6 =	vmul.f32 v3, v6;
	_ =	sdelay $0x1  }
0x704: {  	v3 =	vand.u32 $0x7FFFFFFF, v14;
	v14 =	vsub.f32 v9, v13;
	v9 =	vld.idx.msk [tilespmem:v5+s16+$0x0], $0xffff;
	v4 =	vadd.f32 v6, v4  }
0x705: {  	v6 =	vld [tilespmem:$0x1FE20]  }
0x706: {  	v13 =	vld.idx.msk [tilespmem:v5+s17+$0x0], $0xffff;
	[tilespmem:$0x1F630] =	vst v4  }
0x707: {  	v5 =	vld [tilespmem:$0x1F630];
	_ =	sdelay $0x2  }
0x708: {  	v6 =	vmul.f32 v3, v6;
	_ =	sdelay $0x1  }
0x709: {  	v10 =	vor.u32 $0x5A, v2;
	v5 =	vadd.f32 v6, v5;
	v6 =	vld [tilespmem:$0x1FE40];
	_ =	sdelay $0x3  }
0x70a: {  	v3 =	vand.u32 $0x7FFFFFFF, v16  }
0x70b: {  	v16 =	vsub.f32 v7, v12;
	v7 =	vld.idx.msk [tilespmem:v10+s16+$0x0], $0xffff;
	v3 =	vmul.f32 v3, v6  }
0x70c: {  	v12 =	vld.idx.msk [tilespmem:v10+s17+$0x0], $0xffff;
	[tilespmem:$0x1F640] =	vst v5  }
0x70d: {  	v6 =	vld [tilespmem:$0x1F640];
	[tilespmem:$0x1F650] =	vst v3  }
0x70e: {  	v10 =	vld [tilespmem:$0x1F650]  }
0x70f: {  	v4 =	vor.u32 $0x5B, v2;
	_ =	sdelay $0x3  }
0x710: {  	v6 =	vadd.f32 v10, v6  }
0x711: {  	v3 =	vand.u32 $0x7FFFFFFF, v14;
	v14 =	vsub.f32 v8, v11;
	v8 =	vld.idx.msk [tilespmem:v4+s16+$0x0], $0xffff  }
0x712: {  	[tilespmem:$0x1F660] =	vst v6;
	v6 =	vld [tilespmem:$0x1FE60]  }
0x713: {  	v11 =	vld.idx.msk [tilespmem:v4+s17+$0x0], $0xffff  }
0x714: {  	v5 =	vor.u32 $0x5C, v2;
	v4 =	vld [tilespmem:$0x1F660];
	_ =	sdelay $0x2  }
0x715: {  	v6 =	vmul.f32 v3, v6;
	_ =	sdelay $0x1  }
0x716: {  	v3 =	vand.u32 $0x7FFFFFFF, v16;
	v16 =	vsub.f32 v9, v13;
	v9 =	vld.idx.msk [tilespmem:v5+s16+$0x0], $0xffff;
	v4 =	vadd.f32 v6, v4  }
0x717: {  	v6 =	vld [tilespmem:$0x1FE50]  }
0x718: {  	v13 =	vld.idx.msk [tilespmem:v5+s17+$0x0], $0xffff;
	[tilespmem:$0x1F670] =	vst v4  }
0x719: {  	v5 =	vld [tilespmem:$0x1F670];
	_ =	sdelay $0x2  }
0x71a: {  	v6 =	vmul.f32 v3, v6;
	_ =	sdelay $0x1  }
0x71b: {  	v10 =	vor.u32 $0x5D, v2;
	v5 =	vadd.f32 v6, v5;
	v6 =	vld [tilespmem:$0x1FE70];
	_ =	sdelay $0x3  }
0x71c: {  	v3 =	vand.u32 $0x7FFFFFFF, v14  }
0x71d: {  	v14 =	vsub.f32 v7, v12;
	v7 =	vld.idx.msk [tilespmem:v10+s16+$0x0], $0xffff;
	v3 =	vmul.f32 v3, v6  }
0x71e: {  	v12 =	vld.idx.msk [tilespmem:v10+s17+$0x0], $0xffff;
	[tilespmem:$0x1F680] =	vst v5  }
0x71f: {  	v6 =	vld [tilespmem:$0x1F680];
	[tilespmem:$0x1F690] =	vst v3  }
0x720: {  	v10 =	vld [tilespmem:$0x1F690]  }
0x721: {  	v4 =	vor.u32 $0x5E, v2;
	_ =	sdelay $0x3  }
0x722: {  	v6 =	vadd.f32 v10, v6  }
0x723: {  	v3 =	vand.u32 $0x7FFFFFFF, v16;
	v16 =	vsub.f32 v8, v11;
	v8 =	vld.idx.msk [tilespmem:v4+s16+$0x0], $0xffff  }
0x724: {  	[tilespmem:$0x1F6A0] =	vst v6;
	v6 =	vld [tilespmem:$0x1FE90]  }
0x725: {  	v11 =	vld.idx.msk [tilespmem:v4+s17+$0x0], $0xffff  }
0x726: {  	v5 =	vor.u32 $0x5F, v2;
	v4 =	vld [tilespmem:$0x1F6A0];
	_ =	sdelay $0x2  }
0x727: {  	v6 =	vmul.f32 v3, v6;
	_ =	sdelay $0x1  }
0x728: {  	v3 =	vand.u32 $0x7FFFFFFF, v14;
	v14 =	vsub.f32 v9, v13;
	v9 =	vld.idx.msk [tilespmem:v5+s16+$0x0], $0xffff;
	v4 =	vadd.f32 v6, v4  }
0x729: {  	v6 =	vld [tilespmem:$0x1FE80]  }
0x72a: {  	v13 =	vld.idx.msk [tilespmem:v5+s17+$0x0], $0xffff;
	[tilespmem:$0x1F6B0] =	vst v4  }
0x72b: {  	v5 =	vld [tilespmem:$0x1F6B0];
	_ =	sdelay $0x2  }
0x72c: {  	v6 =	vmul.f32 v3, v6;
	_ =	sdelay $0x1  }
0x72d: {  	v10 =	vor.u32 $0x60, v2;
	v5 =	vadd.f32 v6, v5;
	v6 =	vld [tilespmem:$0x1FEA0];
	_ =	sdelay $0x3  }
0x72e: {  	v3 =	vand.u32 $0x7FFFFFFF, v16  }
0x72f: {  	v16 =	vsub.f32 v7, v12;
	v7 =	vld.idx.msk [tilespmem:v10+s16+$0x0], $0xffff;
	v3 =	vmul.f32 v3, v6  }
0x730: {  	v12 =	vld.idx.msk [tilespmem:v10+s17+$0x0], $0xffff;
	[tilespmem:$0x1F6C0] =	vst v5  }
0x731: {  	v6 =	vld [tilespmem:$0x1F6C0];
	[tilespmem:$0x1F6D0] =	vst v3  }
0x732: {  	v10 =	vld [tilespmem:$0x1F6D0]  }
0x733: {  	v4 =	vor.u32 $0x61, v2;
	_ =	sdelay $0x3  }
0x734: {  	v6 =	vadd.f32 v10, v6  }
0x735: {  	v3 =	vand.u32 $0x7FFFFFFF, v14;
	v14 =	vsub.f32 v8, v11;
	v8 =	vld.idx.msk [tilespmem:v4+s16+$0x0], $0xffff  }
0x736: {  	[tilespmem:$0x1F6E0] =	vst v6;
	v6 =	vld [tilespmem:$0x1FEC0]  }
0x737: {  	v11 =	vld.idx.msk [tilespmem:v4+s17+$0x0], $0xffff  }
0x738: {  	v5 =	vor.u32 $0x62, v2;
	v4 =	vld [tilespmem:$0x1F6E0];
	_ =	sdelay $0x2  }
0x739: {  	v6 =	vmul.f32 v3, v6;
	_ =	sdelay $0x1  }
0x73a: {  	v3 =	vand.u32 $0x7FFFFFFF, v16;
	v16 =	vsub.f32 v9, v13;
	v9 =	vld.idx.msk [tilespmem:v5+s16+$0x0], $0xffff;
	v4 =	vadd.f32 v6, v4  }
0x73b: {  	v6 =	vld [tilespmem:$0x1FEB0]  }
0x73c: {  	v13 =	vld.idx.msk [tilespmem:v5+s17+$0x0], $0xffff;
	[tilespmem:$0x1F6F0] =	vst v4  }
0x73d: {  	v5 =	vld [tilespmem:$0x1F6F0];
	_ =	sdelay $0x2  }
0x73e: {  	v6 =	vmul.f32 v3, v6;
	_ =	sdelay $0x1  }
0x73f: {  	v10 =	vor.u32 $0x63, v2;
	v5 =	vadd.f32 v6, v5;
	v6 =	vld [tilespmem:$0x1FED0];
	_ =	sdelay $0x3  }
0x740: {  	v3 =	vand.u32 $0x7FFFFFFF, v14  }
0x741: {  	v14 =	vsub.f32 v7, v12;
	v7 =	vld.idx.msk [tilespmem:v10+s16+$0x0], $0xffff;
	v3 =	vmul.f32 v3, v6  }
0x742: {  	v12 =	vld.idx.msk [tilespmem:v10+s17+$0x0], $0xffff;
	[tilespmem:$0x1F700] =	vst v5  }
0x743: {  	v6 =	vld [tilespmem:$0x1F700];
	[tilespmem:$0x1F710] =	vst v3  }
0x744: {  	v10 =	vld [tilespmem:$0x1F710]  }
0x745: {  	v4 =	vor.u32 $0x64, v2;
	_ =	sdelay $0x3  }
0x746: {  	v6 =	vadd.f32 v10, v6  }
0x747: {  	v3 =	vand.u32 $0x7FFFFFFF, v16;
	v16 =	vsub.f32 v8, v11;
	v8 =	vld.idx.msk [tilespmem:v4+s16+$0x0], $0xffff  }
0x748: {  	[tilespmem:$0x1F720] =	vst v6;
	v6 =	vld [tilespmem:$0x1FEF0]  }
0x749: {  	v11 =	vld.idx.msk [tilespmem:v4+s17+$0x0], $0xffff  }
0x74a: {  	v5 =	vor.u32 $0x65, v2;
	v4 =	vld [tilespmem:$0x1F720];
	_ =	sdelay $0x2  }
0x74b: {  	v6 =	vmul.f32 v3, v6;
	_ =	sdelay $0x1  }
0x74c: {  	v3 =	vand.u32 $0x7FFFFFFF, v14;
	v14 =	vsub.f32 v9, v13;
	v9 =	vld.idx.msk [tilespmem:v5+s16+$0x0], $0xffff;
	v4 =	vadd.f32 v6, v4  }
0x74d: {  	v6 =	vld [tilespmem:$0x1FEE0]  }
0x74e: {  	v13 =	vld.idx.msk [tilespmem:v5+s17+$0x0], $0xffff;
	[tilespmem:$0x1F730] =	vst v4  }
0x74f: {  	v5 =	vld [tilespmem:$0x1F730];
	_ =	sdelay $0x2  }
0x750: {  	v6 =	vmul.f32 v3, v6;
	_ =	sdelay $0x1  }
0x751: {  	v10 =	vor.u32 $0x66, v2;
	v5 =	vadd.f32 v6, v5;
	v6 =	vld [tilespmem:$0x1FF00];
	_ =	sdelay $0x3  }
0x752: {  	v3 =	vand.u32 $0x7FFFFFFF, v16  }
0x753: {  	v16 =	vsub.f32 v7, v12;
	v7 =	vld.idx.msk [tilespmem:v10+s16+$0x0], $0xffff;
	v3 =	vmul.f32 v3, v6  }
0x754: {  	v12 =	vld.idx.msk [tilespmem:v10+s17+$0x0], $0xffff;
	[tilespmem:$0x1F740] =	vst v5  }
0x755: {  	v6 =	vld [tilespmem:$0x1F740];
	[tilespmem:$0x1F750] =	vst v3  }
0x756: {  	v10 =	vld [tilespmem:$0x1F750]  }
0x757: {  	v4 =	vor.u32 $0x67, v2;
	_ =	sdelay $0x3  }
0x758: {  	v6 =	vadd.f32 v10, v6  }
0x759: {  	v3 =	vand.u32 $0x7FFFFFFF, v14;
	v14 =	vsub.f32 v8, v11;
	v8 =	vld.idx.msk [tilespmem:v4+s16+$0x0], $0xffff  }
0x75a: {  	[tilespmem:$0x1F760] =	vst v6;
	v6 =	vld [tilespmem:$0x1FF20]  }
0x75b: {  	v11 =	vld.idx.msk [tilespmem:v4+s17+$0x0], $0xffff  }
0x75c: {  	v5 =	vor.u32 $0x68, v2;
	v4 =	vld [tilespmem:$0x1F760];
	_ =	sdelay $0x2  }
0x75d: {  	v6 =	vmul.f32 v3, v6;
	_ =	sdelay $0x1  }
0x75e: {  	v3 =	vand.u32 $0x7FFFFFFF, v16;
	v16 =	vsub.f32 v9, v13;
	v9 =	vld.idx.msk [tilespmem:v5+s16+$0x0], $0xffff;
	v4 =	vadd.f32 v6, v4  }
0x75f: {  	v6 =	vld [tilespmem:$0x1FF10]  }
0x760: {  	v13 =	vld.idx.msk [tilespmem:v5+s17+$0x0], $0xffff;
	[tilespmem:$0x1F770] =	vst v4  }
0x761: {  	v5 =	vld [tilespmem:$0x1F770];
	_ =	sdelay $0x2  }
0x762: {  	v6 =	vmul.f32 v3, v6;
	_ =	sdelay $0x1  }
0x763: {  	v10 =	vor.u32 $0x69, v2;
	v5 =	vadd.f32 v6, v5;
	v6 =	vld [tilespmem:$0x1FF30];
	_ =	sdelay $0x3  }
0x764: {  	v3 =	vand.u32 $0x7FFFFFFF, v14  }
0x765: {  	v14 =	vsub.f32 v7, v12;
	v7 =	vld.idx.msk [tilespmem:v10+s16+$0x0], $0xffff;
	v3 =	vmul.f32 v3, v6  }
0x766: {  	v12 =	vld.idx.msk [tilespmem:v10+s17+$0x0], $0xffff;
	[tilespmem:$0x1F780] =	vst v5  }
0x767: {  	v6 =	vld [tilespmem:$0x1F780];
	[tilespmem:$0x1F790] =	vst v3  }
0x768: {  	v10 =	vld [tilespmem:$0x1F790]  }
0x769: {  	v4 =	vor.u32 $0x6A, v2;
	_ =	sdelay $0x3  }
0x76a: {  	v6 =	vadd.f32 v10, v6  }
0x76b: {  	v3 =	vand.u32 $0x7FFFFFFF, v16;
	v16 =	vsub.f32 v8, v11;
	v8 =	vld.idx.msk [tilespmem:v4+s16+$0x0], $0xffff  }
0x76c: {  	[tilespmem:$0x1F7A0] =	vst v6;
	v6 =	vld [tilespmem:$0x1FF50]  }
0x76d: {  	v11 =	vld.idx.msk [tilespmem:v4+s17+$0x0], $0xffff  }
0x76e: {  	v5 =	vor.u32 $0x6B, v2;
	v4 =	vld [tilespmem:$0x1F7A0];
	_ =	sdelay $0x2  }
0x76f: {  	v6 =	vmul.f32 v3, v6;
	_ =	sdelay $0x1  }
0x770: {  	v3 =	vand.u32 $0x7FFFFFFF, v14;
	v14 =	vsub.f32 v9, v13;
	v9 =	vld.idx.msk [tilespmem:v5+s16+$0x0], $0xffff;
	v4 =	vadd.f32 v6, v4  }
0x771: {  	v6 =	vld [tilespmem:$0x1FF40]  }
0x772: {  	v13 =	vld.idx.msk [tilespmem:v5+s17+$0x0], $0xffff;
	[tilespmem:$0x1F7B0] =	vst v4  }
0x773: {  	v5 =	vld [tilespmem:$0x1F7B0];
	_ =	sdelay $0x2  }
0x774: {  	v6 =	vmul.f32 v3, v6;
	_ =	sdelay $0x1  }
0x775: {  	v10 =	vor.u32 $0x6C, v2;
	v5 =	vadd.f32 v6, v5;
	v6 =	vld [tilespmem:$0x1FF60];
	_ =	sdelay $0x3  }
0x776: {  	v3 =	vand.u32 $0x7FFFFFFF, v16  }
0x777: {  	v16 =	vsub.f32 v7, v12;
	v7 =	vld.idx.msk [tilespmem:v10+s16+$0x0], $0xffff;
	v3 =	vmul.f32 v3, v6  }
0x778: {  	v12 =	vld.idx.msk [tilespmem:v10+s17+$0x0], $0xffff;
	[tilespmem:$0x1F7C0] =	vst v5  }
0x779: {  	v6 =	vld [tilespmem:$0x1F7C0];
	[tilespmem:$0x1F7D0] =	vst v3  }
0x77a: {  	v10 =	vld [tilespmem:$0x1F7D0]  }
0x77b: {  	v4 =	vor.u32 $0x6D, v2;
	_ =	sdelay $0x3  }
0x77c: {  	v6 =	vadd.f32 v10, v6  }
0x77d: {  	v3 =	vand.u32 $0x7FFFFFFF, v14;
	v14 =	vsub.f32 v8, v11;
	v8 =	vld.idx.msk [tilespmem:v4+s16+$0x0], $0xffff  }
0x77e: {  	[tilespmem:$0x1F7E0] =	vst v6;
	v6 =	vld [tilespmem:$0x1FF80]  }
0x77f: {  	v11 =	vld.idx.msk [tilespmem:v4+s17+$0x0], $0xffff  }
0x780: {  	v5 =	vor.u32 $0x6E, v2;
	v4 =	vld [tilespmem:$0x1F7E0];
	_ =	sdelay $0x2  }
0x781: {  	v6 =	vmul.f32 v3, v6;
	_ =	sdelay $0x1  }
0x782: {  	v3 =	vand.u32 $0x7FFFFFFF, v16;
	v16 =	vsub.f32 v9, v13;
	v9 =	vld.idx.msk [tilespmem:v5+s16+$0x0], $0xffff;
	v4 =	vadd.f32 v6, v4  }
0x783: {  	v6 =	vld [tilespmem:$0x1FF70]  }
0x784: {  	v13 =	vld.idx.msk [tilespmem:v5+s17+$0x0], $0xffff;
	[tilespmem:$0x1F7F0] =	vst v4  }
0x785: {  	v5 =	vld [tilespmem:$0x1F7F0];
	_ =	sdelay $0x2  }
0x786: {  	v6 =	vmul.f32 v3, v6;
	_ =	sdelay $0x1  }
0x787: {  	v10 =	vor.u32 $0x6F, v2;
	v5 =	vadd.f32 v6, v5;
	v6 =	vld [tilespmem:$0x1FF90];
	_ =	sdelay $0x3  }
0x788: {  	v3 =	vand.u32 $0x7FFFFFFF, v14  }
0x789: {  	v14 =	vsub.f32 v7, v12;
	v7 =	vld.idx.msk [tilespmem:v10+s16+$0x0], $0xffff;
	v3 =	vmul.f32 v3, v6  }
0x78a: {  	v12 =	vld.idx.msk [tilespmem:v10+s17+$0x0], $0xffff;
	[tilespmem:$0x1F800] =	vst v5  }
0x78b: {  	v6 =	vld [tilespmem:$0x1F800];
	[tilespmem:$0x1F810] =	vst v3  }
0x78c: {  	v10 =	vld [tilespmem:$0x1F810]  }
0x78d: {  	v4 =	vor.u32 $0x70, v2;
	_ =	sdelay $0x3  }
0x78e: {  	v6 =	vadd.f32 v10, v6  }
0x78f: {  	v3 =	vand.u32 $0x7FFFFFFF, v16;
	v16 =	vsub.f32 v8, v11;
	v8 =	vld.idx.msk [tilespmem:v4+s16+$0x0], $0xffff  }
0x790: {  	[tilespmem:$0x1F820] =	vst v6;
	v6 =	vld [tilespmem:$0x1FFB0]  }
0x791: {  	v11 =	vld.idx.msk [tilespmem:v4+s17+$0x0], $0xffff  }
0x792: {  	v5 =	vor.u32 $0x71, v2;
	v4 =	vld [tilespmem:$0x1F820];
	_ =	sdelay $0x2  }
0x793: {  	v6 =	vmul.f32 v3, v6;
	_ =	sdelay $0x1  }
0x794: {  	v3 =	vand.u32 $0x7FFFFFFF, v14;
	v14 =	vsub.f32 v9, v13;
	v9 =	vld.idx.msk [tilespmem:v5+s16+$0x0], $0xffff;
	v4 =	vadd.f32 v6, v4  }
0x795: {  	v6 =	vld [tilespmem:$0x1FFA0]  }
0x796: {  	v13 =	vld.idx.msk [tilespmem:v5+s17+$0x0], $0xffff;
	[tilespmem:$0x1F830] =	vst v4  }
0x797: {  	v5 =	vld [tilespmem:$0x1F830];
	_ =	sdelay $0x2  }
0x798: {  	v6 =	vmul.f32 v3, v6;
	_ =	sdelay $0x1  }
0x799: {  	v10 =	vor.u32 $0x72, v2;
	v5 =	vadd.f32 v6, v5;
	v6 =	vld [tilespmem:$0x1FFC0];
	_ =	sdelay $0x3  }
0x79a: {  	v3 =	vand.u32 $0x7FFFFFFF, v16  }
0x79b: {  	v16 =	vsub.f32 v7, v12;
	v7 =	vld.idx.msk [tilespmem:v10+s16+$0x0], $0xffff;
	v3 =	vmul.f32 v3, v6  }
0x79c: {  	v12 =	vld.idx.msk [tilespmem:v10+s17+$0x0], $0xffff;
	[tilespmem:$0x1F840] =	vst v5  }
0x79d: {  	v6 =	vld [tilespmem:$0x1F840];
	[tilespmem:$0x1F850] =	vst v3  }
0x79e: {  	v10 =	vld [tilespmem:$0x1F850]  }
0x79f: {  	v4 =	vor.u32 $0x73, v2;
	_ =	sdelay $0x3  }
0x7a0: {  	v6 =	vadd.f32 v10, v6  }
0x7a1: {  	v3 =	vand.u32 $0x7FFFFFFF, v14;
	v14 =	vsub.f32 v8, v11;
	v8 =	vld.idx.msk [tilespmem:v4+s16+$0x0], $0xffff  }
0x7a2: {  	[tilespmem:$0x1F860] =	vst v6;
	v6 =	vld [tilespmem:$0x1FFE0]  }
0x7a3: {  	v11 =	vld.idx.msk [tilespmem:v4+s17+$0x0], $0xffff  }
0x7a4: {  	v5 =	vor.u32 $0x74, v2;
	v4 =	vld [tilespmem:$0x1F860];
	_ =	sdelay $0x2  }
0x7a5: {  	v6 =	vmul.f32 v3, v6;
	_ =	sdelay $0x1  }
0x7a6: {  	v3 =	vand.u32 $0x7FFFFFFF, v16;
	v16 =	vsub.f32 v9, v13;
	v9 =	vld.idx.msk [tilespmem:v5+s16+$0x0], $0xffff;
	v4 =	vadd.f32 v6, v4  }
0x7a7: {  	v6 =	vld [tilespmem:$0x1FFD0]  }
0x7a8: {  	v13 =	vld.idx.msk [tilespmem:v5+s17+$0x0], $0xffff;
	[tilespmem:$0x1F870] =	vst v4  }
0x7a9: {  	v5 =	vld [tilespmem:$0x1F870];
	_ =	sdelay $0x2  }
0x7aa: {  	v6 =	vmul.f32 v3, v6;
	_ =	sdelay $0x1  }
0x7ab: {  	v10 =	vor.u32 $0x75, v2;
	v5 =	vadd.f32 v6, v5;
	v6 =	vld [tilespmem:$0x1FFF0];
	_ =	sdelay $0x3  }
0x7ac: {  	v3 =	vand.u32 $0x7FFFFFFF, v14  }
0x7ad: {  	v14 =	vsub.f32 v7, v12;
	v12 =	vld.idx.msk [tilespmem:v10+s17+$0x0], $0xffff;
	[tilespmem:$0x1F880] =	vst v5;
	v3 =	vmul.f32 v3, v6  }
0x7ae: {  	v5 =	vor.u32 $0x77, v2;
	v7 =	vld [tilespmem:$0x1F880]  }
0x7af: {  	v4 =	vor.u32 $0x76, v2;
	v6 =	vld.idx.msk [tilespmem:v10+s16+$0x0], $0xffff;
	[tilespmem:$0x1F890] =	vst v3  }
0x7b0: {  	v10 =	vld [tilespmem:$0x1F890]  }
0x7b1: {  	v3 =	vand.u32 $0x7FFFFFFF, v16  }
0x7b2: {  	v3 =	vmul.f32 v3, v50  }
0x7b3: {  	v11 =	vsub.f32 v8, v11;
	v8 =	vld.idx.msk [tilespmem:v5+s16+$0x0], $0xffff  }
0x7b4: {  	[tilespmem:$0x1F8A0] =	vst v3;
	v3 =	vand.u32 $0x7FFFFFFF, v14;
	v14 =	vld.idx.msk [tilespmem:v4+s17+$0x0], $0xffff  }
0x7b5: {  	v3 =	vmul.f32 v3, v51;
	v16 =	vadd.f32 v10, v7;
	v7 =	vld.idx.msk [tilespmem:v4+s16+$0x0], $0xffff  }
0x7b6: {  	v4 =	vld [tilespmem:$0x1F8A0]  }
0x7b7: {  	v9 =	vsub.f32 v9, v13;
	v13 =	vld.idx.msk [tilespmem:v5+s17+$0x0], $0xffff;
	[tilespmem:$0x1F8B0] =	vst v3  }
0x7b8: {  	v10 =	vor.u32 $0x78, v2;
	v3 =	vand.u32 $0x7FFFFFFF, v11;
	v5 =	vld [tilespmem:$0x1F8B0]  }
0x7b9: {  	v3 =	vmul.f32 v3, v52;
	_ =	sdelay $0x1  }
0x7ba: {  	[tilespmem:$0x1F8C0] =	vst v3;
	v3 =	vand.u32 $0x7FFFFFFF, v9;
	v16 =	vadd.f32 v4, v16  }
0x7bb: {  	v9 =	vld [tilespmem:$0x1F8C0];
	v3 =	vmul.f32 v3, v53  }
0x7bc: {  	v11 =	vadd.f32 v5, v16;
	v16 =	vsub.f32 v6, v12;
	v6 =	vld.idx.msk [tilespmem:v10+s16+$0x0], $0xffff  }
0x7bd: {  	[tilespmem:$0x1F8D0] =	vst v3;
	v12 =	vld.idx.msk [tilespmem:v10+s17+$0x0], $0xffff  }
0x7be: {  	v5 =	vor.u32 $0x7A, v2;
	v10 =	vsub.f32 v7, v14;
	v14 =	vld [tilespmem:$0x1F8D0];
	_ =	sdelay $0x2  }
0x7bf: {  	v9 =	vadd.f32 v9, v11;
	v3 =	vand.u32 $0x7FFFFFFF, v16  }
0x7c0: {  	v4 =	vor.u32 $0x79, v2;
	v3 =	vmul.f32 v3, v54  }
0x7c1: {  	v16 =	vadd.f32 v14, v9;
	v14 =	vsub.f32 v8, v13;
	v8 =	vld.idx.msk [tilespmem:v5+s16+$0x0], $0xffff  }
0x7c2: {  	[tilespmem:$0x1F8E0] =	vst v3;
	v13 =	vld.idx.msk [tilespmem:v5+s17+$0x0], $0xffff  }
0x7c3: {  	v5 =	vld [tilespmem:$0x1F8E0]  }
0x7c4: {  	v11 =	vor.u32 $0x7B, v2  }
0x7c5: {  	v7 =	vld.idx.msk [tilespmem:v4+s16+$0x0], $0xffff  }
0x7c6: {  	v4 =	vld.idx.msk [tilespmem:v4+s17+$0x0], $0xffff;
	v9 =	vor.u32 $0x7C, v2  }
0x7c7: {  	v3 =	vand.u32 $0x7FFFFFFF, v10  }
0x7c8: {  	v10 =	vor.u32 $0x7D, v2;
	v5 =	vadd.f32 v5, v16;
	v16 =	vmul.f32 v3, v55  }
0x7c9: {  	v12 =	vsub.f32 v6, v12;
	v6 =	vld.idx.msk [tilespmem:v11+s16+$0x0], $0xffff;
	v3 =	vand.u32 $0x7FFFFFFF, v14  }
0x7ca: {  	v11 =	vld.idx.msk [tilespmem:v11+s17+$0x0], $0xffff;
	v3 =	vmul.f32 v3, v56;
	v16 =	vadd.f32 v16, v5;
	v5 =	vor.u32 $0x7E, v2  }
0x7cb: {  	v14 =	vsub.f32 v7, v4;
	v7 =	vld.idx.msk [tilespmem:v9+s16+$0x0], $0xffff;
	v4 =	vand.u32 $0x7FFFFFFF, v12  }
0x7cc: {  	v9 =	vld.idx.msk [tilespmem:v9+s17+$0x0], $0xffff;
	v4 =	vmul.f32 v4, v57;
	v16 =	vadd.f32 v3, v16;
	v3 =	vor.u32 $0x7F, v2  }
0x7cd: {  	v12 =	vsub.f32 v8, v13;
	v8 =	vld.idx.msk [tilespmem:v10+s16+$0x0], $0xffff;
	v2 =	vand.u32 $0x7FFFFFFF, v14  }
0x7ce: {  	v10 =	vld.idx.msk [tilespmem:v10+s17+$0x0], $0xffff;
	v14 =	vadd.f32 v4, v16;
	v4 =	vmul.f32 v2, v58  }
0x7cf: {  	v13 =	vsub.f32 v6, v11;
	v2 =	vand.u32 $0x7FFFFFFF, v12;
	v6 =	vld.idx.msk [tilespmem:v5+s16+$0x0], $0xffff  }
0x7d0: {  	v11 =	vld.idx.msk [tilespmem:v5+s17+$0x0], $0xffff;
	v12 =	vadd.f32 v4, v14;
	v4 =	vmul.f32 v2, v59  }
0x7d1: {  	v5 =	vsub.f32 v7, v9;
	v2 =	vand.u32 $0x7FFFFFFF, v13;
	v7 =	vld.idx.msk [tilespmem:v3+s16+$0x0], $0xffff  }
0x7d2: {  	v9 =	vld.idx.msk [tilespmem:v3+s17+$0x0], $0xffff;
	v2 =	vmul.f32 v2, v60;
	v4 =	vadd.f32 v4, v12  }
0x7d3: {  	v3 =	vsub.f32 v8, v10;
	v5 =	vand.u32 $0x7FFFFFFF, v5  }
0x7d4: {  	v2 =	vadd.f32 v2, v4;
	v4 =	vmul.f32 v5, v61  }
0x7d5: {  	v3 =	vand.u32 $0x7FFFFFFF, v3  }
0x7d6: {  	v5 =	vsub.f32 v6, v11;
	v3 =	vmul.f32 v3, v62;
	v2 =	vadd.f32 v4, v2  }
0x7d7: {  	s31 =	simm.s32 $0x20;
	v6 =	vsub.f32 v7, v9  }
0x7d8: {  	v4 =	vand.u32 $0x7FFFFFFF, v5;
	v3 =	vadd.f32 v3, v2;
	v2 =	vmov s31  }
0x7d9: {  	s25 =	simm.s32 $0x30;
	v4 =	vmul.f32 v4, v63;
	v5 =	vand.u32 $0x7FFFFFFF, v6;
	v2 =	vshll.u32 v2, $0x7  }
.LBB2_3:
0x7da: {  	_ = 	snop  }
0x7db: {  	v2 =	vor.u32 v15, v2;
	v3 =	vadd.f32 v4, v3;
	v4 =	vmul.f32 v5, v0;
	_ =	sdelay $0x1  }
0x7dc: {  	v5 =	vor.u32 $0x1, v2;
	v3 =	vadd.f32 v4, v3  }
0x7dd: {  	s24 =	sadd.s32 $0x10, s24  }
0x7de: {  	[tilespmem:s24+$0x0] =	vst v3  }
0x7df: {  	v3 =	vld.idx.msk [tilespmem:v2+s17+$0x0], $0xffff  }
0x7e0: {  	v6 =	vld.idx.msk [tilespmem:v2+s16+$0x0], $0xffff  }
0x7e1: {  	v8 =	vld.idx.msk [tilespmem:v5+s16+$0x0], $0xffff  }
0x7e2: {  	v5 =	vld.idx.msk [tilespmem:v5+s17+$0x0], $0xffff  }
0x7e3: {  	v14 =	vld [tilespmem:$0x1F8F0];
	v4 =	vor.u32 $0x2, v2;
	_ =	sdelay $0x1  }
0x7e4: {  	v16 =	vld [tilespmem:$0x1F900];
	v3 =	vsub.f32 v6, v3;
	_ =	sdelay $0x1  }
0x7e5: {  	v5 =	vsub.f32 v8, v5;
	v3 =	vand.u32 $0x7FFFFFFF, v3  }
0x7e6: {  	v10 =	vld.idx.msk [tilespmem:v4+s16+$0x0], $0xffff;
	v3 =	vmul.f32 v3, v14  }
0x7e7: {  	v4 =	vld.idx.msk [tilespmem:v4+s17+$0x0], $0xffff;
	v5 =	vand.u32 $0x7FFFFFFF, v5  }
0x7e8: {  	v7 =	vor.u32 $0x3, v2;
	v5 =	vmul.f32 v5, v16;
	v3 =	vadd.f32 v3, v1;
	_ =	sdelay $0x1  }
0x7e9: {  	v3 =	vadd.f32 v5, v3;
	v5 =	vld [tilespmem:$0x1F910];
	_ =	sdelay $0x1  }
0x7ea: {  	v4 =	vsub.f32 v10, v4  }
0x7eb: {  	v12 =	vld.idx.msk [tilespmem:v7+s16+$0x0], $0xffff  }
0x7ec: {  	v6 =	vld.idx.msk [tilespmem:v7+s17+$0x0], $0xffff;
	v4 =	vand.u32 $0x7FFFFFFF, v4  }
0x7ed: {  	v9 =	vor.u32 $0x4, v2;
	v4 =	vmul.f32 v4, v5;
	_ =	sdelay $0x1  }
0x7ee: {  	v3 =	vadd.f32 v4, v3;
	v4 =	vld [tilespmem:$0x1F920];
	_ =	sdelay $0x1  }
0x7ef: {  	v6 =	vsub.f32 v12, v6  }
0x7f0: {  	v13 =	vld.idx.msk [tilespmem:v9+s16+$0x0], $0xffff  }
0x7f1: {  	v8 =	vld.idx.msk [tilespmem:v9+s17+$0x0], $0xffff;
	v6 =	vand.u32 $0x7FFFFFFF, v6  }
0x7f2: {  	v11 =	vor.u32 $0x5, v2;
	v4 =	vmul.f32 v6, v4;
	_ =	sdelay $0x1  }
0x7f3: {  	v3 =	vadd.f32 v4, v3;
	v4 =	vld [tilespmem:$0x1F930];
	_ =	sdelay $0x1  }
0x7f4: {  	v8 =	vsub.f32 v13, v8  }
0x7f5: {  	v10 =	vld.idx.msk [tilespmem:v11+s17+$0x0], $0xffff  }
0x7f6: {  	v14 =	vld.idx.msk [tilespmem:v11+s16+$0x0], $0xffff;
	v8 =	vand.u32 $0x7FFFFFFF, v8  }
0x7f7: {  	v7 =	vor.u32 $0x6, v2;
	v4 =	vmul.f32 v8, v4;
	_ =	sdelay $0x1  }
0x7f8: {  	v3 =	vadd.f32 v4, v3;
	v4 =	vld [tilespmem:$0x1F940];
	_ =	sdelay $0x1  }
0x7f9: {  	v10 =	vsub.f32 v14, v10  }
0x7fa: {  	v16 =	vmov v15;
	v15 =	vld.idx.msk [tilespmem:v7+s16+$0x0], $0xffff  }
0x7fb: {  	v7 =	vld.idx.msk [tilespmem:v7+s17+$0x0], $0xffff;
	v10 =	vand.u32 $0x7FFFFFFF, v10  }
0x7fc: {  	v9 =	vor.u32 $0x7, v2;
	v4 =	vmul.f32 v10, v4;
	_ =	sdelay $0x1  }
0x7fd: {  	v3 =	vadd.f32 v4, v3;
	v4 =	vld [tilespmem:$0x1F950];
	_ =	sdelay $0x1  }
0x7fe: {  	v7 =	vsub.f32 v15, v7  }
0x7ff: {  	v5 =	vld.idx.msk [tilespmem:v9+s16+$0x0], $0xffff  }
0x800: {  	v9 =	vld.idx.msk [tilespmem:v9+s17+$0x0], $0xffff;
	v7 =	vand.u32 $0x7FFFFFFF, v7  }
0x801: {  	v11 =	vor.u32 $0x8, v2;
	v4 =	vmul.f32 v7, v4;
	_ =	sdelay $0x1  }
0x802: {  	v3 =	vadd.f32 v4, v3;
	v4 =	vld [tilespmem:$0x1F960];
	_ =	sdelay $0x1  }
0x803: {  	v5 =	vsub.f32 v5, v9  }
0x804: {  	v6 =	vld.idx.msk [tilespmem:v11+s16+$0x0], $0xffff  }
0x805: {  	v11 =	vld.idx.msk [tilespmem:v11+s17+$0x0], $0xffff;
	v5 =	vand.u32 $0x7FFFFFFF, v5  }
0x806: {  	v12 =	vor.u32 $0x9, v2;
	v4 =	vmul.f32 v5, v4;
	_ =	sdelay $0x1  }
0x807: {  	v3 =	vadd.f32 v4, v3;
	v4 =	vld [tilespmem:$0x1F970];
	_ =	sdelay $0x1  }
0x808: {  	v6 =	vsub.f32 v6, v11  }
0x809: {  	v8 =	vld.idx.msk [tilespmem:v12+s16+$0x0], $0xffff  }
0x80a: {  	v12 =	vld.idx.msk [tilespmem:v12+s17+$0x0], $0xffff;
	v6 =	vand.u32 $0x7FFFFFFF, v6  }
0x80b: {  	v13 =	vor.u32 $0xA, v2;
	v4 =	vmul.f32 v6, v4;
	_ =	sdelay $0x1  }
0x80c: {  	v3 =	vadd.f32 v4, v3;
	v4 =	vld [tilespmem:$0x1F980];
	_ =	sdelay $0x1  }
0x80d: {  	v8 =	vsub.f32 v8, v12  }
0x80e: {  	v9 =	vld.idx.msk [tilespmem:v13+s17+$0x0], $0xffff  }
0x80f: {  	v10 =	vld.idx.msk [tilespmem:v13+s16+$0x0], $0xffff;
	v8 =	vand.u32 $0x7FFFFFFF, v8  }
0x810: {  	v14 =	vor.u32 $0xB, v2;
	v4 =	vmul.f32 v8, v4;
	_ =	sdelay $0x1  }
0x811: {  	v3 =	vadd.f32 v4, v3;
	v4 =	vld [tilespmem:$0x1F990];
	_ =	sdelay $0x1  }
0x812: {  	v9 =	vsub.f32 v10, v9  }
0x813: {  	v11 =	vld.idx.msk [tilespmem:v14+s17+$0x0], $0xffff  }
0x814: {  	v7 =	vld.idx.msk [tilespmem:v14+s16+$0x0], $0xffff;
	v9 =	vand.u32 $0x7FFFFFFF, v9  }
0x815: {  	v15 =	vor.u32 $0xC, v2;
	v4 =	vmul.f32 v9, v4;
	_ =	sdelay $0x1  }
0x816: {  	v3 =	vadd.f32 v4, v3;
	v4 =	vld [tilespmem:$0x1F9A0];
	_ =	sdelay $0x1  }
0x817: {  	v7 =	vsub.f32 v7, v11  }
0x818: {  	v12 =	vld.idx.msk [tilespmem:v15+s17+$0x0], $0xffff  }
0x819: {  	v5 =	vld.idx.msk [tilespmem:v15+s16+$0x0], $0xffff;
	v7 =	vand.u32 $0x7FFFFFFF, v7  }
0x81a: {  	v13 =	vor.u32 $0xD, v2;
	v4 =	vmul.f32 v7, v4;
	_ =	sdelay $0x1  }
0x81b: {  	v3 =	vadd.f32 v4, v3;
	v4 =	vld [tilespmem:$0x1F9B0];
	_ =	sdelay $0x1  }
0x81c: {  	v5 =	vsub.f32 v5, v12  }
0x81d: {  	v10 =	vld.idx.msk [tilespmem:v13+s17+$0x0], $0xffff  }
0x81e: {  	v6 =	vld.idx.msk [tilespmem:v13+s16+$0x0], $0xffff;
	v5 =	vand.u32 $0x7FFFFFFF, v5  }
0x81f: {  	v14 =	vor.u32 $0xE, v2;
	v4 =	vmul.f32 v5, v4;
	_ =	sdelay $0x1  }
0x820: {  	v3 =	vadd.f32 v4, v3;
	v4 =	vld [tilespmem:$0x1F9C0];
	_ =	sdelay $0x1  }
0x821: {  	v6 =	vsub.f32 v6, v10  }
0x822: {  	v11 =	vld.idx.msk [tilespmem:v14+s17+$0x0], $0xffff  }
0x823: {  	v8 =	vld.idx.msk [tilespmem:v14+s16+$0x0], $0xffff;
	v6 =	vand.u32 $0x7FFFFFFF, v6  }
0x824: {  	v15 =	vor.u32 $0xF, v2;
	v4 =	vmul.f32 v6, v4;
	_ =	sdelay $0x1  }
0x825: {  	v3 =	vadd.f32 v4, v3;
	v4 =	vld [tilespmem:$0x1F9D0];
	_ =	sdelay $0x1  }
0x826: {  	v8 =	vsub.f32 v8, v11  }
0x827: {  	v12 =	vld.idx.msk [tilespmem:v15+s17+$0x0], $0xffff  }
0x828: {  	v9 =	vld.idx.msk [tilespmem:v15+s16+$0x0], $0xffff;
	v8 =	vand.u32 $0x7FFFFFFF, v8  }
0x829: {  	v13 =	vor.u32 $0x10, v2;
	v4 =	vmul.f32 v8, v4;
	_ =	sdelay $0x1  }
0x82a: {  	v3 =	vadd.f32 v4, v3;
	v4 =	vld [tilespmem:$0x1F9E0];
	_ =	sdelay $0x1  }
0x82b: {  	v9 =	vsub.f32 v9, v12  }
0x82c: {  	v10 =	vld.idx.msk [tilespmem:v13+s17+$0x0], $0xffff  }
0x82d: {  	v7 =	vld.idx.msk [tilespmem:v13+s16+$0x0], $0xffff;
	v9 =	vand.u32 $0x7FFFFFFF, v9  }
0x82e: {  	v14 =	vor.u32 $0x11, v2;
	v4 =	vmul.f32 v9, v4;
	_ =	sdelay $0x1  }
0x82f: {  	v3 =	vadd.f32 v4, v3;
	v4 =	vld [tilespmem:$0x1F9F0];
	_ =	sdelay $0x1  }
0x830: {  	v7 =	vsub.f32 v7, v10  }
0x831: {  	v11 =	vld.idx.msk [tilespmem:v14+s17+$0x0], $0xffff  }
0x832: {  	v5 =	vld.idx.msk [tilespmem:v14+s16+$0x0], $0xffff;
	v7 =	vand.u32 $0x7FFFFFFF, v7  }
0x833: {  	v15 =	vor.u32 $0x12, v2;
	v4 =	vmul.f32 v7, v4;
	_ =	sdelay $0x1  }
0x834: {  	v3 =	vadd.f32 v4, v3;
	v4 =	vld [tilespmem:$0x1FA00];
	_ =	sdelay $0x1  }
0x835: {  	v5 =	vsub.f32 v5, v11  }
0x836: {  	v12 =	vld.idx.msk [tilespmem:v15+s17+$0x0], $0xffff  }
0x837: {  	v6 =	vld.idx.msk [tilespmem:v15+s16+$0x0], $0xffff;
	v5 =	vand.u32 $0x7FFFFFFF, v5  }
0x838: {  	v13 =	vor.u32 $0x13, v2;
	v4 =	vmul.f32 v5, v4;
	_ =	sdelay $0x1  }
0x839: {  	v3 =	vadd.f32 v4, v3;
	v4 =	vld [tilespmem:$0x1FA10];
	_ =	sdelay $0x1  }
0x83a: {  	v6 =	vsub.f32 v6, v12  }
0x83b: {  	v10 =	vld.idx.msk [tilespmem:v13+s17+$0x0], $0xffff  }
0x83c: {  	v8 =	vld.idx.msk [tilespmem:v13+s16+$0x0], $0xffff;
	v6 =	vand.u32 $0x7FFFFFFF, v6  }
0x83d: {  	v14 =	vor.u32 $0x14, v2;
	v4 =	vmul.f32 v6, v4;
	_ =	sdelay $0x1  }
0x83e: {  	v3 =	vadd.f32 v4, v3;
	v4 =	vld [tilespmem:$0x1FA20];
	_ =	sdelay $0x1  }
0x83f: {  	v8 =	vsub.f32 v8, v10  }
0x840: {  	v11 =	vld.idx.msk [tilespmem:v14+s17+$0x0], $0xffff  }
0x841: {  	v9 =	vld.idx.msk [tilespmem:v14+s16+$0x0], $0xffff;
	v8 =	vand.u32 $0x7FFFFFFF, v8  }
0x842: {  	v15 =	vor.u32 $0x15, v2;
	v4 =	vmul.f32 v8, v4;
	_ =	sdelay $0x1  }
0x843: {  	v3 =	vadd.f32 v4, v3;
	v4 =	vld [tilespmem:$0x1FA30];
	_ =	sdelay $0x1  }
0x844: {  	v9 =	vsub.f32 v9, v11  }
0x845: {  	v12 =	vld.idx.msk [tilespmem:v15+s17+$0x0], $0xffff  }
0x846: {  	v7 =	vld.idx.msk [tilespmem:v15+s16+$0x0], $0xffff;
	v9 =	vand.u32 $0x7FFFFFFF, v9  }
0x847: {  	v13 =	vor.u32 $0x16, v2;
	v4 =	vmul.f32 v9, v4;
	_ =	sdelay $0x1  }
0x848: {  	v3 =	vadd.f32 v4, v3;
	v4 =	vld [tilespmem:$0x1FA40];
	_ =	sdelay $0x1  }
0x849: {  	v7 =	vsub.f32 v7, v12  }
0x84a: {  	v10 =	vld.idx.msk [tilespmem:v13+s17+$0x0], $0xffff  }
0x84b: {  	v5 =	vld.idx.msk [tilespmem:v13+s16+$0x0], $0xffff;
	v7 =	vand.u32 $0x7FFFFFFF, v7  }
0x84c: {  	v14 =	vor.u32 $0x17, v2;
	v4 =	vmul.f32 v7, v4;
	_ =	sdelay $0x1  }
0x84d: {  	v3 =	vadd.f32 v4, v3;
	v4 =	vld [tilespmem:$0x1FA50];
	_ =	sdelay $0x1  }
0x84e: {  	v5 =	vsub.f32 v5, v10  }
0x84f: {  	v11 =	vld.idx.msk [tilespmem:v14+s17+$0x0], $0xffff  }
0x850: {  	v6 =	vld.idx.msk [tilespmem:v14+s16+$0x0], $0xffff;
	v5 =	vand.u32 $0x7FFFFFFF, v5  }
0x851: {  	v15 =	vor.u32 $0x18, v2;
	v4 =	vmul.f32 v5, v4;
	_ =	sdelay $0x1  }
0x852: {  	v3 =	vadd.f32 v4, v3;
	v4 =	vld [tilespmem:$0x1FA60];
	_ =	sdelay $0x1  }
0x853: {  	v6 =	vsub.f32 v6, v11  }
0x854: {  	v12 =	vld.idx.msk [tilespmem:v15+s17+$0x0], $0xffff  }
0x855: {  	v8 =	vld.idx.msk [tilespmem:v15+s16+$0x0], $0xffff;
	v6 =	vand.u32 $0x7FFFFFFF, v6  }
0x856: {  	v13 =	vor.u32 $0x19, v2;
	v4 =	vmul.f32 v6, v4;
	_ =	sdelay $0x1  }
0x857: {  	v3 =	vadd.f32 v4, v3;
	v4 =	vld [tilespmem:$0x1FA70];
	_ =	sdelay $0x1  }
0x858: {  	v8 =	vsub.f32 v8, v12  }
0x859: {  	v10 =	vld.idx.msk [tilespmem:v13+s17+$0x0], $0xffff  }
0x85a: {  	v9 =	vld.idx.msk [tilespmem:v13+s16+$0x0], $0xffff;
	v8 =	vand.u32 $0x7FFFFFFF, v8  }
0x85b: {  	v14 =	vor.u32 $0x1A, v2;
	v4 =	vmul.f32 v8, v4;
	_ =	sdelay $0x1  }
0x85c: {  	v3 =	vadd.f32 v4, v3;
	v4 =	vld [tilespmem:$0x1FA80];
	_ =	sdelay $0x1  }
0x85d: {  	v9 =	vsub.f32 v9, v10  }
0x85e: {  	v11 =	vld.idx.msk [tilespmem:v14+s17+$0x0], $0xffff  }
0x85f: {  	v7 =	vld.idx.msk [tilespmem:v14+s16+$0x0], $0xffff;
	v9 =	vand.u32 $0x7FFFFFFF, v9  }
0x860: {  	v15 =	vor.u32 $0x1B, v2;
	v4 =	vmul.f32 v9, v4;
	_ =	sdelay $0x1  }
0x861: {  	v3 =	vadd.f32 v4, v3;
	v4 =	vld [tilespmem:$0x1FA90];
	_ =	sdelay $0x1  }
0x862: {  	v7 =	vsub.f32 v7, v11  }
0x863: {  	v12 =	vld.idx.msk [tilespmem:v15+s17+$0x0], $0xffff  }
0x864: {  	v5 =	vld.idx.msk [tilespmem:v15+s16+$0x0], $0xffff;
	v7 =	vand.u32 $0x7FFFFFFF, v7  }
0x865: {  	v13 =	vor.u32 $0x1C, v2;
	v4 =	vmul.f32 v7, v4;
	_ =	sdelay $0x1  }
0x866: {  	v3 =	vadd.f32 v4, v3;
	v4 =	vld [tilespmem:$0x1FAA0];
	_ =	sdelay $0x1  }
0x867: {  	v5 =	vsub.f32 v5, v12  }
0x868: {  	v10 =	vld.idx.msk [tilespmem:v13+s17+$0x0], $0xffff  }
0x869: {  	v6 =	vld.idx.msk [tilespmem:v13+s16+$0x0], $0xffff;
	v5 =	vand.u32 $0x7FFFFFFF, v5  }
0x86a: {  	v14 =	vor.u32 $0x1D, v2;
	v4 =	vmul.f32 v5, v4;
	_ =	sdelay $0x1  }
0x86b: {  	v3 =	vadd.f32 v4, v3;
	v4 =	vld [tilespmem:$0x1FAB0];
	_ =	sdelay $0x1  }
0x86c: {  	v6 =	vsub.f32 v6, v10  }
0x86d: {  	v11 =	vld.idx.msk [tilespmem:v14+s17+$0x0], $0xffff  }
0x86e: {  	v8 =	vld.idx.msk [tilespmem:v14+s16+$0x0], $0xffff;
	v6 =	vand.u32 $0x7FFFFFFF, v6  }
0x86f: {  	v15 =	vor.u32 $0x1E, v2;
	v4 =	vmul.f32 v6, v4;
	_ =	sdelay $0x1  }
0x870: {  	v3 =	vadd.f32 v4, v3;
	v4 =	vld [tilespmem:$0x1FAC0];
	_ =	sdelay $0x1  }
0x871: {  	v8 =	vsub.f32 v8, v11  }
0x872: {  	v12 =	vld.idx.msk [tilespmem:v15+s17+$0x0], $0xffff  }
0x873: {  	v9 =	vld.idx.msk [tilespmem:v15+s16+$0x0], $0xffff;
	v8 =	vand.u32 $0x7FFFFFFF, v8  }
0x874: {  	v13 =	vor.u32 $0x1F, v2;
	v4 =	vmul.f32 v8, v4;
	_ =	sdelay $0x1  }
0x875: {  	v3 =	vadd.f32 v4, v3;
	v4 =	vld [tilespmem:$0x1FAD0];
	_ =	sdelay $0x1  }
0x876: {  	v9 =	vsub.f32 v9, v12  }
0x877: {  	v10 =	vld.idx.msk [tilespmem:v13+s17+$0x0], $0xffff  }
0x878: {  	v7 =	vld.idx.msk [tilespmem:v13+s16+$0x0], $0xffff;
	v9 =	vand.u32 $0x7FFFFFFF, v9  }
0x879: {  	v14 =	vor.u32 $0x20, v2;
	v4 =	vmul.f32 v9, v4;
	_ =	sdelay $0x1  }
0x87a: {  	v3 =	vadd.f32 v4, v3;
	v4 =	vld [tilespmem:$0x1FAE0];
	_ =	sdelay $0x1  }
0x87b: {  	v7 =	vsub.f32 v7, v10  }
0x87c: {  	v11 =	vld.idx.msk [tilespmem:v14+s17+$0x0], $0xffff  }
0x87d: {  	v5 =	vld.idx.msk [tilespmem:v14+s16+$0x0], $0xffff;
	v7 =	vand.u32 $0x7FFFFFFF, v7  }
0x87e: {  	v15 =	vor.u32 $0x21, v2;
	v4 =	vmul.f32 v7, v4;
	_ =	sdelay $0x1  }
0x87f: {  	v3 =	vadd.f32 v4, v3;
	v4 =	vld [tilespmem:$0x1FAF0];
	_ =	sdelay $0x1  }
0x880: {  	v5 =	vsub.f32 v5, v11  }
0x881: {  	v12 =	vld.idx.msk [tilespmem:v15+s17+$0x0], $0xffff  }
0x882: {  	v6 =	vld.idx.msk [tilespmem:v15+s16+$0x0], $0xffff;
	v5 =	vand.u32 $0x7FFFFFFF, v5  }
0x883: {  	v13 =	vor.u32 $0x22, v2;
	v4 =	vmul.f32 v5, v4;
	_ =	sdelay $0x1  }
0x884: {  	v3 =	vadd.f32 v4, v3;
	v4 =	vld [tilespmem:$0x1FB00];
	_ =	sdelay $0x1  }
0x885: {  	v6 =	vsub.f32 v6, v12  }
0x886: {  	v10 =	vld.idx.msk [tilespmem:v13+s17+$0x0], $0xffff  }
0x887: {  	v8 =	vld.idx.msk [tilespmem:v13+s16+$0x0], $0xffff;
	v6 =	vand.u32 $0x7FFFFFFF, v6  }
0x888: {  	v14 =	vor.u32 $0x23, v2;
	v4 =	vmul.f32 v6, v4;
	_ =	sdelay $0x1  }
0x889: {  	v3 =	vadd.f32 v4, v3;
	v4 =	vld [tilespmem:$0x1FB10];
	_ =	sdelay $0x1  }
0x88a: {  	v8 =	vsub.f32 v8, v10  }
0x88b: {  	v11 =	vld.idx.msk [tilespmem:v14+s17+$0x0], $0xffff  }
0x88c: {  	v9 =	vld.idx.msk [tilespmem:v14+s16+$0x0], $0xffff;
	v8 =	vand.u32 $0x7FFFFFFF, v8  }
0x88d: {  	v15 =	vor.u32 $0x24, v2;
	v4 =	vmul.f32 v8, v4;
	_ =	sdelay $0x1  }
0x88e: {  	v3 =	vadd.f32 v4, v3;
	v4 =	vld [tilespmem:$0x1FB20];
	_ =	sdelay $0x1  }
0x88f: {  	v9 =	vsub.f32 v9, v11  }
0x890: {  	v12 =	vld.idx.msk [tilespmem:v15+s17+$0x0], $0xffff  }
0x891: {  	v7 =	vld.idx.msk [tilespmem:v15+s16+$0x0], $0xffff;
	v9 =	vand.u32 $0x7FFFFFFF, v9  }
0x892: {  	v13 =	vor.u32 $0x25, v2;
	v4 =	vmul.f32 v9, v4;
	_ =	sdelay $0x1  }
0x893: {  	v3 =	vadd.f32 v4, v3;
	v4 =	vld [tilespmem:$0x1FB30];
	_ =	sdelay $0x1  }
0x894: {  	v7 =	vsub.f32 v7, v12  }
0x895: {  	v10 =	vld.idx.msk [tilespmem:v13+s17+$0x0], $0xffff  }
0x896: {  	v5 =	vld.idx.msk [tilespmem:v13+s16+$0x0], $0xffff;
	v7 =	vand.u32 $0x7FFFFFFF, v7  }
0x897: {  	v14 =	vor.u32 $0x26, v2;
	v4 =	vmul.f32 v7, v4;
	_ =	sdelay $0x1  }
0x898: {  	v3 =	vadd.f32 v4, v3;
	v4 =	vld [tilespmem:$0x1FB40];
	_ =	sdelay $0x1  }
0x899: {  	v5 =	vsub.f32 v5, v10  }
0x89a: {  	v11 =	vld.idx.msk [tilespmem:v14+s17+$0x0], $0xffff  }
0x89b: {  	v6 =	vld.idx.msk [tilespmem:v14+s16+$0x0], $0xffff;
	v5 =	vand.u32 $0x7FFFFFFF, v5  }
0x89c: {  	v15 =	vor.u32 $0x27, v2;
	v4 =	vmul.f32 v5, v4;
	_ =	sdelay $0x1  }
0x89d: {  	v3 =	vadd.f32 v4, v3;
	v4 =	vld [tilespmem:$0x1FB50];
	_ =	sdelay $0x1  }
0x89e: {  	v6 =	vsub.f32 v6, v11  }
0x89f: {  	v12 =	vld.idx.msk [tilespmem:v15+s17+$0x0], $0xffff  }
0x8a0: {  	v8 =	vld.idx.msk [tilespmem:v15+s16+$0x0], $0xffff;
	v6 =	vand.u32 $0x7FFFFFFF, v6  }
0x8a1: {  	v13 =	vor.u32 $0x28, v2;
	v4 =	vmul.f32 v6, v4;
	_ =	sdelay $0x1  }
0x8a2: {  	v3 =	vadd.f32 v4, v3;
	v4 =	vld [tilespmem:$0x1FB60];
	_ =	sdelay $0x1  }
0x8a3: {  	v8 =	vsub.f32 v8, v12  }
0x8a4: {  	v10 =	vld.idx.msk [tilespmem:v13+s17+$0x0], $0xffff  }
0x8a5: {  	v9 =	vld.idx.msk [tilespmem:v13+s16+$0x0], $0xffff;
	v8 =	vand.u32 $0x7FFFFFFF, v8  }
0x8a6: {  	v14 =	vor.u32 $0x29, v2;
	v4 =	vmul.f32 v8, v4;
	_ =	sdelay $0x1  }
0x8a7: {  	v3 =	vadd.f32 v4, v3;
	v4 =	vld [tilespmem:$0x1FB70];
	_ =	sdelay $0x1  }
0x8a8: {  	v9 =	vsub.f32 v9, v10  }
0x8a9: {  	v11 =	vld.idx.msk [tilespmem:v14+s17+$0x0], $0xffff  }
0x8aa: {  	v7 =	vld.idx.msk [tilespmem:v14+s16+$0x0], $0xffff;
	v9 =	vand.u32 $0x7FFFFFFF, v9  }
0x8ab: {  	v15 =	vor.u32 $0x2A, v2;
	v4 =	vmul.f32 v9, v4;
	_ =	sdelay $0x1  }
0x8ac: {  	v3 =	vadd.f32 v4, v3;
	v4 =	vld [tilespmem:$0x1FB80];
	_ =	sdelay $0x1  }
0x8ad: {  	v7 =	vsub.f32 v7, v11  }
0x8ae: {  	v12 =	vld.idx.msk [tilespmem:v15+s17+$0x0], $0xffff  }
0x8af: {  	v5 =	vld.idx.msk [tilespmem:v15+s16+$0x0], $0xffff;
	v7 =	vand.u32 $0x7FFFFFFF, v7  }
0x8b0: {  	v13 =	vor.u32 $0x2B, v2;
	v4 =	vmul.f32 v7, v4;
	_ =	sdelay $0x1  }
0x8b1: {  	v3 =	vadd.f32 v4, v3;
	v4 =	vld [tilespmem:$0x1FB90];
	_ =	sdelay $0x1  }
0x8b2: {  	v5 =	vsub.f32 v5, v12  }
0x8b3: {  	v10 =	vld.idx.msk [tilespmem:v13+s17+$0x0], $0xffff  }
0x8b4: {  	v6 =	vld.idx.msk [tilespmem:v13+s16+$0x0], $0xffff;
	v5 =	vand.u32 $0x7FFFFFFF, v5  }
0x8b5: {  	v14 =	vor.u32 $0x2C, v2;
	v4 =	vmul.f32 v5, v4;
	_ =	sdelay $0x1  }
0x8b6: {  	v3 =	vadd.f32 v4, v3;
	v4 =	vld [tilespmem:$0x1FBA0];
	_ =	sdelay $0x1  }
0x8b7: {  	v6 =	vsub.f32 v6, v10  }
0x8b8: {  	v11 =	vld.idx.msk [tilespmem:v14+s17+$0x0], $0xffff  }
0x8b9: {  	v8 =	vld.idx.msk [tilespmem:v14+s16+$0x0], $0xffff;
	v6 =	vand.u32 $0x7FFFFFFF, v6  }
0x8ba: {  	v15 =	vor.u32 $0x2D, v2;
	v4 =	vmul.f32 v6, v4;
	_ =	sdelay $0x1  }
0x8bb: {  	v3 =	vadd.f32 v4, v3;
	v4 =	vld [tilespmem:$0x1FBB0];
	_ =	sdelay $0x1  }
0x8bc: {  	v8 =	vsub.f32 v8, v11  }
0x8bd: {  	v12 =	vld.idx.msk [tilespmem:v15+s17+$0x0], $0xffff  }
0x8be: {  	v9 =	vld.idx.msk [tilespmem:v15+s16+$0x0], $0xffff;
	v8 =	vand.u32 $0x7FFFFFFF, v8  }
0x8bf: {  	v13 =	vor.u32 $0x2E, v2;
	v4 =	vmul.f32 v8, v4;
	_ =	sdelay $0x1  }
0x8c0: {  	v3 =	vadd.f32 v4, v3;
	v4 =	vld [tilespmem:$0x1FBC0];
	_ =	sdelay $0x1  }
0x8c1: {  	v9 =	vsub.f32 v9, v12  }
0x8c2: {  	v10 =	vld.idx.msk [tilespmem:v13+s17+$0x0], $0xffff  }
0x8c3: {  	v7 =	vld.idx.msk [tilespmem:v13+s16+$0x0], $0xffff;
	v9 =	vand.u32 $0x7FFFFFFF, v9  }
0x8c4: {  	v14 =	vor.u32 $0x2F, v2;
	v4 =	vmul.f32 v9, v4;
	_ =	sdelay $0x1  }
0x8c5: {  	v3 =	vadd.f32 v4, v3;
	v4 =	vld [tilespmem:$0x1FBD0];
	_ =	sdelay $0x1  }
0x8c6: {  	v7 =	vsub.f32 v7, v10  }
0x8c7: {  	v11 =	vld.idx.msk [tilespmem:v14+s17+$0x0], $0xffff  }
0x8c8: {  	v5 =	vld.idx.msk [tilespmem:v14+s16+$0x0], $0xffff;
	v7 =	vand.u32 $0x7FFFFFFF, v7  }
0x8c9: {  	v15 =	vor.u32 $0x30, v2;
	v4 =	vmul.f32 v7, v4;
	_ =	sdelay $0x1  }
0x8ca: {  	v3 =	vadd.f32 v4, v3;
	v4 =	vld [tilespmem:$0x1FBE0];
	_ =	sdelay $0x1  }
0x8cb: {  	v5 =	vsub.f32 v5, v11  }
0x8cc: {  	v12 =	vld.idx.msk [tilespmem:v15+s17+$0x0], $0xffff  }
0x8cd: {  	v6 =	vld.idx.msk [tilespmem:v15+s16+$0x0], $0xffff;
	v5 =	vand.u32 $0x7FFFFFFF, v5  }
0x8ce: {  	v13 =	vor.u32 $0x31, v2;
	v4 =	vmul.f32 v5, v4;
	_ =	sdelay $0x1  }
0x8cf: {  	v3 =	vadd.f32 v4, v3;
	v4 =	vld [tilespmem:$0x1FBF0];
	_ =	sdelay $0x1  }
0x8d0: {  	v6 =	vsub.f32 v6, v12  }
0x8d1: {  	v10 =	vld.idx.msk [tilespmem:v13+s17+$0x0], $0xffff  }
0x8d2: {  	v8 =	vld.idx.msk [tilespmem:v13+s16+$0x0], $0xffff;
	v6 =	vand.u32 $0x7FFFFFFF, v6  }
0x8d3: {  	v14 =	vor.u32 $0x32, v2;
	v4 =	vmul.f32 v6, v4;
	_ =	sdelay $0x1  }
0x8d4: {  	v3 =	vadd.f32 v4, v3;
	v4 =	vld [tilespmem:$0x1FC00];
	_ =	sdelay $0x1  }
0x8d5: {  	v8 =	vsub.f32 v8, v10  }
0x8d6: {  	v11 =	vld.idx.msk [tilespmem:v14+s17+$0x0], $0xffff  }
0x8d7: {  	v9 =	vld.idx.msk [tilespmem:v14+s16+$0x0], $0xffff;
	v8 =	vand.u32 $0x7FFFFFFF, v8  }
0x8d8: {  	v15 =	vor.u32 $0x33, v2;
	v4 =	vmul.f32 v8, v4;
	_ =	sdelay $0x1  }
0x8d9: {  	v3 =	vadd.f32 v4, v3;
	v4 =	vld [tilespmem:$0x1FC10];
	_ =	sdelay $0x1  }
0x8da: {  	v9 =	vsub.f32 v9, v11  }
0x8db: {  	v12 =	vld.idx.msk [tilespmem:v15+s17+$0x0], $0xffff  }
0x8dc: {  	v7 =	vld.idx.msk [tilespmem:v15+s16+$0x0], $0xffff;
	v9 =	vand.u32 $0x7FFFFFFF, v9  }
0x8dd: {  	v13 =	vor.u32 $0x34, v2;
	v4 =	vmul.f32 v9, v4;
	_ =	sdelay $0x1  }
0x8de: {  	v3 =	vadd.f32 v4, v3;
	v4 =	vld [tilespmem:$0x1FC20];
	_ =	sdelay $0x1  }
0x8df: {  	v7 =	vsub.f32 v7, v12  }
0x8e0: {  	v10 =	vld.idx.msk [tilespmem:v13+s17+$0x0], $0xffff  }
0x8e1: {  	v5 =	vld.idx.msk [tilespmem:v13+s16+$0x0], $0xffff;
	v7 =	vand.u32 $0x7FFFFFFF, v7  }
0x8e2: {  	v14 =	vor.u32 $0x35, v2;
	v4 =	vmul.f32 v7, v4;
	_ =	sdelay $0x1  }
0x8e3: {  	v3 =	vadd.f32 v4, v3;
	v4 =	vld [tilespmem:$0x1FC30];
	_ =	sdelay $0x1  }
0x8e4: {  	v5 =	vsub.f32 v5, v10  }
0x8e5: {  	v11 =	vld.idx.msk [tilespmem:v14+s17+$0x0], $0xffff  }
0x8e6: {  	v6 =	vld.idx.msk [tilespmem:v14+s16+$0x0], $0xffff;
	v5 =	vand.u32 $0x7FFFFFFF, v5  }
0x8e7: {  	v15 =	vor.u32 $0x36, v2;
	v4 =	vmul.f32 v5, v4;
	_ =	sdelay $0x1  }
0x8e8: {  	v3 =	vadd.f32 v4, v3;
	v4 =	vld [tilespmem:$0x1FC40];
	_ =	sdelay $0x1  }
0x8e9: {  	v6 =	vsub.f32 v6, v11  }
0x8ea: {  	v12 =	vld.idx.msk [tilespmem:v15+s17+$0x0], $0xffff  }
0x8eb: {  	v8 =	vld.idx.msk [tilespmem:v15+s16+$0x0], $0xffff;
	v6 =	vand.u32 $0x7FFFFFFF, v6  }
0x8ec: {  	v13 =	vor.u32 $0x37, v2;
	v4 =	vmul.f32 v6, v4;
	_ =	sdelay $0x1  }
0x8ed: {  	v3 =	vadd.f32 v4, v3;
	v4 =	vld [tilespmem:$0x1FC50];
	_ =	sdelay $0x1  }
0x8ee: {  	v8 =	vsub.f32 v8, v12  }
0x8ef: {  	v10 =	vld.idx.msk [tilespmem:v13+s17+$0x0], $0xffff  }
0x8f0: {  	v9 =	vld.idx.msk [tilespmem:v13+s16+$0x0], $0xffff;
	v8 =	vand.u32 $0x7FFFFFFF, v8  }
0x8f1: {  	v14 =	vor.u32 $0x38, v2;
	v4 =	vmul.f32 v8, v4;
	_ =	sdelay $0x1  }
0x8f2: {  	v3 =	vadd.f32 v4, v3;
	v4 =	vld [tilespmem:$0x1FC60];
	_ =	sdelay $0x1  }
0x8f3: {  	v9 =	vsub.f32 v9, v10  }
0x8f4: {  	v11 =	vld.idx.msk [tilespmem:v14+s17+$0x0], $0xffff  }
0x8f5: {  	v7 =	vld.idx.msk [tilespmem:v14+s16+$0x0], $0xffff;
	v9 =	vand.u32 $0x7FFFFFFF, v9  }
0x8f6: {  	v15 =	vor.u32 $0x39, v2;
	v4 =	vmul.f32 v9, v4;
	_ =	sdelay $0x1  }
0x8f7: {  	v3 =	vadd.f32 v4, v3;
	v4 =	vld [tilespmem:$0x1FC70];
	_ =	sdelay $0x1  }
0x8f8: {  	v7 =	vsub.f32 v7, v11  }
0x8f9: {  	v12 =	vld.idx.msk [tilespmem:v15+s17+$0x0], $0xffff  }
0x8fa: {  	v5 =	vld.idx.msk [tilespmem:v15+s16+$0x0], $0xffff;
	v7 =	vand.u32 $0x7FFFFFFF, v7  }
0x8fb: {  	v13 =	vor.u32 $0x3A, v2;
	v4 =	vmul.f32 v7, v4;
	_ =	sdelay $0x1  }
0x8fc: {  	v3 =	vadd.f32 v4, v3;
	v4 =	vld [tilespmem:$0x1FC80];
	_ =	sdelay $0x1  }
0x8fd: {  	v5 =	vsub.f32 v5, v12  }
0x8fe: {  	v10 =	vld.idx.msk [tilespmem:v13+s17+$0x0], $0xffff  }
0x8ff: {  	v6 =	vld.idx.msk [tilespmem:v13+s16+$0x0], $0xffff;
	v5 =	vand.u32 $0x7FFFFFFF, v5  }
0x900: {  	v14 =	vor.u32 $0x3B, v2;
	v4 =	vmul.f32 v5, v4;
	_ =	sdelay $0x1  }
0x901: {  	v3 =	vadd.f32 v4, v3;
	v4 =	vld [tilespmem:$0x1FC90];
	_ =	sdelay $0x1  }
0x902: {  	v6 =	vsub.f32 v6, v10  }
0x903: {  	v11 =	vld.idx.msk [tilespmem:v14+s17+$0x0], $0xffff  }
0x904: {  	v8 =	vld.idx.msk [tilespmem:v14+s16+$0x0], $0xffff;
	v6 =	vand.u32 $0x7FFFFFFF, v6  }
0x905: {  	v15 =	vor.u32 $0x3C, v2;
	v4 =	vmul.f32 v6, v4;
	_ =	sdelay $0x1  }
0x906: {  	v3 =	vadd.f32 v4, v3;
	v4 =	vld [tilespmem:$0x1FCA0];
	_ =	sdelay $0x1  }
0x907: {  	v8 =	vsub.f32 v8, v11  }
0x908: {  	v12 =	vld.idx.msk [tilespmem:v15+s17+$0x0], $0xffff  }
0x909: {  	v9 =	vld.idx.msk [tilespmem:v15+s16+$0x0], $0xffff;
	v8 =	vand.u32 $0x7FFFFFFF, v8  }
0x90a: {  	v13 =	vor.u32 $0x3D, v2;
	v4 =	vmul.f32 v8, v4;
	_ =	sdelay $0x1  }
0x90b: {  	v3 =	vadd.f32 v4, v3;
	v4 =	vld [tilespmem:$0x1FCB0];
	_ =	sdelay $0x1  }
0x90c: {  	v9 =	vsub.f32 v9, v12  }
0x90d: {  	v10 =	vld.idx.msk [tilespmem:v13+s17+$0x0], $0xffff  }
0x90e: {  	v7 =	vld.idx.msk [tilespmem:v13+s16+$0x0], $0xffff;
	v9 =	vand.u32 $0x7FFFFFFF, v9  }
0x90f: {  	v14 =	vor.u32 $0x3E, v2;
	v4 =	vmul.f32 v9, v4;
	_ =	sdelay $0x1  }
0x910: {  	v3 =	vadd.f32 v4, v3;
	v4 =	vld [tilespmem:$0x1FCC0];
	_ =	sdelay $0x1  }
0x911: {  	v7 =	vsub.f32 v7, v10  }
0x912: {  	v11 =	vld.idx.msk [tilespmem:v14+s17+$0x0], $0xffff  }
0x913: {  	v5 =	vld.idx.msk [tilespmem:v14+s16+$0x0], $0xffff;
	v7 =	vand.u32 $0x7FFFFFFF, v7  }
0x914: {  	v15 =	vor.u32 $0x3F, v2;
	v4 =	vmul.f32 v7, v4;
	_ =	sdelay $0x1  }
0x915: {  	v3 =	vadd.f32 v4, v3;
	v4 =	vld [tilespmem:$0x1FCD0];
	_ =	sdelay $0x1  }
0x916: {  	v5 =	vsub.f32 v5, v11  }
0x917: {  	v12 =	vld.idx.msk [tilespmem:v15+s17+$0x0], $0xffff  }
0x918: {  	v6 =	vld.idx.msk [tilespmem:v15+s16+$0x0], $0xffff;
	v5 =	vand.u32 $0x7FFFFFFF, v5  }
0x919: {  	v13 =	vor.u32 $0x40, v2;
	v4 =	vmul.f32 v5, v4;
	_ =	sdelay $0x1  }
0x91a: {  	v3 =	vadd.f32 v4, v3;
	v4 =	vld [tilespmem:$0x1FCE0];
	_ =	sdelay $0x1  }
0x91b: {  	v6 =	vsub.f32 v6, v12  }
0x91c: {  	v10 =	vld.idx.msk [tilespmem:v13+s17+$0x0], $0xffff  }
0x91d: {  	v8 =	vld.idx.msk [tilespmem:v13+s16+$0x0], $0xffff;
	v6 =	vand.u32 $0x7FFFFFFF, v6  }
0x91e: {  	v14 =	vor.u32 $0x41, v2;
	v4 =	vmul.f32 v6, v4;
	_ =	sdelay $0x1  }
0x91f: {  	v3 =	vadd.f32 v4, v3;
	v4 =	vld [tilespmem:$0x1FCF0];
	_ =	sdelay $0x1  }
0x920: {  	v8 =	vsub.f32 v8, v10  }
0x921: {  	v11 =	vld.idx.msk [tilespmem:v14+s17+$0x0], $0xffff  }
0x922: {  	v9 =	vld.idx.msk [tilespmem:v14+s16+$0x0], $0xffff;
	v8 =	vand.u32 $0x7FFFFFFF, v8  }
0x923: {  	v15 =	vor.u32 $0x42, v2;
	v4 =	vmul.f32 v8, v4;
	_ =	sdelay $0x1  }
0x924: {  	v3 =	vadd.f32 v4, v3;
	v4 =	vld [tilespmem:$0x1FD00];
	_ =	sdelay $0x1  }
0x925: {  	v9 =	vsub.f32 v9, v11  }
0x926: {  	v12 =	vld.idx.msk [tilespmem:v15+s17+$0x0], $0xffff  }
0x927: {  	v7 =	vld.idx.msk [tilespmem:v15+s16+$0x0], $0xffff;
	v9 =	vand.u32 $0x7FFFFFFF, v9  }
0x928: {  	v13 =	vor.u32 $0x43, v2;
	v4 =	vmul.f32 v9, v4;
	_ =	sdelay $0x1  }
0x929: {  	v3 =	vadd.f32 v4, v3;
	v4 =	vld [tilespmem:$0x1FD10];
	_ =	sdelay $0x1  }
0x92a: {  	v7 =	vsub.f32 v7, v12  }
0x92b: {  	v10 =	vld.idx.msk [tilespmem:v13+s17+$0x0], $0xffff  }
0x92c: {  	v5 =	vld.idx.msk [tilespmem:v13+s16+$0x0], $0xffff;
	v7 =	vand.u32 $0x7FFFFFFF, v7  }
0x92d: {  	v14 =	vor.u32 $0x44, v2;
	v4 =	vmul.f32 v7, v4;
	_ =	sdelay $0x1  }
0x92e: {  	v3 =	vadd.f32 v4, v3;
	v4 =	vld [tilespmem:$0x1FD20];
	_ =	sdelay $0x1  }
0x92f: {  	v5 =	vsub.f32 v5, v10  }
0x930: {  	v11 =	vld.idx.msk [tilespmem:v14+s17+$0x0], $0xffff  }
0x931: {  	v6 =	vld.idx.msk [tilespmem:v14+s16+$0x0], $0xffff;
	v5 =	vand.u32 $0x7FFFFFFF, v5  }
0x932: {  	v15 =	vor.u32 $0x45, v2;
	v4 =	vmul.f32 v5, v4;
	_ =	sdelay $0x1  }
0x933: {  	v3 =	vadd.f32 v4, v3;
	v4 =	vld [tilespmem:$0x1FD30];
	_ =	sdelay $0x1  }
0x934: {  	v6 =	vsub.f32 v6, v11  }
0x935: {  	v12 =	vld.idx.msk [tilespmem:v15+s17+$0x0], $0xffff  }
0x936: {  	v8 =	vld.idx.msk [tilespmem:v15+s16+$0x0], $0xffff;
	v6 =	vand.u32 $0x7FFFFFFF, v6  }
0x937: {  	v13 =	vor.u32 $0x46, v2;
	v4 =	vmul.f32 v6, v4;
	_ =	sdelay $0x1  }
0x938: {  	v3 =	vadd.f32 v4, v3;
	v4 =	vld [tilespmem:$0x1FD40];
	_ =	sdelay $0x1  }
0x939: {  	v8 =	vsub.f32 v8, v12  }
0x93a: {  	v10 =	vld.idx.msk [tilespmem:v13+s17+$0x0], $0xffff  }
0x93b: {  	v9 =	vld.idx.msk [tilespmem:v13+s16+$0x0], $0xffff;
	v8 =	vand.u32 $0x7FFFFFFF, v8  }
0x93c: {  	v14 =	vor.u32 $0x47, v2;
	v4 =	vmul.f32 v8, v4;
	_ =	sdelay $0x1  }
0x93d: {  	v3 =	vadd.f32 v4, v3;
	v4 =	vld [tilespmem:$0x1FD50];
	_ =	sdelay $0x1  }
0x93e: {  	v9 =	vsub.f32 v9, v10  }
0x93f: {  	v11 =	vld.idx.msk [tilespmem:v14+s17+$0x0], $0xffff  }
0x940: {  	v7 =	vld.idx.msk [tilespmem:v14+s16+$0x0], $0xffff;
	v9 =	vand.u32 $0x7FFFFFFF, v9  }
0x941: {  	v15 =	vor.u32 $0x48, v2;
	v4 =	vmul.f32 v9, v4;
	_ =	sdelay $0x1  }
0x942: {  	v3 =	vadd.f32 v4, v3;
	v4 =	vld [tilespmem:$0x1FD60];
	_ =	sdelay $0x1  }
0x943: {  	v7 =	vsub.f32 v7, v11  }
0x944: {  	v12 =	vld.idx.msk [tilespmem:v15+s17+$0x0], $0xffff  }
0x945: {  	v5 =	vld.idx.msk [tilespmem:v15+s16+$0x0], $0xffff;
	v7 =	vand.u32 $0x7FFFFFFF, v7  }
0x946: {  	v13 =	vor.u32 $0x49, v2;
	v4 =	vmul.f32 v7, v4;
	_ =	sdelay $0x1  }
0x947: {  	v3 =	vadd.f32 v4, v3;
	v4 =	vld [tilespmem:$0x1FD70];
	_ =	sdelay $0x1  }
0x948: {  	v5 =	vsub.f32 v5, v12  }
0x949: {  	v10 =	vld.idx.msk [tilespmem:v13+s17+$0x0], $0xffff  }
0x94a: {  	v6 =	vld.idx.msk [tilespmem:v13+s16+$0x0], $0xffff;
	v5 =	vand.u32 $0x7FFFFFFF, v5  }
0x94b: {  	v14 =	vor.u32 $0x4A, v2;
	v4 =	vmul.f32 v5, v4;
	_ =	sdelay $0x1  }
0x94c: {  	v3 =	vadd.f32 v4, v3;
	v4 =	vld [tilespmem:$0x1FD80];
	_ =	sdelay $0x1  }
0x94d: {  	v6 =	vsub.f32 v6, v10  }
0x94e: {  	v11 =	vld.idx.msk [tilespmem:v14+s17+$0x0], $0xffff  }
0x94f: {  	v8 =	vld.idx.msk [tilespmem:v14+s16+$0x0], $0xffff;
	v6 =	vand.u32 $0x7FFFFFFF, v6  }
0x950: {  	v15 =	vor.u32 $0x4B, v2;
	v4 =	vmul.f32 v6, v4;
	_ =	sdelay $0x1  }
0x951: {  	v3 =	vadd.f32 v4, v3;
	v4 =	vld [tilespmem:$0x1FD90];
	_ =	sdelay $0x1  }
0x952: {  	v8 =	vsub.f32 v8, v11  }
0x953: {  	v12 =	vld.idx.msk [tilespmem:v15+s17+$0x0], $0xffff  }
0x954: {  	v9 =	vld.idx.msk [tilespmem:v15+s16+$0x0], $0xffff;
	v8 =	vand.u32 $0x7FFFFFFF, v8  }
0x955: {  	v13 =	vor.u32 $0x4C, v2;
	v4 =	vmul.f32 v8, v4;
	_ =	sdelay $0x1  }
0x956: {  	v3 =	vadd.f32 v4, v3;
	v4 =	vld [tilespmem:$0x1FDA0];
	_ =	sdelay $0x1  }
0x957: {  	v9 =	vsub.f32 v9, v12  }
0x958: {  	v10 =	vld.idx.msk [tilespmem:v13+s17+$0x0], $0xffff  }
0x959: {  	v7 =	vld.idx.msk [tilespmem:v13+s16+$0x0], $0xffff;
	v9 =	vand.u32 $0x7FFFFFFF, v9  }
0x95a: {  	v14 =	vor.u32 $0x4D, v2;
	v4 =	vmul.f32 v9, v4;
	_ =	sdelay $0x1  }
0x95b: {  	v3 =	vadd.f32 v4, v3;
	v4 =	vld [tilespmem:$0x1FDB0];
	_ =	sdelay $0x1  }
0x95c: {  	v7 =	vsub.f32 v7, v10  }
0x95d: {  	v11 =	vld.idx.msk [tilespmem:v14+s17+$0x0], $0xffff  }
0x95e: {  	v5 =	vld.idx.msk [tilespmem:v14+s16+$0x0], $0xffff;
	v7 =	vand.u32 $0x7FFFFFFF, v7  }
0x95f: {  	v15 =	vor.u32 $0x4E, v2;
	v4 =	vmul.f32 v7, v4;
	_ =	sdelay $0x1  }
0x960: {  	v3 =	vadd.f32 v4, v3;
	v4 =	vld [tilespmem:$0x1FDC0];
	_ =	sdelay $0x1  }
0x961: {  	v5 =	vsub.f32 v5, v11  }
0x962: {  	v12 =	vld.idx.msk [tilespmem:v15+s17+$0x0], $0xffff;
	v13 =	vor.u32 $0x4F, v2  }
0x963: {  	v14 =	vor.u32 $0x50, v2;
	v6 =	vld.idx.msk [tilespmem:v15+s16+$0x0], $0xffff;
	v5 =	vand.u32 $0x7FFFFFFF, v5  }
0x964: {  	v4 =	vmul.f32 v5, v4  }
0x965: {  	v15 =	vor.u32 $0x51, v2  }
0x966: {  	v3 =	vadd.f32 v4, v3;
	v4 =	vld [tilespmem:$0x1FDD0]  }
0x967: {  	v10 =	vld.idx.msk [tilespmem:v13+s17+$0x0], $0xffff  }
0x968: {  	v11 =	vld.idx.msk [tilespmem:v14+s17+$0x0], $0xffff;
	v6 =	vsub.f32 v6, v12  }
0x969: {  	v8 =	vld.idx.msk [tilespmem:v13+s16+$0x0], $0xffff;
	v13 =	vor.u32 $0x52, v2  }
0x96a: {  	v12 =	vld.idx.msk [tilespmem:v15+s17+$0x0], $0xffff;
	v6 =	vand.u32 $0x7FFFFFFF, v6  }
0x96b: {  	v9 =	vld.idx.msk [tilespmem:v14+s16+$0x0], $0xffff;
	v14 =	vor.u32 $0x53, v2;
	v4 =	vmul.f32 v6, v4  }
0x96c: {  	v7 =	vld.idx.msk [tilespmem:v15+s16+$0x0], $0xffff  }
0x96d: {  	v15 =	vor.u32 $0x54, v2;
	v3 =	vadd.f32 v4, v3;
	v4 =	vld [tilespmem:$0x1FDE0]  }
0x96e: {  	v8 =	vsub.f32 v8, v10;
	v10 =	vld.idx.msk [tilespmem:v13+s17+$0x0], $0xffff  }
0x96f: {  	v5 =	vld.idx.msk [tilespmem:v13+s16+$0x0], $0xffff;
	v13 =	vor.u32 $0x55, v2  }
0x970: {  	v9 =	vsub.f32 v9, v11;
	v11 =	vld.idx.msk [tilespmem:v14+s17+$0x0], $0xffff  }
0x971: {  	v8 =	vand.u32 $0x7FFFFFFF, v8;
	v6 =	vld.idx.msk [tilespmem:v14+s16+$0x0], $0xffff;
	v14 =	vor.u32 $0x56, v2  }
0x972: {  	v7 =	vsub.f32 v7, v12;
	v12 =	vld.idx.msk [tilespmem:v15+s17+$0x0], $0xffff;
	v4 =	vmul.f32 v8, v4  }
0x973: {  	v9 =	vand.u32 $0x7FFFFFFF, v9;
	v8 =	vld.idx.msk [tilespmem:v15+s16+$0x0], $0xffff;
	v15 =	vor.u32 $0x57, v2  }
0x974: {  	v5 =	vsub.f32 v5, v10;
	v10 =	vld.idx.msk [tilespmem:v13+s17+$0x0], $0xffff;
	v3 =	vadd.f32 v4, v3;
	v4 =	vmul.f32 v9, v25  }
0x975: {  	v7 =	vand.u32 $0x7FFFFFFF, v7;
	v9 =	vld.idx.msk [tilespmem:v13+s16+$0x0], $0xffff;
	v13 =	vor.u32 $0x58, v2  }
0x976: {  	v6 =	vsub.f32 v6, v11;
	v11 =	vld.idx.msk [tilespmem:v14+s17+$0x0], $0xffff;
	v3 =	vadd.f32 v4, v3;
	v4 =	vmul.f32 v7, v34  }
0x977: {  	v5 =	vand.u32 $0x7FFFFFFF, v5;
	v7 =	vld.idx.msk [tilespmem:v14+s16+$0x0], $0xffff;
	v14 =	vor.u32 $0x59, v2  }
0x978: {  	v8 =	vsub.f32 v8, v12;
	v12 =	vld.idx.msk [tilespmem:v15+s17+$0x0], $0xffff;
	v3 =	vadd.f32 v4, v3;
	v4 =	vmul.f32 v5, v21  }
0x979: {  	v6 =	vand.u32 $0x7FFFFFFF, v6;
	v5 =	vld.idx.msk [tilespmem:v15+s16+$0x0], $0xffff;
	v15 =	vor.u32 $0x5A, v2  }
0x97a: {  	v9 =	vsub.f32 v9, v10;
	v10 =	vld.idx.msk [tilespmem:v13+s17+$0x0], $0xffff;
	v3 =	vadd.f32 v4, v3;
	v4 =	vmul.f32 v6, v35  }
0x97b: {  	v8 =	vand.u32 $0x7FFFFFFF, v8;
	v6 =	vld.idx.msk [tilespmem:v13+s16+$0x0], $0xffff;
	v13 =	vor.u32 $0x5B, v2  }
0x97c: {  	v7 =	vsub.f32 v7, v11;
	v11 =	vld.idx.msk [tilespmem:v14+s17+$0x0], $0xffff;
	v3 =	vadd.f32 v4, v3;
	v4 =	vmul.f32 v8, v26  }
0x97d: {  	v9 =	vand.u32 $0x7FFFFFFF, v9;
	v8 =	vld.idx.msk [tilespmem:v14+s16+$0x0], $0xffff;
	v14 =	vor.u32 $0x5C, v2  }
0x97e: {  	v5 =	vsub.f32 v5, v12;
	v12 =	vld.idx.msk [tilespmem:v15+s17+$0x0], $0xffff;
	v3 =	vadd.f32 v4, v3;
	v4 =	vmul.f32 v9, v36  }
0x97f: {  	v7 =	vand.u32 $0x7FFFFFFF, v7;
	v9 =	vld.idx.msk [tilespmem:v15+s16+$0x0], $0xffff;
	v15 =	vor.u32 $0x5D, v2  }
0x980: {  	v6 =	vsub.f32 v6, v10;
	v10 =	vld.idx.msk [tilespmem:v13+s17+$0x0], $0xffff;
	v3 =	vadd.f32 v4, v3;
	v4 =	vmul.f32 v7, v19  }
0x981: {  	v5 =	vand.u32 $0x7FFFFFFF, v5;
	v7 =	vld.idx.msk [tilespmem:v13+s16+$0x0], $0xffff;
	v13 =	vor.u32 $0x5E, v2  }
0x982: {  	v8 =	vsub.f32 v8, v11;
	v11 =	vld.idx.msk [tilespmem:v14+s17+$0x0], $0xffff;
	v3 =	vadd.f32 v4, v3;
	v4 =	vmul.f32 v5, v37  }
0x983: {  	v6 =	vand.u32 $0x7FFFFFFF, v6;
	v5 =	vld.idx.msk [tilespmem:v14+s16+$0x0], $0xffff;
	v14 =	vor.u32 $0x5F, v2  }
0x984: {  	v9 =	vsub.f32 v9, v12;
	v12 =	vld.idx.msk [tilespmem:v15+s17+$0x0], $0xffff;
	v3 =	vadd.f32 v4, v3;
	v4 =	vmul.f32 v6, v27  }
0x985: {  	v8 =	vand.u32 $0x7FFFFFFF, v8;
	v6 =	vld.idx.msk [tilespmem:v15+s16+$0x0], $0xffff;
	v15 =	vor.u32 $0x60, v2  }
0x986: {  	v7 =	vsub.f32 v7, v10;
	v10 =	vld.idx.msk [tilespmem:v13+s17+$0x0], $0xffff;
	v3 =	vadd.f32 v4, v3;
	v4 =	vmul.f32 v8, v38  }
0x987: {  	v9 =	vand.u32 $0x7FFFFFFF, v9;
	v8 =	vld.idx.msk [tilespmem:v13+s16+$0x0], $0xffff;
	v13 =	vor.u32 $0x61, v2  }
0x988: {  	v5 =	vsub.f32 v5, v11;
	v11 =	vld.idx.msk [tilespmem:v14+s17+$0x0], $0xffff;
	v3 =	vadd.f32 v4, v3;
	v4 =	vmul.f32 v9, v22  }
0x989: {  	v7 =	vand.u32 $0x7FFFFFFF, v7;
	v9 =	vld.idx.msk [tilespmem:v14+s16+$0x0], $0xffff;
	v14 =	vor.u32 $0x62, v2  }
0x98a: {  	v6 =	vsub.f32 v6, v12;
	v12 =	vld.idx.msk [tilespmem:v15+s17+$0x0], $0xffff;
	v3 =	vadd.f32 v4, v3;
	v4 =	vmul.f32 v7, v28  }
0x98b: {  	v5 =	vand.u32 $0x7FFFFFFF, v5;
	v7 =	vld.idx.msk [tilespmem:v15+s16+$0x0], $0xffff;
	v15 =	vor.u32 $0x63, v2  }
0x98c: {  	v8 =	vsub.f32 v8, v10;
	v10 =	vld.idx.msk [tilespmem:v13+s17+$0x0], $0xffff;
	v3 =	vadd.f32 v4, v3;
	v4 =	vmul.f32 v5, v39  }
0x98d: {  	v6 =	vand.u32 $0x7FFFFFFF, v6;
	v5 =	vld.idx.msk [tilespmem:v13+s16+$0x0], $0xffff;
	v13 =	vor.u32 $0x64, v2  }
0x98e: {  	v9 =	vsub.f32 v9, v11;
	v11 =	vld.idx.msk [tilespmem:v14+s17+$0x0], $0xffff;
	v3 =	vadd.f32 v4, v3;
	v4 =	vmul.f32 v6, v40  }
0x98f: {  	v8 =	vand.u32 $0x7FFFFFFF, v8;
	v6 =	vld.idx.msk [tilespmem:v14+s16+$0x0], $0xffff;
	v14 =	vor.u32 $0x65, v2  }
0x990: {  	v7 =	vsub.f32 v7, v12;
	v12 =	vld.idx.msk [tilespmem:v15+s17+$0x0], $0xffff;
	v3 =	vadd.f32 v4, v3;
	v4 =	vmul.f32 v8, v18  }
0x991: {  	v9 =	vand.u32 $0x7FFFFFFF, v9;
	v8 =	vld.idx.msk [tilespmem:v15+s16+$0x0], $0xffff;
	v15 =	vor.u32 $0x66, v2  }
0x992: {  	v5 =	vsub.f32 v5, v10;
	v10 =	vld.idx.msk [tilespmem:v13+s17+$0x0], $0xffff;
	v3 =	vadd.f32 v4, v3;
	v4 =	vmul.f32 v9, v41  }
0x993: {  	v7 =	vand.u32 $0x7FFFFFFF, v7;
	v9 =	vld.idx.msk [tilespmem:v13+s16+$0x0], $0xffff;
	v13 =	vor.u32 $0x67, v2  }
0x994: {  	v6 =	vsub.f32 v6, v11;
	v11 =	vld.idx.msk [tilespmem:v14+s17+$0x0], $0xffff;
	v3 =	vadd.f32 v4, v3;
	v4 =	vmul.f32 v7, v29  }
0x995: {  	v5 =	vand.u32 $0x7FFFFFFF, v5;
	v7 =	vld.idx.msk [tilespmem:v14+s16+$0x0], $0xffff;
	v14 =	vor.u32 $0x68, v2  }
0x996: {  	v8 =	vsub.f32 v8, v12;
	v12 =	vld.idx.msk [tilespmem:v15+s17+$0x0], $0xffff;
	v3 =	vadd.f32 v4, v3;
	v4 =	vmul.f32 v5, v42  }
0x997: {  	v6 =	vand.u32 $0x7FFFFFFF, v6;
	v5 =	vld.idx.msk [tilespmem:v15+s16+$0x0], $0xffff;
	v15 =	vor.u32 $0x69, v2  }
0x998: {  	v9 =	vsub.f32 v9, v10;
	v10 =	vld.idx.msk [tilespmem:v13+s17+$0x0], $0xffff;
	v3 =	vadd.f32 v4, v3;
	v4 =	vmul.f32 v6, v20  }
0x999: {  	v8 =	vand.u32 $0x7FFFFFFF, v8;
	v6 =	vld.idx.msk [tilespmem:v13+s16+$0x0], $0xffff;
	v13 =	vor.u32 $0x6A, v2  }
0x99a: {  	v7 =	vsub.f32 v7, v11;
	v11 =	vld.idx.msk [tilespmem:v14+s17+$0x0], $0xffff;
	v3 =	vadd.f32 v4, v3;
	v4 =	vmul.f32 v8, v43  }
0x99b: {  	v9 =	vand.u32 $0x7FFFFFFF, v9;
	v8 =	vld.idx.msk [tilespmem:v14+s16+$0x0], $0xffff;
	v14 =	vor.u32 $0x6B, v2  }
0x99c: {  	v5 =	vsub.f32 v5, v12;
	v12 =	vld.idx.msk [tilespmem:v15+s17+$0x0], $0xffff;
	v3 =	vadd.f32 v4, v3;
	v4 =	vmul.f32 v9, v30  }
0x99d: {  	v7 =	vand.u32 $0x7FFFFFFF, v7;
	v9 =	vld.idx.msk [tilespmem:v15+s16+$0x0], $0xffff;
	v15 =	vor.u32 $0x6C, v2  }
0x99e: {  	v6 =	vsub.f32 v6, v10;
	v10 =	vld.idx.msk [tilespmem:v13+s17+$0x0], $0xffff;
	v3 =	vadd.f32 v4, v3;
	v4 =	vmul.f32 v7, v44  }
0x99f: {  	v5 =	vand.u32 $0x7FFFFFFF, v5;
	v7 =	vld.idx.msk [tilespmem:v13+s16+$0x0], $0xffff;
	v13 =	vor.u32 $0x6D, v2  }
0x9a0: {  	v8 =	vsub.f32 v8, v11;
	v11 =	vld.idx.msk [tilespmem:v14+s17+$0x0], $0xffff;
	v3 =	vadd.f32 v4, v3;
	v4 =	vmul.f32 v5, v23  }
0x9a1: {  	v6 =	vand.u32 $0x7FFFFFFF, v6;
	v5 =	vld.idx.msk [tilespmem:v14+s16+$0x0], $0xffff;
	v14 =	vor.u32 $0x6E, v2  }
0x9a2: {  	v9 =	vsub.f32 v9, v12;
	v12 =	vld.idx.msk [tilespmem:v15+s17+$0x0], $0xffff;
	v3 =	vadd.f32 v4, v3;
	v4 =	vmul.f32 v6, v45  }
0x9a3: {  	v8 =	vand.u32 $0x7FFFFFFF, v8;
	v6 =	vld.idx.msk [tilespmem:v15+s16+$0x0], $0xffff;
	v15 =	vor.u32 $0x6F, v2  }
0x9a4: {  	v7 =	vsub.f32 v7, v10;
	v10 =	vld.idx.msk [tilespmem:v13+s17+$0x0], $0xffff;
	v3 =	vadd.f32 v4, v3;
	v4 =	vmul.f32 v8, v31  }
0x9a5: {  	v9 =	vand.u32 $0x7FFFFFFF, v9;
	v8 =	vld.idx.msk [tilespmem:v13+s16+$0x0], $0xffff;
	v13 =	vor.u32 $0x70, v2  }
0x9a6: {  	v5 =	vsub.f32 v5, v11;
	v11 =	vld.idx.msk [tilespmem:v14+s17+$0x0], $0xffff;
	v3 =	vadd.f32 v4, v3;
	v4 =	vmul.f32 v9, v46  }
0x9a7: {  	v7 =	vand.u32 $0x7FFFFFFF, v7;
	v9 =	vld.idx.msk [tilespmem:v14+s16+$0x0], $0xffff;
	v14 =	vor.u32 $0x71, v2  }
0x9a8: {  	v6 =	vsub.f32 v6, v12;
	v12 =	vld.idx.msk [tilespmem:v15+s17+$0x0], $0xffff;
	v3 =	vadd.f32 v4, v3;
	v4 =	vmul.f32 v7, v24  }
0x9a9: {  	v5 =	vand.u32 $0x7FFFFFFF, v5;
	v7 =	vld.idx.msk [tilespmem:v15+s16+$0x0], $0xffff;
	v15 =	vor.u32 $0x72, v2  }
0x9aa: {  	v8 =	vsub.f32 v8, v10;
	v10 =	vld.idx.msk [tilespmem:v13+s17+$0x0], $0xffff;
	v3 =	vadd.f32 v4, v3;
	v4 =	vmul.f32 v5, v47  }
0x9ab: {  	v6 =	vand.u32 $0x7FFFFFFF, v6;
	v5 =	vld.idx.msk [tilespmem:v13+s16+$0x0], $0xffff;
	v13 =	vor.u32 $0x73, v2  }
0x9ac: {  	v9 =	vsub.f32 v9, v11;
	v11 =	vld.idx.msk [tilespmem:v14+s17+$0x0], $0xffff;
	v3 =	vadd.f32 v4, v3;
	v4 =	vmul.f32 v6, v32  }
0x9ad: {  	v8 =	vand.u32 $0x7FFFFFFF, v8;
	v6 =	vld.idx.msk [tilespmem:v14+s16+$0x0], $0xffff;
	v14 =	vor.u32 $0x74, v2  }
0x9ae: {  	v7 =	vsub.f32 v7, v12;
	v12 =	vld.idx.msk [tilespmem:v15+s17+$0x0], $0xffff;
	v3 =	vadd.f32 v4, v3;
	v4 =	vmul.f32 v8, v48  }
0x9af: {  	v9 =	vand.u32 $0x7FFFFFFF, v9;
	v8 =	vld.idx.msk [tilespmem:v15+s16+$0x0], $0xffff;
	v15 =	vor.u32 $0x75, v2  }
0x9b0: {  	v5 =	vsub.f32 v5, v10;
	v10 =	vld.idx.msk [tilespmem:v13+s17+$0x0], $0xffff;
	v3 =	vadd.f32 v4, v3;
	v4 =	vmul.f32 v9, v17  }
0x9b1: {  	v7 =	vand.u32 $0x7FFFFFFF, v7;
	v9 =	vld.idx.msk [tilespmem:v13+s16+$0x0], $0xffff;
	v13 =	vor.u32 $0x76, v2  }
0x9b2: {  	v6 =	vsub.f32 v6, v11;
	v11 =	vld.idx.msk [tilespmem:v14+s17+$0x0], $0xffff;
	v3 =	vadd.f32 v4, v3;
	v4 =	vmul.f32 v7, v49  }
0x9b3: {  	v5 =	vand.u32 $0x7FFFFFFF, v5;
	v7 =	vld.idx.msk [tilespmem:v14+s16+$0x0], $0xffff;
	v14 =	vor.u32 $0x77, v2  }
0x9b4: {  	v8 =	vsub.f32 v8, v12;
	v12 =	vld.idx.msk [tilespmem:v15+s17+$0x0], $0xffff;
	v3 =	vadd.f32 v4, v3;
	v4 =	vmul.f32 v5, v33  }
0x9b5: {  	v6 =	vand.u32 $0x7FFFFFFF, v6;
	v5 =	vld.idx.msk [tilespmem:v15+s16+$0x0], $0xffff;
	v15 =	vor.u32 $0x78, v2  }
0x9b6: {  	v9 =	vsub.f32 v9, v10;
	v10 =	vld.idx.msk [tilespmem:v13+s17+$0x0], $0xffff;
	v3 =	vadd.f32 v4, v3;
	v4 =	vmul.f32 v6, v50  }
0x9b7: {  	v8 =	vand.u32 $0x7FFFFFFF, v8;
	v6 =	vld.idx.msk [tilespmem:v13+s16+$0x0], $0xffff;
	v13 =	vor.u32 $0x79, v2  }
0x9b8: {  	v7 =	vsub.f32 v7, v11;
	v11 =	vld.idx.msk [tilespmem:v14+s17+$0x0], $0xffff;
	v3 =	vadd.f32 v4, v3;
	v4 =	vmul.f32 v8, v51  }
0x9b9: {  	v9 =	vand.u32 $0x7FFFFFFF, v9;
	v8 =	vld.idx.msk [tilespmem:v14+s16+$0x0], $0xffff;
	v14 =	vor.u32 $0x7A, v2  }
0x9ba: {  	v5 =	vsub.f32 v5, v12;
	v12 =	vld.idx.msk [tilespmem:v15+s17+$0x0], $0xffff;
	v3 =	vadd.f32 v4, v3;
	v4 =	vmul.f32 v9, v52  }
0x9bb: {  	v7 =	vand.u32 $0x7FFFFFFF, v7;
	v9 =	vld.idx.msk [tilespmem:v15+s16+$0x0], $0xffff;
	v15 =	vor.u32 $0x7B, v2  }
0x9bc: {  	v6 =	vsub.f32 v6, v10;
	v10 =	vld.idx.msk [tilespmem:v13+s17+$0x0], $0xffff;
	v3 =	vadd.f32 v4, v3;
	v4 =	vmul.f32 v7, v53  }
0x9bd: {  	v5 =	vand.u32 $0x7FFFFFFF, v5;
	v7 =	vld.idx.msk [tilespmem:v13+s16+$0x0], $0xffff;
	v13 =	vor.u32 $0x7C, v2  }
0x9be: {  	v8 =	vsub.f32 v8, v11;
	v11 =	vld.idx.msk [tilespmem:v14+s17+$0x0], $0xffff;
	v3 =	vadd.f32 v4, v3;
	v4 =	vmul.f32 v5, v54  }
0x9bf: {  	v6 =	vand.u32 $0x7FFFFFFF, v6;
	v5 =	vld.idx.msk [tilespmem:v14+s16+$0x0], $0xffff;
	v14 =	vor.u32 $0x7D, v2  }
0x9c0: {  	v9 =	vsub.f32 v9, v12;
	v12 =	vld.idx.msk [tilespmem:v15+s17+$0x0], $0xffff;
	v3 =	vadd.f32 v4, v3;
	v4 =	vmul.f32 v6, v55  }
0x9c1: {  	v8 =	vand.u32 $0x7FFFFFFF, v8;
	v6 =	vld.idx.msk [tilespmem:v15+s16+$0x0], $0xffff;
	v15 =	vor.u32 $0x7E, v2  }
0x9c2: {  	v7 =	vsub.f32 v7, v10;
	v10 =	vld.idx.msk [tilespmem:v13+s17+$0x0], $0xffff;
	v3 =	vadd.f32 v4, v3;
	v4 =	vmul.f32 v8, v56  }
0x9c3: {  	v2 =	vor.u32 $0x7F, v2;
	v9 =	vand.u32 $0x7FFFFFFF, v9;
	v8 =	vld.idx.msk [tilespmem:v13+s16+$0x0], $0xffff  }
0x9c4: {  	v5 =	vsub.f32 v5, v11;
	v11 =	vld.idx.msk [tilespmem:v14+s17+$0x0], $0xffff;
	v3 =	vadd.f32 v4, v3;
	v4 =	vmul.f32 v9, v57  }
0x9c5: {  	v7 =	vand.u32 $0x7FFFFFFF, v7;
	v9 =	vld.idx.msk [tilespmem:v14+s16+$0x0], $0xffff  }
0x9c6: {  	v6 =	vsub.f32 v6, v12;
	v12 =	vld.idx.msk [tilespmem:v15+s17+$0x0], $0xffff;
	v3 =	vadd.f32 v4, v3;
	v4 =	vmul.f32 v7, v58  }
0x9c7: {  	v5 =	vand.u32 $0x7FFFFFFF, v5;
	v7 =	vld.idx.msk [tilespmem:v15+s16+$0x0], $0xffff  }
0x9c8: {  	v3 =	vadd.f32 v4, v3;
	v4 =	vmul.f32 v5, v59;
	v5 =	vld.idx.msk [tilespmem:v2+s16+$0x0], $0xffff  }
0x9c9: {  	v2 =	vld.idx.msk [tilespmem:v2+s17+$0x0], $0xffff  }
0x9ca: {  	v6 =	vand.u32 $0x7FFFFFFF, v6;
	v8 =	vsub.f32 v8, v10  }
0x9cb: {  	v3 =	vadd.f32 v4, v3;
	v4 =	vmul.f32 v6, v60  }
0x9cc: {  	p0 =	sne.s32 s25, $0x40;
	v6 =	vand.u32 $0x7FFFFFFF, v8;
	v8 =	vsub.f32 v9, v11  }
.Ltmp0:
0x9cd: {  	v3 =	vadd.f32 v4, v3;
	v4 =	vmul.f32 v6, v61;
	(pc) =	sbr.rel @p0 .LBB2_3-.Ltmp0, $4  }
0x9ce: {  	v7 =	vsub.f32 v7, v12;
	v6 =	vand.u32 $0x7FFFFFFF, v8;
	v5 =	vsub.f32 v5, v2  }
0x9cf: {  	v2 =	vmov s25;
	v3 =	vadd.f32 v4, v3;
	v4 =	vmul.f32 v6, v62  }
0x9d0: {  	v6 =	vand.u32 $0x7FFFFFFF, v7;
	v2 =	vshll.u32 v2, $0x7  }
0x9d1: {  	v15 =	vmovc v16;
	s25 =	sadd.s32 $0x10, s25;
	v5 =	vand.u32 $0x7FFFFFFF, v5;
	v3 =	vadd.f32 v4, v3;
	v4 =	vmul.f32 v6, v63  }
0x9d2: {  	v2 =	vor.u32 v15, v2  }
0x9d3: {  	v10 =	vmul.f32 v5, v0;
	v3 =	vadd.f32 v4, v3;
	v5 =	vor.u32 $0x1, v2;
	_ =	sdelay $0x1  }
0x9d4: {  	v3 =	vadd.f32 v10, v3  }
0x9d5: {  	s24 =	sadd.s32 $0x10, s24  }
0x9d6: {  	[tilespmem:s24+$0x0] =	vst v3  }
0x9d7: {  	v4 =	vor.u32 $0x2, v2;
	v8 =	vld.idx.msk [tilespmem:v5+s16+$0x0], $0xffff  }
0x9d8: {  	v5 =	vld.idx.msk [tilespmem:v5+s17+$0x0], $0xffff  }
0x9d9: {  	v16 =	vld [tilespmem:$0x1F900]  }
0x9da: {  	v3 =	vld.idx.msk [tilespmem:v2+s17+$0x0], $0xffff  }
0x9db: {  	v6 =	vld.idx.msk [tilespmem:v2+s16+$0x0], $0xffff  }
0x9dc: {  	v7 =	vor.u32 $0x3, v2;
	v10 =	vld.idx.msk [tilespmem:v4+s16+$0x0], $0xffff  }
0x9dd: {  	v4 =	vld.idx.msk [tilespmem:v4+s17+$0x0], $0xffff;
	v5 =	vsub.f32 v8, v5;
	_ =	sdelay $0x1  }
0x9de: {  	v5 =	vand.u32 $0x7FFFFFFF, v5  }
0x9df: {  	v5 =	vmul.f32 v5, v16;
	v16 =	vld [tilespmem:$0x1F910]  }
0x9e0: {  	v9 =	vor.u32 $0x4, v2;
	v12 =	vld.idx.msk [tilespmem:v7+s16+$0x0], $0xffff  }
0x9e1: {  	v3 =	vsub.f32 v6, v3;
	v6 =	vld.idx.msk [tilespmem:v7+s17+$0x0], $0xffff;
	v4 =	vsub.f32 v10, v4;
	_ =	sdelay $0x1  }
0x9e2: {  	v14 =	vld [tilespmem:$0x1F8F0];
	v4 =	vand.u32 $0x7FFFFFFF, v4  }
0x9e3: {  	v4 =	vmul.f32 v4, v16;
	v16 =	vld [tilespmem:$0x1F920]  }
0x9e4: {  	v11 =	vor.u32 $0x5, v2;
	v13 =	vld.idx.msk [tilespmem:v9+s16+$0x0], $0xffff  }
0x9e5: {  	v8 =	vld.idx.msk [tilespmem:v9+s17+$0x0], $0xffff;
	v6 =	vsub.f32 v12, v6;
	_ =	sdelay $0x1  }
0x9e6: {  	v6 =	vand.u32 $0x7FFFFFFF, v6  }
0x9e7: {  	v6 =	vmul.f32 v6, v16;
	v16 =	vld [tilespmem:$0x1F930]  }
0x9e8: {  	v7 =	vor.u32 $0x6, v2;
	v10 =	vld.idx.msk [tilespmem:v11+s17+$0x0], $0xffff;
	v3 =	vand.u32 $0x7FFFFFFF, v3  }
0x9e9: {  	v3 =	vmul.f32 v3, v14;
	v14 =	vld.idx.msk [tilespmem:v11+s16+$0x0], $0xffff;
	v8 =	vsub.f32 v13, v8;
	_ =	sdelay $0x1  }
0x9ea: {  	v8 =	vand.u32 $0x7FFFFFFF, v8  }
0x9eb: {  	v8 =	vmul.f32 v8, v16;
	v16 =	vld [tilespmem:$0x1F940]  }
0x9ec: {  	v9 =	vor.u32 $0x7, v2;
	v12 =	vld.idx.msk [tilespmem:v7+s16+$0x0], $0xffff  }
0x9ed: {  	v7 =	vld.idx.msk [tilespmem:v7+s17+$0x0], $0xffff;
	v10 =	vsub.f32 v14, v10;
	_ =	sdelay $0x1  }
0x9ee: {  	v10 =	vand.u32 $0x7FFFFFFF, v10  }
0x9ef: {  	v10 =	vmul.f32 v10, v16;
	v16 =	vld [tilespmem:$0x1F950]  }
0x9f0: {  	v11 =	vor.u32 $0x8, v2;
	v13 =	vld.idx.msk [tilespmem:v9+s16+$0x0], $0xffff  }
0x9f1: {  	v9 =	vld.idx.msk [tilespmem:v9+s17+$0x0], $0xffff;
	v7 =	vsub.f32 v12, v7;
	_ =	sdelay $0x1  }
0x9f2: {  	v3 =	vadd.f32 v3, v1;
	v7 =	vand.u32 $0x7FFFFFFF, v7  }
0x9f3: {  	v7 =	vmul.f32 v7, v16;
	v16 =	vld [tilespmem:$0x1F960]  }
0x9f4: {  	v3 =	vadd.f32 v5, v3;
	v5 =	vor.u32 $0x9, v2;
	v14 =	vld.idx.msk [tilespmem:v11+s16+$0x0], $0xffff  }
0x9f5: {  	v11 =	vld.idx.msk [tilespmem:v11+s17+$0x0], $0xffff;
	v9 =	vsub.f32 v13, v9;
	_ =	sdelay $0x1  }
0x9f6: {  	v9 =	vand.u32 $0x7FFFFFFF, v9  }
0x9f7: {  	v9 =	vmul.f32 v9, v16;
	v16 =	vld [tilespmem:$0x1F970]  }
0x9f8: {  	v3 =	vadd.f32 v4, v3;
	v4 =	vor.u32 $0xA, v2;
	v12 =	vld.idx.msk [tilespmem:v5+s16+$0x0], $0xffff  }
0x9f9: {  	v5 =	vld.idx.msk [tilespmem:v5+s17+$0x0], $0xffff;
	v11 =	vsub.f32 v14, v11;
	_ =	sdelay $0x1  }
0x9fa: {  	v11 =	vand.u32 $0x7FFFFFFF, v11  }
0x9fb: {  	v11 =	vmul.f32 v11, v16;
	v16 =	vld [tilespmem:$0x1F980]  }
0x9fc: {  	v3 =	vadd.f32 v6, v3;
	v6 =	vor.u32 $0xB, v2;
	v13 =	vld.idx.msk [tilespmem:v4+s16+$0x0], $0xffff  }
0x9fd: {  	v4 =	vld.idx.msk [tilespmem:v4+s17+$0x0], $0xffff;
	v5 =	vsub.f32 v12, v5;
	_ =	sdelay $0x1  }
0x9fe: {  	v5 =	vand.u32 $0x7FFFFFFF, v5  }
0x9ff: {  	v5 =	vmul.f32 v5, v16;
	v16 =	vld [tilespmem:$0x1F990]  }
0xa00: {  	v3 =	vadd.f32 v8, v3;
	v8 =	vor.u32 $0xC, v2;
	v14 =	vld.idx.msk [tilespmem:v6+s16+$0x0], $0xffff  }
0xa01: {  	v6 =	vld.idx.msk [tilespmem:v6+s17+$0x0], $0xffff;
	v4 =	vsub.f32 v13, v4;
	_ =	sdelay $0x1  }
0xa02: {  	v4 =	vand.u32 $0x7FFFFFFF, v4  }
0xa03: {  	v4 =	vmul.f32 v4, v16;
	v16 =	vld [tilespmem:$0x1F9A0]  }
0xa04: {  	v3 =	vadd.f32 v10, v3;
	v10 =	vor.u32 $0xD, v2;
	v12 =	vld.idx.msk [tilespmem:v8+s16+$0x0], $0xffff  }
0xa05: {  	v8 =	vld.idx.msk [tilespmem:v8+s17+$0x0], $0xffff;
	v6 =	vsub.f32 v14, v6;
	_ =	sdelay $0x1  }
0xa06: {  	v6 =	vand.u32 $0x7FFFFFFF, v6  }
0xa07: {  	v6 =	vmul.f32 v6, v16;
	v16 =	vld [tilespmem:$0x1F9B0]  }
0xa08: {  	v3 =	vadd.f32 v7, v3;
	v7 =	vor.u32 $0xE, v2;
	v13 =	vld.idx.msk [tilespmem:v10+s16+$0x0], $0xffff  }
0xa09: {  	v10 =	vld.idx.msk [tilespmem:v10+s17+$0x0], $0xffff;
	v8 =	vsub.f32 v12, v8;
	_ =	sdelay $0x1  }
0xa0a: {  	v8 =	vand.u32 $0x7FFFFFFF, v8  }
0xa0b: {  	v8 =	vmul.f32 v8, v16;
	v16 =	vld [tilespmem:$0x1F9C0]  }
0xa0c: {  	v3 =	vadd.f32 v9, v3;
	v9 =	vor.u32 $0xF, v2;
	v14 =	vld.idx.msk [tilespmem:v7+s16+$0x0], $0xffff  }
0xa0d: {  	v7 =	vld.idx.msk [tilespmem:v7+s17+$0x0], $0xffff;
	v10 =	vsub.f32 v13, v10;
	_ =	sdelay $0x1  }
0xa0e: {  	v10 =	vand.u32 $0x7FFFFFFF, v10  }
0xa0f: {  	v10 =	vmul.f32 v10, v16;
	v16 =	vld [tilespmem:$0x1F9D0]  }
0xa10: {  	v3 =	vadd.f32 v11, v3;
	v11 =	vor.u32 $0x10, v2;
	v12 =	vld.idx.msk [tilespmem:v9+s16+$0x0], $0xffff  }
0xa11: {  	v9 =	vld.idx.msk [tilespmem:v9+s17+$0x0], $0xffff;
	v7 =	vsub.f32 v14, v7;
	_ =	sdelay $0x1  }
0xa12: {  	v7 =	vand.u32 $0x7FFFFFFF, v7  }
0xa13: {  	v7 =	vmul.f32 v7, v16;
	v16 =	vld [tilespmem:$0x1F9E0]  }
0xa14: {  	v3 =	vadd.f32 v5, v3;
	v5 =	vor.u32 $0x11, v2;
	v13 =	vld.idx.msk [tilespmem:v11+s16+$0x0], $0xffff  }
0xa15: {  	v11 =	vld.idx.msk [tilespmem:v11+s17+$0x0], $0xffff;
	v9 =	vsub.f32 v12, v9;
	_ =	sdelay $0x1  }
0xa16: {  	v9 =	vand.u32 $0x7FFFFFFF, v9  }
0xa17: {  	v9 =	vmul.f32 v9, v16;
	v16 =	vld [tilespmem:$0x1F9F0]  }
0xa18: {  	v3 =	vadd.f32 v4, v3;
	v4 =	vor.u32 $0x12, v2;
	v14 =	vld.idx.msk [tilespmem:v5+s16+$0x0], $0xffff  }
0xa19: {  	v5 =	vld.idx.msk [tilespmem:v5+s17+$0x0], $0xffff;
	v11 =	vsub.f32 v13, v11;
	_ =	sdelay $0x1  }
0xa1a: {  	v11 =	vand.u32 $0x7FFFFFFF, v11  }
0xa1b: {  	v11 =	vmul.f32 v11, v16;
	v16 =	vld [tilespmem:$0x1FA00]  }
0xa1c: {  	v3 =	vadd.f32 v6, v3;
	v6 =	vor.u32 $0x13, v2;
	v12 =	vld.idx.msk [tilespmem:v4+s16+$0x0], $0xffff  }
0xa1d: {  	v4 =	vld.idx.msk [tilespmem:v4+s17+$0x0], $0xffff;
	v5 =	vsub.f32 v14, v5;
	_ =	sdelay $0x1  }
0xa1e: {  	v5 =	vand.u32 $0x7FFFFFFF, v5  }
0xa1f: {  	v5 =	vmul.f32 v5, v16;
	v16 =	vld [tilespmem:$0x1FA10]  }
0xa20: {  	v3 =	vadd.f32 v8, v3;
	v8 =	vor.u32 $0x14, v2;
	v13 =	vld.idx.msk [tilespmem:v6+s16+$0x0], $0xffff  }
0xa21: {  	v6 =	vld.idx.msk [tilespmem:v6+s17+$0x0], $0xffff;
	v4 =	vsub.f32 v12, v4;
	_ =	sdelay $0x1  }
0xa22: {  	v4 =	vand.u32 $0x7FFFFFFF, v4  }
0xa23: {  	v4 =	vmul.f32 v4, v16;
	v16 =	vld [tilespmem:$0x1FA20]  }
0xa24: {  	v3 =	vadd.f32 v10, v3;
	v10 =	vor.u32 $0x15, v2;
	v14 =	vld.idx.msk [tilespmem:v8+s16+$0x0], $0xffff  }
0xa25: {  	v8 =	vld.idx.msk [tilespmem:v8+s17+$0x0], $0xffff;
	v6 =	vsub.f32 v13, v6;
	_ =	sdelay $0x1  }
0xa26: {  	v6 =	vand.u32 $0x7FFFFFFF, v6  }
0xa27: {  	v6 =	vmul.f32 v6, v16;
	v16 =	vld [tilespmem:$0x1FA30]  }
0xa28: {  	v3 =	vadd.f32 v7, v3;
	v7 =	vor.u32 $0x16, v2;
	v12 =	vld.idx.msk [tilespmem:v10+s16+$0x0], $0xffff  }
0xa29: {  	v10 =	vld.idx.msk [tilespmem:v10+s17+$0x0], $0xffff;
	v8 =	vsub.f32 v14, v8;
	_ =	sdelay $0x1  }
0xa2a: {  	v8 =	vand.u32 $0x7FFFFFFF, v8  }
0xa2b: {  	v8 =	vmul.f32 v8, v16;
	v16 =	vld [tilespmem:$0x1FA40]  }
0xa2c: {  	v3 =	vadd.f32 v9, v3;
	v9 =	vor.u32 $0x17, v2;
	v13 =	vld.idx.msk [tilespmem:v7+s16+$0x0], $0xffff  }
0xa2d: {  	v7 =	vld.idx.msk [tilespmem:v7+s17+$0x0], $0xffff;
	v10 =	vsub.f32 v12, v10;
	_ =	sdelay $0x1  }
0xa2e: {  	v10 =	vand.u32 $0x7FFFFFFF, v10  }
0xa2f: {  	v10 =	vmul.f32 v10, v16;
	v16 =	vld [tilespmem:$0x1FA50]  }
0xa30: {  	v3 =	vadd.f32 v11, v3;
	v11 =	vor.u32 $0x18, v2;
	v14 =	vld.idx.msk [tilespmem:v9+s16+$0x0], $0xffff  }
0xa31: {  	v9 =	vld.idx.msk [tilespmem:v9+s17+$0x0], $0xffff;
	v7 =	vsub.f32 v13, v7;
	_ =	sdelay $0x1  }
0xa32: {  	v7 =	vand.u32 $0x7FFFFFFF, v7  }
0xa33: {  	v7 =	vmul.f32 v7, v16;
	v16 =	vld [tilespmem:$0x1FA60]  }
0xa34: {  	v3 =	vadd.f32 v5, v3;
	v5 =	vor.u32 $0x19, v2;
	v12 =	vld.idx.msk [tilespmem:v11+s16+$0x0], $0xffff  }
0xa35: {  	v11 =	vld.idx.msk [tilespmem:v11+s17+$0x0], $0xffff;
	v9 =	vsub.f32 v14, v9;
	_ =	sdelay $0x1  }
0xa36: {  	v9 =	vand.u32 $0x7FFFFFFF, v9  }
0xa37: {  	v9 =	vmul.f32 v9, v16;
	v16 =	vld [tilespmem:$0x1FA70]  }
0xa38: {  	v3 =	vadd.f32 v4, v3;
	v4 =	vor.u32 $0x1A, v2;
	v13 =	vld.idx.msk [tilespmem:v5+s16+$0x0], $0xffff  }
0xa39: {  	v5 =	vld.idx.msk [tilespmem:v5+s17+$0x0], $0xffff;
	v11 =	vsub.f32 v12, v11;
	_ =	sdelay $0x1  }
0xa3a: {  	v11 =	vand.u32 $0x7FFFFFFF, v11  }
0xa3b: {  	v11 =	vmul.f32 v11, v16;
	v16 =	vld [tilespmem:$0x1FA80]  }
0xa3c: {  	v3 =	vadd.f32 v6, v3;
	v6 =	vor.u32 $0x1B, v2;
	v14 =	vld.idx.msk [tilespmem:v4+s16+$0x0], $0xffff  }
0xa3d: {  	v4 =	vld.idx.msk [tilespmem:v4+s17+$0x0], $0xffff;
	v5 =	vsub.f32 v13, v5;
	_ =	sdelay $0x1  }
0xa3e: {  	v5 =	vand.u32 $0x7FFFFFFF, v5  }
0xa3f: {  	v5 =	vmul.f32 v5, v16;
	v16 =	vld [tilespmem:$0x1FA90]  }
0xa40: {  	v3 =	vadd.f32 v8, v3;
	v8 =	vor.u32 $0x1C, v2;
	v12 =	vld.idx.msk [tilespmem:v6+s16+$0x0], $0xffff  }
0xa41: {  	v6 =	vld.idx.msk [tilespmem:v6+s17+$0x0], $0xffff;
	v4 =	vsub.f32 v14, v4;
	_ =	sdelay $0x1  }
0xa42: {  	v4 =	vand.u32 $0x7FFFFFFF, v4  }
0xa43: {  	v4 =	vmul.f32 v4, v16;
	v16 =	vld [tilespmem:$0x1FAA0]  }
0xa44: {  	v3 =	vadd.f32 v10, v3;
	v10 =	vor.u32 $0x1D, v2;
	v13 =	vld.idx.msk [tilespmem:v8+s16+$0x0], $0xffff  }
0xa45: {  	v8 =	vld.idx.msk [tilespmem:v8+s17+$0x0], $0xffff;
	v6 =	vsub.f32 v12, v6;
	_ =	sdelay $0x1  }
0xa46: {  	v6 =	vand.u32 $0x7FFFFFFF, v6  }
0xa47: {  	v6 =	vmul.f32 v6, v16;
	v16 =	vld [tilespmem:$0x1FAB0]  }
0xa48: {  	v3 =	vadd.f32 v7, v3;
	v7 =	vor.u32 $0x1E, v2;
	v14 =	vld.idx.msk [tilespmem:v10+s16+$0x0], $0xffff  }
0xa49: {  	v10 =	vld.idx.msk [tilespmem:v10+s17+$0x0], $0xffff;
	v8 =	vsub.f32 v13, v8;
	_ =	sdelay $0x1  }
0xa4a: {  	v8 =	vand.u32 $0x7FFFFFFF, v8  }
0xa4b: {  	v8 =	vmul.f32 v8, v16;
	v16 =	vld [tilespmem:$0x1FAC0]  }
0xa4c: {  	v3 =	vadd.f32 v9, v3;
	v9 =	vor.u32 $0x1F, v2;
	v12 =	vld.idx.msk [tilespmem:v7+s16+$0x0], $0xffff  }
0xa4d: {  	v7 =	vld.idx.msk [tilespmem:v7+s17+$0x0], $0xffff;
	v10 =	vsub.f32 v14, v10;
	_ =	sdelay $0x1  }
0xa4e: {  	v10 =	vand.u32 $0x7FFFFFFF, v10  }
0xa4f: {  	v10 =	vmul.f32 v10, v16;
	v16 =	vld [tilespmem:$0x1FAD0]  }
0xa50: {  	v3 =	vadd.f32 v11, v3;
	v11 =	vor.u32 $0x20, v2;
	v13 =	vld.idx.msk [tilespmem:v9+s16+$0x0], $0xffff  }
0xa51: {  	v9 =	vld.idx.msk [tilespmem:v9+s17+$0x0], $0xffff;
	v7 =	vsub.f32 v12, v7;
	_ =	sdelay $0x1  }
0xa52: {  	v7 =	vand.u32 $0x7FFFFFFF, v7  }
0xa53: {  	v7 =	vmul.f32 v7, v16;
	v16 =	vld [tilespmem:$0x1FAE0]  }
0xa54: {  	v3 =	vadd.f32 v5, v3;
	v5 =	vor.u32 $0x21, v2;
	v14 =	vld.idx.msk [tilespmem:v11+s16+$0x0], $0xffff  }
0xa55: {  	v11 =	vld.idx.msk [tilespmem:v11+s17+$0x0], $0xffff;
	v9 =	vsub.f32 v13, v9;
	_ =	sdelay $0x1  }
0xa56: {  	v9 =	vand.u32 $0x7FFFFFFF, v9  }
0xa57: {  	v9 =	vmul.f32 v9, v16;
	v16 =	vld [tilespmem:$0x1FAF0]  }
0xa58: {  	v3 =	vadd.f32 v4, v3;
	v4 =	vor.u32 $0x22, v2;
	v12 =	vld.idx.msk [tilespmem:v5+s16+$0x0], $0xffff  }
0xa59: {  	v5 =	vld.idx.msk [tilespmem:v5+s17+$0x0], $0xffff;
	v11 =	vsub.f32 v14, v11;
	_ =	sdelay $0x1  }
0xa5a: {  	v11 =	vand.u32 $0x7FFFFFFF, v11  }
0xa5b: {  	v11 =	vmul.f32 v11, v16;
	v16 =	vld [tilespmem:$0x1FB00]  }
0xa5c: {  	v3 =	vadd.f32 v6, v3;
	v6 =	vor.u32 $0x23, v2;
	v13 =	vld.idx.msk [tilespmem:v4+s16+$0x0], $0xffff  }
0xa5d: {  	v4 =	vld.idx.msk [tilespmem:v4+s17+$0x0], $0xffff;
	v5 =	vsub.f32 v12, v5;
	_ =	sdelay $0x1  }
0xa5e: {  	v5 =	vand.u32 $0x7FFFFFFF, v5  }
0xa5f: {  	v5 =	vmul.f32 v5, v16;
	v16 =	vld [tilespmem:$0x1FB10]  }
0xa60: {  	v3 =	vadd.f32 v8, v3;
	v8 =	vor.u32 $0x24, v2;
	v14 =	vld.idx.msk [tilespmem:v6+s16+$0x0], $0xffff  }
0xa61: {  	v6 =	vld.idx.msk [tilespmem:v6+s17+$0x0], $0xffff;
	v4 =	vsub.f32 v13, v4;
	_ =	sdelay $0x1  }
0xa62: {  	v4 =	vand.u32 $0x7FFFFFFF, v4  }
0xa63: {  	v4 =	vmul.f32 v4, v16;
	v16 =	vld [tilespmem:$0x1FB20]  }
0xa64: {  	v3 =	vadd.f32 v10, v3;
	v10 =	vor.u32 $0x25, v2;
	v12 =	vld.idx.msk [tilespmem:v8+s16+$0x0], $0xffff  }
0xa65: {  	v8 =	vld.idx.msk [tilespmem:v8+s17+$0x0], $0xffff;
	v6 =	vsub.f32 v14, v6;
	_ =	sdelay $0x1  }
0xa66: {  	v6 =	vand.u32 $0x7FFFFFFF, v6  }
0xa67: {  	v6 =	vmul.f32 v6, v16;
	v16 =	vld [tilespmem:$0x1FB30]  }
0xa68: {  	v3 =	vadd.f32 v7, v3;
	v7 =	vor.u32 $0x26, v2;
	v13 =	vld.idx.msk [tilespmem:v10+s16+$0x0], $0xffff  }
0xa69: {  	v10 =	vld.idx.msk [tilespmem:v10+s17+$0x0], $0xffff;
	v8 =	vsub.f32 v12, v8;
	_ =	sdelay $0x1  }
0xa6a: {  	v8 =	vand.u32 $0x7FFFFFFF, v8  }
0xa6b: {  	v8 =	vmul.f32 v8, v16;
	v16 =	vld [tilespmem:$0x1FB40]  }
0xa6c: {  	v3 =	vadd.f32 v9, v3;
	v9 =	vor.u32 $0x27, v2;
	v14 =	vld.idx.msk [tilespmem:v7+s16+$0x0], $0xffff  }
0xa6d: {  	v7 =	vld.idx.msk [tilespmem:v7+s17+$0x0], $0xffff;
	v10 =	vsub.f32 v13, v10;
	_ =	sdelay $0x1  }
0xa6e: {  	v10 =	vand.u32 $0x7FFFFFFF, v10  }
0xa6f: {  	v10 =	vmul.f32 v10, v16;
	v16 =	vld [tilespmem:$0x1FB50]  }
0xa70: {  	v3 =	vadd.f32 v11, v3;
	v11 =	vor.u32 $0x28, v2;
	v12 =	vld.idx.msk [tilespmem:v9+s16+$0x0], $0xffff  }
0xa71: {  	v9 =	vld.idx.msk [tilespmem:v9+s17+$0x0], $0xffff;
	v7 =	vsub.f32 v14, v7;
	_ =	sdelay $0x1  }
0xa72: {  	v7 =	vand.u32 $0x7FFFFFFF, v7  }
0xa73: {  	v7 =	vmul.f32 v7, v16;
	v16 =	vld [tilespmem:$0x1FB60]  }
0xa74: {  	v3 =	vadd.f32 v5, v3;
	v5 =	vor.u32 $0x29, v2;
	v13 =	vld.idx.msk [tilespmem:v11+s16+$0x0], $0xffff  }
0xa75: {  	v11 =	vld.idx.msk [tilespmem:v11+s17+$0x0], $0xffff;
	v9 =	vsub.f32 v12, v9;
	_ =	sdelay $0x1  }
0xa76: {  	v9 =	vand.u32 $0x7FFFFFFF, v9  }
0xa77: {  	v9 =	vmul.f32 v9, v16;
	v16 =	vld [tilespmem:$0x1FB70]  }
0xa78: {  	v3 =	vadd.f32 v4, v3;
	v4 =	vor.u32 $0x2A, v2;
	v14 =	vld.idx.msk [tilespmem:v5+s16+$0x0], $0xffff  }
0xa79: {  	v5 =	vld.idx.msk [tilespmem:v5+s17+$0x0], $0xffff;
	v11 =	vsub.f32 v13, v11;
	_ =	sdelay $0x1  }
0xa7a: {  	v11 =	vand.u32 $0x7FFFFFFF, v11  }
0xa7b: {  	v11 =	vmul.f32 v11, v16;
	v16 =	vld [tilespmem:$0x1FB80]  }
0xa7c: {  	v3 =	vadd.f32 v6, v3;
	v6 =	vor.u32 $0x2B, v2;
	v12 =	vld.idx.msk [tilespmem:v4+s16+$0x0], $0xffff  }
0xa7d: {  	v4 =	vld.idx.msk [tilespmem:v4+s17+$0x0], $0xffff;
	v5 =	vsub.f32 v14, v5;
	_ =	sdelay $0x1  }
0xa7e: {  	v5 =	vand.u32 $0x7FFFFFFF, v5  }
0xa7f: {  	v5 =	vmul.f32 v5, v16;
	v16 =	vld [tilespmem:$0x1FB90]  }
0xa80: {  	v3 =	vadd.f32 v8, v3;
	v8 =	vor.u32 $0x2C, v2;
	v13 =	vld.idx.msk [tilespmem:v6+s16+$0x0], $0xffff  }
0xa81: {  	v6 =	vld.idx.msk [tilespmem:v6+s17+$0x0], $0xffff;
	v4 =	vsub.f32 v12, v4;
	_ =	sdelay $0x1  }
0xa82: {  	v4 =	vand.u32 $0x7FFFFFFF, v4  }
0xa83: {  	v4 =	vmul.f32 v4, v16;
	v16 =	vld [tilespmem:$0x1FBA0]  }
0xa84: {  	v3 =	vadd.f32 v10, v3;
	v10 =	vor.u32 $0x2D, v2;
	v14 =	vld.idx.msk [tilespmem:v8+s16+$0x0], $0xffff  }
0xa85: {  	v8 =	vld.idx.msk [tilespmem:v8+s17+$0x0], $0xffff;
	v6 =	vsub.f32 v13, v6;
	_ =	sdelay $0x1  }
0xa86: {  	v6 =	vand.u32 $0x7FFFFFFF, v6  }
0xa87: {  	v6 =	vmul.f32 v6, v16;
	v16 =	vld [tilespmem:$0x1FBB0]  }
0xa88: {  	v3 =	vadd.f32 v7, v3;
	v7 =	vor.u32 $0x2E, v2;
	v12 =	vld.idx.msk [tilespmem:v10+s16+$0x0], $0xffff  }
0xa89: {  	v10 =	vld.idx.msk [tilespmem:v10+s17+$0x0], $0xffff;
	v8 =	vsub.f32 v14, v8;
	_ =	sdelay $0x1  }
0xa8a: {  	v8 =	vand.u32 $0x7FFFFFFF, v8  }
0xa8b: {  	v8 =	vmul.f32 v8, v16;
	v16 =	vld [tilespmem:$0x1FBC0]  }
0xa8c: {  	v3 =	vadd.f32 v9, v3;
	v9 =	vor.u32 $0x2F, v2;
	v13 =	vld.idx.msk [tilespmem:v7+s16+$0x0], $0xffff  }
0xa8d: {  	v7 =	vld.idx.msk [tilespmem:v7+s17+$0x0], $0xffff;
	v10 =	vsub.f32 v12, v10;
	_ =	sdelay $0x1  }
0xa8e: {  	v10 =	vand.u32 $0x7FFFFFFF, v10  }
0xa8f: {  	v10 =	vmul.f32 v10, v16;
	v16 =	vld [tilespmem:$0x1FBD0]  }
0xa90: {  	v3 =	vadd.f32 v11, v3;
	v11 =	vor.u32 $0x30, v2;
	v14 =	vld.idx.msk [tilespmem:v9+s16+$0x0], $0xffff  }
0xa91: {  	v9 =	vld.idx.msk [tilespmem:v9+s17+$0x0], $0xffff;
	v7 =	vsub.f32 v13, v7;
	_ =	sdelay $0x1  }
0xa92: {  	v7 =	vand.u32 $0x7FFFFFFF, v7  }
0xa93: {  	v7 =	vmul.f32 v7, v16;
	v16 =	vld [tilespmem:$0x1FBE0]  }
0xa94: {  	v3 =	vadd.f32 v5, v3;
	v5 =	vor.u32 $0x31, v2;
	v12 =	vld.idx.msk [tilespmem:v11+s16+$0x0], $0xffff  }
0xa95: {  	v11 =	vld.idx.msk [tilespmem:v11+s17+$0x0], $0xffff;
	v9 =	vsub.f32 v14, v9;
	_ =	sdelay $0x1  }
0xa96: {  	v9 =	vand.u32 $0x7FFFFFFF, v9  }
0xa97: {  	v9 =	vmul.f32 v9, v16;
	v16 =	vld [tilespmem:$0x1FBF0]  }
0xa98: {  	v3 =	vadd.f32 v4, v3;
	v4 =	vor.u32 $0x32, v2;
	v13 =	vld.idx.msk [tilespmem:v5+s16+$0x0], $0xffff  }
0xa99: {  	v5 =	vld.idx.msk [tilespmem:v5+s17+$0x0], $0xffff;
	v11 =	vsub.f32 v12, v11;
	_ =	sdelay $0x1  }
0xa9a: {  	v11 =	vand.u32 $0x7FFFFFFF, v11  }
0xa9b: {  	v11 =	vmul.f32 v11, v16;
	v16 =	vld [tilespmem:$0x1FC00]  }
0xa9c: {  	v3 =	vadd.f32 v6, v3;
	v6 =	vor.u32 $0x33, v2;
	v14 =	vld.idx.msk [tilespmem:v4+s16+$0x0], $0xffff  }
0xa9d: {  	v4 =	vld.idx.msk [tilespmem:v4+s17+$0x0], $0xffff;
	v5 =	vsub.f32 v13, v5;
	_ =	sdelay $0x1  }
0xa9e: {  	v5 =	vand.u32 $0x7FFFFFFF, v5  }
0xa9f: {  	v5 =	vmul.f32 v5, v16;
	v16 =	vld [tilespmem:$0x1FC10]  }
0xaa0: {  	v3 =	vadd.f32 v8, v3;
	v8 =	vor.u32 $0x34, v2;
	v12 =	vld.idx.msk [tilespmem:v6+s16+$0x0], $0xffff  }
0xaa1: {  	v6 =	vld.idx.msk [tilespmem:v6+s17+$0x0], $0xffff;
	v4 =	vsub.f32 v14, v4;
	_ =	sdelay $0x1  }
0xaa2: {  	v4 =	vand.u32 $0x7FFFFFFF, v4  }
0xaa3: {  	v4 =	vmul.f32 v4, v16;
	v16 =	vld [tilespmem:$0x1FC20]  }
0xaa4: {  	v3 =	vadd.f32 v10, v3;
	v10 =	vor.u32 $0x35, v2;
	v13 =	vld.idx.msk [tilespmem:v8+s16+$0x0], $0xffff  }
0xaa5: {  	v8 =	vld.idx.msk [tilespmem:v8+s17+$0x0], $0xffff;
	v6 =	vsub.f32 v12, v6;
	_ =	sdelay $0x1  }
0xaa6: {  	v6 =	vand.u32 $0x7FFFFFFF, v6  }
0xaa7: {  	v6 =	vmul.f32 v6, v16;
	v16 =	vld [tilespmem:$0x1FC30]  }
0xaa8: {  	v3 =	vadd.f32 v7, v3;
	v7 =	vor.u32 $0x36, v2;
	v14 =	vld.idx.msk [tilespmem:v10+s16+$0x0], $0xffff  }
0xaa9: {  	v10 =	vld.idx.msk [tilespmem:v10+s17+$0x0], $0xffff;
	v8 =	vsub.f32 v13, v8;
	_ =	sdelay $0x1  }
0xaaa: {  	v8 =	vand.u32 $0x7FFFFFFF, v8  }
0xaab: {  	v8 =	vmul.f32 v8, v16;
	v16 =	vld [tilespmem:$0x1FC40]  }
0xaac: {  	v3 =	vadd.f32 v9, v3;
	v9 =	vor.u32 $0x37, v2;
	v12 =	vld.idx.msk [tilespmem:v7+s16+$0x0], $0xffff  }
0xaad: {  	v7 =	vld.idx.msk [tilespmem:v7+s17+$0x0], $0xffff;
	v10 =	vsub.f32 v14, v10;
	_ =	sdelay $0x1  }
0xaae: {  	v10 =	vand.u32 $0x7FFFFFFF, v10  }
0xaaf: {  	v10 =	vmul.f32 v10, v16;
	v16 =	vld [tilespmem:$0x1FC50]  }
0xab0: {  	v3 =	vadd.f32 v11, v3;
	v11 =	vor.u32 $0x38, v2;
	v13 =	vld.idx.msk [tilespmem:v9+s16+$0x0], $0xffff  }
0xab1: {  	v9 =	vld.idx.msk [tilespmem:v9+s17+$0x0], $0xffff;
	v7 =	vsub.f32 v12, v7;
	_ =	sdelay $0x1  }
0xab2: {  	v7 =	vand.u32 $0x7FFFFFFF, v7  }
0xab3: {  	v7 =	vmul.f32 v7, v16;
	v16 =	vld [tilespmem:$0x1FC60]  }
0xab4: {  	v3 =	vadd.f32 v5, v3;
	v5 =	vor.u32 $0x39, v2;
	v14 =	vld.idx.msk [tilespmem:v11+s16+$0x0], $0xffff  }
0xab5: {  	v11 =	vld.idx.msk [tilespmem:v11+s17+$0x0], $0xffff;
	v9 =	vsub.f32 v13, v9;
	_ =	sdelay $0x1  }
0xab6: {  	v9 =	vand.u32 $0x7FFFFFFF, v9  }
0xab7: {  	v9 =	vmul.f32 v9, v16;
	v16 =	vld [tilespmem:$0x1FC70]  }
0xab8: {  	v3 =	vadd.f32 v4, v3;
	v4 =	vor.u32 $0x3A, v2;
	v12 =	vld.idx.msk [tilespmem:v5+s16+$0x0], $0xffff  }
0xab9: {  	v5 =	vld.idx.msk [tilespmem:v5+s17+$0x0], $0xffff;
	v11 =	vsub.f32 v14, v11;
	_ =	sdelay $0x1  }
0xaba: {  	v11 =	vand.u32 $0x7FFFFFFF, v11  }
0xabb: {  	v11 =	vmul.f32 v11, v16;
	v16 =	vld [tilespmem:$0x1FC80]  }
0xabc: {  	v3 =	vadd.f32 v6, v3;
	v6 =	vor.u32 $0x3B, v2;
	v13 =	vld.idx.msk [tilespmem:v4+s16+$0x0], $0xffff  }
0xabd: {  	v4 =	vld.idx.msk [tilespmem:v4+s17+$0x0], $0xffff;
	v5 =	vsub.f32 v12, v5;
	_ =	sdelay $0x1  }
0xabe: {  	v5 =	vand.u32 $0x7FFFFFFF, v5  }
0xabf: {  	v5 =	vmul.f32 v5, v16;
	v16 =	vld [tilespmem:$0x1FC90]  }
0xac0: {  	v3 =	vadd.f32 v8, v3;
	v8 =	vor.u32 $0x3C, v2;
	v14 =	vld.idx.msk [tilespmem:v6+s16+$0x0], $0xffff  }
0xac1: {  	v6 =	vld.idx.msk [tilespmem:v6+s17+$0x0], $0xffff;
	v4 =	vsub.f32 v13, v4;
	_ =	sdelay $0x1  }
0xac2: {  	v4 =	vand.u32 $0x7FFFFFFF, v4  }
0xac3: {  	v4 =	vmul.f32 v4, v16;
	v16 =	vld [tilespmem:$0x1FCA0]  }
0xac4: {  	v3 =	vadd.f32 v10, v3;
	v10 =	vor.u32 $0x3D, v2;
	v12 =	vld.idx.msk [tilespmem:v8+s16+$0x0], $0xffff  }
0xac5: {  	v8 =	vld.idx.msk [tilespmem:v8+s17+$0x0], $0xffff;
	v6 =	vsub.f32 v14, v6;
	_ =	sdelay $0x1  }
0xac6: {  	v6 =	vand.u32 $0x7FFFFFFF, v6  }
0xac7: {  	v6 =	vmul.f32 v6, v16;
	v16 =	vld [tilespmem:$0x1FCB0]  }
0xac8: {  	v3 =	vadd.f32 v7, v3;
	v7 =	vor.u32 $0x3E, v2;
	v13 =	vld.idx.msk [tilespmem:v10+s16+$0x0], $0xffff  }
0xac9: {  	v10 =	vld.idx.msk [tilespmem:v10+s17+$0x0], $0xffff;
	v8 =	vsub.f32 v12, v8;
	_ =	sdelay $0x1  }
0xaca: {  	v8 =	vand.u32 $0x7FFFFFFF, v8  }
0xacb: {  	v8 =	vmul.f32 v8, v16;
	v16 =	vld [tilespmem:$0x1FCC0]  }
0xacc: {  	v3 =	vadd.f32 v9, v3;
	v9 =	vor.u32 $0x3F, v2;
	v14 =	vld.idx.msk [tilespmem:v7+s16+$0x0], $0xffff  }
0xacd: {  	v7 =	vld.idx.msk [tilespmem:v7+s17+$0x0], $0xffff;
	v10 =	vsub.f32 v13, v10;
	_ =	sdelay $0x1  }
0xace: {  	v10 =	vand.u32 $0x7FFFFFFF, v10  }
0xacf: {  	v10 =	vmul.f32 v10, v16;
	v16 =	vld [tilespmem:$0x1FCD0]  }
0xad0: {  	v3 =	vadd.f32 v11, v3;
	v11 =	vor.u32 $0x40, v2;
	v12 =	vld.idx.msk [tilespmem:v9+s16+$0x0], $0xffff  }
0xad1: {  	v9 =	vld.idx.msk [tilespmem:v9+s17+$0x0], $0xffff;
	v7 =	vsub.f32 v14, v7;
	_ =	sdelay $0x1  }
0xad2: {  	v7 =	vand.u32 $0x7FFFFFFF, v7  }
0xad3: {  	v7 =	vmul.f32 v7, v16;
	v16 =	vld [tilespmem:$0x1FCE0]  }
0xad4: {  	v3 =	vadd.f32 v5, v3;
	v5 =	vor.u32 $0x41, v2;
	v13 =	vld.idx.msk [tilespmem:v11+s16+$0x0], $0xffff  }
0xad5: {  	v11 =	vld.idx.msk [tilespmem:v11+s17+$0x0], $0xffff;
	v9 =	vsub.f32 v12, v9;
	_ =	sdelay $0x1  }
0xad6: {  	v9 =	vand.u32 $0x7FFFFFFF, v9  }
0xad7: {  	v9 =	vmul.f32 v9, v16;
	v16 =	vld [tilespmem:$0x1FCF0]  }
0xad8: {  	v3 =	vadd.f32 v4, v3;
	v4 =	vor.u32 $0x42, v2;
	v14 =	vld.idx.msk [tilespmem:v5+s16+$0x0], $0xffff  }
0xad9: {  	v5 =	vld.idx.msk [tilespmem:v5+s17+$0x0], $0xffff;
	v11 =	vsub.f32 v13, v11;
	_ =	sdelay $0x1  }
0xada: {  	v11 =	vand.u32 $0x7FFFFFFF, v11  }
0xadb: {  	v11 =	vmul.f32 v11, v16;
	v16 =	vld [tilespmem:$0x1FD00]  }
0xadc: {  	v3 =	vadd.f32 v6, v3;
	v6 =	vor.u32 $0x43, v2;
	v12 =	vld.idx.msk [tilespmem:v4+s16+$0x0], $0xffff  }
0xadd: {  	v4 =	vld.idx.msk [tilespmem:v4+s17+$0x0], $0xffff;
	v5 =	vsub.f32 v14, v5;
	_ =	sdelay $0x1  }
0xade: {  	v5 =	vand.u32 $0x7FFFFFFF, v5  }
0xadf: {  	v5 =	vmul.f32 v5, v16;
	v16 =	vld [tilespmem:$0x1FD10]  }
0xae0: {  	v3 =	vadd.f32 v8, v3;
	v8 =	vor.u32 $0x44, v2;
	v13 =	vld.idx.msk [tilespmem:v6+s16+$0x0], $0xffff  }
0xae1: {  	v6 =	vld.idx.msk [tilespmem:v6+s17+$0x0], $0xffff;
	v4 =	vsub.f32 v12, v4;
	_ =	sdelay $0x1  }
0xae2: {  	v4 =	vand.u32 $0x7FFFFFFF, v4  }
0xae3: {  	v4 =	vmul.f32 v4, v16;
	v16 =	vld [tilespmem:$0x1FD20]  }
0xae4: {  	v3 =	vadd.f32 v10, v3;
	v10 =	vor.u32 $0x45, v2;
	v14 =	vld.idx.msk [tilespmem:v8+s16+$0x0], $0xffff  }
0xae5: {  	v8 =	vld.idx.msk [tilespmem:v8+s17+$0x0], $0xffff;
	v6 =	vsub.f32 v13, v6;
	_ =	sdelay $0x1  }
0xae6: {  	v6 =	vand.u32 $0x7FFFFFFF, v6  }
0xae7: {  	v6 =	vmul.f32 v6, v16;
	v16 =	vld [tilespmem:$0x1FD30]  }
0xae8: {  	v3 =	vadd.f32 v7, v3;
	v7 =	vor.u32 $0x46, v2;
	v12 =	vld.idx.msk [tilespmem:v10+s16+$0x0], $0xffff  }
0xae9: {  	v10 =	vld.idx.msk [tilespmem:v10+s17+$0x0], $0xffff;
	v8 =	vsub.f32 v14, v8;
	_ =	sdelay $0x1  }
0xaea: {  	v8 =	vand.u32 $0x7FFFFFFF, v8  }
0xaeb: {  	v8 =	vmul.f32 v8, v16;
	v16 =	vld [tilespmem:$0x1FD40]  }
0xaec: {  	v3 =	vadd.f32 v9, v3;
	v9 =	vor.u32 $0x47, v2;
	v13 =	vld.idx.msk [tilespmem:v7+s16+$0x0], $0xffff  }
0xaed: {  	v7 =	vld.idx.msk [tilespmem:v7+s17+$0x0], $0xffff;
	v10 =	vsub.f32 v12, v10;
	_ =	sdelay $0x1  }
0xaee: {  	v10 =	vand.u32 $0x7FFFFFFF, v10  }
0xaef: {  	v10 =	vmul.f32 v10, v16;
	v16 =	vld [tilespmem:$0x1FD50]  }
0xaf0: {  	v3 =	vadd.f32 v11, v3;
	v11 =	vor.u32 $0x48, v2;
	v14 =	vld.idx.msk [tilespmem:v9+s16+$0x0], $0xffff  }
0xaf1: {  	v9 =	vld.idx.msk [tilespmem:v9+s17+$0x0], $0xffff;
	v7 =	vsub.f32 v13, v7;
	_ =	sdelay $0x1  }
0xaf2: {  	v7 =	vand.u32 $0x7FFFFFFF, v7  }
0xaf3: {  	v7 =	vmul.f32 v7, v16;
	v16 =	vld [tilespmem:$0x1FD60]  }
0xaf4: {  	v3 =	vadd.f32 v5, v3;
	v5 =	vor.u32 $0x49, v2;
	v12 =	vld.idx.msk [tilespmem:v11+s16+$0x0], $0xffff  }
0xaf5: {  	v11 =	vld.idx.msk [tilespmem:v11+s17+$0x0], $0xffff;
	v9 =	vsub.f32 v14, v9;
	_ =	sdelay $0x1  }
0xaf6: {  	v9 =	vand.u32 $0x7FFFFFFF, v9  }
0xaf7: {  	v9 =	vmul.f32 v9, v16;
	v16 =	vld [tilespmem:$0x1FD70]  }
0xaf8: {  	v3 =	vadd.f32 v4, v3;
	v4 =	vor.u32 $0x4A, v2;
	v13 =	vld.idx.msk [tilespmem:v5+s16+$0x0], $0xffff  }
0xaf9: {  	v5 =	vld.idx.msk [tilespmem:v5+s17+$0x0], $0xffff;
	v11 =	vsub.f32 v12, v11;
	_ =	sdelay $0x1  }
0xafa: {  	v11 =	vand.u32 $0x7FFFFFFF, v11  }
0xafb: {  	v11 =	vmul.f32 v11, v16;
	v16 =	vld [tilespmem:$0x1FD80]  }
0xafc: {  	v3 =	vadd.f32 v6, v3;
	v6 =	vor.u32 $0x4B, v2;
	v14 =	vld.idx.msk [tilespmem:v4+s16+$0x0], $0xffff  }
0xafd: {  	v4 =	vld.idx.msk [tilespmem:v4+s17+$0x0], $0xffff;
	v5 =	vsub.f32 v13, v5;
	_ =	sdelay $0x1  }
0xafe: {  	v5 =	vand.u32 $0x7FFFFFFF, v5  }
0xaff: {  	v5 =	vmul.f32 v5, v16;
	v16 =	vld [tilespmem:$0x1FD90]  }
0xb00: {  	v3 =	vadd.f32 v8, v3;
	v8 =	vor.u32 $0x4C, v2;
	v12 =	vld.idx.msk [tilespmem:v6+s16+$0x0], $0xffff  }
0xb01: {  	v6 =	vld.idx.msk [tilespmem:v6+s17+$0x0], $0xffff;
	v4 =	vsub.f32 v14, v4;
	_ =	sdelay $0x1  }
0xb02: {  	v4 =	vand.u32 $0x7FFFFFFF, v4  }
0xb03: {  	v4 =	vmul.f32 v4, v16;
	v16 =	vld [tilespmem:$0x1FDA0]  }
0xb04: {  	v3 =	vadd.f32 v10, v3;
	v10 =	vor.u32 $0x4D, v2;
	v13 =	vld.idx.msk [tilespmem:v8+s16+$0x0], $0xffff  }
0xb05: {  	v8 =	vld.idx.msk [tilespmem:v8+s17+$0x0], $0xffff;
	v6 =	vsub.f32 v12, v6;
	_ =	sdelay $0x1  }
0xb06: {  	v6 =	vand.u32 $0x7FFFFFFF, v6  }
0xb07: {  	v6 =	vmul.f32 v6, v16;
	v16 =	vld [tilespmem:$0x1FDB0]  }
0xb08: {  	v3 =	vadd.f32 v7, v3;
	v7 =	vor.u32 $0x4E, v2;
	v14 =	vld.idx.msk [tilespmem:v10+s16+$0x0], $0xffff  }
0xb09: {  	v10 =	vld.idx.msk [tilespmem:v10+s17+$0x0], $0xffff;
	v8 =	vsub.f32 v13, v8;
	_ =	sdelay $0x1  }
0xb0a: {  	v8 =	vand.u32 $0x7FFFFFFF, v8;
	v3 =	vadd.f32 v9, v3;
	v9 =	vor.u32 $0x4F, v2  }
0xb0b: {  	v8 =	vmul.f32 v8, v16;
	v16 =	vld [tilespmem:$0x1FDC0]  }
0xb0c: {  	v12 =	vld.idx.msk [tilespmem:v7+s16+$0x0], $0xffff  }
0xb0d: {  	v7 =	vld.idx.msk [tilespmem:v7+s17+$0x0], $0xffff;
	v10 =	vsub.f32 v14, v10;
	v3 =	vadd.f32 v11, v3;
	v11 =	vor.u32 $0x50, v2;
	_ =	sdelay $0x1  }
0xb0e: {  	v10 =	vand.u32 $0x7FFFFFFF, v10;
	v13 =	vld.idx.msk [tilespmem:v9+s16+$0x0], $0xffff;
	v3 =	vadd.f32 v5, v3;
	v5 =	vor.u32 $0x51, v2  }
0xb0f: {  	v10 =	vmul.f32 v10, v16;
	v16 =	vld [tilespmem:$0x1FDD0]  }
0xb10: {  	v9 =	vld.idx.msk [tilespmem:v9+s17+$0x0], $0xffff  }
0xb11: {  	v7 =	vsub.f32 v12, v7;
	v14 =	vld.idx.msk [tilespmem:v11+s16+$0x0], $0xffff;
	v3 =	vadd.f32 v4, v3;
	v4 =	vor.u32 $0x52, v2  }
0xb12: {  	v11 =	vld.idx.msk [tilespmem:v11+s17+$0x0], $0xffff  }
0xb13: {  	v7 =	vand.u32 $0x7FFFFFFF, v7;
	v12 =	vld.idx.msk [tilespmem:v5+s16+$0x0], $0xffff;
	v3 =	vadd.f32 v6, v3;
	v6 =	vor.u32 $0x53, v2  }
0xb14: {  	v7 =	vmul.f32 v7, v16;
	v16 =	vld [tilespmem:$0x1FDE0]  }
0xb15: {  	v5 =	vld.idx.msk [tilespmem:v5+s17+$0x0], $0xffff;
	v3 =	vadd.f32 v8, v3;
	v8 =	vor.u32 $0x54, v2  }
0xb16: {  	v9 =	vsub.f32 v13, v9;
	v13 =	vld.idx.msk [tilespmem:v4+s16+$0x0], $0xffff  }
0xb17: {  	v4 =	vld.idx.msk [tilespmem:v4+s17+$0x0], $0xffff;
	v3 =	vadd.f32 v10, v3;
	v10 =	vor.u32 $0x55, v2  }
0xb18: {  	v9 =	vand.u32 $0x7FFFFFFF, v9;
	v11 =	vsub.f32 v14, v11;
	v14 =	vld.idx.msk [tilespmem:v6+s16+$0x0], $0xffff  }
0xb19: {  	v6 =	vld.idx.msk [tilespmem:v6+s17+$0x0], $0xffff;
	v3 =	vadd.f32 v7, v3;
	v7 =	vor.u32 $0x56, v2;
	v9 =	vmul.f32 v9, v16  }
0xb1a: {  	v11 =	vand.u32 $0x7FFFFFFF, v11;
	v5 =	vsub.f32 v12, v5;
	v12 =	vld.idx.msk [tilespmem:v8+s16+$0x0], $0xffff  }
0xb1b: {  	v11 =	vmul.f32 v11, v25;
	v8 =	vld.idx.msk [tilespmem:v8+s17+$0x0], $0xffff;
	v3 =	vadd.f32 v9, v3;
	v9 =	vor.u32 $0x57, v2  }
0xb1c: {  	v5 =	vand.u32 $0x7FFFFFFF, v5;
	v4 =	vsub.f32 v13, v4;
	v13 =	vld.idx.msk [tilespmem:v10+s16+$0x0], $0xffff  }
0xb1d: {  	v5 =	vmul.f32 v5, v34;
	v10 =	vld.idx.msk [tilespmem:v10+s17+$0x0], $0xffff;
	v3 =	vadd.f32 v11, v3;
	v11 =	vor.u32 $0x58, v2  }
0xb1e: {  	v4 =	vand.u32 $0x7FFFFFFF, v4;
	v6 =	vsub.f32 v14, v6;
	v14 =	vld.idx.msk [tilespmem:v7+s16+$0x0], $0xffff  }
0xb1f: {  	v4 =	vmul.f32 v4, v21;
	v7 =	vld.idx.msk [tilespmem:v7+s17+$0x0], $0xffff;
	v3 =	vadd.f32 v5, v3;
	v5 =	vor.u32 $0x59, v2  }
0xb20: {  	v6 =	vand.u32 $0x7FFFFFFF, v6;
	v8 =	vsub.f32 v12, v8;
	v12 =	vld.idx.msk [tilespmem:v9+s16+$0x0], $0xffff  }
0xb21: {  	v6 =	vmul.f32 v6, v35;
	v9 =	vld.idx.msk [tilespmem:v9+s17+$0x0], $0xffff;
	v3 =	vadd.f32 v4, v3;
	v4 =	vor.u32 $0x5A, v2  }
0xb22: {  	v8 =	vand.u32 $0x7FFFFFFF, v8;
	v10 =	vsub.f32 v13, v10;
	v13 =	vld.idx.msk [tilespmem:v11+s16+$0x0], $0xffff  }
0xb23: {  	v8 =	vmul.f32 v8, v26;
	v11 =	vld.idx.msk [tilespmem:v11+s17+$0x0], $0xffff;
	v3 =	vadd.f32 v6, v3;
	v6 =	vor.u32 $0x5B, v2  }
0xb24: {  	v10 =	vand.u32 $0x7FFFFFFF, v10;
	v7 =	vsub.f32 v14, v7;
	v14 =	vld.idx.msk [tilespmem:v5+s16+$0x0], $0xffff  }
0xb25: {  	v10 =	vmul.f32 v10, v36;
	v5 =	vld.idx.msk [tilespmem:v5+s17+$0x0], $0xffff;
	v3 =	vadd.f32 v8, v3;
	v8 =	vor.u32 $0x5C, v2  }
0xb26: {  	v7 =	vand.u32 $0x7FFFFFFF, v7;
	v9 =	vsub.f32 v12, v9;
	v12 =	vld.idx.msk [tilespmem:v4+s16+$0x0], $0xffff  }
0xb27: {  	v7 =	vmul.f32 v7, v19;
	v4 =	vld.idx.msk [tilespmem:v4+s17+$0x0], $0xffff;
	v3 =	vadd.f32 v10, v3;
	v10 =	vor.u32 $0x5D, v2  }
0xb28: {  	v11 =	vsub.f32 v13, v11;
	v9 =	vand.u32 $0x7FFFFFFF, v9;
	v13 =	vld.idx.msk [tilespmem:v6+s16+$0x0], $0xffff  }
0xb29: {  	v6 =	vld.idx.msk [tilespmem:v6+s17+$0x0], $0xffff;
	v9 =	vmul.f32 v9, v37;
	v3 =	vadd.f32 v7, v3;
	v7 =	vor.u32 $0x5E, v2  }
0xb2a: {  	v5 =	vsub.f32 v14, v5;
	v11 =	vand.u32 $0x7FFFFFFF, v11;
	v14 =	vld.idx.msk [tilespmem:v8+s16+$0x0], $0xffff  }
0xb2b: {  	v8 =	vld.idx.msk [tilespmem:v8+s17+$0x0], $0xffff;
	v11 =	vmul.f32 v11, v27;
	v3 =	vadd.f32 v9, v3;
	v9 =	vor.u32 $0x5F, v2  }
0xb2c: {  	v4 =	vsub.f32 v12, v4;
	v5 =	vand.u32 $0x7FFFFFFF, v5;
	v12 =	vld.idx.msk [tilespmem:v10+s16+$0x0], $0xffff  }
0xb2d: {  	v10 =	vld.idx.msk [tilespmem:v10+s17+$0x0], $0xffff;
	v5 =	vmul.f32 v5, v38;
	v3 =	vadd.f32 v11, v3;
	v11 =	vor.u32 $0x60, v2  }
0xb2e: {  	v6 =	vsub.f32 v13, v6;
	v4 =	vand.u32 $0x7FFFFFFF, v4;
	v13 =	vld.idx.msk [tilespmem:v7+s16+$0x0], $0xffff  }
0xb2f: {  	v7 =	vld.idx.msk [tilespmem:v7+s17+$0x0], $0xffff;
	v4 =	vmul.f32 v4, v22;
	v3 =	vadd.f32 v5, v3;
	v5 =	vor.u32 $0x61, v2  }
0xb30: {  	v8 =	vsub.f32 v14, v8;
	v6 =	vand.u32 $0x7FFFFFFF, v6;
	v14 =	vld.idx.msk [tilespmem:v9+s16+$0x0], $0xffff  }
0xb31: {  	v9 =	vld.idx.msk [tilespmem:v9+s17+$0x0], $0xffff;
	v6 =	vmul.f32 v6, v28;
	v3 =	vadd.f32 v4, v3;
	v4 =	vor.u32 $0x62, v2  }
0xb32: {  	v10 =	vsub.f32 v12, v10;
	v8 =	vand.u32 $0x7FFFFFFF, v8;
	v12 =	vld.idx.msk [tilespmem:v11+s16+$0x0], $0xffff  }
0xb33: {  	v11 =	vld.idx.msk [tilespmem:v11+s17+$0x0], $0xffff;
	v8 =	vmul.f32 v8, v39;
	v3 =	vadd.f32 v6, v3;
	v6 =	vor.u32 $0x63, v2  }
0xb34: {  	v7 =	vsub.f32 v13, v7;
	v10 =	vand.u32 $0x7FFFFFFF, v10;
	v13 =	vld.idx.msk [tilespmem:v5+s16+$0x0], $0xffff  }
0xb35: {  	v5 =	vld.idx.msk [tilespmem:v5+s17+$0x0], $0xffff;
	v10 =	vmul.f32 v10, v40;
	v3 =	vadd.f32 v8, v3;
	v8 =	vor.u32 $0x64, v2  }
0xb36: {  	v9 =	vsub.f32 v14, v9;
	v7 =	vand.u32 $0x7FFFFFFF, v7;
	v14 =	vld.idx.msk [tilespmem:v4+s16+$0x0], $0xffff  }
0xb37: {  	v4 =	vld.idx.msk [tilespmem:v4+s17+$0x0], $0xffff;
	v7 =	vmul.f32 v7, v18;
	v3 =	vadd.f32 v10, v3;
	v10 =	vor.u32 $0x65, v2  }
0xb38: {  	v11 =	vsub.f32 v12, v11;
	v9 =	vand.u32 $0x7FFFFFFF, v9;
	v12 =	vld.idx.msk [tilespmem:v6+s16+$0x0], $0xffff  }
0xb39: {  	v6 =	vld.idx.msk [tilespmem:v6+s17+$0x0], $0xffff;
	v9 =	vmul.f32 v9, v41;
	v3 =	vadd.f32 v7, v3;
	v7 =	vor.u32 $0x66, v2  }
0xb3a: {  	v5 =	vsub.f32 v13, v5;
	v11 =	vand.u32 $0x7FFFFFFF, v11;
	v13 =	vld.idx.msk [tilespmem:v8+s16+$0x0], $0xffff  }
0xb3b: {  	v8 =	vld.idx.msk [tilespmem:v8+s17+$0x0], $0xffff;
	v11 =	vmul.f32 v11, v29;
	v3 =	vadd.f32 v9, v3;
	v9 =	vor.u32 $0x67, v2  }
0xb3c: {  	v4 =	vsub.f32 v14, v4;
	v5 =	vand.u32 $0x7FFFFFFF, v5;
	v14 =	vld.idx.msk [tilespmem:v10+s16+$0x0], $0xffff  }
0xb3d: {  	v10 =	vld.idx.msk [tilespmem:v10+s17+$0x0], $0xffff;
	v5 =	vmul.f32 v5, v42;
	v3 =	vadd.f32 v11, v3;
	v11 =	vor.u32 $0x68, v2  }
0xb3e: {  	v6 =	vsub.f32 v12, v6;
	v4 =	vand.u32 $0x7FFFFFFF, v4;
	v12 =	vld.idx.msk [tilespmem:v7+s16+$0x0], $0xffff  }
0xb3f: {  	v7 =	vld.idx.msk [tilespmem:v7+s17+$0x0], $0xffff;
	v4 =	vmul.f32 v4, v20;
	v3 =	vadd.f32 v5, v3;
	v5 =	vor.u32 $0x69, v2  }
0xb40: {  	v8 =	vsub.f32 v13, v8;
	v6 =	vand.u32 $0x7FFFFFFF, v6;
	v13 =	vld.idx.msk [tilespmem:v9+s16+$0x0], $0xffff  }
0xb41: {  	v9 =	vld.idx.msk [tilespmem:v9+s17+$0x0], $0xffff;
	v6 =	vmul.f32 v6, v43;
	v3 =	vadd.f32 v4, v3;
	v4 =	vor.u32 $0x6A, v2  }
0xb42: {  	v10 =	vsub.f32 v14, v10;
	v8 =	vand.u32 $0x7FFFFFFF, v8;
	v14 =	vld.idx.msk [tilespmem:v11+s16+$0x0], $0xffff  }
0xb43: {  	v11 =	vld.idx.msk [tilespmem:v11+s17+$0x0], $0xffff;
	v8 =	vmul.f32 v8, v30;
	v3 =	vadd.f32 v6, v3;
	v6 =	vor.u32 $0x6B, v2  }
0xb44: {  	v7 =	vsub.f32 v12, v7;
	v10 =	vand.u32 $0x7FFFFFFF, v10;
	v12 =	vld.idx.msk [tilespmem:v5+s16+$0x0], $0xffff  }
0xb45: {  	v5 =	vld.idx.msk [tilespmem:v5+s17+$0x0], $0xffff;
	v10 =	vmul.f32 v10, v44;
	v3 =	vadd.f32 v8, v3;
	v8 =	vor.u32 $0x6C, v2  }
0xb46: {  	v9 =	vsub.f32 v13, v9;
	v7 =	vand.u32 $0x7FFFFFFF, v7;
	v13 =	vld.idx.msk [tilespmem:v4+s16+$0x0], $0xffff  }
0xb47: {  	v4 =	vld.idx.msk [tilespmem:v4+s17+$0x0], $0xffff;
	v7 =	vmul.f32 v7, v23;
	v3 =	vadd.f32 v10, v3;
	v10 =	vor.u32 $0x6D, v2  }
0xb48: {  	v11 =	vsub.f32 v14, v11;
	v9 =	vand.u32 $0x7FFFFFFF, v9;
	v14 =	vld.idx.msk [tilespmem:v6+s16+$0x0], $0xffff  }
0xb49: {  	v6 =	vld.idx.msk [tilespmem:v6+s17+$0x0], $0xffff;
	v9 =	vmul.f32 v9, v45;
	v3 =	vadd.f32 v7, v3;
	v7 =	vor.u32 $0x6E, v2  }
0xb4a: {  	v5 =	vsub.f32 v12, v5;
	v11 =	vand.u32 $0x7FFFFFFF, v11;
	v12 =	vld.idx.msk [tilespmem:v8+s16+$0x0], $0xffff  }
0xb4b: {  	v8 =	vld.idx.msk [tilespmem:v8+s17+$0x0], $0xffff;
	v11 =	vmul.f32 v11, v31;
	v3 =	vadd.f32 v9, v3;
	v9 =	vor.u32 $0x6F, v2  }
0xb4c: {  	v4 =	vsub.f32 v13, v4;
	v5 =	vand.u32 $0x7FFFFFFF, v5;
	v13 =	vld.idx.msk [tilespmem:v10+s16+$0x0], $0xffff  }
0xb4d: {  	v10 =	vld.idx.msk [tilespmem:v10+s17+$0x0], $0xffff;
	v5 =	vmul.f32 v5, v46;
	v3 =	vadd.f32 v11, v3;
	v11 =	vor.u32 $0x70, v2  }
0xb4e: {  	v6 =	vsub.f32 v14, v6;
	v4 =	vand.u32 $0x7FFFFFFF, v4;
	v14 =	vld.idx.msk [tilespmem:v7+s16+$0x0], $0xffff  }
0xb4f: {  	v7 =	vld.idx.msk [tilespmem:v7+s17+$0x0], $0xffff;
	v4 =	vmul.f32 v4, v24;
	v3 =	vadd.f32 v5, v3;
	v5 =	vor.u32 $0x71, v2  }
0xb50: {  	v8 =	vsub.f32 v12, v8;
	v6 =	vand.u32 $0x7FFFFFFF, v6;
	v12 =	vld.idx.msk [tilespmem:v9+s16+$0x0], $0xffff  }
0xb51: {  	v9 =	vld.idx.msk [tilespmem:v9+s17+$0x0], $0xffff;
	v6 =	vmul.f32 v6, v47;
	v3 =	vadd.f32 v4, v3;
	v4 =	vor.u32 $0x72, v2  }
0xb52: {  	v10 =	vsub.f32 v13, v10;
	v8 =	vand.u32 $0x7FFFFFFF, v8;
	v13 =	vld.idx.msk [tilespmem:v11+s16+$0x0], $0xffff  }
0xb53: {  	v11 =	vld.idx.msk [tilespmem:v11+s17+$0x0], $0xffff;
	v8 =	vmul.f32 v8, v32;
	v3 =	vadd.f32 v6, v3;
	v6 =	vor.u32 $0x73, v2  }
0xb54: {  	v7 =	vsub.f32 v14, v7;
	v10 =	vand.u32 $0x7FFFFFFF, v10;
	v14 =	vld.idx.msk [tilespmem:v5+s16+$0x0], $0xffff  }
0xb55: {  	v5 =	vld.idx.msk [tilespmem:v5+s17+$0x0], $0xffff;
	v10 =	vmul.f32 v10, v48;
	v3 =	vadd.f32 v8, v3;
	v8 =	vor.u32 $0x74, v2  }
0xb56: {  	v9 =	vsub.f32 v12, v9;
	v7 =	vand.u32 $0x7FFFFFFF, v7;
	v12 =	vld.idx.msk [tilespmem:v4+s16+$0x0], $0xffff  }
0xb57: {  	v4 =	vld.idx.msk [tilespmem:v4+s17+$0x0], $0xffff;
	v7 =	vmul.f32 v7, v17;
	v3 =	vadd.f32 v10, v3;
	v10 =	vor.u32 $0x75, v2  }
0xb58: {  	v11 =	vsub.f32 v13, v11;
	v9 =	vand.u32 $0x7FFFFFFF, v9;
	v13 =	vld.idx.msk [tilespmem:v6+s16+$0x0], $0xffff  }
0xb59: {  	v6 =	vld.idx.msk [tilespmem:v6+s17+$0x0], $0xffff;
	v9 =	vmul.f32 v9, v49;
	v3 =	vadd.f32 v7, v3;
	v7 =	vor.u32 $0x76, v2  }
0xb5a: {  	v5 =	vsub.f32 v14, v5;
	v11 =	vand.u32 $0x7FFFFFFF, v11;
	v14 =	vld.idx.msk [tilespmem:v8+s16+$0x0], $0xffff  }
0xb5b: {  	v8 =	vld.idx.msk [tilespmem:v8+s17+$0x0], $0xffff;
	v11 =	vmul.f32 v11, v33;
	v3 =	vadd.f32 v9, v3;
	v9 =	vor.u32 $0x77, v2  }
0xb5c: {  	v4 =	vsub.f32 v12, v4;
	v5 =	vand.u32 $0x7FFFFFFF, v5;
	v12 =	vld.idx.msk [tilespmem:v10+s16+$0x0], $0xffff  }
0xb5d: {  	v10 =	vld.idx.msk [tilespmem:v10+s17+$0x0], $0xffff;
	v5 =	vmul.f32 v5, v50;
	v3 =	vadd.f32 v11, v3;
	v11 =	vor.u32 $0x78, v2  }
0xb5e: {  	v6 =	vsub.f32 v13, v6;
	v4 =	vand.u32 $0x7FFFFFFF, v4;
	v13 =	vld.idx.msk [tilespmem:v7+s16+$0x0], $0xffff  }
0xb5f: {  	v7 =	vld.idx.msk [tilespmem:v7+s17+$0x0], $0xffff;
	v4 =	vmul.f32 v4, v51;
	v3 =	vadd.f32 v5, v3;
	v5 =	vor.u32 $0x79, v2  }
0xb60: {  	v8 =	vsub.f32 v14, v8;
	v6 =	vand.u32 $0x7FFFFFFF, v6;
	v14 =	vld.idx.msk [tilespmem:v9+s16+$0x0], $0xffff  }
0xb61: {  	v9 =	vld.idx.msk [tilespmem:v9+s17+$0x0], $0xffff;
	v6 =	vmul.f32 v6, v52;
	v3 =	vadd.f32 v4, v3;
	v4 =	vor.u32 $0x7A, v2  }
0xb62: {  	v10 =	vsub.f32 v12, v10;
	v8 =	vand.u32 $0x7FFFFFFF, v8;
	v12 =	vld.idx.msk [tilespmem:v11+s16+$0x0], $0xffff  }
0xb63: {  	v11 =	vld.idx.msk [tilespmem:v11+s17+$0x0], $0xffff;
	v8 =	vmul.f32 v8, v53;
	v3 =	vadd.f32 v6, v3;
	v6 =	vor.u32 $0x7B, v2  }
0xb64: {  	v7 =	vsub.f32 v13, v7;
	v10 =	vand.u32 $0x7FFFFFFF, v10;
	v13 =	vld.idx.msk [tilespmem:v5+s16+$0x0], $0xffff  }
0xb65: {  	v5 =	vld.idx.msk [tilespmem:v5+s17+$0x0], $0xffff;
	v10 =	vmul.f32 v10, v54;
	v3 =	vadd.f32 v8, v3;
	v8 =	vor.u32 $0x7C, v2  }
0xb66: {  	v9 =	vsub.f32 v14, v9;
	v7 =	vand.u32 $0x7FFFFFFF, v7;
	v14 =	vld.idx.msk [tilespmem:v4+s16+$0x0], $0xffff  }
0xb67: {  	v4 =	vld.idx.msk [tilespmem:v4+s17+$0x0], $0xffff;
	v7 =	vmul.f32 v7, v55;
	v3 =	vadd.f32 v10, v3;
	v10 =	vor.u32 $0x7D, v2  }
0xb68: {  	v11 =	vsub.f32 v12, v11;
	v9 =	vand.u32 $0x7FFFFFFF, v9;
	v12 =	vld.idx.msk [tilespmem:v6+s16+$0x0], $0xffff  }
0xb69: {  	v6 =	vld.idx.msk [tilespmem:v6+s17+$0x0], $0xffff;
	v9 =	vmul.f32 v9, v56;
	v3 =	vadd.f32 v7, v3;
	v7 =	vor.u32 $0x7E, v2  }
0xb6a: {  	v5 =	vsub.f32 v13, v5;
	v11 =	vand.u32 $0x7FFFFFFF, v11;
	v13 =	vld.idx.msk [tilespmem:v8+s16+$0x0], $0xffff  }
0xb6b: {  	v2 =	vor.u32 $0x7F, v2;
	v8 =	vld.idx.msk [tilespmem:v8+s17+$0x0], $0xffff;
	v3 =	vadd.f32 v9, v3;
	v9 =	vmul.f32 v11, v57  }
0xb6c: {  	v4 =	vsub.f32 v14, v4;
	v5 =	vand.u32 $0x7FFFFFFF, v5;
	v11 =	vld.idx.msk [tilespmem:v10+s16+$0x0], $0xffff  }
0xb6d: {  	v5 =	vmul.f32 v5, v58;
	v3 =	vadd.f32 v9, v3;
	v9 =	vld.idx.msk [tilespmem:v10+s17+$0x0], $0xffff  }
0xb6e: {  	v6 =	vsub.f32 v12, v6;
	v4 =	vand.u32 $0x7FFFFFFF, v4;
	v10 =	vld.idx.msk [tilespmem:v7+s16+$0x0], $0xffff  }
0xb6f: {  	v4 =	vmul.f32 v4, v59;
	v3 =	vadd.f32 v5, v3;
	v5 =	vld.idx.msk [tilespmem:v7+s17+$0x0], $0xffff  }
0xb70: {  	v7 =	vsub.f32 v13, v8;
	v8 =	vld.idx.msk [tilespmem:v2+s16+$0x0], $0xffff;
	v6 =	vand.u32 $0x7FFFFFFF, v6  }
0xb71: {  	v2 =	vld.idx.msk [tilespmem:v2+s17+$0x0], $0xffff;
	v3 =	vadd.f32 v4, v3;
	v4 =	vmul.f32 v6, v60  }
0xb72: {  	v7 =	vand.u32 $0x7FFFFFFF, v7;
	v11 =	vsub.f32 v11, v9  }
0xb73: {  	v9 =	vmul.f32 v7, v61;
	v3 =	vadd.f32 v4, v3  }
0xb74: {  	v5 =	vsub.f32 v10, v5;
	v6 =	vand.u32 $0x7FFFFFFF, v11  }
0xb75: {  	v3 =	vadd.f32 v9, v3;
	v10 =	vmul.f32 v6, v62  }
0xb76: {  	v2 =	vsub.f32 v8, v2;
	v5 =	vand.u32 $0x7FFFFFFF, v5  }
0xb77: {  	v3 =	vadd.f32 v10, v3;
	v11 =	vmul.f32 v5, v63  }
0xb78: {  	v2 =	vand.u32 $0x7FFFFFFF, v2  }
0xb79: {  	v2 =	vmul.f32 v2, v0;
	v3 =	vadd.f32 v11, v3;
	_ =	sdelay $0x1  }
0xb7a: {  	s22 =	sadd.s32 $0x1, s22;
	v2 =	vadd.f32 v2, v3  }
0xb7b: {  	p0 =	sne.s32 s22, $0x7D;
	s24 =	sadd.s32 $0x10, s24  }
.Ltmp1:
0xb7c: {  	s23 =	sadd.s32 s8, s23;
	[tilespmem:s24+$0x0] =	vst v2;
	(pc) =	sbr.rel @p0 .LBB2_2-.Ltmp1, $4  }
0xb7d: {  	[hbm4b:s23+s6] =	stream.linear.scatter [tilespmem:s20], [sflag:$0x3], $0x50, $0x38;
	[tilespmem:$0x5280] =	vst v63  }
0xb7e: {  	_ =	swait.ge [sflag:s12], $0x50  }
0xb7f: {  	[sflag:s12] =	ssyncset.done $0x0  }
0xb80: {  	[sflag:s12] =	ssyncadd.s32 $0xFFFFFFB0  }
0xb81: {  	s21 =	sadd.s32 $0x1, s21  }
0xb82: {  	p0 =	sne.s32 s21, s10  }
.Ltmp2:
0xb83: {  	_ = 	snop;
	(pc) =	sbr.rel @p0 .LBB2_1-.Ltmp2, $1  }
0xb84: {  	_ =	sdelay $0x3  }
0xb85: {  	_ =	sfence.sel $0x180000  }
0xb86: {  	[bflag:$0x0] =	sbarrier.arrive $0xFFFF  }
0xb87: {  	p0 =	sne.s32 s5, $0x0;
	_ =	strace $0x90000047  }
0xb88: {  	s0 =	sadd.s32 @!p0 $0x100000, s0;
	[bflag:$0x2] =	sbarrier.arrive $0xFFFF  }
0xb89: {  	[sflag:s0] =	ssyncadd.tile.s32 @!p0 $0x1;
	_ =	shalt  }
.Lfunc_end2:
_tile_overlayer_lowered:
.L_overlay_start_2:
0xb8a: {  	(tag) =	ssettag $0x2  }
0xb8b: {  	s0 =	rddreg [dreg:$0x0];
	s2 =	stileid.u32  }
0xb8c: {  	s1 =	rddreg [dreg:$0x1];
	p0 =	sne.s32 s2, $0x0  }
0xb8d: {  	s3 =	rddreg [dreg:$0x2];
	[bflag:$0x3] =	sbarrier.arrive $0xFFFF;
	s2 =	simm.s32 @!p0 $0x1C03  }
0xb8e: {  	[timem:s3], [sflag:s2] =	dma.local @!p0 [hbm:s0], s1  }
0xb8f: {  	s0 =	simm.s32 @!p0 $0x3  }
0xb90: {  	_ =	swait.ge @!p0 [sflag:s0], s1  }
0xb91: {  	s1 =	ssub.s32 @!p0 $0x0, s1;
	[sflag:s0] =	ssyncset.done @!p0 $0x0  }
0xb92: {  	[sflag:s0] =	ssyncadd.s32 @!p0 s1  }
0xb93: {  	[bflag:$0x3] =	sbarrier.arrive $0xFFFF  }
0xb94: {  	_ =	shalt  }

</sc_bundles>
